<compile_context>
chip_gen: v7x
topology: tpu7x:2x2x1
jax: 0.10.2.dev20260603
libtpu: 0.0.44.dev20260713+nightly
codegen_flags: <defaults>
</compile_context>

<pallas_src>
import dataclasses
import functools

import jax
import jax.numpy as jnp
from jax import lax
from jax.experimental import pallas as pl
from jax.experimental.pallas import tpu as pltpu
from jax.experimental.pallas import tpu_sc as plsc

_N = 10000
_E = 160000
_DIN = 256
_DOUT = 512
_EPS = 1e-3

_NS = 16
_MCH = 128
_NMETA = 80
_EPW = _MCH * _NMETA
_EPAD = _NS * _EPW
_CH = 48
_QCAP = 10304
_QTHR = _QCAP - 2 * _MCH - _CH
_NSPL = _N // 2
_RPW = 624

_f32 = jnp.float32


def _mk_perm():
    import numpy as np
    p = np.zeros((_DIN,), np.int32)
    for g in range(_DIN // 32):
        b = 32 * g
        for i in range(16):
            p[b + i] = b + 2 * i
            p[b + 16 + i] = b + 2 * i + 1
    return p


_PERM = _mk_perm()


def _agg_body(x_hbm, row_hbm, col_hbm, val_hbm, out_hbm,
              row0, row1, col0, col1, val0, val1,
              pack_q, val_q, rlo0, rlo1, rhi0, rhi1, rloS, rhiS,
              colr0, colr1, gbuf0, gbuf1, slo, shi, acc, off_s,
              sg0, sg1, sm0, sm1, ssem):
    cid = lax.axis_index("c")
    sid = lax.axis_index("s")
    kbase = sid * _NMETA
    rbase = cid * _NSPL

    rows = (row0, row1)
    cols = (col0, col1)
    vals = (val0, val1)
    rlos = (rlo0, rlo1)
    rhis = (rhi0, rhi1)
    colrs = (colr0, colr1)
    gbufs = (gbuf0, gbuf1)
    gsems = (sg0, sg1)
    msems = (sm0, sm1)

    def meta_issue(k, p):
        pltpu.async_copy(row_hbm.at[kbase + k], rows[p], msems[p])
        pltpu.async_copy(col_hbm.at[kbase + k], cols[p], msems[p])
        pltpu.async_copy(val_hbm.at[kbase + k], vals[p], msems[p])

    def meta_wait(k, p):
        pltpu.make_async_copy(row_hbm.at[kbase + k], rows[p], msems[p]).wait()
        pltpu.make_async_copy(col_hbm.at[kbase + k], cols[p], msems[p]).wait()
        pltpu.make_async_copy(val_hbm.at[kbase + k], vals[p], msems[p]).wait()

    @pl.loop(0, _CH)
    def _(i):
        for k in range(_DIN // 32):
            slo[i, pl.ds(k * 16, 16)] = jnp.zeros((16,), _f32)

    zbase = pl.multiple_of(sid * _RPW, 8)
    for t in range(_RPW // _CH):
        pltpu.async_copy(slo, acc.at[pl.ds(zbase + t * _CH, _CH)], ssem)
    _zrem = _RPW % _CH
    if _zrem:
        pltpu.async_copy(slo.at[pl.ds(0, _zrem)],
                         acc.at[pl.ds(zbase + (_RPW // _CH) * _CH, _zrem)],
                         ssem)

    @pl.when(sid == _NS - 1)
    def _():
        tail = 2 * _NSPL - _NS * _RPW
        pltpu.async_copy(slo.at[pl.ds(0, tail)],
                         acc.at[pl.ds(_NS * _RPW, tail)], ssem)

    def zero_drain():
        for t in range(_RPW // _CH):
            pltpu.make_async_copy(
                slo, acc.at[pl.ds(zbase + t * _CH, _CH)], ssem).wait()
        if _zrem:
            pltpu.make_async_copy(
                slo.at[pl.ds(0, _zrem)],
                acc.at[pl.ds(zbase + (_RPW // _CH) * _CH, _zrem)],
                ssem).wait()

        @pl.when(sid == _NS - 1)
        def _():
            tail = 2 * _NSPL - _NS * _RPW
            pltpu.make_async_copy(slo.at[pl.ds(0, tail)],
                                  acc.at[pl.ds(_NS * _RPW, tail)],
                                  ssem).wait()

    def extract(t, p):
        for g in range(_CH // 16):
            pk = pack_q[pl.ds(t * _CH + 16 * g, 16)]
            sl = pl.ds(16 * g, 16)
            r2 = lax.shift_right_logical(pk, 15)
            rlos[p][0, sl] = r2
            rhis[p][0, sl] = r2 | 1
            colrs[p][0, sl] = pk & 0xFFFF

    def gather_issue(t, p):
        pltpu.async_copy(x_hbm.at[colrs[p].at[0]], gbufs[p], gsems[p])

    def gather_wait(p):
        pltpu.make_async_copy(x_hbm.at[colrs[p].at[0]], gbufs[p],
                              gsems[p]).wait()

    def scale(t, p):
        gbuf = gbufs[p]

        @pl.loop(0, _CH)
        def _(e):
            iv = jnp.full((16,), t * _CH + e, jnp.int32)
            v = plsc.load_gather(val_q, [iv])
            for k in range(_DIN // 32):
                wv = gbuf[e, pl.ds(16 * k, 16)]
                bv = plsc.bitcast(wv, jnp.bfloat16)
                lo, hi = plsc.unpack(bv, format=plsc.PackFormat.INTERLEAVED,
                                     preferred_element_type=_f32)
                dst = slo if k < _DIN // 64 else shi
                c = 32 * k if k < _DIN // 64 else 32 * k - 128
                dst[e, pl.ds(c, 16)] = lo * v
                dst[e, pl.ds(c + 16, 16)] = hi * v

    def idx_copy(p):
        for g in range(_CH // 16):
            sl = pl.ds(16 * g, 16)
            rloS[0, sl] = rlos[p][0, sl]
            rhiS[0, sl] = rhis[p][0, sl]

    def scatter_issue():
        pltpu.async_copy(slo, acc.at[rloS.at[0]], ssem, add=True)
        pltpu.async_copy(shi, acc.at[rhiS.at[0]], ssem, add=True)

    def scatter_wait():
        pltpu.make_async_copy(slo, acc.at[rloS.at[0]], ssem).wait()
        pltpu.make_async_copy(shi, acc.at[rhiS.at[0]], ssem).wait()

    def consume():
        off = off_s[0]
        for t in range(_CH // 16):
            val_q[pl.ds(off + 16 * t, 16)] = jnp.zeros((16,), _f32)
            pack_q[pl.ds(off + 16 * t, 16)] = jnp.zeros((16,), jnp.int32)

        nc = lax.div(off + _CH - 1, _CH)

        @pl.when(nc > 0)
        def _():
            extract(0, 0)
            gather_issue(0, 0)

        @pl.loop(0, nc, step=2)
        def _(j):
            @pl.when(j + 1 < nc)
            def _():
                extract(j + 1, 1)
                gather_issue(j + 1, 1)

            gather_wait(0)

            @pl.when(j > 0)
            def _():
                scatter_wait()

            scale(j, 0)
            idx_copy(0)
            scatter_issue()

            @pl.when(j + 2 < nc)
            def _():
                extract(j + 2, 0)
                gather_issue(j + 2, 0)

            @pl.when(j + 1 < nc)
            def _():
                gather_wait(1)
                scatter_wait()
                scale(j + 1, 1)
                idx_copy(1)
                scatter_issue()

        @pl.when(nc > 0)
        def _():
            scatter_wait()

        off_s[0] = 0

    zero_drain()
    plsc.subcore_barrier()

    off_s[0] = 0

    def filter_chunk(p):
        for g in range(_MCH // 16):
            sl = pl.ds(16 * g, 16)
            r = rows[p][0, sl]
            c = cols[p][0, sl]
            v = vals[p][0, sl]
            rl = r - rbase
            pred = (rl >= 0) & (rl < _NSPL)
            pk = lax.shift_left(rl, 16) | c
            off = off_s[0]
            plsc.store_compressed(pack_q.at[pl.ds(off, 16)], pk, mask=pred)
            plsc.store_compressed(val_q.at[pl.ds(off, 16)], v, mask=pred)
            off_s[0] = off + jnp.sum(pred.astype(jnp.int32), axis=0)

    meta_issue(0, 0)
    meta_issue(1, 1)

    @pl.loop(0, _NMETA, step=2)
    def _(j):
        meta_wait(j, 0)
        filter_chunk(0)

        @pl.when(j + 2 < _NMETA)
        def _():
            meta_issue(j + 2, 0)

        meta_wait(j + 1, 1)
        filter_chunk(1)

        @pl.when(j + 3 < _NMETA)
        def _():
            meta_issue(j + 3, 1)

        @pl.when(off_s[0] > _QTHR)
        def _():
            consume()

    consume()

    plsc.subcore_barrier()

    obase = cid * 2 * _NSPL
    dbase = pl.multiple_of(sid * _RPW, 8)
    pltpu.sync_copy(acc.at[pl.ds(dbase, _RPW)],
                    out_hbm.at[pl.ds(obase + dbase, _RPW)])

    @pl.when(sid == _NS - 1)
    def _():
        tail = 2 * _NSPL - _NS * _RPW
        pltpu.sync_copy(acc.at[pl.ds(_NS * _RPW, tail)],
                        out_hbm.at[pl.ds(obase + _NS * _RPW, tail)])


_sc_params = pltpu.CompilerParams()
if "needs_layout_passes" in pltpu.CompilerParams.__dataclass_fields__:
    _sc_params = dataclasses.replace(_sc_params, needs_layout_passes=False)

_agg = functools.partial(
    pl.kernel,
    out_type=jax.ShapeDtypeStruct((2 * _N, _DIN // 2), _f32),
    mesh=plsc.VectorSubcoreMesh(core_axis_name="c", subcore_axis_name="s"),
    compiler_params=_sc_params,
    scratch_types=[
        pltpu.VMEM((1, _MCH), jnp.int32),
        pltpu.VMEM((1, _MCH), jnp.int32),
        pltpu.VMEM((1, _MCH), jnp.int32),
        pltpu.VMEM((1, _MCH), jnp.int32),
        pltpu.VMEM((1, _MCH), _f32),
        pltpu.VMEM((1, _MCH), _f32),
        pltpu.VMEM((_QCAP,), jnp.int32),
        pltpu.VMEM((_QCAP,), _f32),
        pltpu.VMEM((1, _CH), jnp.int32),
        pltpu.VMEM((1, _CH), jnp.int32),
        pltpu.VMEM((1, _CH), jnp.int32),
        pltpu.VMEM((1, _CH), jnp.int32),
        pltpu.VMEM((1, _CH), jnp.int32),
        pltpu.VMEM((1, _CH), jnp.int32),
        pltpu.VMEM((1, _CH), jnp.int32),
        pltpu.VMEM((1, _CH), jnp.int32),
        pltpu.VMEM((_CH, _DIN // 2), _f32),
        pltpu.VMEM((_CH, _DIN // 2), _f32),
        pltpu.VMEM((_CH, _DIN // 2), _f32),
        pltpu.VMEM((_CH, _DIN // 2), _f32),
        pltpu.VMEM_SHARED((2 * _NSPL, _DIN // 2), _f32),
        pltpu.SMEM((1,), jnp.int32),
        pltpu.SemaphoreType.DMA,
        pltpu.SemaphoreType.DMA,
        pltpu.SemaphoreType.DMA,
        pltpu.SemaphoreType.DMA,
        pltpu.SemaphoreType.DMA,
    ],
)(_agg_body)


_NB = 10
_BR = _N // _NB


def _stats_body(h_ref, w_ref, gamma_ref, beta_ref, ab_ref, c_acc, cs_acc):
    i = pl.program_id(0)

    @pl.when(i == 0)
    def _():
        c_acc[...] = jnp.zeros_like(c_acc)
        cs_acc[...] = jnp.zeros_like(cs_acc)

    h = h_ref[...]
    dn = (((0,), (0,)), ((), ()))
    c_acc[...] += lax.dot_general(h, h, dn, preferred_element_type=_f32)
    cs_acc[...] += jnp.sum(h, axis=0, keepdims=True)

    @pl.when(i == _NB - 1)
    def _():
        w = w_ref[...]
        inv_n = _f32(1.0 / _N)
        mean = jnp.dot(cs_acc[...], w, preferred_element_type=_f32) * inv_n
        cw = jnp.dot(c_acc[...], w, preferred_element_type=_f32)
        ey2 = jnp.sum(w * cw, axis=0, keepdims=True) * inv_n
        var = ey2 - mean * mean
        rstd = lax.rsqrt(var + _EPS)
        a = gamma_ref[...] * rstd
        b = beta_ref[...] - mean * a
        ab_ref[0:1, :] = a
        ab_ref[1:2, :] = b


def _fin_body(h_ref, x_ref, w_ref, ws_ref, ab_ref, o_ref):
    y = jnp.dot(h_ref[...], w_ref[...], preferred_element_type=_f32)
    s = jnp.dot(x_ref[...], ws_ref[...], preferred_element_type=_f32)
    a = ab_ref[0:1, :]
    b = ab_ref[1:2, :]
    o_ref[...] = jnp.maximum(y * a + b + s, 0.0)


def kernel(adj_indices, adj_values, node_embs, GCN_weight, skip_weight,
           bn_gamma, bn_beta):
    x = node_embs.astype(_f32)
    pad = _EPAD - _E
    row3 = jnp.concatenate(
        [adj_indices[0].astype(jnp.int32),
         jnp.full((pad,), _N, jnp.int32)]
    ).reshape(_NS * _NMETA, 1, _MCH)
    col3 = jnp.concatenate(
        [adj_indices[1].astype(jnp.int32), jnp.zeros((pad,), jnp.int32)]
    ).reshape(_NS * _NMETA, 1, _MCH)
    val3 = jnp.concatenate(
        [adj_values.astype(_f32), jnp.zeros((pad,), _f32)]
    ).reshape(_NS * _NMETA, 1, _MCH)

    x_bf = lax.bitcast_convert_type(
        x.astype(jnp.bfloat16).reshape(_N, _DIN // 2, 2), _f32)

    h = _agg(x_bf, row3, col3, val3).reshape(_N, _DIN)

    w_p = GCN_weight[_PERM, :]

    ab = pl.pallas_call(
        _stats_body,
        grid=(_NB,),
        in_specs=[
            pl.BlockSpec((_BR, _DIN), lambda i: (i, 0)),
            pl.BlockSpec((_DIN, _DOUT), lambda i: (0, 0)),
            pl.BlockSpec((1, _DOUT), lambda i: (0, 0)),
            pl.BlockSpec((1, _DOUT), lambda i: (0, 0)),
        ],
        out_specs=pl.BlockSpec((2, _DOUT), lambda i: (0, 0)),
        out_shape=jax.ShapeDtypeStruct((2, _DOUT), _f32),
        scratch_shapes=[
            pltpu.VMEM((_DIN, _DIN), _f32),
            pltpu.VMEM((1, _DIN), _f32),
        ],
    )(h, w_p, bn_gamma.reshape(1, _DOUT), bn_beta.reshape(1, _DOUT))

    out = pl.pallas_call(
        _fin_body,
        grid=(_NB,),
        in_specs=[
            pl.BlockSpec((_BR, _DIN), lambda i: (i, 0)),
            pl.BlockSpec((_BR, _DIN), lambda i: (i, 0)),
            pl.BlockSpec((_DIN, _DOUT), lambda i: (0, 0)),
            pl.BlockSpec((_DIN, _DOUT), lambda i: (0, 0)),
            pl.BlockSpec((2, _DOUT), lambda i: (0, 0)),
        ],
        out_specs=pl.BlockSpec((_BR, _DOUT), lambda i: (i, 0)),
        out_shape=jax.ShapeDtypeStruct((_N, _DOUT), _f32),
    )(h, x, w_p, skip_weight, ab)

    return out

# --- scband reference (transcript-rebuilt; emitter-appended) ---
"""Pipeline reference for scband-sota-gcn-27101243638199 (READ-ONLY COPY).

The authoritative reference and input builder live on the scoring server;
editing this copy changes nothing except your own understanding.
"""

import jax, jax.numpy as jnp
import numpy as np

N = 10000
E = 160000
DIN = 256
DOUT = 512
EPS = 1e-3  # keras BatchNormalization default epsilon


def setup_inputs(seed: int = 0) -> dict:
    key = jax.random.key(seed)
    k1, k2, k3, k4, k5 = jax.random.split(key, 5)
    adj_indices = jax.random.randint(k1, (2, E), 0, N)  # row (output), col (gather)
    adj_values = jax.random.uniform(k2, (E,), dtype=jnp.float32)
    node_embs = jax.random.normal(k3, (N, DIN), dtype=jnp.float32)
    # LecunNormal init: stddev = sqrt(1/fan_in)
    scale = 1.0 / np.sqrt(DIN)
    GCN_weight = jax.random.normal(k4, (DIN, DOUT), dtype=jnp.float32) * scale
    skip_weight = jax.random.normal(k5, (DIN, DOUT), dtype=jnp.float32) * scale
    bn_gamma = jnp.ones((DOUT,), dtype=jnp.float32)
    bn_beta = jnp.zeros((DOUT,), dtype=jnp.float32)
    return {
        "adj_indices": adj_indices,
        "adj_values": adj_values,
        "node_embs": node_embs,
        "GCN_weight": GCN_weight,
        "skip_weight": skip_weight,
        "bn_gamma": bn_gamma,
        "bn_beta": bn_beta,
    }


def reference(adj_indices, adj_values, node_embs, GCN_weight, skip_weight, bn_gamma, bn_beta):
    node_embs = node_embs.astype(jnp.float32)
    original_node_embs = node_embs
    # sparse_dense_matmul: out[row] += val * x[col]
    row = adj_indices[0]
    col = adj_indices[1]
    gathered = jnp.take(node_embs, col, axis=0) * adj_values[:, None]
    h = jax.ops.segment_sum(gathered, row, num_segments=N)
    # dense transform
    h = h @ GCN_weight
    # batch norm (training=True -> batch statistics over node axis)
    mean = jnp.mean(h, axis=0)
    var = jnp.var(h, axis=0)
    h = (h - mean) / jnp.sqrt(var + EPS) * bn_gamma + bn_beta
    # skip connection (in_feats != out_feats -> skip_weight path)
    h = h + original_node_embs @ skip_weight
    # activation
    h = jax.nn.relu(h)
    return h

if __name__ == "__main__":
    import jax
    _d = setup_inputs()
    print(jax.jit(kernel)(*tuple(_d.values())))

</pallas_src>

<mosaic_0001>
#map = affine_map<(d0, d1) -> (0, 0)>
#map1 = affine_map<(d0, d1) -> (0, 0, 0)>
module attributes {stable_mosaic.version = 14 : i64} {
  func.func @_agg_body(%arg0: i32, %arg1: i32, %arg2: memref<10000x128xf32, #tpu.memory_space<hbm>>, %arg3: memref<1280x1x128xi32, #tpu.memory_space<hbm>>, %arg4: memref<1280x1x128xi32, #tpu.memory_space<hbm>>, %arg5: memref<1280x1x128xf32, #tpu.memory_space<hbm>>, %arg6: memref<20000x128xf32, #tpu.memory_space<hbm>>, %arg7: memref<1x128xi32, #tpu.memory_space<vmem>>, %arg8: memref<1x128xi32, #tpu.memory_space<vmem>>, %arg9: memref<1x128xi32, #tpu.memory_space<vmem>>, %arg10: memref<1x128xi32, #tpu.memory_space<vmem>>, %arg11: memref<1x128xf32, #tpu.memory_space<vmem>>, %arg12: memref<1x128xf32, #tpu.memory_space<vmem>>, %arg13: memref<10304xi32, #tpu.memory_space<vmem>>, %arg14: memref<10304xf32, #tpu.memory_space<vmem>>, %arg15: memref<1x48xi32, #tpu.memory_space<vmem>>, %arg16: memref<1x48xi32, #tpu.memory_space<vmem>>, %arg17: memref<1x48xi32, #tpu.memory_space<vmem>>, %arg18: memref<1x48xi32, #tpu.memory_space<vmem>>, %arg19: memref<1x48xi32, #tpu.memory_space<vmem>>, %arg20: memref<1x48xi32, #tpu.memory_space<vmem>>, %arg21: memref<1x48xi32, #tpu.memory_space<vmem>>, %arg22: memref<1x48xi32, #tpu.memory_space<vmem>>, %arg23: memref<48x128xf32, #tpu.memory_space<vmem>>, %arg24: memref<48x128xf32, #tpu.memory_space<vmem>>, %arg25: memref<48x128xf32, #tpu.memory_space<vmem>>, %arg26: memref<48x128xf32, #tpu.memory_space<vmem>>, %arg27: memref<10000x128xf32, #tpu.memory_space<vmem_shared>>, %arg28: memref<1xi32, #tpu.memory_space<smem>>, %arg29: memref<!tpu.dma_semaphore, #tpu.memory_space<semaphore_mem>>, %arg30: memref<!tpu.dma_semaphore, #tpu.memory_space<semaphore_mem>>, %arg31: memref<!tpu.dma_semaphore, #tpu.memory_space<semaphore_mem>>, %arg32: memref<!tpu.dma_semaphore, #tpu.memory_space<semaphore_mem>>, %arg33: memref<!tpu.dma_semaphore, #tpu.memory_space<semaphore_mem>>) attributes {dimension_semantics = [#tpu.dimension_semantics<core_parallel>, #tpu.dimension_semantics<subcore_parallel>], iteration_bounds = array<i64: 2, 16>, scalar_prefetch = 0 : i64, scratch_operands = 27 : i64, tpu.core_type = #tpu.core_type<sc_vector_subcore>, window_params = [{transform_indices = #map}, {transform_indices = #map1}, {transform_indices = #map1}, {transform_indices = #map1}, {transform_indices = #map}]} {
    %mul3A = arith.constant 80 : i32
    %mul3A_0 = arith.muli %arg1, %mul3A : i32
    %mul3A_1 = arith.constant 5000 : i32
    %mul3A_2 = arith.muli %arg0, %mul3A_1 : i32
    %scan3A = arith.constant 0 : i32
    %scan3A_3 = arith.constant 48 : i32
    %scan3A_4 = arith.addi %scan3A, %scan3A_3 : i32
    %scan3A_5 = arith.constant 1 : i32
    scf.for %scan3A_323 = %scan3A to %scan3A_4 step %scan3A_5  : i32 {
      %mul3A_324 = arith.constant 1 : i32
      %mul3A_325 = arith.muli %scan3A_323, %mul3A_324 : i32
      %add3A_326 = arith.constant 0 : i32
      %add3A_327 = arith.addi %add3A_326, %mul3A_325 : i32
      %broadcast_in_dim3A_328 = arith.constant 0.000000e+00 : f32
      %broadcast_in_dim3A_329 = vector.broadcast %broadcast_in_dim3A_328 : f32 to vector<16xf32>
      %swap3A_330 = arith.index_cast %add3A_327 : i32 to index
      %swap3A_331 = arith.constant 0 : index
      %swap3A_332 = tpu.vector_load %arg25[%swap3A_330, %swap3A_331] {strides = array<i32>} : memref<48x128xf32, #tpu.memory_space<vmem>>, vector<16xf32>,
      tpu.vector_store %arg25[%swap3A_330, %swap3A_331], %broadcast_in_dim3A_329 {strides = array<i32>} : memref<48x128xf32, #tpu.memory_space<vmem>>, vector<16xf32>,
      %broadcast_in_dim3A_333 = arith.constant 0.000000e+00 : f32
      %broadcast_in_dim3A_334 = vector.broadcast %broadcast_in_dim3A_333 : f32 to vector<16xf32>
      %swap3A_335 = arith.index_cast %add3A_327 : i32 to index
      %swap3A_336 = arith.constant 16 : index
      %swap3A_337 = tpu.vector_load %arg25[%swap3A_335, %swap3A_336] {strides = array<i32>} : memref<48x128xf32, #tpu.memory_space<vmem>>, vector<16xf32>,
      tpu.vector_store %arg25[%swap3A_335, %swap3A_336], %broadcast_in_dim3A_334 {strides = array<i32>} : memref<48x128xf32, #tpu.memory_space<vmem>>, vector<16xf32>,
      %broadcast_in_dim3A_338 = arith.constant 0.000000e+00 : f32
      %broadcast_in_dim3A_339 = vector.broadcast %broadcast_in_dim3A_338 : f32 to vector<16xf32>
      %swap3A_340 = arith.index_cast %add3A_327 : i32 to index
      %swap3A_341 = arith.constant 32 : index
      %swap3A_342 = tpu.vector_load %arg25[%swap3A_340, %swap3A_341] {strides = array<i32>} : memref<48x128xf32, #tpu.memory_space<vmem>>, vector<16xf32>,
      tpu.vector_store %arg25[%swap3A_340, %swap3A_341], %broadcast_in_dim3A_339 {strides = array<i32>} : memref<48x128xf32, #tpu.memory_space<vmem>>, vector<16xf32>,
      %broadcast_in_dim3A_343 = arith.constant 0.000000e+00 : f32
      %broadcast_in_dim3A_344 = vector.broadcast %broadcast_in_dim3A_343 : f32 to vector<16xf32>
      %swap3A_345 = arith.index_cast %add3A_327 : i32 to index
      %swap3A_346 = arith.constant 48 : index
      %swap3A_347 = tpu.vector_load %arg25[%swap3A_345, %swap3A_346] {strides = array<i32>} : memref<48x128xf32, #tpu.memory_space<vmem>>, vector<16xf32>,
      tpu.vector_store %arg25[%swap3A_345, %swap3A_346], %broadcast_in_dim3A_344 {strides = array<i32>} : memref<48x128xf32, #tpu.memory_space<vmem>>, vector<16xf32>,
      %broadcast_in_dim3A_348 = arith.constant 0.000000e+00 : f32
      %broadcast_in_dim3A_349 = vector.broadcast %broadcast_in_dim3A_348 : f32 to vector<16xf32>
      %swap3A_350 = arith.index_cast %add3A_327 : i32 to index
      %swap3A_351 = arith.constant 64 : index
      %swap3A_352 = tpu.vector_load %arg25[%swap3A_350, %swap3A_351] {strides = array<i32>} : memref<48x128xf32, #tpu.memory_space<vmem>>, vector<16xf32>,
      tpu.vector_store %arg25[%swap3A_350, %swap3A_351], %broadcast_in_dim3A_349 {strides = array<i32>} : memref<48x128xf32, #tpu.memory_space<vmem>>, vector<16xf32>,
      %broadcast_in_dim3A_353 = arith.constant 0.000000e+00 : f32
      %broadcast_in_dim3A_354 = vector.broadcast %broadcast_in_dim3A_353 : f32 to vector<16xf32>
      %swap3A_355 = arith.index_cast %add3A_327 : i32 to index
      %swap3A_356 = arith.constant 80 : index
      %swap3A_357 = tpu.vector_load %arg25[%swap3A_355, %swap3A_356] {strides = array<i32>} : memref<48x128xf32, #tpu.memory_space<vmem>>, vector<16xf32>,
      tpu.vector_store %arg25[%swap3A_355, %swap3A_356], %broadcast_in_dim3A_354 {strides = array<i32>} : memref<48x128xf32, #tpu.memory_space<vmem>>, vector<16xf32>,
      %broadcast_in_dim3A_358 = arith.constant 0.000000e+00 : f32
      %broadcast_in_dim3A_359 = vector.broadcast %broadcast_in_dim3A_358 : f32 to vector<16xf32>
      %swap3A_360 = arith.index_cast %add3A_327 : i32 to index
      %swap3A_361 = arith.constant 96 : index
      %swap3A_362 = tpu.vector_load %arg25[%swap3A_360, %swap3A_361] {strides = array<i32>} : memref<48x128xf32, #tpu.memory_space<vmem>>, vector<16xf32>,
      tpu.vector_store %arg25[%swap3A_360, %swap3A_361], %broadcast_in_dim3A_359 {strides = array<i32>} : memref<48x128xf32, #tpu.memory_space<vmem>>, vector<16xf32>,
      %broadcast_in_dim3A_363 = arith.constant 0.000000e+00 : f32
      %broadcast_in_dim3A_364 = vector.broadcast %broadcast_in_dim3A_363 : f32 to vector<16xf32>
      %swap3A_365 = arith.index_cast %add3A_327 : i32 to index
      %swap3A_366 = arith.constant 112 : index
      %swap3A_367 = tpu.vector_load %arg25[%swap3A_365, %swap3A_366] {strides = array<i32>} : memref<48x128xf32, #tpu.memory_space<vmem>>, vector<16xf32>,
      tpu.vector_store %arg25[%swap3A_365, %swap3A_366], %broadcast_in_dim3A_364 {strides = array<i32>} : memref<48x128xf32, #tpu.memory_space<vmem>>, vector<16xf32>,
    }
    %scan3A_6 = arith.constant 48 : i32
    %mul3A_7 = arith.constant 624 : i32
    %mul3A_8 = arith.muli %arg1, %mul3A_7 : i32
    %multiple_of3A = tpu.assume_multiple %mul3A_8, 8 : i32
    %add3A = arith.constant 0 : i32
    %add3A_9 = arith.addi %multiple_of3A, %add3A : i32
    %dma_start3A = arith.constant 0 : i32
    %dma_start3A_10 = tpu.memref_slice %arg27[%add3A_9, %dma_start3A] : memref<10000x128xf32, #tpu.memory_space<vmem_shared>> -> memref<48x128xf32, #tpu.memory_space<vmem_shared>>
    %dma_start3A_11 = arith.constant 0 : i32
    %dma_start3A_12 = tpu.memref_slice %arg27[%add3A_9, %dma_start3A_11] : memref<10000x128xf32, #tpu.memory_space<vmem_shared>> -> memref<48x128xf32, #tpu.memory_space<vmem_shared>>
    tpu.enqueue_dma source(%arg25 : memref<48x128xf32, #tpu.memory_space<vmem>>) target(%dma_start3A_12 : memref<48x128xf32, #tpu.memory_space<vmem_shared>>) target_semaphore(%arg33 : memref<!tpu.dma_semaphore, #tpu.memory_space<semaphore_mem>>)
    %add3A_13 = arith.constant 48 : i32
    %add3A_14 = arith.addi %multiple_of3A, %add3A_13 : i32
    %dma_start3A_15 = arith.constant 0 : i32
    %dma_start3A_16 = tpu.memref_slice %arg27[%add3A_14, %dma_start3A_15] : memref<10000x128xf32, #tpu.memory_space<vmem_shared>> -> memref<48x128xf32, #tpu.memory_space<vmem_shared>>
    %dma_start3A_17 = arith.constant 0 : i32
    %dma_start3A_18 = tpu.memref_slice %arg27[%add3A_14, %dma_start3A_17] : memref<10000x128xf32, #tpu.memory_space<vmem_shared>> -> memref<48x128xf32, #tpu.memory_space<vmem_shared>>
    tpu.enqueue_dma source(%arg25 : memref<48x128xf32, #tpu.memory_space<vmem>>) target(%dma_start3A_18 : memref<48x128xf32, #tpu.memory_space<vmem_shared>>) target_semaphore(%arg33 : memref<!tpu.dma_semaphore, #tpu.memory_space<semaphore_mem>>)
    %add3A_19 = arith.constant 96 : i32
    %add3A_20 = arith.addi %multiple_of3A, %add3A_19 : i32
    %dma_start3A_21 = arith.constant 0 : i32
    %dma_start3A_22 = tpu.memref_slice %arg27[%add3A_20, %dma_start3A_21] : memref<10000x128xf32, #tpu.memory_space<vmem_shared>> -> memref<48x128xf32, #tpu.memory_space<vmem_shared>>
    %dma_start3A_23 = arith.constant 0 : i32
    %dma_start3A_24 = tpu.memref_slice %arg27[%add3A_20, %dma_start3A_23] : memref<10000x128xf32, #tpu.memory_space<vmem_shared>> -> memref<48x128xf32, #tpu.memory_space<vmem_shared>>
    tpu.enqueue_dma source(%arg25 : memref<48x128xf32, #tpu.memory_space<vmem>>) target(%dma_start3A_24 : memref<48x128xf32, #tpu.memory_space<vmem_shared>>) target_semaphore(%arg33 : memref<!tpu.dma_semaphore, #tpu.memory_space<semaphore_mem>>)
    %add3A_25 = arith.constant 144 : i32
    %add3A_26 = arith.addi %multiple_of3A, %add3A_25 : i32
    %dma_start3A_27 = arith.constant 0 : i32
    %dma_start3A_28 = tpu.memref_slice %arg27[%add3A_26, %dma_start3A_27] : memref<10000x128xf32, #tpu.memory_space<vmem_shared>> -> memref<48x128xf32, #tpu.memory_space<vmem_shared>>
    %dma_start3A_29 = arith.constant 0 : i32
    %dma_start3A_30 = tpu.memref_slice %arg27[%add3A_26, %dma_start3A_29] : memref<10000x128xf32, #tpu.memory_space<vmem_shared>> -> memref<48x128xf32, #tpu.memory_space<vmem_shared>>
    tpu.enqueue_dma source(%arg25 : memref<48x128xf32, #tpu.memory_space<vmem>>) target(%dma_start3A_30 : memref<48x128xf32, #tpu.memory_space<vmem_shared>>) target_semaphore(%arg33 : memref<!tpu.dma_semaphore, #tpu.memory_space<semaphore_mem>>)
    %add3A_31 = arith.constant 192 : i32
    %add3A_32 = arith.addi %multiple_of3A, %add3A_31 : i32
    %dma_start3A_33 = arith.constant 0 : i32
    %dma_start3A_34 = tpu.memref_slice %arg27[%add3A_32, %dma_start3A_33] : memref<10000x128xf32, #tpu.memory_space<vmem_shared>> -> memref<48x128xf32, #tpu.memory_space<vmem_shared>>
    %dma_start3A_35 = arith.constant 0 : i32
    %dma_start3A_36 = tpu.memref_slice %arg27[%add3A_32, %dma_start3A_35] : memref<10000x128xf32, #tpu.memory_space<vmem_shared>> -> memref<48x128xf32, #tpu.memory_space<vmem_shared>>
    tpu.enqueue_dma source(%arg25 : memref<48x128xf32, #tpu.memory_space<vmem>>) target(%dma_start3A_36 : memref<48x128xf32, #tpu.memory_space<vmem_shared>>) target_semaphore(%arg33 : memref<!tpu.dma_semaphore, #tpu.memory_space<semaphore_mem>>)
    %add3A_37 = arith.constant 240 : i32
    %add3A_38 = arith.addi %multiple_of3A, %add3A_37 : i32
    %dma_start3A_39 = arith.constant 0 : i32
    %dma_start3A_40 = tpu.memref_slice %arg27[%add3A_38, %dma_start3A_39] : memref<10000x128xf32, #tpu.memory_space<vmem_shared>> -> memref<48x128xf32, #tpu.memory_space<vmem_shared>>
    %dma_start3A_41 = arith.constant 0 : i32
    %dma_start3A_42 = tpu.memref_slice %arg27[%add3A_38, %dma_start3A_41] : memref<10000x128xf32, #tpu.memory_space<vmem_shared>> -> memref<48x128xf32, #tpu.memory_space<vmem_shared>>
    tpu.enqueue_dma source(%arg25 : memref<48x128xf32, #tpu.memory_space<vmem>>) target(%dma_start3A_42 : memref<48x128xf32, #tpu.memory_space<vmem_shared>>) target_semaphore(%arg33 : memref<!tpu.dma_semaphore, #tpu.memory_space<semaphore_mem>>)
    %add3A_43 = arith.constant 288 : i32
    %add3A_44 = arith.addi %multiple_of3A, %add3A_43 : i32
    %dma_start3A_45 = arith.constant 0 : i32
    %dma_start3A_46 = tpu.memref_slice %arg27[%add3A_44, %dma_start3A_45] : memref<10000x128xf32, #tpu.memory_space<vmem_shared>> -> memref<48x128xf32, #tpu.memory_space<vmem_shared>>
    %dma_start3A_47 = arith.constant 0 : i32
    %dma_start3A_48 = tpu.memref_slice %arg27[%add3A_44, %dma_start3A_47] : memref<10000x128xf32, #tpu.memory_space<vmem_shared>> -> memref<48x128xf32, #tpu.memory_space<vmem_shared>>
    tpu.enqueue_dma source(%arg25 : memref<48x128xf32, #tpu.memory_space<vmem>>) target(%dma_start3A_48 : memref<48x128xf32, #tpu.memory_space<vmem_shared>>) target_semaphore(%arg33 : memref<!tpu.dma_semaphore, #tpu.memory_space<semaphore_mem>>)
    %add3A_49 = arith.constant 336 : i32
    %add3A_50 = arith.addi %multiple_of3A, %add3A_49 : i32
    %dma_start3A_51 = arith.constant 0 : i32
    %dma_start3A_52 = tpu.memref_slice %arg27[%add3A_50, %dma_start3A_51] : memref<10000x128xf32, #tpu.memory_space<vmem_shared>> -> memref<48x128xf32, #tpu.memory_space<vmem_shared>>
    %dma_start3A_53 = arith.constant 0 : i32
    %dma_start3A_54 = tpu.memref_slice %arg27[%add3A_50, %dma_start3A_53] : memref<10000x128xf32, #tpu.memory_space<vmem_shared>> -> memref<48x128xf32, #tpu.memory_space<vmem_shared>>
    tpu.enqueue_dma source(%arg25 : memref<48x128xf32, #tpu.memory_space<vmem>>) target(%dma_start3A_54 : memref<48x128xf32, #tpu.memory_space<vmem_shared>>) target_semaphore(%arg33 : memref<!tpu.dma_semaphore, #tpu.memory_space<semaphore_mem>>)
    %add3A_55 = arith.constant 384 : i32
    %add3A_56 = arith.addi %multiple_of3A, %add3A_55 : i32
    %dma_start3A_57 = arith.constant 0 : i32
    %dma_start3A_58 = tpu.memref_slice %arg27[%add3A_56, %dma_start3A_57] : memref<10000x128xf32, #tpu.memory_space<vmem_shared>> -> memref<48x128xf32, #tpu.memory_space<vmem_shared>>
    %dma_start3A_59 = arith.constant 0 : i32
    %dma_start3A_60 = tpu.memref_slice %arg27[%add3A_56, %dma_start3A_59] : memref<10000x128xf32, #tpu.memory_space<vmem_shared>> -> memref<48x128xf32, #tpu.memory_space<vmem_shared>>
    tpu.enqueue_dma source(%arg25 : memref<48x128xf32, #tpu.memory_space<vmem>>) target(%dma_start3A_60 : memref<48x128xf32, #tpu.memory_space<vmem_shared>>) target_semaphore(%arg33 : memref<!tpu.dma_semaphore, #tpu.memory_space<semaphore_mem>>)
    %add3A_61 = arith.constant 432 : i32
    %add3A_62 = arith.addi %multiple_of3A, %add3A_61 : i32
    %dma_start3A_63 = arith.constant 0 : i32
    %dma_start3A_64 = tpu.memref_slice %arg27[%add3A_62, %dma_start3A_63] : memref<10000x128xf32, #tpu.memory_space<vmem_shared>> -> memref<48x128xf32, #tpu.memory_space<vmem_shared>>
    %dma_start3A_65 = arith.constant 0 : i32
    %dma_start3A_66 = tpu.memref_slice %arg27[%add3A_62, %dma_start3A_65] : memref<10000x128xf32, #tpu.memory_space<vmem_shared>> -> memref<48x128xf32, #tpu.memory_space<vmem_shared>>
    tpu.enqueue_dma source(%arg25 : memref<48x128xf32, #tpu.memory_space<vmem>>) target(%dma_start3A_66 : memref<48x128xf32, #tpu.memory_space<vmem_shared>>) target_semaphore(%arg33 : memref<!tpu.dma_semaphore, #tpu.memory_space<semaphore_mem>>)
    %add3A_67 = arith.constant 480 : i32
    %add3A_68 = arith.addi %multiple_of3A, %add3A_67 : i32
    %dma_start3A_69 = arith.constant 0 : i32
    %dma_start3A_70 = tpu.memref_slice %arg27[%add3A_68, %dma_start3A_69] : memref<10000x128xf32, #tpu.memory_space<vmem_shared>> -> memref<48x128xf32, #tpu.memory_space<vmem_shared>>
    %dma_start3A_71 = arith.constant 0 : i32
    %dma_start3A_72 = tpu.memref_slice %arg27[%add3A_68, %dma_start3A_71] : memref<10000x128xf32, #tpu.memory_space<vmem_shared>> -> memref<48x128xf32, #tpu.memory_space<vmem_shared>>
    tpu.enqueue_dma source(%arg25 : memref<48x128xf32, #tpu.memory_space<vmem>>) target(%dma_start3A_72 : memref<48x128xf32, #tpu.memory_space<vmem_shared>>) target_semaphore(%arg33 : memref<!tpu.dma_semaphore, #tpu.memory_space<semaphore_mem>>)
    %add3A_73 = arith.constant 528 : i32
    %add3A_74 = arith.addi %multiple_of3A, %add3A_73 : i32
    %dma_start3A_75 = arith.constant 0 : i32
    %dma_start3A_76 = tpu.memref_slice %arg27[%add3A_74, %dma_start3A_75] : memref<10000x128xf32, #tpu.memory_space<vmem_shared>> -> memref<48x128xf32, #tpu.memory_space<vmem_shared>>
    %dma_start3A_77 = arith.constant 0 : i32
    %dma_start3A_78 = tpu.memref_slice %arg27[%add3A_74, %dma_start3A_77] : memref<10000x128xf32, #tpu.memory_space<vmem_shared>> -> memref<48x128xf32, #tpu.memory_space<vmem_shared>>
    tpu.enqueue_dma source(%arg25 : memref<48x128xf32, #tpu.memory_space<vmem>>) target(%dma_start3A_78 : memref<48x128xf32, #tpu.memory_space<vmem_shared>>) target_semaphore(%arg33 : memref<!tpu.dma_semaphore, #tpu.memory_space<semaphore_mem>>)
    %add3A_79 = arith.constant 576 : i32
    %add3A_80 = arith.addi %multiple_of3A, %add3A_79 : i32
    %dma_start3A_81 = arith.constant 0 : i32
    %dma_start3A_82 = tpu.memref_slice %arg27[%add3A_80, %dma_start3A_81] : memref<10000x128xf32, #tpu.memory_space<vmem_shared>> -> memref<48x128xf32, #tpu.memory_space<vmem_shared>>
    %dma_start3A_83 = arith.constant 0 : i32
    %dma_start3A_84 = tpu.memref_slice %arg27[%add3A_80, %dma_start3A_83] : memref<10000x128xf32, #tpu.memory_space<vmem_shared>> -> memref<48x128xf32, #tpu.memory_space<vmem_shared>>
    tpu.enqueue_dma source(%arg25 : memref<48x128xf32, #tpu.memory_space<vmem>>) target(%dma_start3A_84 : memref<48x128xf32, #tpu.memory_space<vmem_shared>>) target_semaphore(%arg33 : memref<!tpu.dma_semaphore, #tpu.memory_space<semaphore_mem>>)
    %eq3A = arith.constant 15 : i32
    %eq3A_85 = arith.cmpi eq, %arg1, %eq3A : i32
    %convert_element_type3A = arith.extui %eq3A_85 : i1 to i32
    %cond3A = arith.constant 0 : i32
    %cond3A_86 = arith.cmpi ne, %convert_element_type3A, %cond3A : i32
    scf.if %cond3A_86 {
      %dma_start3A_323 = arith.constant 0 : i32
      %dma_start3A_324 = arith.constant 0 : i32
      %dma_start3A_325 = tpu.memref_slice %arg25[%dma_start3A_323, %dma_start3A_324] : memref<48x128xf32, #tpu.memory_space<vmem>> -> memref<16x128xf32, #tpu.memory_space<vmem>>
      %dma_start3A_326 = arith.constant 9984 : i32
      %dma_start3A_327 = arith.constant 0 : i32
      %dma_start3A_328 = tpu.memref_slice %arg27[%dma_start3A_326, %dma_start3A_327] : memref<10000x128xf32, #tpu.memory_space<vmem_shared>> -> memref<16x128xf32, #tpu.memory_space<vmem_shared>>
      %dma_start3A_329 = arith.constant 9984 : i32
      %dma_start3A_330 = arith.constant 0 : i32
      %dma_start3A_331 = tpu.memref_slice %arg27[%dma_start3A_329, %dma_start3A_330] : memref<10000x128xf32, #tpu.memory_space<vmem_shared>> -> memref<16x128xf32, #tpu.memory_space<vmem_shared>>
      %dma_start3A_332 = arith.constant 0 : i32
      %dma_start3A_333 = arith.constant 0 : i32
      %dma_start3A_334 = tpu.memref_slice %arg25[%dma_start3A_332, %dma_start3A_333] : memref<48x128xf32, #tpu.memory_space<vmem>> -> memref<16x128xf32, #tpu.memory_space<vmem>>
      tpu.enqueue_dma source(%dma_start3A_334 : memref<16x128xf32, #tpu.memory_space<vmem>>) target(%dma_start3A_331 : memref<16x128xf32, #tpu.memory_space<vmem_shared>>) target_semaphore(%arg33 : memref<!tpu.dma_semaphore, #tpu.memory_space<semaphore_mem>>)
    } else {
    }
    %add3A_87 = arith.constant 0 : i32
    %add3A_88 = arith.addi %multiple_of3A, %add3A_87 : i32
    %dma_wait3A = arith.constant 0 : i32
    %dma_wait3A_89 = tpu.memref_slice %arg27[%add3A_88, %dma_wait3A] : memref<10000x128xf32, #tpu.memory_space<vmem_shared>> -> memref<48x128xf32, #tpu.memory_space<vmem_shared>>
    %dma_wait3A_90 = arith.constant 0 : i32
    %dma_wait3A_91 = tpu.memref_slice %arg27[%add3A_88, %dma_wait3A_90] : memref<10000x128xf32, #tpu.memory_space<vmem_shared>> -> memref<48x128xf32, #tpu.memory_space<vmem_shared>>
    tpu.wait_dma2 semaphore(%arg33 : memref<!tpu.dma_semaphore, #tpu.memory_space<semaphore_mem>>) src(%arg25 : memref<48x128xf32, #tpu.memory_space<vmem>>) dst(%dma_wait3A_91 : memref<48x128xf32, #tpu.memory_space<vmem_shared>>)
    %add3A_92 = arith.constant 48 : i32
    %add3A_93 = arith.addi %multiple_of3A, %add3A_92 : i32
    %dma_wait3A_94 = arith.constant 0 : i32
    %dma_wait3A_95 = tpu.memref_slice %arg27[%add3A_93, %dma_wait3A_94] : memref<10000x128xf32, #tpu.memory_space<vmem_shared>> -> memref<48x128xf32, #tpu.memory_space<vmem_shared>>
    %dma_wait3A_96 = arith.constant 0 : i32
    %dma_wait3A_97 = tpu.memref_slice %arg27[%add3A_93, %dma_wait3A_96] : memref<10000x128xf32, #tpu.memory_space<vmem_shared>> -> memref<48x128xf32, #tpu.memory_space<vmem_shared>>
    tpu.wait_dma2 semaphore(%arg33 : memref<!tpu.dma_semaphore, #tpu.memory_space<semaphore_mem>>) src(%arg25 : memref<48x128xf32, #tpu.memory_space<vmem>>) dst(%dma_wait3A_97 : memref<48x128xf32, #tpu.memory_space<vmem_shared>>)
    %add3A_98 = arith.constant 96 : i32
    %add3A_99 = arith.addi %multiple_of3A, %add3A_98 : i32
    %dma_wait3A_100 = arith.constant 0 : i32
    %dma_wait3A_101 = tpu.memref_slice %arg27[%add3A_99, %dma_wait3A_100] : memref<10000x128xf32, #tpu.memory_space<vmem_shared>> -> memref<48x128xf32, #tpu.memory_space<vmem_shared>>
    %dma_wait3A_102 = arith.constant 0 : i32
    %dma_wait3A_103 = tpu.memref_slice %arg27[%add3A_99, %dma_wait3A_102] : memref<10000x128xf32, #tpu.memory_space<vmem_shared>> -> memref<48x128xf32, #tpu.memory_space<vmem_shared>>
    tpu.wait_dma2 semaphore(%arg33 : memref<!tpu.dma_semaphore, #tpu.memory_space<semaphore_mem>>) src(%arg25 : memref<48x128xf32, #tpu.memory_space<vmem>>) dst(%dma_wait3A_103 : memref<48x128xf32, #tpu.memory_space<vmem_shared>>)
    %add3A_104 = arith.constant 144 : i32
    %add3A_105 = arith.addi %multiple_of3A, %add3A_104 : i32
    %dma_wait3A_106 = arith.constant 0 : i32
    %dma_wait3A_107 = tpu.memref_slice %arg27[%add3A_105, %dma_wait3A_106] : memref<10000x128xf32, #tpu.memory_space<vmem_shared>> -> memref<48x128xf32, #tpu.memory_space<vmem_shared>>
    %dma_wait3A_108 = arith.constant 0 : i32
    %dma_wait3A_109 = tpu.memref_slice %arg27[%add3A_105, %dma_wait3A_108] : memref<10000x128xf32, #tpu.memory_space<vmem_shared>> -> memref<48x128xf32, #tpu.memory_space<vmem_shared>>
    tpu.wait_dma2 semaphore(%arg33 : memref<!tpu.dma_semaphore, #tpu.memory_space<semaphore_mem>>) src(%arg25 : memref<48x128xf32, #tpu.memory_space<vmem>>) dst(%dma_wait3A_109 : memref<48x128xf32, #tpu.memory_space<vmem_shared>>)
    %add3A_110 = arith.constant 192 : i32
    %add3A_111 = arith.addi %multiple_of3A, %add3A_110 : i32
    %dma_wait3A_112 = arith.constant 0 : i32
    %dma_wait3A_113 = tpu.memref_slice %arg27[%add3A_111, %dma_wait3A_112] : memref<10000x128xf32, #tpu.memory_space<vmem_shared>> -> memref<48x128xf32, #tpu.memory_space<vmem_shared>>
    %dma_wait3A_114 = arith.constant 0 : i32
    %dma_wait3A_115 = tpu.memref_slice %arg27[%add3A_111, %dma_wait3A_114] : memref<10000x128xf32, #tpu.memory_space<vmem_shared>> -> memref<48x128xf32, #tpu.memory_space<vmem_shared>>
    tpu.wait_dma2 semaphore(%arg33 : memref<!tpu.dma_semaphore, #tpu.memory_space<semaphore_mem>>) src(%arg25 : memref<48x128xf32, #tpu.memory_space<vmem>>) dst(%dma_wait3A_115 : memref<48x128xf32, #tpu.memory_space<vmem_shared>>)
    %add3A_116 = arith.constant 240 : i32
    %add3A_117 = arith.addi %multiple_of3A, %add3A_116 : i32
    %dma_wait3A_118 = arith.constant 0 : i32
    %dma_wait3A_119 = tpu.memref_slice %arg27[%add3A_117, %dma_wait3A_118] : memref<10000x128xf32, #tpu.memory_space<vmem_shared>> -> memref<48x128xf32, #tpu.memory_space<vmem_shared>>
    %dma_wait3A_120 = arith.constant 0 : i32
    %dma_wait3A_121 = tpu.memref_slice %arg27[%add3A_117, %dma_wait3A_120] : memref<10000x128xf32, #tpu.memory_space<vmem_shared>> -> memref<48x128xf32, #tpu.memory_space<vmem_shared>>
    tpu.wait_dma2 semaphore(%arg33 : memref<!tpu.dma_semaphore, #tpu.memory_space<semaphore_mem>>) src(%arg25 : memref<48x128xf32, #tpu.memory_space<vmem>>) dst(%dma_wait3A_121 : memref<48x128xf32, #tpu.memory_space<vmem_shared>>)
    %add3A_122 = arith.constant 288 : i32
    %add3A_123 = arith.addi %multiple_of3A, %add3A_122 : i32
    %dma_wait3A_124 = arith.constant 0 : i32
    %dma_wait3A_125 = tpu.memref_slice %arg27[%add3A_123, %dma_wait3A_124] : memref<10000x128xf32, #tpu.memory_space<vmem_shared>> -> memref<48x128xf32, #tpu.memory_space<vmem_shared>>
    %dma_wait3A_126 = arith.constant 0 : i32
    %dma_wait3A_127 = tpu.memref_slice %arg27[%add3A_123, %dma_wait3A_126] : memref<10000x128xf32, #tpu.memory_space<vmem_shared>> -> memref<48x128xf32, #tpu.memory_space<vmem_shared>>
    tpu.wait_dma2 semaphore(%arg33 : memref<!tpu.dma_semaphore, #tpu.memory_space<semaphore_mem>>) src(%arg25 : memref<48x128xf32, #tpu.memory_space<vmem>>) dst(%dma_wait3A_127 : memref<48x128xf32, #tpu.memory_space<vmem_shared>>)
    %add3A_128 = arith.constant 336 : i32
    %add3A_129 = arith.addi %multiple_of3A, %add3A_128 : i32
    %dma_wait3A_130 = arith.constant 0 : i32
    %dma_wait3A_131 = tpu.memref_slice %arg27[%add3A_129, %dma_wait3A_130] : memref<10000x128xf32, #tpu.memory_space<vmem_shared>> -> memref<48x128xf32, #tpu.memory_space<vmem_shared>>
    %dma_wait3A_132 = arith.constant 0 : i32
    %dma_wait3A_133 = tpu.memref_slice %arg27[%add3A_129, %dma_wait3A_132] : memref<10000x128xf32, #tpu.memory_space<vmem_shared>> -> memref<48x128xf32, #tpu.memory_space<vmem_shared>>
    tpu.wait_dma2 semaphore(%arg33 : memref<!tpu.dma_semaphore, #tpu.memory_space<semaphore_mem>>) src(%arg25 : memref<48x128xf32, #tpu.memory_space<vmem>>) dst(%dma_wait3A_133 : memref<48x128xf32, #tpu.memory_space<vmem_shared>>)
    %add3A_134 = arith.constant 384 : i32
    %add3A_135 = arith.addi %multiple_of3A, %add3A_134 : i32
    %dma_wait3A_136 = arith.constant 0 : i32
    %dma_wait3A_137 = tpu.memref_slice %arg27[%add3A_135, %dma_wait3A_136] : memref<10000x128xf32, #tpu.memory_space<vmem_shared>> -> memref<48x128xf32, #tpu.memory_space<vmem_shared>>
    %dma_wait3A_138 = arith.constant 0 : i32
    %dma_wait3A_139 = tpu.memref_slice %arg27[%add3A_135, %dma_wait3A_138] : memref<10000x128xf32, #tpu.memory_space<vmem_shared>> -> memref<48x128xf32, #tpu.memory_space<vmem_shared>>
    tpu.wait_dma2 semaphore(%arg33 : memref<!tpu.dma_semaphore, #tpu.memory_space<semaphore_mem>>) src(%arg25 : memref<48x128xf32, #tpu.memory_space<vmem>>) dst(%dma_wait3A_139 : memref<48x128xf32, #tpu.memory_space<vmem_shared>>)
    %add3A_140 = arith.constant 432 : i32
    %add3A_141 = arith.addi %multiple_of3A, %add3A_140 : i32
    %dma_wait3A_142 = arith.constant 0 : i32
    %dma_wait3A_143 = tpu.memref_slice %arg27[%add3A_141, %dma_wait3A_142] : memref<10000x128xf32, #tpu.memory_space<vmem_shared>> -> memref<48x128xf32, #tpu.memory_space<vmem_shared>>
    %dma_wait3A_144 = arith.constant 0 : i32
    %dma_wait3A_145 = tpu.memref_slice %arg27[%add3A_141, %dma_wait3A_144] : memref<10000x128xf32, #tpu.memory_space<vmem_shared>> -> memref<48x128xf32, #tpu.memory_space<vmem_shared>>
    tpu.wait_dma2 semaphore(%arg33 : memref<!tpu.dma_semaphore, #tpu.memory_space<semaphore_mem>>) src(%arg25 : memref<48x128xf32, #tpu.memory_space<vmem>>) dst(%dma_wait3A_145 : memref<48x128xf32, #tpu.memory_space<vmem_shared>>)
    %add3A_146 = arith.constant 480 : i32
    %add3A_147 = arith.addi %multiple_of3A, %add3A_146 : i32
    %dma_wait3A_148 = arith.constant 0 : i32
    %dma_wait3A_149 = tpu.memref_slice %arg27[%add3A_147, %dma_wait3A_148] : memref<10000x128xf32, #tpu.memory_space<vmem_shared>> -> memref<48x128xf32, #tpu.memory_space<vmem_shared>>
    %dma_wait3A_150 = arith.constant 0 : i32
    %dma_wait3A_151 = tpu.memref_slice %arg27[%add3A_147, %dma_wait3A_150] : memref<10000x128xf32, #tpu.memory_space<vmem_shared>> -> memref<48x128xf32, #tpu.memory_space<vmem_shared>>
    tpu.wait_dma2 semaphore(%arg33 : memref<!tpu.dma_semaphore, #tpu.memory_space<semaphore_mem>>) src(%arg25 : memref<48x128xf32, #tpu.memory_space<vmem>>) dst(%dma_wait3A_151 : memref<48x128xf32, #tpu.memory_space<vmem_shared>>)
    %add3A_152 = arith.constant 528 : i32
    %add3A_153 = arith.addi %multiple_of3A, %add3A_152 : i32
    %dma_wait3A_154 = arith.constant 0 : i32
    %dma_wait3A_155 = tpu.memref_slice %arg27[%add3A_153, %dma_wait3A_154] : memref<10000x128xf32, #tpu.memory_space<vmem_shared>> -> memref<48x128xf32, #tpu.memory_space<vmem_shared>>
    %dma_wait3A_156 = arith.constant 0 : i32
    %dma_wait3A_157 = tpu.memref_slice %arg27[%add3A_153, %dma_wait3A_156] : memref<10000x128xf32, #tpu.memory_space<vmem_shared>> -> memref<48x128xf32, #tpu.memory_space<vmem_shared>>
    tpu.wait_dma2 semaphore(%arg33 : memref<!tpu.dma_semaphore, #tpu.memory_space<semaphore_mem>>) src(%arg25 : memref<48x128xf32, #tpu.memory_space<vmem>>) dst(%dma_wait3A_157 : memref<48x128xf32, #tpu.memory_space<vmem_shared>>)
    %add3A_158 = arith.constant 576 : i32
    %add3A_159 = arith.addi %multiple_of3A, %add3A_158 : i32
    %dma_wait3A_160 = arith.constant 0 : i32
    %dma_wait3A_161 = tpu.memref_slice %arg27[%add3A_159, %dma_wait3A_160] : memref<10000x128xf32, #tpu.memory_space<vmem_shared>> -> memref<48x128xf32, #tpu.memory_space<vmem_shared>>
    %dma_wait3A_162 = arith.constant 0 : i32
    %dma_wait3A_163 = tpu.memref_slice %arg27[%add3A_159, %dma_wait3A_162] : memref<10000x128xf32, #tpu.memory_space<vmem_shared>> -> memref<48x128xf32, #tpu.memory_space<vmem_shared>>
    tpu.wait_dma2 semaphore(%arg33 : memref<!tpu.dma_semaphore, #tpu.memory_space<semaphore_mem>>) src(%arg25 : memref<48x128xf32, #tpu.memory_space<vmem>>) dst(%dma_wait3A_163 : memref<48x128xf32, #tpu.memory_space<vmem_shared>>)
    %eq3A_164 = arith.constant 15 : i32
    %eq3A_165 = arith.cmpi eq, %arg1, %eq3A_164 : i32
    %convert_element_type3A_166 = arith.extui %eq3A_165 : i1 to i32
    %cond3A_167 = arith.constant 0 : i32
    %cond3A_168 = arith.cmpi ne, %convert_element_type3A_166, %cond3A_167 : i32
    scf.if %cond3A_168 {
      %dma_wait3A_323 = arith.constant 0 : i32
      %dma_wait3A_324 = arith.constant 0 : i32
      %dma_wait3A_325 = tpu.memref_slice %arg25[%dma_wait3A_323, %dma_wait3A_324] : memref<48x128xf32, #tpu.memory_space<vmem>> -> memref<16x128xf32, #tpu.memory_space<vmem>>
      %dma_wait3A_326 = arith.constant 9984 : i32
      %dma_wait3A_327 = arith.constant 0 : i32
      %dma_wait3A_328 = tpu.memref_slice %arg27[%dma_wait3A_326, %dma_wait3A_327] : memref<10000x128xf32, #tpu.memory_space<vmem_shared>> -> memref<16x128xf32, #tpu.memory_space<vmem_shared>>
      %dma_wait3A_329 = arith.constant 9984 : i32
      %dma_wait3A_330 = arith.constant 0 : i32
      %dma_wait3A_331 = tpu.memref_slice %arg27[%dma_wait3A_329, %dma_wait3A_330] : memref<10000x128xf32, #tpu.memory_space<vmem_shared>> -> memref<16x128xf32, #tpu.memory_space<vmem_shared>>
      %dma_wait3A_332 = arith.constant 0 : i32
      %dma_wait3A_333 = arith.constant 0 : i32
      %dma_wait3A_334 = tpu.memref_slice %arg25[%dma_wait3A_332, %dma_wait3A_333] : memref<48x128xf32, #tpu.memory_space<vmem>> -> memref<16x128xf32, #tpu.memory_space<vmem>>
      tpu.wait_dma2 semaphore(%arg33 : memref<!tpu.dma_semaphore, #tpu.memory_space<semaphore_mem>>) src(%dma_wait3A_334 : memref<16x128xf32, #tpu.memory_space<vmem>>) dst(%dma_wait3A_331 : memref<16x128xf32, #tpu.memory_space<vmem_shared>>)
    } else {
    }
    %barrier3A = arith.constant 0 : index
    tpu.barrier barrier_id(%barrier3A)
    %swap3A = arith.constant 0 : i32
    %swap3A_169 = arith.constant 0 : i32
    %swap3A_170 = arith.index_cast %swap3A_169 : i32 to index
    %swap3A_171 = memref.load %arg28[%swap3A_170] : memref<1xi32, #tpu.memory_space<smem>>
    memref.store %swap3A, %arg28[%swap3A_170] : memref<1xi32, #tpu.memory_space<smem>>
    %add3A_172 = arith.constant 0 : i32
    %add3A_173 = arith.addi %mul3A_0, %add3A_172 : i32
    %dma_start3A_174 = arith.constant 0 : i32
    %dma_start3A_175 = arith.constant 0 : i32
    %dma_start3A_176 = tpu.memref_slice %arg3[%add3A_173, %dma_start3A_174, %dma_start3A_175] : memref<1280x1x128xi32, #tpu.memory_space<hbm>> -> memref<1x1x128xi32, #tpu.memory_space<hbm>>
    %dma_start3A_177 = tpu.memref_squeeze %dma_start3A_176 : memref<1x1x128xi32, #tpu.memory_space<hbm>> -> memref<1x128xi32, #tpu.memory_space<hbm>>
    %dma_start3A_178 = arith.constant 0 : i32
    %dma_start3A_179 = arith.constant 0 : i32
    %dma_start3A_180 = tpu.memref_slice %arg3[%add3A_173, %dma_start3A_178, %dma_start3A_179] : memref<1280x1x128xi32, #tpu.memory_space<hbm>> -> memref<1x1x128xi32, #tpu.memory_space<hbm>>
    %dma_start3A_181 = tpu.memref_squeeze %dma_start3A_180 : memref<1x1x128xi32, #tpu.memory_space<hbm>> -> memref<1x128xi32, #tpu.memory_space<hbm>>
    tpu.enqueue_dma source(%dma_start3A_181 : memref<1x128xi32, #tpu.memory_space<hbm>>) target(%arg7 : memref<1x128xi32, #tpu.memory_space<vmem>>) target_semaphore(%arg31 : memref<!tpu.dma_semaphore, #tpu.memory_space<semaphore_mem>>)
    %add3A_182 = arith.constant 0 : i32
    %add3A_183 = arith.addi %mul3A_0, %add3A_182 : i32
    %dma_start3A_184 = arith.constant 0 : i32
    %dma_start3A_185 = arith.constant 0 : i32
    %dma_start3A_186 = tpu.memref_slice %arg4[%add3A_183, %dma_start3A_184, %dma_start3A_185] : memref<1280x1x128xi32, #tpu.memory_space<hbm>> -> memref<1x1x128xi32, #tpu.memory_space<hbm>>
    %dma_start3A_187 = tpu.memref_squeeze %dma_start3A_186 : memref<1x1x128xi32, #tpu.memory_space<hbm>> -> memref<1x128xi32, #tpu.memory_space<hbm>>
    %dma_start3A_188 = arith.constant 0 : i32
    %dma_start3A_189 = arith.constant 0 : i32
    %dma_start3A_190 = tpu.memref_slice %arg4[%add3A_183, %dma_start3A_188, %dma_start3A_189] : memref<1280x1x128xi32, #tpu.memory_space<hbm>> -> memref<1x1x128xi32, #tpu.memory_space<hbm>>
    %dma_start3A_191 = tpu.memref_squeeze %dma_start3A_190 : memref<1x1x128xi32, #tpu.memory_space<hbm>> -> memref<1x128xi32, #tpu.memory_space<hbm>>
    tpu.enqueue_dma source(%dma_start3A_191 : memref<1x128xi32, #tpu.memory_space<hbm>>) target(%arg9 : memref<1x128xi32, #tpu.memory_space<vmem>>) target_semaphore(%arg31 : memref<!tpu.dma_semaphore, #tpu.memory_space<semaphore_mem>>)
    %add3A_192 = arith.constant 0 : i32
    %add3A_193 = arith.addi %mul3A_0, %add3A_192 : i32
    %dma_start3A_194 = arith.constant 0 : i32
    %dma_start3A_195 = arith.constant 0 : i32
    %dma_start3A_196 = tpu.memref_slice %arg5[%add3A_193, %dma_start3A_194, %dma_start3A_195] : memref<1280x1x128xf32, #tpu.memory_space<hbm>> -> memref<1x1x128xf32, #tpu.memory_space<hbm>>
    %dma_start3A_197 = tpu.memref_squeeze %dma_start3A_196 : memref<1x1x128xf32, #tpu.memory_space<hbm>> -> memref<1x128xf32, #tpu.memory_space<hbm>>
    %dma_start3A_198 = arith.constant 0 : i32
    %dma_start3A_199 = arith.constant 0 : i32
    %dma_start3A_200 = tpu.memref_slice %arg5[%add3A_193, %dma_start3A_198, %dma_start3A_199] : memref<1280x1x128xf32, #tpu.memory_space<hbm>> -> memref<1x1x128xf32, #tpu.memory_space<hbm>>
    %dma_start3A_201 = tpu.memref_squeeze %dma_start3A_200 : memref<1x1x128xf32, #tpu.memory_space<hbm>> -> memref<1x128xf32, #tpu.memory_space<hbm>>
    tpu.enqueue_dma source(%dma_start3A_201 : memref<1x128xf32, #tpu.memory_space<hbm>>) target(%arg11 : memref<1x128xf32, #tpu.memory_space<vmem>>) target_semaphore(%arg31 : memref<!tpu.dma_semaphore, #tpu.memory_space<semaphore_mem>>)
    %add3A_202 = arith.constant 1 : i32
    %add3A_203 = arith.addi %mul3A_0, %add3A_202 : i32
    %dma_start3A_204 = arith.constant 0 : i32
    %dma_start3A_205 = arith.constant 0 : i32
    %dma_start3A_206 = tpu.memref_slice %arg3[%add3A_203, %dma_start3A_204, %dma_start3A_205] : memref<1280x1x128xi32, #tpu.memory_space<hbm>> -> memref<1x1x128xi32, #tpu.memory_space<hbm>>
    %dma_start3A_207 = tpu.memref_squeeze %dma_start3A_206 : memref<1x1x128xi32, #tpu.memory_space<hbm>> -> memref<1x128xi32, #tpu.memory_space<hbm>>
    %dma_start3A_208 = arith.constant 0 : i32
    %dma_start3A_209 = arith.constant 0 : i32
    %dma_start3A_210 = tpu.memref_slice %arg3[%add3A_203, %dma_start3A_208, %dma_start3A_209] : memref<1280x1x128xi32, #tpu.memory_space<hbm>> -> memref<1x1x128xi32, #tpu.memory_space<hbm>>
    %dma_start3A_211 = tpu.memref_squeeze %dma_start3A_210 : memref<1x1x128xi32, #tpu.memory_space<hbm>> -> memref<1x128xi32, #tpu.memory_space<hbm>>
    tpu.enqueue_dma source(%dma_start3A_211 : memref<1x128xi32, #tpu.memory_space<hbm>>) target(%arg8 : memref<1x128xi32, #tpu.memory_space<vmem>>) target_semaphore(%arg32 : memref<!tpu.dma_semaphore, #tpu.memory_space<semaphore_mem>>)
    %add3A_212 = arith.constant 1 : i32
    %add3A_213 = arith.addi %mul3A_0, %add3A_212 : i32
    %dma_start3A_214 = arith.constant 0 : i32
    %dma_start3A_215 = arith.constant 0 : i32
    %dma_start3A_216 = tpu.memref_slice %arg4[%add3A_213, %dma_start3A_214, %dma_start3A_215] : memref<1280x1x128xi32, #tpu.memory_space<hbm>> -> memref<1x1x128xi32, #tpu.memory_space<hbm>>
    %dma_start3A_217 = tpu.memref_squeeze %dma_start3A_216 : memref<1x1x128xi32, #tpu.memory_space<hbm>> -> memref<1x128xi32, #tpu.memory_space<hbm>>
    %dma_start3A_218 = arith.constant 0 : i32
    %dma_start3A_219 = arith.constant 0 : i32
    %dma_start3A_220 = tpu.memref_slice %arg4[%add3A_213, %dma_start3A_218, %dma_start3A_219] : memref<1280x1x128xi32, #tpu.memory_space<hbm>> -> memref<1x1x128xi32, #tpu.memory_space<hbm>>
    %dma_start3A_221 = tpu.memref_squeeze %dma_start3A_220 : memref<1x1x128xi32, #tpu.memory_space<hbm>> -> memref<1x128xi32, #tpu.memory_space<hbm>>
    tpu.enqueue_dma source(%dma_start3A_221 : memref<1x128xi32, #tpu.memory_space<hbm>>) target(%arg10 : memref<1x128xi32, #tpu.memory_space<vmem>>) target_semaphore(%arg32 : memref<!tpu.dma_semaphore, #tpu.memory_space<semaphore_mem>>)
    %add3A_222 = arith.constant 1 : i32
    %add3A_223 = arith.addi %mul3A_0, %add3A_222 : i32
    %dma_start3A_224 = arith.constant 0 : i32
    %dma_start3A_225 = arith.constant 0 : i32
    %dma_start3A_226 = tpu.memref_slice %arg5[%add3A_223, %dma_start3A_224, %dma_start3A_225] : memref<1280x1x128xf32, #tpu.memory_space<hbm>> -> memref<1x1x128xf32, #tpu.memory_space<hbm>>
    %dma_start3A_227 = tpu.memref_squeeze %dma_start3A_226 : memref<1x1x128xf32, #tpu.memory_space<hbm>> -> memref<1x128xf32, #tpu.memory_space<hbm>>
    %dma_start3A_228 = arith.constant 0 : i32
    %dma_start3A_229 = arith.constant 0 : i32
    %dma_start3A_230 = tpu.memref_slice %arg5[%add3A_223, %dma_start3A_228, %dma_start3A_229] : memref<1280x1x128xf32, #tpu.memory_space<hbm>> -> memref<1x1x128xf32, #tpu.memory_space<hbm>>
    %dma_start3A_231 = tpu.memref_squeeze %dma_start3A_230 : memref<1x1x128xf32, #tpu.memory_space<hbm>> -> memref<1x128xf32, #tpu.memory_space<hbm>>
    tpu.enqueue_dma source(%dma_start3A_231 : memref<1x128xf32, #tpu.memory_space<hbm>>) target(%arg12 : memref<1x128xf32, #tpu.memory_space<vmem>>) target_semaphore(%arg32 : memref<!tpu.dma_semaphore, #tpu.memory_space<semaphore_mem>>)
    %scan3A_232 = arith.constant 0 : i32
    %scan3A_233 = arith.constant 40 : i32
    %scan3A_234 = arith.addi %scan3A_232, %scan3A_233 : i32
    %scan3A_235 = arith.constant 1 : i32
    scf.for %scan3A_323 = %scan3A_232 to %scan3A_234 step %scan3A_235  : i32 {
      %mul3A_324 = arith.constant 2 : i32
      %mul3A_325 = arith.muli %scan3A_323, %mul3A_324 : i32
      %add3A_326 = arith.constant 0 : i32
      %add3A_327 = arith.addi %add3A_326, %mul3A_325 : i32
      %add3A_328 = arith.addi %mul3A_0, %add3A_327 : i32
      %dma_wait3A_329 = arith.constant 0 : i32
      %dma_wait3A_330 = arith.constant 0 : i32
      %dma_wait3A_331 = tpu.memref_slice %arg3[%add3A_328, %dma_wait3A_329, %dma_wait3A_330] : memref<1280x1x128xi32, #tpu.memory_space<hbm>> -> memref<1x1x128xi32, #tpu.memory_space<hbm>>
      %dma_wait3A_332 = tpu.memref_squeeze %dma_wait3A_331 : memref<1x1x128xi32, #tpu.memory_space<hbm>> -> memref<1x128xi32, #tpu.memory_space<hbm>>
      %dma_wait3A_333 = arith.constant 0 : i32
      %dma_wait3A_334 = arith.constant 0 : i32
      %dma_wait3A_335 = tpu.memref_slice %arg3[%add3A_328, %dma_wait3A_333, %dma_wait3A_334] : memref<1280x1x128xi32, #tpu.memory_space<hbm>> -> memref<1x1x128xi32, #tpu.memory_space<hbm>>
      %dma_wait3A_336 = tpu.memref_squeeze %dma_wait3A_335 : memref<1x1x128xi32, #tpu.memory_space<hbm>> -> memref<1x128xi32, #tpu.memory_space<hbm>>
      tpu.wait_dma2 semaphore(%arg31 : memref<!tpu.dma_semaphore, #tpu.memory_space<semaphore_mem>>) src(%dma_wait3A_336 : memref<1x128xi32, #tpu.memory_space<hbm>>) dst(%arg7 : memref<1x128xi32, #tpu.memory_space<vmem>>)
      %add3A_337 = arith.addi %mul3A_0, %add3A_327 : i32
      %dma_wait3A_338 = arith.constant 0 : i32
      %dma_wait3A_339 = arith.constant 0 : i32
      %dma_wait3A_340 = tpu.memref_slice %arg4[%add3A_337, %dma_wait3A_338, %dma_wait3A_339] : memref<1280x1x128xi32, #tpu.memory_space<hbm>> -> memref<1x1x128xi32, #tpu.memory_space<hbm>>
      %dma_wait3A_341 = tpu.memref_squeeze %dma_wait3A_340 : memref<1x1x128xi32, #tpu.memory_space<hbm>> -> memref<1x128xi32, #tpu.memory_space<hbm>>
      %dma_wait3A_342 = arith.constant 0 : i32
      %dma_wait3A_343 = arith.constant 0 : i32
      %dma_wait3A_344 = tpu.memref_slice %arg4[%add3A_337, %dma_wait3A_342, %dma_wait3A_343] : memref<1280x1x128xi32, #tpu.memory_space<hbm>> -> memref<1x1x128xi32, #tpu.memory_space<hbm>>
      %dma_wait3A_345 = tpu.memref_squeeze %dma_wait3A_344 : memref<1x1x128xi32, #tpu.memory_space<hbm>> -> memref<1x128xi32, #tpu.memory_space<hbm>>
      tpu.wait_dma2 semaphore(%arg31 : memref<!tpu.dma_semaphore, #tpu.memory_space<semaphore_mem>>) src(%dma_wait3A_345 : memref<1x128xi32, #tpu.memory_space<hbm>>) dst(%arg9 : memref<1x128xi32, #tpu.memory_space<vmem>>)
      %add3A_346 = arith.addi %mul3A_0, %add3A_327 : i32
      %dma_wait3A_347 = arith.constant 0 : i32
      %dma_wait3A_348 = arith.constant 0 : i32
      %dma_wait3A_349 = tpu.memref_slice %arg5[%add3A_346, %dma_wait3A_347, %dma_wait3A_348] : memref<1280x1x128xf32, #tpu.memory_space<hbm>> -> memref<1x1x128xf32, #tpu.memory_space<hbm>>
      %dma_wait3A_350 = tpu.memref_squeeze %dma_wait3A_349 : memref<1x1x128xf32, #tpu.memory_space<hbm>> -> memref<1x128xf32, #tpu.memory_space<hbm>>
      %dma_wait3A_351 = arith.constant 0 : i32
      %dma_wait3A_352 = arith.constant 0 : i32
      %dma_wait3A_353 = tpu.memref_slice %arg5[%add3A_346, %dma_wait3A_351, %dma_wait3A_352] : memref<1280x1x128xf32, #tpu.memory_space<hbm>> -> memref<1x1x128xf32, #tpu.memory_space<hbm>>
      %dma_wait3A_354 = tpu.memref_squeeze %dma_wait3A_353 : memref<1x1x128xf32, #tpu.memory_space<hbm>> -> memref<1x128xf32, #tpu.memory_space<hbm>>
      tpu.wait_dma2 semaphore(%arg31 : memref<!tpu.dma_semaphore, #tpu.memory_space<semaphore_mem>>) src(%dma_wait3A_354 : memref<1x128xf32, #tpu.memory_space<hbm>>) dst(%arg11 : memref<1x128xf32, #tpu.memory_space<vmem>>)
      %get3A_355 = arith.constant 0 : i32
      %get3A_356 = arith.index_cast %get3A_355 : i32 to index
      %get3A_357 = arith.constant 0 : index
      %get3A_358 = tpu.vector_load %arg7[%get3A_356, %get3A_357] {strides = array<i32>} : memref<1x128xi32, #tpu.memory_space<vmem>>, vector<16xi32>,
      %get3A_359 = arith.constant 0 : i32
      %get3A_360 = arith.index_cast %get3A_359 : i32 to index
      %get3A_361 = arith.constant 0 : index
      %get3A_362 = tpu.vector_load %arg9[%get3A_360, %get3A_361] {strides = array<i32>} : memref<1x128xi32, #tpu.memory_space<vmem>>, vector<16xi32>,
      %get3A_363 = arith.constant 0 : i32
      %get3A_364 = arith.index_cast %get3A_363 : i32 to index
      %get3A_365 = arith.constant 0 : index
      %get3A_366 = tpu.vector_load %arg11[%get3A_364, %get3A_365] {strides = array<i32>} : memref<1x128xf32, #tpu.memory_space<vmem>>, vector<16xf32>,
      %sub3A_367 = vector.broadcast %mul3A_2 : i32 to vector<16xi32>
      %sub3A_368 = arith.subi %get3A_358, %sub3A_367 : vector<16xi32>
      %ge3A = arith.constant 0 : i32
      %ge3A_369 = vector.broadcast %ge3A : i32 to vector<16xi32>
      %ge3A_370 = arith.cmpi sge, %sub3A_368, %ge3A_369 : vector<16xi32>
      %lt3A = arith.constant 5000 : i32
      %lt3A_371 = vector.broadcast %lt3A : i32 to vector<16xi32>
      %lt3A_372 = arith.cmpi slt, %sub3A_368, %lt3A_371 : vector<16xi32>
      %and3A = arith.andi %ge3A_370, %lt3A_372 : vector<16xi1>
      %shift_left3A = arith.constant 16 : i32
      %shift_left3A_373 = vector.broadcast %shift_left3A : i32 to vector<16xi32>
      %shift_left3A_374 = arith.shli %sub3A_368, %shift_left3A_373 : vector<16xi32>
      %or3A = arith.ori %shift_left3A_374, %get3A_362 : vector<16xi32>
      %get3A_375 = arith.constant 0 : i32
      %get3A_376 = arith.index_cast %get3A_375 : i32 to index
      %get3A_377 = memref.load %arg28[%get3A_376] : memref<1xi32, #tpu.memory_space<smem>>
      %swap3A_378 = arith.index_cast %get3A_377 : i32 to index
      %swap3A_379 = tpu.vector_load %arg13[%swap3A_378] masked %and3A {strides = array<i32>} : memref<10304xi32, #tpu.memory_space<vmem>>, vector<16xi32>, vector<16xi1>
      tpu.vector_store %arg13[%swap3A_378], %or3A masked %and3A {strides = array<i32>} : memref<10304xi32, #tpu.memory_space<vmem>>, vector<16xi32>, vector<16xi1>
      %swap3A_380 = arith.index_cast %get3A_377 : i32 to index
      %swap3A_381 = tpu.vector_load %arg14[%swap3A_380] masked %and3A {strides = array<i32>} : memref<10304xf32, #tpu.memory_space<vmem>>, vector<16xf32>, vector<16xi1>
      tpu.vector_store %arg14[%swap3A_380], %get3A_366 masked %and3A {strides = array<i32>} : memref<10304xf32, #tpu.memory_space<vmem>>, vector<16xf32>, vector<16xi1>
      %convert_element_type3A_382 = arith.extui %and3A : vector<16xi1> to vector<16xi32>
      %reduce_sum3A = arith.constant true
      %reduce_sum3A_383 = vector.broadcast %reduce_sum3A : i1 to vector<16xi1>
      %reduce_sum3A_384 = tpu.scan <sum>, %convert_element_type3A_382 masked %reduce_sum3A_383 : vector<16xi32>, vector<16xi1> -> vector<16xi32>
      %reduce_sum3A_385 = vector.extract %reduce_sum3A_384[15] : i32 from vector<16xi32>
      %add3A_386 = arith.addi %get3A_377, %reduce_sum3A_385 : i32
      %swap3A_387 = arith.constant 0 : i32
      %swap3A_388 = arith.index_cast %swap3A_387 : i32 to index
      %swap3A_389 = memref.load %arg28[%swap3A_388] : memref<1xi32, #tpu.memory_space<smem>>
      memref.store %add3A_386, %arg28[%swap3A_388] : memref<1xi32, #tpu.memory_space<smem>>
      %get3A_390 = arith.constant 0 : i32
      %get3A_391 = arith.index_cast %get3A_390 : i32 to index
      %get3A_392 = arith.constant 16 : index
      %get3A_393 = tpu.vector_load %arg7[%get3A_391, %get3A_392] {strides = array<i32>} : memref<1x128xi32, #tpu.memory_space<vmem>>, vector<16xi32>,
      %get3A_394 = arith.constant 0 : i32
      %get3A_395 = arith.index_cast %get3A_394 : i32 to index
      %get3A_396 = arith.constant 16 : index
      %get3A_397 = tpu.vector_load %arg9[%get3A_395, %get3A_396] {strides = array<i32>} : memref<1x128xi32, #tpu.memory_space<vmem>>, vector<16xi32>,
      %get3A_398 = arith.constant 0 : i32
      %get3A_399 = arith.index_cast %get3A_398 : i32 to index
      %get3A_400 = arith.constant 16 : index
      %get3A_401 = tpu.vector_load %arg11[%get3A_399, %get3A_400] {strides = array<i32>} : memref<1x128xf32, #tpu.memory_space<vmem>>, vector<16xf32>,
      %sub3A_402 = vector.broadcast %mul3A_2 : i32 to vector<16xi32>
      %sub3A_403 = arith.subi %get3A_393, %sub3A_402 : vector<16xi32>
      %ge3A_404 = arith.constant 0 : i32
      %ge3A_405 = vector.broadcast %ge3A_404 : i32 to vector<16xi32>
      %ge3A_406 = arith.cmpi sge, %sub3A_403, %ge3A_405 : vector<16xi32>
      %lt3A_407 = arith.constant 5000 : i32
      %lt3A_408 = vector.broadcast %lt3A_407 : i32 to vector<16xi32>
      %lt3A_409 = arith.cmpi slt, %sub3A_403, %lt3A_408 : vector<16xi32>
      %and3A_410 = arith.andi %ge3A_406, %lt3A_409 : vector<16xi1>
      %shift_left3A_411 = arith.constant 16 : i32
      %shift_left3A_412 = vector.broadcast %shift_left3A_411 : i32 to vector<16xi32>
      %shift_left3A_413 = arith.shli %sub3A_403, %shift_left3A_412 : vector<16xi32>
      %or3A_414 = arith.ori %shift_left3A_413, %get3A_397 : vector<16xi32>
      %get3A_415 = arith.constant 0 : i32
      %get3A_416 = arith.index_cast %get3A_415 : i32 to index
      %get3A_417 = memref.load %arg28[%get3A_416] : memref<1xi32, #tpu.memory_space<smem>>
      %swap3A_418 = arith.index_cast %get3A_417 : i32 to index
      %swap3A_419 = tpu.vector_load %arg13[%swap3A_418] masked %and3A_410 {strides = array<i32>} : memref<10304xi32, #tpu.memory_space<vmem>>, vector<16xi32>, vector<16xi1>
      tpu.vector_store %arg13[%swap3A_418], %or3A_414 masked %and3A_410 {strides = array<i32>} : memref<10304xi32, #tpu.memory_space<vmem>>, vector<16xi32>, vector<16xi1>
      %swap3A_420 = arith.index_cast %get3A_417 : i32 to index
      %swap3A_421 = tpu.vector_load %arg14[%swap3A_420] masked %and3A_410 {strides = array<i32>} : memref<10304xf32, #tpu.memory_space<vmem>>, vector<16xf32>, vector<16xi1>
      tpu.vector_store %arg14[%swap3A_420], %get3A_401 masked %and3A_410 {strides = array<i32>} : memref<10304xf32, #tpu.memory_space<vmem>>, vector<16xf32>, vector<16xi1>
      %convert_element_type3A_422 = arith.extui %and3A_410 : vector<16xi1> to vector<16xi32>
      %reduce_sum3A_423 = arith.constant true
      %reduce_sum3A_424 = vector.broadcast %reduce_sum3A_423 : i1 to vector<16xi1>
      %reduce_sum3A_425 = tpu.scan <sum>, %convert_element_type3A_422 masked %reduce_sum3A_424 : vector<16xi32>, vector<16xi1> -> vector<16xi32>
      %reduce_sum3A_426 = vector.extract %reduce_sum3A_425[15] : i32 from vector<16xi32>
      %add3A_427 = arith.addi %get3A_417, %reduce_sum3A_426 : i32
      %swap3A_428 = arith.constant 0 : i32
      %swap3A_429 = arith.index_cast %swap3A_428 : i32 to index
      %swap3A_430 = memref.load %arg28[%swap3A_429] : memref<1xi32, #tpu.memory_space<smem>>
      memref.store %add3A_427, %arg28[%swap3A_429] : memref<1xi32, #tpu.memory_space<smem>>
      %get3A_431 = arith.constant 0 : i32
      %get3A_432 = arith.index_cast %get3A_431 : i32 to index
      %get3A_433 = arith.constant 32 : index
      %get3A_434 = tpu.vector_load %arg7[%get3A_432, %get3A_433] {strides = array<i32>} : memref<1x128xi32, #tpu.memory_space<vmem>>, vector<16xi32>,
      %get3A_435 = arith.constant 0 : i32
      %get3A_436 = arith.index_cast %get3A_435 : i32 to index
      %get3A_437 = arith.constant 32 : index
      %get3A_438 = tpu.vector_load %arg9[%get3A_436, %get3A_437] {strides = array<i32>} : memref<1x128xi32, #tpu.memory_space<vmem>>, vector<16xi32>,
      %get3A_439 = arith.constant 0 : i32
      %get3A_440 = arith.index_cast %get3A_439 : i32 to index
      %get3A_441 = arith.constant 32 : index
      %get3A_442 = tpu.vector_load %arg11[%get3A_440, %get3A_441] {strides = array<i32>} : memref<1x128xf32, #tpu.memory_space<vmem>>, vector<16xf32>,
      %sub3A_443 = vector.broadcast %mul3A_2 : i32 to vector<16xi32>
      %sub3A_444 = arith.subi %get3A_434, %sub3A_443 : vector<16xi32>
      %ge3A_445 = arith.constant 0 : i32
      %ge3A_446 = vector.broadcast %ge3A_445 : i32 to vector<16xi32>
      %ge3A_447 = arith.cmpi sge, %sub3A_444, %ge3A_446 : vector<16xi32>
      %lt3A_448 = arith.constant 5000 : i32
      %lt3A_449 = vector.broadcast %lt3A_448 : i32 to vector<16xi32>
      %lt3A_450 = arith.cmpi slt, %sub3A_444, %lt3A_449 : vector<16xi32>
      %and3A_451 = arith.andi %ge3A_447, %lt3A_450 : vector<16xi1>
      %shift_left3A_452 = arith.constant 16 : i32
      %shift_left3A_453 = vector.broadcast %shift_left3A_452 : i32 to vector<16xi32>
      %shift_left3A_454 = arith.shli %sub3A_444, %shift_left3A_453 : vector<16xi32>
      %or3A_455 = arith.ori %shift_left3A_454, %get3A_438 : vector<16xi32>
      %get3A_456 = arith.constant 0 : i32
      %get3A_457 = arith.index_cast %get3A_456 : i32 to index
      %get3A_458 = memref.load %arg28[%get3A_457] : memref<1xi32, #tpu.memory_space<smem>>
      %swap3A_459 = arith.index_cast %get3A_458 : i32 to index
      %swap3A_460 = tpu.vector_load %arg13[%swap3A_459] masked %and3A_451 {strides = array<i32>} : memref<10304xi32, #tpu.memory_space<vmem>>, vector<16xi32>, vector<16xi1>
      tpu.vector_store %arg13[%swap3A_459], %or3A_455 masked %and3A_451 {strides = array<i32>} : memref<10304xi32, #tpu.memory_space<vmem>>, vector<16xi32>, vector<16xi1>
      %swap3A_461 = arith.index_cast %get3A_458 : i32 to index
      %swap3A_462 = tpu.vector_load %arg14[%swap3A_461] masked %and3A_451 {strides = array<i32>} : memref<10304xf32, #tpu.memory_space<vmem>>, vector<16xf32>, vector<16xi1>
      tpu.vector_store %arg14[%swap3A_461], %get3A_442 masked %and3A_451 {strides = array<i32>} : memref<10304xf32, #tpu.memory_space<vmem>>, vector<16xf32>, vector<16xi1>
      %convert_element_type3A_463 = arith.extui %and3A_451 : vector<16xi1> to vector<16xi32>
      %reduce_sum3A_464 = arith.constant true
      %reduce_sum3A_465 = vector.broadcast %reduce_sum3A_464 : i1 to vector<16xi1>
      %reduce_sum3A_466 = tpu.scan <sum>, %convert_element_type3A_463 masked %reduce_sum3A_465 : vector<16xi32>, vector<16xi1> -> vector<16xi32>
      %reduce_sum3A_467 = vector.extract %reduce_sum3A_466[15] : i32 from vector<16xi32>
      %add3A_468 = arith.addi %get3A_458, %reduce_sum3A_467 : i32
      %swap3A_469 = arith.constant 0 : i32
      %swap3A_470 = arith.index_cast %swap3A_469 : i32 to index
      %swap3A_471 = memref.load %arg28[%swap3A_470] : memref<1xi32, #tpu.memory_space<smem>>
      memref.store %add3A_468, %arg28[%swap3A_470] : memref<1xi32, #tpu.memory_space<smem>>
      %get3A_472 = arith.constant 0 : i32
      %get3A_473 = arith.index_cast %get3A_472 : i32 to index
      %get3A_474 = arith.constant 48 : index
      %get3A_475 = tpu.vector_load %arg7[%get3A_473, %get3A_474] {strides = array<i32>} : memref<1x128xi32, #tpu.memory_space<vmem>>, vector<16xi32>,
      %get3A_476 = arith.constant 0 : i32
      %get3A_477 = arith.index_cast %get3A_476 : i32 to index
      %get3A_478 = arith.constant 48 : index
      %get3A_479 = tpu.vector_load %arg9[%get3A_477, %get3A_478] {strides = array<i32>} : memref<1x128xi32, #tpu.memory_space<vmem>>, vector<16xi32>,
      %get3A_480 = arith.constant 0 : i32
      %get3A_481 = arith.index_cast %get3A_480 : i32 to index
      %get3A_482 = arith.constant 48 : index
      %get3A_483 = tpu.vector_load %arg11[%get3A_481, %get3A_482] {strides = array<i32>} : memref<1x128xf32, #tpu.memory_space<vmem>>, vector<16xf32>,
      %sub3A_484 = vector.broadcast %mul3A_2 : i32 to vector<16xi32>
      %sub3A_485 = arith.subi %get3A_475, %sub3A_484 : vector<16xi32>
      %ge3A_486 = arith.constant 0 : i32
      %ge3A_487 = vector.broadcast %ge3A_486 : i32 to vector<16xi32>
      %ge3A_488 = arith.cmpi sge, %sub3A_485, %ge3A_487 : vector<16xi32>
      %lt3A_489 = arith.constant 5000 : i32
      %lt3A_490 = vector.broadcast %lt3A_489 : i32 to vector<16xi32>
      %lt3A_491 = arith.cmpi slt, %sub3A_485, %lt3A_490 : vector<16xi32>
      %and3A_492 = arith.andi %ge3A_488, %lt3A_491 : vector<16xi1>
      %shift_left3A_493 = arith.constant 16 : i32
      %shift_left3A_494 = vector.broadcast %shift_left3A_493 : i32 to vector<16xi32>
      %shift_left3A_495 = arith.shli %sub3A_485, %shift_left3A_494 : vector<16xi32>
      %or3A_496 = arith.ori %shift_left3A_495, %get3A_479 : vector<16xi32>
      %get3A_497 = arith.constant 0 : i32
      %get3A_498 = arith.index_cast %get3A_497 : i32 to index
      %get3A_499 = memref.load %arg28[%get3A_498] : memref<1xi32, #tpu.memory_space<smem>>
      %swap3A_500 = arith.index_cast %get3A_499 : i32 to index
      %swap3A_501 = tpu.vector_load %arg13[%swap3A_500] masked %and3A_492 {strides = array<i32>} : memref<10304xi32, #tpu.memory_space<vmem>>, vector<16xi32>, vector<16xi1>
      tpu.vector_store %arg13[%swap3A_500], %or3A_496 masked %and3A_492 {strides = array<i32>} : memref<10304xi32, #tpu.memory_space<vmem>>, vector<16xi32>, vector<16xi1>
      %swap3A_502 = arith.index_cast %get3A_499 : i32 to index
      %swap3A_503 = tpu.vector_load %arg14[%swap3A_502] masked %and3A_492 {strides = array<i32>} : memref<10304xf32, #tpu.memory_space<vmem>>, vector<16xf32>, vector<16xi1>
      tpu.vector_store %arg14[%swap3A_502], %get3A_483 masked %and3A_492 {strides = array<i32>} : memref<10304xf32, #tpu.memory_space<vmem>>, vector<16xf32>, vector<16xi1>
      %convert_element_type3A_504 = arith.extui %and3A_492 : vector<16xi1> to vector<16xi32>
      %reduce_sum3A_505 = arith.constant true
      %reduce_sum3A_506 = vector.broadcast %reduce_sum3A_505 : i1 to vector<16xi1>
      %reduce_sum3A_507 = tpu.scan <sum>, %convert_element_type3A_504 masked %reduce_sum3A_506 : vector<16xi32>, vector<16xi1> -> vector<16xi32>
      %reduce_sum3A_508 = vector.extract %reduce_sum3A_507[15] : i32 from vector<16xi32>
      %add3A_509 = arith.addi %get3A_499, %reduce_sum3A_508 : i32
      %swap3A_510 = arith.constant 0 : i32
      %swap3A_511 = arith.index_cast %swap3A_510 : i32 to index
      %swap3A_512 = memref.load %arg28[%swap3A_511] : memref<1xi32, #tpu.memory_space<smem>>
      memref.store %add3A_509, %arg28[%swap3A_511] : memref<1xi32, #tpu.memory_space<smem>>
      %get3A_513 = arith.constant 0 : i32
      %get3A_514 = arith.index_cast %get3A_513 : i32 to index
      %get3A_515 = arith.constant 64 : index
      %get3A_516 = tpu.vector_load %arg7[%get3A_514, %get3A_515] {strides = array<i32>} : memref<1x128xi32, #tpu.memory_space<vmem>>, vector<16xi32>,
      %get3A_517 = arith.constant 0 : i32
      %get3A_518 = arith.index_cast %get3A_517 : i32 to index
      %get3A_519 = arith.constant 64 : index
      %get3A_520 = tpu.vector_load %arg9[%get3A_518, %get3A_519] {strides = array<i32>} : memref<1x128xi32, #tpu.memory_space<vmem>>, vector<16xi32>,
      %get3A_521 = arith.constant 0 : i32
      %get3A_522 = arith.index_cast %get3A_521 : i32 to index
      %get3A_523 = arith.constant 64 : index
      %get3A_524 = tpu.vector_load %arg11[%get3A_522, %get3A_523] {strides = array<i32>} : memref<1x128xf32, #tpu.memory_space<vmem>>, vector<16xf32>,
      %sub3A_525 = vector.broadcast %mul3A_2 : i32 to vector<16xi32>
      %sub3A_526 = arith.subi %get3A_516, %sub3A_525 : vector<16xi32>
      %ge3A_527 = arith.constant 0 : i32
      %ge3A_528 = vector.broadcast %ge3A_527 : i32 to vector<16xi32>
      %ge3A_529 = arith.cmpi sge, %sub3A_526, %ge3A_528 : vector<16xi32>
      %lt3A_530 = arith.constant 5000 : i32
      %lt3A_531 = vector.broadcast %lt3A_530 : i32 to vector<16xi32>
      %lt3A_532 = arith.cmpi slt, %sub3A_526, %lt3A_531 : vector<16xi32>
      %and3A_533 = arith.andi %ge3A_529, %lt3A_532 : vector<16xi1>
      %shift_left3A_534 = arith.constant 16 : i32
      %shift_left3A_535 = vector.broadcast %shift_left3A_534 : i32 to vector<16xi32>
      %shift_left3A_536 = arith.shli %sub3A_526, %shift_left3A_535 : vector<16xi32>
      %or3A_537 = arith.ori %shift_left3A_536, %get3A_520 : vector<16xi32>
      %get3A_538 = arith.constant 0 : i32
      %get3A_539 = arith.index_cast %get3A_538 : i32 to index
      %get3A_540 = memref.load %arg28[%get3A_539] : memref<1xi32, #tpu.memory_space<smem>>
      %swap3A_541 = arith.index_cast %get3A_540 : i32 to index
      %swap3A_542 = tpu.vector_load %arg13[%swap3A_541] masked %and3A_533 {strides = array<i32>} : memref<10304xi32, #tpu.memory_space<vmem>>, vector<16xi32>, vector<16xi1>
      tpu.vector_store %arg13[%swap3A_541], %or3A_537 masked %and3A_533 {strides = array<i32>} : memref<10304xi32, #tpu.memory_space<vmem>>, vector<16xi32>, vector<16xi1>
      %swap3A_543 = arith.index_cast %get3A_540 : i32 to index
      %swap3A_544 = tpu.vector_load %arg14[%swap3A_543] masked %and3A_533 {strides = array<i32>} : memref<10304xf32, #tpu.memory_space<vmem>>, vector<16xf32>, vector<16xi1>
      tpu.vector_store %arg14[%swap3A_543], %get3A_524 masked %and3A_533 {strides = array<i32>} : memref<10304xf32, #tpu.memory_space<vmem>>, vector<16xf32>, vector<16xi1>
      %convert_element_type3A_545 = arith.extui %and3A_533 : vector<16xi1> to vector<16xi32>
      %reduce_sum3A_546 = arith.constant true
      %reduce_sum3A_547 = vector.broadcast %reduce_sum3A_546 : i1 to vector<16xi1>
      %reduce_sum3A_548 = tpu.scan <sum>, %convert_element_type3A_545 masked %reduce_sum3A_547 : vector<16xi32>, vector<16xi1> -> vector<16xi32>
      %reduce_sum3A_549 = vector.extract %reduce_sum3A_548[15] : i32 from vector<16xi32>
      %add3A_550 = arith.addi %get3A_540, %reduce_sum3A_549 : i32
      %swap3A_551 = arith.constant 0 : i32
      %swap3A_552 = arith.index_cast %swap3A_551 : i32 to index
      %swap3A_553 = memref.load %arg28[%swap3A_552] : memref<1xi32, #tpu.memory_space<smem>>
      memref.store %add3A_550, %arg28[%swap3A_552] : memref<1xi32, #tpu.memory_space<smem>>
      %get3A_554 = arith.constant 0 : i32
      %get3A_555 = arith.index_cast %get3A_554 : i32 to index
      %get3A_556 = arith.constant 80 : index
      %get3A_557 = tpu.vector_load %arg7[%get3A_555, %get3A_556] {strides = array<i32>} : memref<1x128xi32, #tpu.memory_space<vmem>>, vector<16xi32>,
      %get3A_558 = arith.constant 0 : i32
      %get3A_559 = arith.index_cast %get3A_558 : i32 to index
      %get3A_560 = arith.constant 80 : index
      %get3A_561 = tpu.vector_load %arg9[%get3A_559, %get3A_560] {strides = array<i32>} : memref<1x128xi32, #tpu.memory_space<vmem>>, vector<16xi32>,
      %get3A_562 = arith.constant 0 : i32
      %get3A_563 = arith.index_cast %get3A_562 : i32 to index
      %get3A_564 = arith.constant 80 : index
      %get3A_565 = tpu.vector_load %arg11[%get3A_563, %get3A_564] {strides = array<i32>} : memref<1x128xf32, #tpu.memory_space<vmem>>, vector<16xf32>,
      %sub3A_566 = vector.broadcast %mul3A_2 : i32 to vector<16xi32>
      %sub3A_567 = arith.subi %get3A_557, %sub3A_566 : vector<16xi32>
      %ge3A_568 = arith.constant 0 : i32
      %ge3A_569 = vector.broadcast %ge3A_568 : i32 to vector<16xi32>
      %ge3A_570 = arith.cmpi sge, %sub3A_567, %ge3A_569 : vector<16xi32>
      %lt3A_571 = arith.constant 5000 : i32
      %lt3A_572 = vector.broadcast %lt3A_571 : i32 to vector<16xi32>
      %lt3A_573 = arith.cmpi slt, %sub3A_567, %lt3A_572 : vector<16xi32>
      %and3A_574 = arith.andi %ge3A_570, %lt3A_573 : vector<16xi1>
      %shift_left3A_575 = arith.constant 16 : i32
      %shift_left3A_576 = vector.broadcast %shift_left3A_575 : i32 to vector<16xi32>
      %shift_left3A_577 = arith.shli %sub3A_567, %shift_left3A_576 : vector<16xi32>
      %or3A_578 = arith.ori %shift_left3A_577, %get3A_561 : vector<16xi32>
      %get3A_579 = arith.constant 0 : i32
      %get3A_580 = arith.index_cast %get3A_579 : i32 to index
      %get3A_581 = memref.load %arg28[%get3A_580] : memref<1xi32, #tpu.memory_space<smem>>
      %swap3A_582 = arith.index_cast %get3A_581 : i32 to index
      %swap3A_583 = tpu.vector_load %arg13[%swap3A_582] masked %and3A_574 {strides = array<i32>} : memref<10304xi32, #tpu.memory_space<vmem>>, vector<16xi32>, vector<16xi1>
      tpu.vector_store %arg13[%swap3A_582], %or3A_578 masked %and3A_574 {strides = array<i32>} : memref<10304xi32, #tpu.memory_space<vmem>>, vector<16xi32>, vector<16xi1>
      %swap3A_584 = arith.index_cast %get3A_581 : i32 to index
      %swap3A_585 = tpu.vector_load %arg14[%swap3A_584] masked %and3A_574 {strides = array<i32>} : memref<10304xf32, #tpu.memory_space<vmem>>, vector<16xf32>, vector<16xi1>
      tpu.vector_store %arg14[%swap3A_584], %get3A_565 masked %and3A_574 {strides = array<i32>} : memref<10304xf32, #tpu.memory_space<vmem>>, vector<16xf32>, vector<16xi1>
      %convert_element_type3A_586 = arith.extui %and3A_574 : vector<16xi1> to vector<16xi32>
      %reduce_sum3A_587 = arith.constant true
      %reduce_sum3A_588 = vector.broadcast %reduce_sum3A_587 : i1 to vector<16xi1>
      %reduce_sum3A_589 = tpu.scan <sum>, %convert_element_type3A_586 masked %reduce_sum3A_588 : vector<16xi32>, vector<16xi1> -> vector<16xi32>
      %reduce_sum3A_590 = vector.extract %reduce_sum3A_589[15] : i32 from vector<16xi32>
      %add3A_591 = arith.addi %get3A_581, %reduce_sum3A_590 : i32
      %swap3A_592 = arith.constant 0 : i32
      %swap3A_593 = arith.index_cast %swap3A_592 : i32 to index
      %swap3A_594 = memref.load %arg28[%swap3A_593] : memref<1xi32, #tpu.memory_space<smem>>
      memref.store %add3A_591, %arg28[%swap3A_593] : memref<1xi32, #tpu.memory_space<smem>>
      %get3A_595 = arith.constant 0 : i32
      %get3A_596 = arith.index_cast %get3A_595 : i32 to index
      %get3A_597 = arith.constant 96 : index
      %get3A_598 = tpu.vector_load %arg7[%get3A_596, %get3A_597] {strides = array<i32>} : memref<1x128xi32, #tpu.memory_space<vmem>>, vector<16xi32>,
      %get3A_599 = arith.constant 0 : i32
      %get3A_600 = arith.index_cast %get3A_599 : i32 to index
      %get3A_601 = arith.constant 96 : index
      %get3A_602 = tpu.vector_load %arg9[%get3A_600, %get3A_601] {strides = array<i32>} : memref<1x128xi32, #tpu.memory_space<vmem>>, vector<16xi32>,
      %get3A_603 = arith.constant 0 : i32
      %get3A_604 = arith.index_cast %get3A_603 : i32 to index
      %get3A_605 = arith.constant 96 : index
      %get3A_606 = tpu.vector_load %arg11[%get3A_604, %get3A_605] {strides = array<i32>} : memref<1x128xf32, #tpu.memory_space<vmem>>, vector<16xf32>,
      %sub3A_607 = vector.broadcast %mul3A_2 : i32 to vector<16xi32>
      %sub3A_608 = arith.subi %get3A_598, %sub3A_607 : vector<16xi32>
      %ge3A_609 = arith.constant 0 : i32
      %ge3A_610 = vector.broadcast %ge3A_609 : i32 to vector<16xi32>
      %ge3A_611 = arith.cmpi sge, %sub3A_608, %ge3A_610 : vector<16xi32>
      %lt3A_612 = arith.constant 5000 : i32
      %lt3A_613 = vector.broadcast %lt3A_612 : i32 to vector<16xi32>
      %lt3A_614 = arith.cmpi slt, %sub3A_608, %lt3A_613 : vector<16xi32>
      %and3A_615 = arith.andi %ge3A_611, %lt3A_614 : vector<16xi1>
      %shift_left3A_616 = arith.constant 16 : i32
      %shift_left3A_617 = vector.broadcast %shift_left3A_616 : i32 to vector<16xi32>
      %shift_left3A_618 = arith.shli %sub3A_608, %shift_left3A_617 : vector<16xi32>
      %or3A_619 = arith.ori %shift_left3A_618, %get3A_602 : vector<16xi32>
      %get3A_620 = arith.constant 0 : i32
      %get3A_621 = arith.index_cast %get3A_620 : i32 to index
      %get3A_622 = memref.load %arg28[%get3A_621] : memref<1xi32, #tpu.memory_space<smem>>
      %swap3A_623 = arith.index_cast %get3A_622 : i32 to index
      %swap3A_624 = tpu.vector_load %arg13[%swap3A_623] masked %and3A_615 {strides = array<i32>} : memref<10304xi32, #tpu.memory_space<vmem>>, vector<16xi32>, vector<16xi1>
      tpu.vector_store %arg13[%swap3A_623], %or3A_619 masked %and3A_615 {strides = array<i32>} : memref<10304xi32, #tpu.memory_space<vmem>>, vector<16xi32>, vector<16xi1>
      %swap3A_625 = arith.index_cast %get3A_622 : i32 to index
      %swap3A_626 = tpu.vector_load %arg14[%swap3A_625] masked %and3A_615 {strides = array<i32>} : memref<10304xf32, #tpu.memory_space<vmem>>, vector<16xf32>, vector<16xi1>
      tpu.vector_store %arg14[%swap3A_625], %get3A_606 masked %and3A_615 {strides = array<i32>} : memref<10304xf32, #tpu.memory_space<vmem>>, vector<16xf32>, vector<16xi1>
      %convert_element_type3A_627 = arith.extui %and3A_615 : vector<16xi1> to vector<16xi32>
      %reduce_sum3A_628 = arith.constant true
      %reduce_sum3A_629 = vector.broadcast %reduce_sum3A_628 : i1 to vector<16xi1>
      %reduce_sum3A_630 = tpu.scan <sum>, %convert_element_type3A_627 masked %reduce_sum3A_629 : vector<16xi32>, vector<16xi1> -> vector<16xi32>
      %reduce_sum3A_631 = vector.extract %reduce_sum3A_630[15] : i32 from vector<16xi32>
      %add3A_632 = arith.addi %get3A_622, %reduce_sum3A_631 : i32
      %swap3A_633 = arith.constant 0 : i32
      %swap3A_634 = arith.index_cast %swap3A_633 : i32 to index
      %swap3A_635 = memref.load %arg28[%swap3A_634] : memref<1xi32, #tpu.memory_space<smem>>
      memref.store %add3A_632, %arg28[%swap3A_634] : memref<1xi32, #tpu.memory_space<smem>>
      %get3A_636 = arith.constant 0 : i32
      %get3A_637 = arith.index_cast %get3A_636 : i32 to index
      %get3A_638 = arith.constant 112 : index
      %get3A_639 = tpu.vector_load %arg7[%get3A_637, %get3A_638] {strides = array<i32>} : memref<1x128xi32, #tpu.memory_space<vmem>>, vector<16xi32>,
      %get3A_640 = arith.constant 0 : i32
      %get3A_641 = arith.index_cast %get3A_640 : i32 to index
      %get3A_642 = arith.constant 112 : index
      %get3A_643 = tpu.vector_load %arg9[%get3A_641, %get3A_642] {strides = array<i32>} : memref<1x128xi32, #tpu.memory_space<vmem>>, vector<16xi32>,
      %get3A_644 = arith.constant 0 : i32
      %get3A_645 = arith.index_cast %get3A_644 : i32 to index
      %get3A_646 = arith.constant 112 : index
      %get3A_647 = tpu.vector_load %arg11[%get3A_645, %get3A_646] {strides = array<i32>} : memref<1x128xf32, #tpu.memory_space<vmem>>, vector<16xf32>,
      %sub3A_648 = vector.broadcast %mul3A_2 : i32 to vector<16xi32>
      %sub3A_649 = arith.subi %get3A_639, %sub3A_648 : vector<16xi32>
      %ge3A_650 = arith.constant 0 : i32
      %ge3A_651 = vector.broadcast %ge3A_650 : i32 to vector<16xi32>
      %ge3A_652 = arith.cmpi sge, %sub3A_649, %ge3A_651 : vector<16xi32>
      %lt3A_653 = arith.constant 5000 : i32
      %lt3A_654 = vector.broadcast %lt3A_653 : i32 to vector<16xi32>
      %lt3A_655 = arith.cmpi slt, %sub3A_649, %lt3A_654 : vector<16xi32>
      %and3A_656 = arith.andi %ge3A_652, %lt3A_655 : vector<16xi1>
      %shift_left3A_657 = arith.constant 16 : i32
      %shift_left3A_658 = vector.broadcast %shift_left3A_657 : i32 to vector<16xi32>
      %shift_left3A_659 = arith.shli %sub3A_649, %shift_left3A_658 : vector<16xi32>
      %or3A_660 = arith.ori %shift_left3A_659, %get3A_643 : vector<16xi32>
      %get3A_661 = arith.constant 0 : i32
      %get3A_662 = arith.index_cast %get3A_661 : i32 to index
      %get3A_663 = memref.load %arg28[%get3A_662] : memref<1xi32, #tpu.memory_space<smem>>
      %swap3A_664 = arith.index_cast %get3A_663 : i32 to index
      %swap3A_665 = tpu.vector_load %arg13[%swap3A_664] masked %and3A_656 {strides = array<i32>} : memref<10304xi32, #tpu.memory_space<vmem>>, vector<16xi32>, vector<16xi1>
      tpu.vector_store %arg13[%swap3A_664], %or3A_660 masked %and3A_656 {strides = array<i32>} : memref<10304xi32, #tpu.memory_space<vmem>>, vector<16xi32>, vector<16xi1>
      %swap3A_666 = arith.index_cast %get3A_663 : i32 to index
      %swap3A_667 = tpu.vector_load %arg14[%swap3A_666] masked %and3A_656 {strides = array<i32>} : memref<10304xf32, #tpu.memory_space<vmem>>, vector<16xf32>, vector<16xi1>
      tpu.vector_store %arg14[%swap3A_666], %get3A_647 masked %and3A_656 {strides = array<i32>} : memref<10304xf32, #tpu.memory_space<vmem>>, vector<16xf32>, vector<16xi1>
      %convert_element_type3A_668 = arith.extui %and3A_656 : vector<16xi1> to vector<16xi32>
      %reduce_sum3A_669 = arith.constant true
      %reduce_sum3A_670 = vector.broadcast %reduce_sum3A_669 : i1 to vector<16xi1>
      %reduce_sum3A_671 = tpu.scan <sum>, %convert_element_type3A_668 masked %reduce_sum3A_670 : vector<16xi32>, vector<16xi1> -> vector<16xi32>
      %reduce_sum3A_672 = vector.extract %reduce_sum3A_671[15] : i32 from vector<16xi32>
      %add3A_673 = arith.addi %get3A_663, %reduce_sum3A_672 : i32
      %swap3A_674 = arith.constant 0 : i32
      %swap3A_675 = arith.index_cast %swap3A_674 : i32 to index
      %swap3A_676 = memref.load %arg28[%swap3A_675] : memref<1xi32, #tpu.memory_space<smem>>
      memref.store %add3A_673, %arg28[%swap3A_675] : memref<1xi32, #tpu.memory_space<smem>>
      %add3A_677 = arith.constant 2 : i32
      %add3A_678 = arith.addi %add3A_327, %add3A_677 : i32
      %lt3A_679 = arith.constant 80 : i32
      %lt3A_680 = arith.cmpi slt, %add3A_678, %lt3A_679 : i32
      %convert_element_type3A_681 = arith.extui %lt3A_680 : i1 to i32
      %cond3A_682 = arith.constant 0 : i32
      %cond3A_683 = arith.cmpi ne, %convert_element_type3A_681, %cond3A_682 : i32
      scf.if %cond3A_683 {
        %add3A_1056 = arith.constant 2 : i32
        %add3A_1057 = arith.addi %add3A_327, %add3A_1056 : i32
        %add3A_1058 = arith.addi %mul3A_0, %add3A_1057 : i32
        %dma_start3A_1059 = arith.constant 0 : i32
        %dma_start3A_1060 = arith.constant 0 : i32
        %dma_start3A_1061 = tpu.memref_slice %arg3[%add3A_1058, %dma_start3A_1059, %dma_start3A_1060] : memref<1280x1x128xi32, #tpu.memory_space<hbm>> -> memref<1x1x128xi32, #tpu.memory_space<hbm>>
        %dma_start3A_1062 = tpu.memref_squeeze %dma_start3A_1061 : memref<1x1x128xi32, #tpu.memory_space<hbm>> -> memref<1x128xi32, #tpu.memory_space<hbm>>
        %dma_start3A_1063 = arith.constant 0 : i32
        %dma_start3A_1064 = arith.constant 0 : i32
        %dma_start3A_1065 = tpu.memref_slice %arg3[%add3A_1058, %dma_start3A_1063, %dma_start3A_1064] : memref<1280x1x128xi32, #tpu.memory_space<hbm>> -> memref<1x1x128xi32, #tpu.memory_space<hbm>>
        %dma_start3A_1066 = tpu.memref_squeeze %dma_start3A_1065 : memref<1x1x128xi32, #tpu.memory_space<hbm>> -> memref<1x128xi32, #tpu.memory_space<hbm>>
        tpu.enqueue_dma source(%dma_start3A_1066 : memref<1x128xi32, #tpu.memory_space<hbm>>) target(%arg7 : memref<1x128xi32, #tpu.memory_space<vmem>>) target_semaphore(%arg31 : memref<!tpu.dma_semaphore, #tpu.memory_space<semaphore_mem>>)
        %add3A_1067 = arith.addi %mul3A_0, %add3A_1057 : i32
        %dma_start3A_1068 = arith.constant 0 : i32
        %dma_start3A_1069 = arith.constant 0 : i32
        %dma_start3A_1070 = tpu.memref_slice %arg4[%add3A_1067, %dma_start3A_1068, %dma_start3A_1069] : memref<1280x1x128xi32, #tpu.memory_space<hbm>> -> memref<1x1x128xi32, #tpu.memory_space<hbm>>
        %dma_start3A_1071 = tpu.memref_squeeze %dma_start3A_1070 : memref<1x1x128xi32, #tpu.memory_space<hbm>> -> memref<1x128xi32, #tpu.memory_space<hbm>>
        %dma_start3A_1072 = arith.constant 0 : i32
        %dma_start3A_1073 = arith.constant 0 : i32
        %dma_start3A_1074 = tpu.memref_slice %arg4[%add3A_1067, %dma_start3A_1072, %dma_start3A_1073] : memref<1280x1x128xi32, #tpu.memory_space<hbm>> -> memref<1x1x128xi32, #tpu.memory_space<hbm>>
        %dma_start3A_1075 = tpu.memref_squeeze %dma_start3A_1074 : memref<1x1x128xi32, #tpu.memory_space<hbm>> -> memref<1x128xi32, #tpu.memory_space<hbm>>
        tpu.enqueue_dma source(%dma_start3A_1075 : memref<1x128xi32, #tpu.memory_space<hbm>>) target(%arg9 : memref<1x128xi32, #tpu.memory_space<vmem>>) target_semaphore(%arg31 : memref<!tpu.dma_semaphore, #tpu.memory_space<semaphore_mem>>)
        %add3A_1076 = arith.addi %mul3A_0, %add3A_1057 : i32
        %dma_start3A_1077 = arith.constant 0 : i32
        %dma_start3A_1078 = arith.constant 0 : i32
        %dma_start3A_1079 = tpu.memref_slice %arg5[%add3A_1076, %dma_start3A_1077, %dma_start3A_1078] : memref<1280x1x128xf32, #tpu.memory_space<hbm>> -> memref<1x1x128xf32, #tpu.memory_space<hbm>>
        %dma_start3A_1080 = tpu.memref_squeeze %dma_start3A_1079 : memref<1x1x128xf32, #tpu.memory_space<hbm>> -> memref<1x128xf32, #tpu.memory_space<hbm>>
        %dma_start3A_1081 = arith.constant 0 : i32
        %dma_start3A_1082 = arith.constant 0 : i32
        %dma_start3A_1083 = tpu.memref_slice %arg5[%add3A_1076, %dma_start3A_1081, %dma_start3A_1082] : memref<1280x1x128xf32, #tpu.memory_space<hbm>> -> memref<1x1x128xf32, #tpu.memory_space<hbm>>
        %dma_start3A_1084 = tpu.memref_squeeze %dma_start3A_1083 : memref<1x1x128xf32, #tpu.memory_space<hbm>> -> memref<1x128xf32, #tpu.memory_space<hbm>>
        tpu.enqueue_dma source(%dma_start3A_1084 : memref<1x128xf32, #tpu.memory_space<hbm>>) target(%arg11 : memref<1x128xf32, #tpu.memory_space<vmem>>) target_semaphore(%arg31 : memref<!tpu.dma_semaphore, #tpu.memory_space<semaphore_mem>>)
      } else {
      }
      %add3A_684 = arith.constant 1 : i32
      %add3A_685 = arith.addi %add3A_327, %add3A_684 : i32
      %add3A_686 = arith.addi %mul3A_0, %add3A_685 : i32
      %dma_wait3A_687 = arith.constant 0 : i32
      %dma_wait3A_688 = arith.constant 0 : i32
      %dma_wait3A_689 = tpu.memref_slice %arg3[%add3A_686, %dma_wait3A_687, %dma_wait3A_688] : memref<1280x1x128xi32, #tpu.memory_space<hbm>> -> memref<1x1x128xi32, #tpu.memory_space<hbm>>
      %dma_wait3A_690 = tpu.memref_squeeze %dma_wait3A_689 : memref<1x1x128xi32, #tpu.memory_space<hbm>> -> memref<1x128xi32, #tpu.memory_space<hbm>>
      %dma_wait3A_691 = arith.constant 0 : i32
      %dma_wait3A_692 = arith.constant 0 : i32
      %dma_wait3A_693 = tpu.memref_slice %arg3[%add3A_686, %dma_wait3A_691, %dma_wait3A_692] : memref<1280x1x128xi32, #tpu.memory_space<hbm>> -> memref<1x1x128xi32, #tpu.memory_space<hbm>>
      %dma_wait3A_694 = tpu.memref_squeeze %dma_wait3A_693 : memref<1x1x128xi32, #tpu.memory_space<hbm>> -> memref<1x128xi32, #tpu.memory_space<hbm>>
      tpu.wait_dma2 semaphore(%arg32 : memref<!tpu.dma_semaphore, #tpu.memory_space<semaphore_mem>>) src(%dma_wait3A_694 : memref<1x128xi32, #tpu.memory_space<hbm>>) dst(%arg8 : memref<1x128xi32, #tpu.memory_space<vmem>>)
      %add3A_695 = arith.addi %mul3A_0, %add3A_685 : i32
      %dma_wait3A_696 = arith.constant 0 : i32
      %dma_wait3A_697 = arith.constant 0 : i32
      %dma_wait3A_698 = tpu.memref_slice %arg4[%add3A_695, %dma_wait3A_696, %dma_wait3A_697] : memref<1280x1x128xi32, #tpu.memory_space<hbm>> -> memref<1x1x128xi32, #tpu.memory_space<hbm>>
      %dma_wait3A_699 = tpu.memref_squeeze %dma_wait3A_698 : memref<1x1x128xi32, #tpu.memory_space<hbm>> -> memref<1x128xi32, #tpu.memory_space<hbm>>
      %dma_wait3A_700 = arith.constant 0 : i32
      %dma_wait3A_701 = arith.constant 0 : i32
      %dma_wait3A_702 = tpu.memref_slice %arg4[%add3A_695, %dma_wait3A_700, %dma_wait3A_701] : memref<1280x1x128xi32, #tpu.memory_space<hbm>> -> memref<1x1x128xi32, #tpu.memory_space<hbm>>
      %dma_wait3A_703 = tpu.memref_squeeze %dma_wait3A_702 : memref<1x1x128xi32, #tpu.memory_space<hbm>> -> memref<1x128xi32, #tpu.memory_space<hbm>>
      tpu.wait_dma2 semaphore(%arg32 : memref<!tpu.dma_semaphore, #tpu.memory_space<semaphore_mem>>) src(%dma_wait3A_703 : memref<1x128xi32, #tpu.memory_space<hbm>>) dst(%arg10 : memref<1x128xi32, #tpu.memory_space<vmem>>)
      %add3A_704 = arith.addi %mul3A_0, %add3A_685 : i32
      %dma_wait3A_705 = arith.constant 0 : i32
      %dma_wait3A_706 = arith.constant 0 : i32
      %dma_wait3A_707 = tpu.memref_slice %arg5[%add3A_704, %dma_wait3A_705, %dma_wait3A_706] : memref<1280x1x128xf32, #tpu.memory_space<hbm>> -> memref<1x1x128xf32, #tpu.memory_space<hbm>>
      %dma_wait3A_708 = tpu.memref_squeeze %dma_wait3A_707 : memref<1x1x128xf32, #tpu.memory_space<hbm>> -> memref<1x128xf32, #tpu.memory_space<hbm>>
      %dma_wait3A_709 = arith.constant 0 : i32
      %dma_wait3A_710 = arith.constant 0 : i32
      %dma_wait3A_711 = tpu.memref_slice %arg5[%add3A_704, %dma_wait3A_709, %dma_wait3A_710] : memref<1280x1x128xf32, #tpu.memory_space<hbm>> -> memref<1x1x128xf32, #tpu.memory_space<hbm>>
      %dma_wait3A_712 = tpu.memref_squeeze %dma_wait3A_711 : memref<1x1x128xf32, #tpu.memory_space<hbm>> -> memref<1x128xf32, #tpu.memory_space<hbm>>
      tpu.wait_dma2 semaphore(%arg32 : memref<!tpu.dma_semaphore, #tpu.memory_space<semaphore_mem>>) src(%dma_wait3A_712 : memref<1x128xf32, #tpu.memory_space<hbm>>) dst(%arg12 : memref<1x128xf32, #tpu.memory_space<vmem>>)
      %get3A_713 = arith.constant 0 : i32
      %get3A_714 = arith.index_cast %get3A_713 : i32 to index
      %get3A_715 = arith.constant 0 : index
      %get3A_716 = tpu.vector_load %arg8[%get3A_714, %get3A_715] {strides = array<i32>} : memref<1x128xi32, #tpu.memory_space<vmem>>, vector<16xi32>,
      %get3A_717 = arith.constant 0 : i32
      %get3A_718 = arith.index_cast %get3A_717 : i32 to index
      %get3A_719 = arith.constant 0 : index
      %get3A_720 = tpu.vector_load %arg10[%get3A_718, %get3A_719] {strides = array<i32>} : memref<1x128xi32, #tpu.memory_space<vmem>>, vector<16xi32>,
      %get3A_721 = arith.constant 0 : i32
      %get3A_722 = arith.index_cast %get3A_721 : i32 to index
      %get3A_723 = arith.constant 0 : index
      %get3A_724 = tpu.vector_load %arg12[%get3A_722, %get3A_723] {strides = array<i32>} : memref<1x128xf32, #tpu.memory_space<vmem>>, vector<16xf32>,
      %sub3A_725 = vector.broadcast %mul3A_2 : i32 to vector<16xi32>
      %sub3A_726 = arith.subi %get3A_716, %sub3A_725 : vector<16xi32>
      %ge3A_727 = arith.constant 0 : i32
      %ge3A_728 = vector.broadcast %ge3A_727 : i32 to vector<16xi32>
      %ge3A_729 = arith.cmpi sge, %sub3A_726, %ge3A_728 : vector<16xi32>
      %lt3A_730 = arith.constant 5000 : i32
      %lt3A_731 = vector.broadcast %lt3A_730 : i32 to vector<16xi32>
      %lt3A_732 = arith.cmpi slt, %sub3A_726, %lt3A_731 : vector<16xi32>
      %and3A_733 = arith.andi %ge3A_729, %lt3A_732 : vector<16xi1>
      %shift_left3A_734 = arith.constant 16 : i32
      %shift_left3A_735 = vector.broadcast %shift_left3A_734 : i32 to vector<16xi32>
      %shift_left3A_736 = arith.shli %sub3A_726, %shift_left3A_735 : vector<16xi32>
      %or3A_737 = arith.ori %shift_left3A_736, %get3A_720 : vector<16xi32>
      %get3A_738 = arith.constant 0 : i32
      %get3A_739 = arith.index_cast %get3A_738 : i32 to index
      %get3A_740 = memref.load %arg28[%get3A_739] : memref<1xi32, #tpu.memory_space<smem>>
      %swap3A_741 = arith.index_cast %get3A_740 : i32 to index
      %swap3A_742 = tpu.vector_load %arg13[%swap3A_741] masked %and3A_733 {strides = array<i32>} : memref<10304xi32, #tpu.memory_space<vmem>>, vector<16xi32>, vector<16xi1>
      tpu.vector_store %arg13[%swap3A_741], %or3A_737 masked %and3A_733 {strides = array<i32>} : memref<10304xi32, #tpu.memory_space<vmem>>, vector<16xi32>, vector<16xi1>
      %swap3A_743 = arith.index_cast %get3A_740 : i32 to index
      %swap3A_744 = tpu.vector_load %arg14[%swap3A_743] masked %and3A_733 {strides = array<i32>} : memref<10304xf32, #tpu.memory_space<vmem>>, vector<16xf32>, vector<16xi1>
      tpu.vector_store %arg14[%swap3A_743], %get3A_724 masked %and3A_733 {strides = array<i32>} : memref<10304xf32, #tpu.memory_space<vmem>>, vector<16xf32>, vector<16xi1>
      %convert_element_type3A_745 = arith.extui %and3A_733 : vector<16xi1> to vector<16xi32>
      %reduce_sum3A_746 = arith.constant true
      %reduce_sum3A_747 = vector.broadcast %reduce_sum3A_746 : i1 to vector<16xi1>
      %reduce_sum3A_748 = tpu.scan <sum>, %convert_element_type3A_745 masked %reduce_sum3A_747 : vector<16xi32>, vector<16xi1> -> vector<16xi32>
      %reduce_sum3A_749 = vector.extract %reduce_sum3A_748[15] : i32 from vector<16xi32>
      %add3A_750 = arith.addi %get3A_740, %reduce_sum3A_749 : i32
      %swap3A_751 = arith.constant 0 : i32
      %swap3A_752 = arith.index_cast %swap3A_751 : i32 to index
      %swap3A_753 = memref.load %arg28[%swap3A_752] : memref<1xi32, #tpu.memory_space<smem>>
      memref.store %add3A_750, %arg28[%swap3A_752] : memref<1xi32, #tpu.memory_space<smem>>
      %get3A_754 = arith.constant 0 : i32
      %get3A_755 = arith.index_cast %get3A_754 : i32 to index
      %get3A_756 = arith.constant 16 : index
      %get3A_757 = tpu.vector_load %arg8[%get3A_755, %get3A_756] {strides = array<i32>} : memref<1x128xi32, #tpu.memory_space<vmem>>, vector<16xi32>,
      %get3A_758 = arith.constant 0 : i32
      %get3A_759 = arith.index_cast %get3A_758 : i32 to index
      %get3A_760 = arith.constant 16 : index
      %get3A_761 = tpu.vector_load %arg10[%get3A_759, %get3A_760] {strides = array<i32>} : memref<1x128xi32, #tpu.memory_space<vmem>>, vector<16xi32>,
      %get3A_762 = arith.constant 0 : i32
      %get3A_763 = arith.index_cast %get3A_762 : i32 to index
      %get3A_764 = arith.constant 16 : index
      %get3A_765 = tpu.vector_load %arg12[%get3A_763, %get3A_764] {strides = array<i32>} : memref<1x128xf32, #tpu.memory_space<vmem>>, vector<16xf32>,
      %sub3A_766 = vector.broadcast %mul3A_2 : i32 to vector<16xi32>
      %sub3A_767 = arith.subi %get3A_757, %sub3A_766 : vector<16xi32>
      %ge3A_768 = arith.constant 0 : i32
      %ge3A_769 = vector.broadcast %ge3A_768 : i32 to vector<16xi32>
      %ge3A_770 = arith.cmpi sge, %sub3A_767, %ge3A_769 : vector<16xi32>
      %lt3A_771 = arith.constant 5000 : i32
      %lt3A_772 = vector.broadcast %lt3A_771 : i32 to vector<16xi32>
      %lt3A_773 = arith.cmpi slt, %sub3A_767, %lt3A_772 : vector<16xi32>
      %and3A_774 = arith.andi %ge3A_770, %lt3A_773 : vector<16xi1>
      %shift_left3A_775 = arith.constant 16 : i32
      %shift_left3A_776 = vector.broadcast %shift_left3A_775 : i32 to vector<16xi32>
      %shift_left3A_777 = arith.shli %sub3A_767, %shift_left3A_776 : vector<16xi32>
      %or3A_778 = arith.ori %shift_left3A_777, %get3A_761 : vector<16xi32>
      %get3A_779 = arith.constant 0 : i32
      %get3A_780 = arith.index_cast %get3A_779 : i32 to index
      %get3A_781 = memref.load %arg28[%get3A_780] : memref<1xi32, #tpu.memory_space<smem>>
      %swap3A_782 = arith.index_cast %get3A_781 : i32 to index
      %swap3A_783 = tpu.vector_load %arg13[%swap3A_782] masked %and3A_774 {strides = array<i32>} : memref<10304xi32, #tpu.memory_space<vmem>>, vector<16xi32>, vector<16xi1>
      tpu.vector_store %arg13[%swap3A_782], %or3A_778 masked %and3A_774 {strides = array<i32>} : memref<10304xi32, #tpu.memory_space<vmem>>, vector<16xi32>, vector<16xi1>
      %swap3A_784 = arith.index_cast %get3A_781 : i32 to index
      %swap3A_785 = tpu.vector_load %arg14[%swap3A_784] masked %and3A_774 {strides = array<i32>} : memref<10304xf32, #tpu.memory_space<vmem>>, vector<16xf32>, vector<16xi1>
      tpu.vector_store %arg14[%swap3A_784], %get3A_765 masked %and3A_774 {strides = array<i32>} : memref<10304xf32, #tpu.memory_space<vmem>>, vector<16xf32>, vector<16xi1>
      %convert_element_type3A_786 = arith.extui %and3A_774 : vector<16xi1> to vector<16xi32>
      %reduce_sum3A_787 = arith.constant true
      %reduce_sum3A_788 = vector.broadcast %reduce_sum3A_787 : i1 to vector<16xi1>
      %reduce_sum3A_789 = tpu.scan <sum>, %convert_element_type3A_786 masked %reduce_sum3A_788 : vector<16xi32>, vector<16xi1> -> vector<16xi32>
      %reduce_sum3A_790 = vector.extract %reduce_sum3A_789[15] : i32 from vector<16xi32>
      %add3A_791 = arith.addi %get3A_781, %reduce_sum3A_790 : i32
      %swap3A_792 = arith.constant 0 : i32
      %swap3A_793 = arith.index_cast %swap3A_792 : i32 to index
      %swap3A_794 = memref.load %arg28[%swap3A_793] : memref<1xi32, #tpu.memory_space<smem>>
      memref.store %add3A_791, %arg28[%swap3A_793] : memref<1xi32, #tpu.memory_space<smem>>
      %get3A_795 = arith.constant 0 : i32
      %get3A_796 = arith.index_cast %get3A_795 : i32 to index
      %get3A_797 = arith.constant 32 : index
      %get3A_798 = tpu.vector_load %arg8[%get3A_796, %get3A_797] {strides = array<i32>} : memref<1x128xi32, #tpu.memory_space<vmem>>, vector<16xi32>,
      %get3A_799 = arith.constant 0 : i32
      %get3A_800 = arith.index_cast %get3A_799 : i32 to index
      %get3A_801 = arith.constant 32 : index
      %get3A_802 = tpu.vector_load %arg10[%get3A_800, %get3A_801] {strides = array<i32>} : memref<1x128xi32, #tpu.memory_space<vmem>>, vector<16xi32>,
      %get3A_803 = arith.constant 0 : i32
      %get3A_804 = arith.index_cast %get3A_803 : i32 to index
      %get3A_805 = arith.constant 32 : index
      %get3A_806 = tpu.vector_load %arg12[%get3A_804, %get3A_805] {strides = array<i32>} : memref<1x128xf32, #tpu.memory_space<vmem>>, vector<16xf32>,
      %sub3A_807 = vector.broadcast %mul3A_2 : i32 to vector<16xi32>
      %sub3A_808 = arith.subi %get3A_798, %sub3A_807 : vector<16xi32>
      %ge3A_809 = arith.constant 0 : i32
      %ge3A_810 = vector.broadcast %ge3A_809 : i32 to vector<16xi32>
      %ge3A_811 = arith.cmpi sge, %sub3A_808, %ge3A_810 : vector<16xi32>
      %lt3A_812 = arith.constant 5000 : i32
      %lt3A_813 = vector.broadcast %lt3A_812 : i32 to vector<16xi32>
      %lt3A_814 = arith.cmpi slt, %sub3A_808, %lt3A_813 : vector<16xi32>
      %and3A_815 = arith.andi %ge3A_811, %lt3A_814 : vector<16xi1>
      %shift_left3A_816 = arith.constant 16 : i32
      %shift_left3A_817 = vector.broadcast %shift_left3A_816 : i32 to vector<16xi32>
      %shift_left3A_818 = arith.shli %sub3A_808, %shift_left3A_817 : vector<16xi32>
      %or3A_819 = arith.ori %shift_left3A_818, %get3A_802 : vector<16xi32>
      %get3A_820 = arith.constant 0 : i32
      %get3A_821 = arith.index_cast %get3A_820 : i32 to index
      %get3A_822 = memref.load %arg28[%get3A_821] : memref<1xi32, #tpu.memory_space<smem>>
      %swap3A_823 = arith.index_cast %get3A_822 : i32 to index
      %swap3A_824 = tpu.vector_load %arg13[%swap3A_823] masked %and3A_815 {strides = array<i32>} : memref<10304xi32, #tpu.memory_space<vmem>>, vector<16xi32>, vector<16xi1>
      tpu.vector_store %arg13[%swap3A_823], %or3A_819 masked %and3A_815 {strides = array<i32>} : memref<10304xi32, #tpu.memory_space<vmem>>, vector<16xi32>, vector<16xi1>
      %swap3A_825 = arith.index_cast %get3A_822 : i32 to index
      %swap3A_826 = tpu.vector_load %arg14[%swap3A_825] masked %and3A_815 {strides = array<i32>} : memref<10304xf32, #tpu.memory_space<vmem>>, vector<16xf32>, vector<16xi1>
      tpu.vector_store %arg14[%swap3A_825], %get3A_806 masked %and3A_815 {strides = array<i32>} : memref<10304xf32, #tpu.memory_space<vmem>>, vector<16xf32>, vector<16xi1>
      %convert_element_type3A_827 = arith.extui %and3A_815 : vector<16xi1> to vector<16xi32>
      %reduce_sum3A_828 = arith.constant true
      %reduce_sum3A_829 = vector.broadcast %reduce_sum3A_828 : i1 to vector<16xi1>
      %reduce_sum3A_830 = tpu.scan <sum>, %convert_element_type3A_827 masked %reduce_sum3A_829 : vector<16xi32>, vector<16xi1> -> vector<16xi32>
      %reduce_sum3A_831 = vector.extract %reduce_sum3A_830[15] : i32 from vector<16xi32>
      %add3A_832 = arith.addi %get3A_822, %reduce_sum3A_831 : i32
      %swap3A_833 = arith.constant 0 : i32
      %swap3A_834 = arith.index_cast %swap3A_833 : i32 to index
      %swap3A_835 = memref.load %arg28[%swap3A_834] : memref<1xi32, #tpu.memory_space<smem>>
      memref.store %add3A_832, %arg28[%swap3A_834] : memref<1xi32, #tpu.memory_space<smem>>
      %get3A_836 = arith.constant 0 : i32
      %get3A_837 = arith.index_cast %get3A_836 : i32 to index
      %get3A_838 = arith.constant 48 : index
      %get3A_839 = tpu.vector_load %arg8[%get3A_837, %get3A_838] {strides = array<i32>} : memref<1x128xi32, #tpu.memory_space<vmem>>, vector<16xi32>,
      %get3A_840 = arith.constant 0 : i32
      %get3A_841 = arith.index_cast %get3A_840 : i32 to index
      %get3A_842 = arith.constant 48 : index
      %get3A_843 = tpu.vector_load %arg10[%get3A_841, %get3A_842] {strides = array<i32>} : memref<1x128xi32, #tpu.memory_space<vmem>>, vector<16xi32>,
      %get3A_844 = arith.constant 0 : i32
      %get3A_845 = arith.index_cast %get3A_844 : i32 to index
      %get3A_846 = arith.constant 48 : index
      %get3A_847 = tpu.vector_load %arg12[%get3A_845, %get3A_846] {strides = array<i32>} : memref<1x128xf32, #tpu.memory_space<vmem>>, vector<16xf32>,
      %sub3A_848 = vector.broadcast %mul3A_2 : i32 to vector<16xi32>
      %sub3A_849 = arith.subi %get3A_839, %sub3A_848 : vector<16xi32>
      %ge3A_850 = arith.constant 0 : i32
      %ge3A_851 = vector.broadcast %ge3A_850 : i32 to vector<16xi32>
      %ge3A_852 = arith.cmpi sge, %sub3A_849, %ge3A_851 : vector<16xi32>
      %lt3A_853 = arith.constant 5000 : i32
      %lt3A_854 = vector.broadcast %lt3A_853 : i32 to vector<16xi32>
      %lt3A_855 = arith.cmpi slt, %sub3A_849, %lt3A_854 : vector<16xi32>
      %and3A_856 = arith.andi %ge3A_852, %lt3A_855 : vector<16xi1>
      %shift_left3A_857 = arith.constant 16 : i32
      %shift_left3A_858 = vector.broadcast %shift_left3A_857 : i32 to vector<16xi32>
      %shift_left3A_859 = arith.shli %sub3A_849, %shift_left3A_858 : vector<16xi32>
      %or3A_860 = arith.ori %shift_left3A_859, %get3A_843 : vector<16xi32>
      %get3A_861 = arith.constant 0 : i32
      %get3A_862 = arith.index_cast %get3A_861 : i32 to index
      %get3A_863 = memref.load %arg28[%get3A_862] : memref<1xi32, #tpu.memory_space<smem>>
      %swap3A_864 = arith.index_cast %get3A_863 : i32 to index
      %swap3A_865 = tpu.vector_load %arg13[%swap3A_864] masked %and3A_856 {strides = array<i32>} : memref<10304xi32, #tpu.memory_space<vmem>>, vector<16xi32>, vector<16xi1>
      tpu.vector_store %arg13[%swap3A_864], %or3A_860 masked %and3A_856 {strides = array<i32>} : memref<10304xi32, #tpu.memory_space<vmem>>, vector<16xi32>, vector<16xi1>
      %swap3A_866 = arith.index_cast %get3A_863 : i32 to index
      %swap3A_867 = tpu.vector_load %arg14[%swap3A_866] masked %and3A_856 {strides = array<i32>} : memref<10304xf32, #tpu.memory_space<vmem>>, vector<16xf32>, vector<16xi1>
      tpu.vector_store %arg14[%swap3A_866], %get3A_847 masked %and3A_856 {strides = array<i32>} : memref<10304xf32, #tpu.memory_space<vmem>>, vector<16xf32>, vector<16xi1>
      %convert_element_type3A_868 = arith.extui %and3A_856 : vector<16xi1> to vector<16xi32>
      %reduce_sum3A_869 = arith.constant true
      %reduce_sum3A_870 = vector.broadcast %reduce_sum3A_869 : i1 to vector<16xi1>
      %reduce_sum3A_871 = tpu.scan <sum>, %convert_element_type3A_868 masked %reduce_sum3A_870 : vector<16xi32>, vector<16xi1> -> vector<16xi32>
      %reduce_sum3A_872 = vector.extract %reduce_sum3A_871[15] : i32 from vector<16xi32>
      %add3A_873 = arith.addi %get3A_863, %reduce_sum3A_872 : i32
      %swap3A_874 = arith.constant 0 : i32
      %swap3A_875 = arith.index_cast %swap3A_874 : i32 to index
      %swap3A_876 = memref.load %arg28[%swap3A_875] : memref<1xi32, #tpu.memory_space<smem>>
      memref.store %add3A_873, %arg28[%swap3A_875] : memref<1xi32, #tpu.memory_space<smem>>
      %get3A_877 = arith.constant 0 : i32
      %get3A_878 = arith.index_cast %get3A_877 : i32 to index
      %get3A_879 = arith.constant 64 : index
      %get3A_880 = tpu.vector_load %arg8[%get3A_878, %get3A_879] {strides = array<i32>} : memref<1x128xi32, #tpu.memory_space<vmem>>, vector<16xi32>,
      %get3A_881 = arith.constant 0 : i32
      %get3A_882 = arith.index_cast %get3A_881 : i32 to index
      %get3A_883 = arith.constant 64 : index
      %get3A_884 = tpu.vector_load %arg10[%get3A_882, %get3A_883] {strides = array<i32>} : memref<1x128xi32, #tpu.memory_space<vmem>>, vector<16xi32>,
      %get3A_885 = arith.constant 0 : i32
      %get3A_886 = arith.index_cast %get3A_885 : i32 to index
      %get3A_887 = arith.constant 64 : index
      %get3A_888 = tpu.vector_load %arg12[%get3A_886, %get3A_887] {strides = array<i32>} : memref<1x128xf32, #tpu.memory_space<vmem>>, vector<16xf32>,
      %sub3A_889 = vector.broadcast %mul3A_2 : i32 to vector<16xi32>
      %sub3A_890 = arith.subi %get3A_880, %sub3A_889 : vector<16xi32>
      %ge3A_891 = arith.constant 0 : i32
      %ge3A_892 = vector.broadcast %ge3A_891 : i32 to vector<16xi32>
      %ge3A_893 = arith.cmpi sge, %sub3A_890, %ge3A_892 : vector<16xi32>
      %lt3A_894 = arith.constant 5000 : i32
      %lt3A_895 = vector.broadcast %lt3A_894 : i32 to vector<16xi32>
      %lt3A_896 = arith.cmpi slt, %sub3A_890, %lt3A_895 : vector<16xi32>
      %and3A_897 = arith.andi %ge3A_893, %lt3A_896 : vector<16xi1>
      %shift_left3A_898 = arith.constant 16 : i32
      %shift_left3A_899 = vector.broadcast %shift_left3A_898 : i32 to vector<16xi32>
      %shift_left3A_900 = arith.shli %sub3A_890, %shift_left3A_899 : vector<16xi32>
      %or3A_901 = arith.ori %shift_left3A_900, %get3A_884 : vector<16xi32>
      %get3A_902 = arith.constant 0 : i32
      %get3A_903 = arith.index_cast %get3A_902 : i32 to index
      %get3A_904 = memref.load %arg28[%get3A_903] : memref<1xi32, #tpu.memory_space<smem>>
      %swap3A_905 = arith.index_cast %get3A_904 : i32 to index
      %swap3A_906 = tpu.vector_load %arg13[%swap3A_905] masked %and3A_897 {strides = array<i32>} : memref<10304xi32, #tpu.memory_space<vmem>>, vector<16xi32>, vector<16xi1>
      tpu.vector_store %arg13[%swap3A_905], %or3A_901 masked %and3A_897 {strides = array<i32>} : memref<10304xi32, #tpu.memory_space<vmem>>, vector<16xi32>, vector<16xi1>
      %swap3A_907 = arith.index_cast %get3A_904 : i32 to index
      %swap3A_908 = tpu.vector_load %arg14[%swap3A_907] masked %and3A_897 {strides = array<i32>} : memref<10304xf32, #tpu.memory_space<vmem>>, vector<16xf32>, vector<16xi1>
      tpu.vector_store %arg14[%swap3A_907], %get3A_888 masked %and3A_897 {strides = array<i32>} : memref<10304xf32, #tpu.memory_space<vmem>>, vector<16xf32>, vector<16xi1>
      %convert_element_type3A_909 = arith.extui %and3A_897 : vector<16xi1> to vector<16xi32>
      %reduce_sum3A_910 = arith.constant true
      %reduce_sum3A_911 = vector.broadcast %reduce_sum3A_910 : i1 to vector<16xi1>
      %reduce_sum3A_912 = tpu.scan <sum>, %convert_element_type3A_909 masked %reduce_sum3A_911 : vector<16xi32>, vector<16xi1> -> vector<16xi32>
      %reduce_sum3A_913 = vector.extract %reduce_sum3A_912[15] : i32 from vector<16xi32>
      %add3A_914 = arith.addi %get3A_904, %reduce_sum3A_913 : i32
      %swap3A_915 = arith.constant 0 : i32
      %swap3A_916 = arith.index_cast %swap3A_915 : i32 to index
      %swap3A_917 = memref.load %arg28[%swap3A_916] : memref<1xi32, #tpu.memory_space<smem>>
      memref.store %add3A_914, %arg28[%swap3A_916] : memref<1xi32, #tpu.memory_space<smem>>
      %get3A_918 = arith.constant 0 : i32
      %get3A_919 = arith.index_cast %get3A_918 : i32 to index
      %get3A_920 = arith.constant 80 : index
      %get3A_921 = tpu.vector_load %arg8[%get3A_919, %get3A_920] {strides = array<i32>} : memref<1x128xi32, #tpu.memory_space<vmem>>, vector<16xi32>,
      %get3A_922 = arith.constant 0 : i32
      %get3A_923 = arith.index_cast %get3A_922 : i32 to index
      %get3A_924 = arith.constant 80 : index
      %get3A_925 = tpu.vector_load %arg10[%get3A_923, %get3A_924] {strides = array<i32>} : memref<1x128xi32, #tpu.memory_space<vmem>>, vector<16xi32>,
      %get3A_926 = arith.constant 0 : i32
      %get3A_927 = arith.index_cast %get3A_926 : i32 to index
      %get3A_928 = arith.constant 80 : index
      %get3A_929 = tpu.vector_load %arg12[%get3A_927, %get3A_928] {strides = array<i32>} : memref<1x128xf32, #tpu.memory_space<vmem>>, vector<16xf32>,
      %sub3A_930 = vector.broadcast %mul3A_2 : i32 to vector<16xi32>
      %sub3A_931 = arith.subi %get3A_921, %sub3A_930 : vector<16xi32>
      %ge3A_932 = arith.constant 0 : i32
      %ge3A_933 = vector.broadcast %ge3A_932 : i32 to vector<16xi32>
      %ge3A_934 = arith.cmpi sge, %sub3A_931, %ge3A_933 : vector<16xi32>
      %lt3A_935 = arith.constant 5000 : i32
      %lt3A_936 = vector.broadcast %lt3A_935 : i32 to vector<16xi32>
      %lt3A_937 = arith.cmpi slt, %sub3A_931, %lt3A_936 : vector<16xi32>
      %and3A_938 = arith.andi %ge3A_934, %lt3A_937 : vector<16xi1>
      %shift_left3A_939 = arith.constant 16 : i32
      %shift_left3A_940 = vector.broadcast %shift_left3A_939 : i32 to vector<16xi32>
      %shift_left3A_941 = arith.shli %sub3A_931, %shift_left3A_940 : vector<16xi32>
      %or3A_942 = arith.ori %shift_left3A_941, %get3A_925 : vector<16xi32>
      %get3A_943 = arith.constant 0 : i32
      %get3A_944 = arith.index_cast %get3A_943 : i32 to index
      %get3A_945 = memref.load %arg28[%get3A_944] : memref<1xi32, #tpu.memory_space<smem>>
      %swap3A_946 = arith.index_cast %get3A_945 : i32 to index
      %swap3A_947 = tpu.vector_load %arg13[%swap3A_946] masked %and3A_938 {strides = array<i32>} : memref<10304xi32, #tpu.memory_space<vmem>>, vector<16xi32>, vector<16xi1>
      tpu.vector_store %arg13[%swap3A_946], %or3A_942 masked %and3A_938 {strides = array<i32>} : memref<10304xi32, #tpu.memory_space<vmem>>, vector<16xi32>, vector<16xi1>
      %swap3A_948 = arith.index_cast %get3A_945 : i32 to index
      %swap3A_949 = tpu.vector_load %arg14[%swap3A_948] masked %and3A_938 {strides = array<i32>} : memref<10304xf32, #tpu.memory_space<vmem>>, vector<16xf32>, vector<16xi1>
      tpu.vector_store %arg14[%swap3A_948], %get3A_929 masked %and3A_938 {strides = array<i32>} : memref<10304xf32, #tpu.memory_space<vmem>>, vector<16xf32>, vector<16xi1>
      %convert_element_type3A_950 = arith.extui %and3A_938 : vector<16xi1> to vector<16xi32>
      %reduce_sum3A_951 = arith.constant true
      %reduce_sum3A_952 = vector.broadcast %reduce_sum3A_951 : i1 to vector<16xi1>
      %reduce_sum3A_953 = tpu.scan <sum>, %convert_element_type3A_950 masked %reduce_sum3A_952 : vector<16xi32>, vector<16xi1> -> vector<16xi32>
      %reduce_sum3A_954 = vector.extract %reduce_sum3A_953[15] : i32 from vector<16xi32>
      %add3A_955 = arith.addi %get3A_945, %reduce_sum3A_954 : i32
      %swap3A_956 = arith.constant 0 : i32
      %swap3A_957 = arith.index_cast %swap3A_956 : i32 to index
      %swap3A_958 = memref.load %arg28[%swap3A_957] : memref<1xi32, #tpu.memory_space<smem>>
      memref.store %add3A_955, %arg28[%swap3A_957] : memref<1xi32, #tpu.memory_space<smem>>
      %get3A_959 = arith.constant 0 : i32
      %get3A_960 = arith.index_cast %get3A_959 : i32 to index
      %get3A_961 = arith.constant 96 : index
      %get3A_962 = tpu.vector_load %arg8[%get3A_960, %get3A_961] {strides = array<i32>} : memref<1x128xi32, #tpu.memory_space<vmem>>, vector<16xi32>,
      %get3A_963 = arith.constant 0 : i32
      %get3A_964 = arith.index_cast %get3A_963 : i32 to index
      %get3A_965 = arith.constant 96 : index
      %get3A_966 = tpu.vector_load %arg10[%get3A_964, %get3A_965] {strides = array<i32>} : memref<1x128xi32, #tpu.memory_space<vmem>>, vector<16xi32>,
      %get3A_967 = arith.constant 0 : i32
      %get3A_968 = arith.index_cast %get3A_967 : i32 to index
      %get3A_969 = arith.constant 96 : index
      %get3A_970 = tpu.vector_load %arg12[%get3A_968, %get3A_969] {strides = array<i32>} : memref<1x128xf32, #tpu.memory_space<vmem>>, vector<16xf32>,
      %sub3A_971 = vector.broadcast %mul3A_2 : i32 to vector<16xi32>
      %sub3A_972 = arith.subi %get3A_962, %sub3A_971 : vector<16xi32>
      %ge3A_973 = arith.constant 0 : i32
      %ge3A_974 = vector.broadcast %ge3A_973 : i32 to vector<16xi32>
      %ge3A_975 = arith.cmpi sge, %sub3A_972, %ge3A_974 : vector<16xi32>
      %lt3A_976 = arith.constant 5000 : i32
      %lt3A_977 = vector.broadcast %lt3A_976 : i32 to vector<16xi32>
      %lt3A_978 = arith.cmpi slt, %sub3A_972, %lt3A_977 : vector<16xi32>
      %and3A_979 = arith.andi %ge3A_975, %lt3A_978 : vector<16xi1>
      %shift_left3A_980 = arith.constant 16 : i32
      %shift_left3A_981 = vector.broadcast %shift_left3A_980 : i32 to vector<16xi32>
      %shift_left3A_982 = arith.shli %sub3A_972, %shift_left3A_981 : vector<16xi32>
      %or3A_983 = arith.ori %shift_left3A_982, %get3A_966 : vector<16xi32>
      %get3A_984 = arith.constant 0 : i32
      %get3A_985 = arith.index_cast %get3A_984 : i32 to index
      %get3A_986 = memref.load %arg28[%get3A_985] : memref<1xi32, #tpu.memory_space<smem>>
      %swap3A_987 = arith.index_cast %get3A_986 : i32 to index
      %swap3A_988 = tpu.vector_load %arg13[%swap3A_987] masked %and3A_979 {strides = array<i32>} : memref<10304xi32, #tpu.memory_space<vmem>>, vector<16xi32>, vector<16xi1>
      tpu.vector_store %arg13[%swap3A_987], %or3A_983 masked %and3A_979 {strides = array<i32>} : memref<10304xi32, #tpu.memory_space<vmem>>, vector<16xi32>, vector<16xi1>
      %swap3A_989 = arith.index_cast %get3A_986 : i32 to index
      %swap3A_990 = tpu.vector_load %arg14[%swap3A_989] masked %and3A_979 {strides = array<i32>} : memref<10304xf32, #tpu.memory_space<vmem>>, vector<16xf32>, vector<16xi1>
      tpu.vector_store %arg14[%swap3A_989], %get3A_970 masked %and3A_979 {strides = array<i32>} : memref<10304xf32, #tpu.memory_space<vmem>>, vector<16xf32>, vector<16xi1>
      %convert_element_type3A_991 = arith.extui %and3A_979 : vector<16xi1> to vector<16xi32>
      %reduce_sum3A_992 = arith.constant true
      %reduce_sum3A_993 = vector.broadcast %reduce_sum3A_992 : i1 to vector<16xi1>
      %reduce_sum3A_994 = tpu.scan <sum>, %convert_element_type3A_991 masked %reduce_sum3A_993 : vector<16xi32>, vector<16xi1> -> vector<16xi32>
      %reduce_sum3A_995 = vector.extract %reduce_sum3A_994[15] : i32 from vector<16xi32>
      %add3A_996 = arith.addi %get3A_986, %reduce_sum3A_995 : i32
      %swap3A_997 = arith.constant 0 : i32
      %swap3A_998 = arith.index_cast %swap3A_997 : i32 to index
      %swap3A_999 = memref.load %arg28[%swap3A_998] : memref<1xi32, #tpu.memory_space<smem>>
      memref.store %add3A_996, %arg28[%swap3A_998] : memref<1xi32, #tpu.memory_space<smem>>
      %get3A_1000 = arith.constant 0 : i32
      %get3A_1001 = arith.index_cast %get3A_1000 : i32 to index
      %get3A_1002 = arith.constant 112 : index
      %get3A_1003 = tpu.vector_load %arg8[%get3A_1001, %get3A_1002] {strides = array<i32>} : memref<1x128xi32, #tpu.memory_space<vmem>>, vector<16xi32>,
      %get3A_1004 = arith.constant 0 : i32
      %get3A_1005 = arith.index_cast %get3A_1004 : i32 to index
      %get3A_1006 = arith.constant 112 : index
      %get3A_1007 = tpu.vector_load %arg10[%get3A_1005, %get3A_1006] {strides = array<i32>} : memref<1x128xi32, #tpu.memory_space<vmem>>, vector<16xi32>,
      %get3A_1008 = arith.constant 0 : i32
      %get3A_1009 = arith.index_cast %get3A_1008 : i32 to index
      %get3A_1010 = arith.constant 112 : index
      %get3A_1011 = tpu.vector_load %arg12[%get3A_1009, %get3A_1010] {strides = array<i32>} : memref<1x128xf32, #tpu.memory_space<vmem>>, vector<16xf32>,
      %sub3A_1012 = vector.broadcast %mul3A_2 : i32 to vector<16xi32>
      %sub3A_1013 = arith.subi %get3A_1003, %sub3A_1012 : vector<16xi32>
      %ge3A_1014 = arith.constant 0 : i32
      %ge3A_1015 = vector.broadcast %ge3A_1014 : i32 to vector<16xi32>
      %ge3A_1016 = arith.cmpi sge, %sub3A_1013, %ge3A_1015 : vector<16xi32>
      %lt3A_1017 = arith.constant 5000 : i32
      %lt3A_1018 = vector.broadcast %lt3A_1017 : i32 to vector<16xi32>
      %lt3A_1019 = arith.cmpi slt, %sub3A_1013, %lt3A_1018 : vector<16xi32>
      %and3A_1020 = arith.andi %ge3A_1016, %lt3A_1019 : vector<16xi1>
      %shift_left3A_1021 = arith.constant 16 : i32
      %shift_left3A_1022 = vector.broadcast %shift_left3A_1021 : i32 to vector<16xi32>
      %shift_left3A_1023 = arith.shli %sub3A_1013, %shift_left3A_1022 : vector<16xi32>
      %or3A_1024 = arith.ori %shift_left3A_1023, %get3A_1007 : vector<16xi32>
      %get3A_1025 = arith.constant 0 : i32
      %get3A_1026 = arith.index_cast %get3A_1025 : i32 to index
      %get3A_1027 = memref.load %arg28[%get3A_1026] : memref<1xi32, #tpu.memory_space<smem>>
      %swap3A_1028 = arith.index_cast %get3A_1027 : i32 to index
      %swap3A_1029 = tpu.vector_load %arg13[%swap3A_1028] masked %and3A_1020 {strides = array<i32>} : memref<10304xi32, #tpu.memory_space<vmem>>, vector<16xi32>, vector<16xi1>
      tpu.vector_store %arg13[%swap3A_1028], %or3A_1024 masked %and3A_1020 {strides = array<i32>} : memref<10304xi32, #tpu.memory_space<vmem>>, vector<16xi32>, vector<16xi1>
      %swap3A_1030 = arith.index_cast %get3A_1027 : i32 to index
      %swap3A_1031 = tpu.vector_load %arg14[%swap3A_1030] masked %and3A_1020 {strides = array<i32>} : memref<10304xf32, #tpu.memory_space<vmem>>, vector<16xf32>, vector<16xi1>
      tpu.vector_store %arg14[%swap3A_1030], %get3A_1011 masked %and3A_1020 {strides = array<i32>} : memref<10304xf32, #tpu.memory_space<vmem>>, vector<16xf32>, vector<16xi1>
      %convert_element_type3A_1032 = arith.extui %and3A_1020 : vector<16xi1> to vector<16xi32>
      %reduce_sum3A_1033 = arith.constant true
      %reduce_sum3A_1034 = vector.broadcast %reduce_sum3A_1033 : i1 to vector<16xi1>
      %reduce_sum3A_1035 = tpu.scan <sum>, %convert_element_type3A_1032 masked %reduce_sum3A_1034 : vector<16xi32>, vector<16xi1> -> vector<16xi32>
      %reduce_sum3A_1036 = vector.extract %reduce_sum3A_1035[15] : i32 from vector<16xi32>
      %add3A_1037 = arith.addi %get3A_1027, %reduce_sum3A_1036 : i32
      %swap3A_1038 = arith.constant 0 : i32
      %swap3A_1039 = arith.index_cast %swap3A_1038 : i32 to index
      %swap3A_1040 = memref.load %arg28[%swap3A_1039] : memref<1xi32, #tpu.memory_space<smem>>
      memref.store %add3A_1037, %arg28[%swap3A_1039] : memref<1xi32, #tpu.memory_space<smem>>
      %add3A_1041 = arith.constant 3 : i32
      %add3A_1042 = arith.addi %add3A_327, %add3A_1041 : i32
      %lt3A_1043 = arith.constant 80 : i32
      %lt3A_1044 = arith.cmpi slt, %add3A_1042, %lt3A_1043 : i32
      %convert_element_type3A_1045 = arith.extui %lt3A_1044 : i1 to i32
      %cond3A_1046 = arith.constant 0 : i32
      %cond3A_1047 = arith.cmpi ne, %convert_element_type3A_1045, %cond3A_1046 : i32
      scf.if %cond3A_1047 {
        %add3A_1056 = arith.constant 3 : i32
        %add3A_1057 = arith.addi %add3A_327, %add3A_1056 : i32
        %add3A_1058 = arith.addi %mul3A_0, %add3A_1057 : i32
        %dma_start3A_1059 = arith.constant 0 : i32
        %dma_start3A_1060 = arith.constant 0 : i32
        %dma_start3A_1061 = tpu.memref_slice %arg3[%add3A_1058, %dma_start3A_1059, %dma_start3A_1060] : memref<1280x1x128xi32, #tpu.memory_space<hbm>> -> memref<1x1x128xi32, #tpu.memory_space<hbm>>
        %dma_start3A_1062 = tpu.memref_squeeze %dma_start3A_1061 : memref<1x1x128xi32, #tpu.memory_space<hbm>> -> memref<1x128xi32, #tpu.memory_space<hbm>>
        %dma_start3A_1063 = arith.constant 0 : i32
        %dma_start3A_1064 = arith.constant 0 : i32
        %dma_start3A_1065 = tpu.memref_slice %arg3[%add3A_1058, %dma_start3A_1063, %dma_start3A_1064] : memref<1280x1x128xi32, #tpu.memory_space<hbm>> -> memref<1x1x128xi32, #tpu.memory_space<hbm>>
        %dma_start3A_1066 = tpu.memref_squeeze %dma_start3A_1065 : memref<1x1x128xi32, #tpu.memory_space<hbm>> -> memref<1x128xi32, #tpu.memory_space<hbm>>
        tpu.enqueue_dma source(%dma_start3A_1066 : memref<1x128xi32, #tpu.memory_space<hbm>>) target(%arg8 : memref<1x128xi32, #tpu.memory_space<vmem>>) target_semaphore(%arg32 : memref<!tpu.dma_semaphore, #tpu.memory_space<semaphore_mem>>)
        %add3A_1067 = arith.addi %mul3A_0, %add3A_1057 : i32
        %dma_start3A_1068 = arith.constant 0 : i32
        %dma_start3A_1069 = arith.constant 0 : i32
        %dma_start3A_1070 = tpu.memref_slice %arg4[%add3A_1067, %dma_start3A_1068, %dma_start3A_1069] : memref<1280x1x128xi32, #tpu.memory_space<hbm>> -> memref<1x1x128xi32, #tpu.memory_space<hbm>>
        %dma_start3A_1071 = tpu.memref_squeeze %dma_start3A_1070 : memref<1x1x128xi32, #tpu.memory_space<hbm>> -> memref<1x128xi32, #tpu.memory_space<hbm>>
        %dma_start3A_1072 = arith.constant 0 : i32
        %dma_start3A_1073 = arith.constant 0 : i32
        %dma_start3A_1074 = tpu.memref_slice %arg4[%add3A_1067, %dma_start3A_1072, %dma_start3A_1073] : memref<1280x1x128xi32, #tpu.memory_space<hbm>> -> memref<1x1x128xi32, #tpu.memory_space<hbm>>
        %dma_start3A_1075 = tpu.memref_squeeze %dma_start3A_1074 : memref<1x1x128xi32, #tpu.memory_space<hbm>> -> memref<1x128xi32, #tpu.memory_space<hbm>>
        tpu.enqueue_dma source(%dma_start3A_1075 : memref<1x128xi32, #tpu.memory_space<hbm>>) target(%arg10 : memref<1x128xi32, #tpu.memory_space<vmem>>) target_semaphore(%arg32 : memref<!tpu.dma_semaphore, #tpu.memory_space<semaphore_mem>>)
        %add3A_1076 = arith.addi %mul3A_0, %add3A_1057 : i32
        %dma_start3A_1077 = arith.constant 0 : i32
        %dma_start3A_1078 = arith.constant 0 : i32
        %dma_start3A_1079 = tpu.memref_slice %arg5[%add3A_1076, %dma_start3A_1077, %dma_start3A_1078] : memref<1280x1x128xf32, #tpu.memory_space<hbm>> -> memref<1x1x128xf32, #tpu.memory_space<hbm>>
        %dma_start3A_1080 = tpu.memref_squeeze %dma_start3A_1079 : memref<1x1x128xf32, #tpu.memory_space<hbm>> -> memref<1x128xf32, #tpu.memory_space<hbm>>
        %dma_start3A_1081 = arith.constant 0 : i32
        %dma_start3A_1082 = arith.constant 0 : i32
        %dma_start3A_1083 = tpu.memref_slice %arg5[%add3A_1076, %dma_start3A_1081, %dma_start3A_1082] : memref<1280x1x128xf32, #tpu.memory_space<hbm>> -> memref<1x1x128xf32, #tpu.memory_space<hbm>>
        %dma_start3A_1084 = tpu.memref_squeeze %dma_start3A_1083 : memref<1x1x128xf32, #tpu.memory_space<hbm>> -> memref<1x128xf32, #tpu.memory_space<hbm>>
        tpu.enqueue_dma source(%dma_start3A_1084 : memref<1x128xf32, #tpu.memory_space<hbm>>) target(%arg12 : memref<1x128xf32, #tpu.memory_space<vmem>>) target_semaphore(%arg32 : memref<!tpu.dma_semaphore, #tpu.memory_space<semaphore_mem>>)
      } else {
      }
      %get3A_1048 = arith.constant 0 : i32
      %get3A_1049 = arith.index_cast %get3A_1048 : i32 to index
      %get3A_1050 = memref.load %arg28[%get3A_1049] : memref<1xi32, #tpu.memory_space<smem>>
      %gt3A_1051 = arith.constant 10000 : i32
      %gt3A_1052 = arith.cmpi sgt, %get3A_1050, %gt3A_1051 : i32
      %convert_element_type3A_1053 = arith.extui %gt3A_1052 : i1 to i32
      %cond3A_1054 = arith.constant 0 : i32
      %cond3A_1055 = arith.cmpi ne, %convert_element_type3A_1053, %cond3A_1054 : i32
      scf.if %cond3A_1055 {
        %get3A_1056 = arith.constant 0 : i32
        %get3A_1057 = arith.index_cast %get3A_1056 : i32 to index
        %get3A_1058 = memref.load %arg28[%get3A_1057] : memref<1xi32, #tpu.memory_space<smem>>
        %broadcast_in_dim3A_1059 = arith.constant 0.000000e+00 : f32
        %broadcast_in_dim3A_1060 = vector.broadcast %broadcast_in_dim3A_1059 : f32 to vector<16xf32>
        %add3A_1061 = arith.constant 0 : i32
        %add3A_1062 = arith.addi %get3A_1058, %add3A_1061 : i32
        %swap3A_1063 = arith.index_cast %add3A_1062 : i32 to index
        %swap3A_1064 = tpu.vector_load %arg14[%swap3A_1063] {strides = array<i32>} : memref<10304xf32, #tpu.memory_space<vmem>>, vector<16xf32>,
        tpu.vector_store %arg14[%swap3A_1063], %broadcast_in_dim3A_1060 {strides = array<i32>} : memref<10304xf32, #tpu.memory_space<vmem>>, vector<16xf32>,
        %broadcast_in_dim3A_1065 = arith.constant 0 : i32
        %broadcast_in_dim3A_1066 = vector.broadcast %broadcast_in_dim3A_1065 : i32 to vector<16xi32>
        %add3A_1067 = arith.constant 0 : i32
        %add3A_1068 = arith.addi %get3A_1058, %add3A_1067 : i32
        %swap3A_1069 = arith.index_cast %add3A_1068 : i32 to index
        %swap3A_1070 = tpu.vector_load %arg13[%swap3A_1069] {strides = array<i32>} : memref<10304xi32, #tpu.memory_space<vmem>>, vector<16xi32>,
        tpu.vector_store %arg13[%swap3A_1069], %broadcast_in_dim3A_1066 {strides = array<i32>} : memref<10304xi32, #tpu.memory_space<vmem>>, vector<16xi32>,
        %broadcast_in_dim3A_1071 = arith.constant 0.000000e+00 : f32
        %broadcast_in_dim3A_1072 = vector.broadcast %broadcast_in_dim3A_1071 : f32 to vector<16xf32>
        %add3A_1073 = arith.constant 16 : i32
        %add3A_1074 = arith.addi %get3A_1058, %add3A_1073 : i32
        %swap3A_1075 = arith.index_cast %add3A_1074 : i32 to index
        %swap3A_1076 = tpu.vector_load %arg14[%swap3A_1075] {strides = array<i32>} : memref<10304xf32, #tpu.memory_space<vmem>>, vector<16xf32>,
        tpu.vector_store %arg14[%swap3A_1075], %broadcast_in_dim3A_1072 {strides = array<i32>} : memref<10304xf32, #tpu.memory_space<vmem>>, vector<16xf32>,
        %broadcast_in_dim3A_1077 = arith.constant 0 : i32
        %broadcast_in_dim3A_1078 = vector.broadcast %broadcast_in_dim3A_1077 : i32 to vector<16xi32>
        %add3A_1079 = arith.constant 16 : i32
        %add3A_1080 = arith.addi %get3A_1058, %add3A_1079 : i32
        %swap3A_1081 = arith.index_cast %add3A_1080 : i32 to index
        %swap3A_1082 = tpu.vector_load %arg13[%swap3A_1081] {strides = array<i32>} : memref<10304xi32, #tpu.memory_space<vmem>>, vector<16xi32>,
        tpu.vector_store %arg13[%swap3A_1081], %broadcast_in_dim3A_1078 {strides = array<i32>} : memref<10304xi32, #tpu.memory_space<vmem>>, vector<16xi32>,
        %broadcast_in_dim3A_1083 = arith.constant 0.000000e+00 : f32
        %broadcast_in_dim3A_1084 = vector.broadcast %broadcast_in_dim3A_1083 : f32 to vector<16xf32>
        %add3A_1085 = arith.constant 32 : i32
        %add3A_1086 = arith.addi %get3A_1058, %add3A_1085 : i32
        %swap3A_1087 = arith.index_cast %add3A_1086 : i32 to index
        %swap3A_1088 = tpu.vector_load %arg14[%swap3A_1087] {strides = array<i32>} : memref<10304xf32, #tpu.memory_space<vmem>>, vector<16xf32>,
        tpu.vector_store %arg14[%swap3A_1087], %broadcast_in_dim3A_1084 {strides = array<i32>} : memref<10304xf32, #tpu.memory_space<vmem>>, vector<16xf32>,
        %broadcast_in_dim3A_1089 = arith.constant 0 : i32
        %broadcast_in_dim3A_1090 = vector.broadcast %broadcast_in_dim3A_1089 : i32 to vector<16xi32>
        %add3A_1091 = arith.constant 32 : i32
        %add3A_1092 = arith.addi %get3A_1058, %add3A_1091 : i32
        %swap3A_1093 = arith.index_cast %add3A_1092 : i32 to index
        %swap3A_1094 = tpu.vector_load %arg13[%swap3A_1093] {strides = array<i32>} : memref<10304xi32, #tpu.memory_space<vmem>>, vector<16xi32>,
        tpu.vector_store %arg13[%swap3A_1093], %broadcast_in_dim3A_1090 {strides = array<i32>} : memref<10304xi32, #tpu.memory_space<vmem>>, vector<16xi32>,
        %add3A_1095 = arith.constant 48 : i32
        %add3A_1096 = arith.addi %get3A_1058, %add3A_1095 : i32
        %sub3A_1097 = arith.constant 1 : i32
        %sub3A_1098 = arith.subi %add3A_1096, %sub3A_1097 : i32
        %div3A_1099 = arith.constant 48 : i32
        %div3A_1100 = arith.divsi %sub3A_1098, %div3A_1099 : i32
        %gt3A_1101 = arith.constant 0 : i32
        %gt3A_1102 = arith.cmpi sgt, %div3A_1100, %gt3A_1101 : i32
        %convert_element_type3A_1103 = arith.extui %gt3A_1102 : i1 to i32
        %cond3A_1104 = arith.constant 0 : i32
        %cond3A_1105 = arith.cmpi ne, %convert_element_type3A_1103, %cond3A_1104 : i32
        scf.if %cond3A_1105 {
          %get3A_1134 = arith.constant 0 : index
          %get3A_1135 = tpu.vector_load %arg13[%get3A_1134] {strides = array<i32>} : memref<10304xi32, #tpu.memory_space<vmem>>, vector<16xi32>,
          %shift_right_logical3A = arith.constant 15 : i32
          %shift_right_logical3A_1136 = vector.broadcast %shift_right_logical3A : i32 to vector<16xi32>
          %shift_right_logical3A_1137 = arith.shrui %get3A_1135, %shift_right_logical3A_1136 : vector<16xi32>
          %swap3A_1138 = arith.constant 0 : i32
          %swap3A_1139 = arith.index_cast %swap3A_1138 : i32 to index
          %swap3A_1140 = arith.constant 0 : index
          %swap3A_1141 = tpu.vector_load %arg15[%swap3A_1139, %swap3A_1140] {strides = array<i32>} : memref<1x48xi32, #tpu.memory_space<vmem>>, vector<16xi32>,
          tpu.vector_store %arg15[%swap3A_1139, %swap3A_1140], %shift_right_logical3A_1137 {strides = array<i32>} : memref<1x48xi32, #tpu.memory_space<vmem>>, vector<16xi32>,
          %or3A_1142 = arith.constant 1 : i32
          %or3A_1143 = vector.broadcast %or3A_1142 : i32 to vector<16xi32>
          %or3A_1144 = arith.ori %shift_right_logical3A_1137, %or3A_1143 : vector<16xi32>
          %swap3A_1145 = arith.constant 0 : i32
          %swap3A_1146 = arith.index_cast %swap3A_1145 : i32 to index
          %swap3A_1147 = arith.constant 0 : index
          %swap3A_1148 = tpu.vector_load %arg17[%swap3A_1146, %swap3A_1147] {strides = array<i32>} : memref<1x48xi32, #tpu.memory_space<vmem>>, vector<16xi32>,
          tpu.vector_store %arg17[%swap3A_1146, %swap3A_1147], %or3A_1144 {strides = array<i32>} : memref<1x48xi32, #tpu.memory_space<vmem>>, vector<16xi32>,
          %and3A_1149 = arith.constant 65535 : i32
          %and3A_1150 = vector.broadcast %and3A_1149 : i32 to vector<16xi32>
          %and3A_1151 = arith.andi %get3A_1135, %and3A_1150 : vector<16xi32>
          %swap3A_1152 = arith.constant 0 : i32
          %swap3A_1153 = arith.index_cast %swap3A_1152 : i32 to index
          %swap3A_1154 = arith.constant 0 : index
          %swap3A_1155 = tpu.vector_load %arg21[%swap3A_1153, %swap3A_1154] {strides = array<i32>} : memref<1x48xi32, #tpu.memory_space<vmem>>, vector<16xi32>,
          tpu.vector_store %arg21[%swap3A_1153, %swap3A_1154], %and3A_1151 {strides = array<i32>} : memref<1x48xi32, #tpu.memory_space<vmem>>, vector<16xi32>,
          %get3A_1156 = arith.constant 16 : index
          %get3A_1157 = tpu.vector_load %arg13[%get3A_1156] {strides = array<i32>} : memref<10304xi32, #tpu.memory_space<vmem>>, vector<16xi32>,
          %shift_right_logical3A_1158 = arith.constant 15 : i32
          %shift_right_logical3A_1159 = vector.broadcast %shift_right_logical3A_1158 : i32 to vector<16xi32>
          %shift_right_logical3A_1160 = arith.shrui %get3A_1157, %shift_right_logical3A_1159 : vector<16xi32>
          %swap3A_1161 = arith.constant 0 : i32
          %swap3A_1162 = arith.index_cast %swap3A_1161 : i32 to index
          %swap3A_1163 = arith.constant 16 : index
          %swap3A_1164 = tpu.vector_load %arg15[%swap3A_1162, %swap3A_1163] {strides = array<i32>} : memref<1x48xi32, #tpu.memory_space<vmem>>, vector<16xi32>,
          tpu.vector_store %arg15[%swap3A_1162, %swap3A_1163], %shift_right_logical3A_1160 {strides = array<i32>} : memref<1x48xi32, #tpu.memory_space<vmem>>, vector<16xi32>,
          %or3A_1165 = arith.constant 1 : i32
          %or3A_1166 = vector.broadcast %or3A_1165 : i32 to vector<16xi32>
          %or3A_1167 = arith.ori %shift_right_logical3A_1160, %or3A_1166 : vector<16xi32>
          %swap3A_1168 = arith.constant 0 : i32
          %swap3A_1169 = arith.index_cast %swap3A_1168 : i32 to index
          %swap3A_1170 = arith.constant 16 : index
          %swap3A_1171 = tpu.vector_load %arg17[%swap3A_1169, %swap3A_1170] {strides = array<i32>} : memref<1x48xi32, #tpu.memory_space<vmem>>, vector<16xi32>,
          tpu.vector_store %arg17[%swap3A_1169, %swap3A_1170], %or3A_1167 {strides = array<i32>} : memref<1x48xi32, #tpu.memory_space<vmem>>, vector<16xi32>,
          %and3A_1172 = arith.constant 65535 : i32
          %and3A_1173 = vector.broadcast %and3A_1172 : i32 to vector<16xi32>
          %and3A_1174 = arith.andi %get3A_1157, %and3A_1173 : vector<16xi32>
          %swap3A_1175 = arith.constant 0 : i32
          %swap3A_1176 = arith.index_cast %swap3A_1175 : i32 to index
          %swap3A_1177 = arith.constant 16 : index
          %swap3A_1178 = tpu.vector_load %arg21[%swap3A_1176, %swap3A_1177] {strides = array<i32>} : memref<1x48xi32, #tpu.memory_space<vmem>>, vector<16xi32>,
          tpu.vector_store %arg21[%swap3A_1176, %swap3A_1177], %and3A_1174 {strides = array<i32>} : memref<1x48xi32, #tpu.memory_space<vmem>>, vector<16xi32>,
          %get3A_1179 = arith.constant 32 : index
          %get3A_1180 = tpu.vector_load %arg13[%get3A_1179] {strides = array<i32>} : memref<10304xi32, #tpu.memory_space<vmem>>, vector<16xi32>,
          %shift_right_logical3A_1181 = arith.constant 15 : i32
          %shift_right_logical3A_1182 = vector.broadcast %shift_right_logical3A_1181 : i32 to vector<16xi32>
          %shift_right_logical3A_1183 = arith.shrui %get3A_1180, %shift_right_logical3A_1182 : vector<16xi32>
          %swap3A_1184 = arith.constant 0 : i32
          %swap3A_1185 = arith.index_cast %swap3A_1184 : i32 to index
          %swap3A_1186 = arith.constant 32 : index
          %swap3A_1187 = tpu.vector_load %arg15[%swap3A_1185, %swap3A_1186] {strides = array<i32>} : memref<1x48xi32, #tpu.memory_space<vmem>>, vector<16xi32>,
          tpu.vector_store %arg15[%swap3A_1185, %swap3A_1186], %shift_right_logical3A_1183 {strides = array<i32>} : memref<1x48xi32, #tpu.memory_space<vmem>>, vector<16xi32>,
          %or3A_1188 = arith.constant 1 : i32
          %or3A_1189 = vector.broadcast %or3A_1188 : i32 to vector<16xi32>
          %or3A_1190 = arith.ori %shift_right_logical3A_1183, %or3A_1189 : vector<16xi32>
          %swap3A_1191 = arith.constant 0 : i32
          %swap3A_1192 = arith.index_cast %swap3A_1191 : i32 to index
          %swap3A_1193 = arith.constant 32 : index
          %swap3A_1194 = tpu.vector_load %arg17[%swap3A_1192, %swap3A_1193] {strides = array<i32>} : memref<1x48xi32, #tpu.memory_space<vmem>>, vector<16xi32>,
          tpu.vector_store %arg17[%swap3A_1192, %swap3A_1193], %or3A_1190 {strides = array<i32>} : memref<1x48xi32, #tpu.memory_space<vmem>>, vector<16xi32>,
          %and3A_1195 = arith.constant 65535 : i32
          %and3A_1196 = vector.broadcast %and3A_1195 : i32 to vector<16xi32>
          %and3A_1197 = arith.andi %get3A_1180, %and3A_1196 : vector<16xi32>
          %swap3A_1198 = arith.constant 0 : i32
          %swap3A_1199 = arith.index_cast %swap3A_1198 : i32 to index
          %swap3A_1200 = arith.constant 32 : index
          %swap3A_1201 = tpu.vector_load %arg21[%swap3A_1199, %swap3A_1200] {strides = array<i32>} : memref<1x48xi32, #tpu.memory_space<vmem>>, vector<16xi32>,
          tpu.vector_store %arg21[%swap3A_1199, %swap3A_1200], %and3A_1197 {strides = array<i32>} : memref<1x48xi32, #tpu.memory_space<vmem>>, vector<16xi32>,
          %dma_start3A_1202 = arith.constant 0 : i32
          %dma_start3A_1203 = arith.constant 0 : i32
          %dma_start3A_1204 = tpu.memref_slice %arg21[%dma_start3A_1202, %dma_start3A_1203] : memref<1x48xi32, #tpu.memory_space<vmem>> -> memref<1x48xi32, #tpu.memory_space<vmem>>
          %dma_start3A_1205 = tpu.memref_squeeze %dma_start3A_1204 : memref<1x48xi32, #tpu.memory_space<vmem>> -> memref<48xi32, #tpu.memory_space<vmem>>
          %dma_start3A_1206 = arith.constant 0 : i32
          %dma_start3A_1207 = arith.constant 0 : i32
          %dma_start3A_1208 = tpu.memref_slice %arg2[%dma_start3A_1206, %dma_start3A_1207] : memref<10000x128xf32, #tpu.memory_space<hbm>> -> memref<10000x128xf32, #tpu.memory_space<hbm>>
          tpu.enqueue_indirect_dma source(%dma_start3A_1208 : memref<10000x128xf32, #tpu.memory_space<hbm>>) target(%arg23 : memref<48x128xf32, #tpu.memory_space<vmem>>) offsets(%dma_start3A_1205 : memref<48xi32, #tpu.memory_space<vmem>>) semaphore(%arg29 : memref<!tpu.dma_semaphore, #tpu.memory_space<semaphore_mem>>)
        } else {
        }
        %sub3A_1106 = arith.constant 0 : i32
        %sub3A_1107 = arith.subi %div3A_1100, %sub3A_1106 : i32
        %sub3A_1108 = arith.constant 2 : i32
        %sub3A_1109 = arith.constant 1 : i32
        %sub3A_1110 = arith.subi %sub3A_1108, %sub3A_1109 : i32
        %add3A_1111 = arith.addi %sub3A_1107, %sub3A_1110 : i32
        %div3A_1112 = arith.constant 2 : i32
        %div3A_1113 = arith.divsi %add3A_1111, %div3A_1112 : i32
        %while3A_1114 = arith.constant 2 : i32
        %while3A_1115 = arith.constant 0 : i32
        %while3A_1116 = arith.constant 0 : i32
        %while3A_1117 = arith.subi %div3A_1113, %while3A_1116 : i32
        %while3A_1118 = arith.addi %while3A_1116, %while3A_1117 : i32
        %while3A_1119 = arith.constant 1 : i32
        %while3A_1120 = arith.divsi %while3A_1117, %while3A_1119 : i32
        %while3A_1121 = arith.muli %while3A_1120, %while3A_1119 : i32
        %while3A_1122 = arith.addi %while3A_1116, %while3A_1121 : i32
        %while3A_1123 = arith.constant 1 : i32
        scf.for %while3A_1134 = %while3A_1116 to %while3A_1122 step %while3A_1123  : i32 {
          %mul3A_1135 = arith.muli %while3A_1134, %while3A_1114 : i32
          %add3A_1136 = arith.addi %while3A_1115, %mul3A_1135 : i32
          %add3A_1137 = arith.constant 1 : i32
          %add3A_1138 = arith.addi %add3A_1136, %add3A_1137 : i32
          %lt3A_1139 = arith.cmpi slt, %add3A_1138, %div3A_1100 : i32
          %convert_element_type3A_1140 = arith.extui %lt3A_1139 : i1 to i32
          %cond3A_1141 = arith.constant 0 : i32
          %cond3A_1142 = arith.cmpi ne, %convert_element_type3A_1140, %cond3A_1141 : i32
          scf.if %cond3A_1142 {
            %add3A_1234 = arith.constant 1 : i32
            %add3A_1235 = arith.addi %add3A_1136, %add3A_1234 : i32
            %mul3A_1236 = arith.constant 48 : i32
            %mul3A_1237 = arith.muli %add3A_1235, %mul3A_1236 : i32
            %add3A_1238 = arith.constant 0 : i32
            %add3A_1239 = arith.addi %mul3A_1237, %add3A_1238 : i32
            %get3A_1240 = arith.index_cast %add3A_1239 : i32 to index
            %get3A_1241 = tpu.vector_load %arg13[%get3A_1240] {strides = array<i32>} : memref<10304xi32, #tpu.memory_space<vmem>>, vector<16xi32>,
            %shift_right_logical3A = arith.constant 15 : i32
            %shift_right_logical3A_1242 = vector.broadcast %shift_right_logical3A : i32 to vector<16xi32>
            %shift_right_logical3A_1243 = arith.shrui %get3A_1241, %shift_right_logical3A_1242 : vector<16xi32>
            %swap3A_1244 = arith.constant 0 : i32
            %swap3A_1245 = arith.index_cast %swap3A_1244 : i32 to index
            %swap3A_1246 = arith.constant 0 : index
            %swap3A_1247 = tpu.vector_load %arg16[%swap3A_1245, %swap3A_1246] {strides = array<i32>} : memref<1x48xi32, #tpu.memory_space<vmem>>, vector<16xi32>,
            tpu.vector_store %arg16[%swap3A_1245, %swap3A_1246], %shift_right_logical3A_1243 {strides = array<i32>} : memref<1x48xi32, #tpu.memory_space<vmem>>, vector<16xi32>,
            %or3A_1248 = arith.constant 1 : i32
            %or3A_1249 = vector.broadcast %or3A_1248 : i32 to vector<16xi32>
            %or3A_1250 = arith.ori %shift_right_logical3A_1243, %or3A_1249 : vector<16xi32>
            %swap3A_1251 = arith.constant 0 : i32
            %swap3A_1252 = arith.index_cast %swap3A_1251 : i32 to index
            %swap3A_1253 = arith.constant 0 : index
            %swap3A_1254 = tpu.vector_load %arg18[%swap3A_1252, %swap3A_1253] {strides = array<i32>} : memref<1x48xi32, #tpu.memory_space<vmem>>, vector<16xi32>,
            tpu.vector_store %arg18[%swap3A_1252, %swap3A_1253], %or3A_1250 {strides = array<i32>} : memref<1x48xi32, #tpu.memory_space<vmem>>, vector<16xi32>,
            %and3A_1255 = arith.constant 65535 : i32
            %and3A_1256 = vector.broadcast %and3A_1255 : i32 to vector<16xi32>
            %and3A_1257 = arith.andi %get3A_1241, %and3A_1256 : vector<16xi32>
            %swap3A_1258 = arith.constant 0 : i32
            %swap3A_1259 = arith.index_cast %swap3A_1258 : i32 to index
            %swap3A_1260 = arith.constant 0 : index
            %swap3A_1261 = tpu.vector_load %arg22[%swap3A_1259, %swap3A_1260] {strides = array<i32>} : memref<1x48xi32, #tpu.memory_space<vmem>>, vector<16xi32>,
            tpu.vector_store %arg22[%swap3A_1259, %swap3A_1260], %and3A_1257 {strides = array<i32>} : memref<1x48xi32, #tpu.memory_space<vmem>>, vector<16xi32>,
            %mul3A_1262 = arith.constant 48 : i32
            %mul3A_1263 = arith.muli %add3A_1235, %mul3A_1262 : i32
            %add3A_1264 = arith.constant 16 : i32
            %add3A_1265 = arith.addi %mul3A_1263, %add3A_1264 : i32
            %get3A_1266 = arith.index_cast %add3A_1265 : i32 to index
            %get3A_1267 = tpu.vector_load %arg13[%get3A_1266] {strides = array<i32>} : memref<10304xi32, #tpu.memory_space<vmem>>, vector<16xi32>,
            %shift_right_logical3A_1268 = arith.constant 15 : i32
            %shift_right_logical3A_1269 = vector.broadcast %shift_right_logical3A_1268 : i32 to vector<16xi32>
            %shift_right_logical3A_1270 = arith.shrui %get3A_1267, %shift_right_logical3A_1269 : vector<16xi32>
            %swap3A_1271 = arith.constant 0 : i32
            %swap3A_1272 = arith.index_cast %swap3A_1271 : i32 to index
            %swap3A_1273 = arith.constant 16 : index
            %swap3A_1274 = tpu.vector_load %arg16[%swap3A_1272, %swap3A_1273] {strides = array<i32>} : memref<1x48xi32, #tpu.memory_space<vmem>>, vector<16xi32>,
            tpu.vector_store %arg16[%swap3A_1272, %swap3A_1273], %shift_right_logical3A_1270 {strides = array<i32>} : memref<1x48xi32, #tpu.memory_space<vmem>>, vector<16xi32>,
            %or3A_1275 = arith.constant 1 : i32
            %or3A_1276 = vector.broadcast %or3A_1275 : i32 to vector<16xi32>
            %or3A_1277 = arith.ori %shift_right_logical3A_1270, %or3A_1276 : vector<16xi32>
            %swap3A_1278 = arith.constant 0 : i32
            %swap3A_1279 = arith.index_cast %swap3A_1278 : i32 to index
            %swap3A_1280 = arith.constant 16 : index
            %swap3A_1281 = tpu.vector_load %arg18[%swap3A_1279, %swap3A_1280] {strides = array<i32>} : memref<1x48xi32, #tpu.memory_space<vmem>>, vector<16xi32>,
            tpu.vector_store %arg18[%swap3A_1279, %swap3A_1280], %or3A_1277 {strides = array<i32>} : memref<1x48xi32, #tpu.memory_space<vmem>>, vector<16xi32>,
            %and3A_1282 = arith.constant 65535 : i32
            %and3A_1283 = vector.broadcast %and3A_1282 : i32 to vector<16xi32>
            %and3A_1284 = arith.andi %get3A_1267, %and3A_1283 : vector<16xi32>
            %swap3A_1285 = arith.constant 0 : i32
            %swap3A_1286 = arith.index_cast %swap3A_1285 : i32 to index
            %swap3A_1287 = arith.constant 16 : index
            %swap3A_1288 = tpu.vector_load %arg22[%swap3A_1286, %swap3A_1287] {strides = array<i32>} : memref<1x48xi32, #tpu.memory_space<vmem>>, vector<16xi32>,
            tpu.vector_store %arg22[%swap3A_1286, %swap3A_1287], %and3A_1284 {strides = array<i32>} : memref<1x48xi32, #tpu.memory_space<vmem>>, vector<16xi32>,
            %mul3A_1289 = arith.constant 48 : i32
            %mul3A_1290 = arith.muli %add3A_1235, %mul3A_1289 : i32
            %add3A_1291 = arith.constant 32 : i32
            %add3A_1292 = arith.addi %mul3A_1290, %add3A_1291 : i32
            %get3A_1293 = arith.index_cast %add3A_1292 : i32 to index
            %get3A_1294 = tpu.vector_load %arg13[%get3A_1293] {strides = array<i32>} : memref<10304xi32, #tpu.memory_space<vmem>>, vector<16xi32>,
            %shift_right_logical3A_1295 = arith.constant 15 : i32
            %shift_right_logical3A_1296 = vector.broadcast %shift_right_logical3A_1295 : i32 to vector<16xi32>
            %shift_right_logical3A_1297 = arith.shrui %get3A_1294, %shift_right_logical3A_1296 : vector<16xi32>
            %swap3A_1298 = arith.constant 0 : i32
            %swap3A_1299 = arith.index_cast %swap3A_1298 : i32 to index
            %swap3A_1300 = arith.constant 32 : index
            %swap3A_1301 = tpu.vector_load %arg16[%swap3A_1299, %swap3A_1300] {strides = array<i32>} : memref<1x48xi32, #tpu.memory_space<vmem>>, vector<16xi32>,
            tpu.vector_store %arg16[%swap3A_1299, %swap3A_1300], %shift_right_logical3A_1297 {strides = array<i32>} : memref<1x48xi32, #tpu.memory_space<vmem>>, vector<16xi32>,
            %or3A_1302 = arith.constant 1 : i32
            %or3A_1303 = vector.broadcast %or3A_1302 : i32 to vector<16xi32>
            %or3A_1304 = arith.ori %shift_right_logical3A_1297, %or3A_1303 : vector<16xi32>
            %swap3A_1305 = arith.constant 0 : i32
            %swap3A_1306 = arith.index_cast %swap3A_1305 : i32 to index
            %swap3A_1307 = arith.constant 32 : index
            %swap3A_1308 = tpu.vector_load %arg18[%swap3A_1306, %swap3A_1307] {strides = array<i32>} : memref<1x48xi32, #tpu.memory_space<vmem>>, vector<16xi32>,
            tpu.vector_store %arg18[%swap3A_1306, %swap3A_1307], %or3A_1304 {strides = array<i32>} : memref<1x48xi32, #tpu.memory_space<vmem>>, vector<16xi32>,
            %and3A_1309 = arith.constant 65535 : i32
            %and3A_1310 = vector.broadcast %and3A_1309 : i32 to vector<16xi32>
            %and3A_1311 = arith.andi %get3A_1294, %and3A_1310 : vector<16xi32>
            %swap3A_1312 = arith.constant 0 : i32
            %swap3A_1313 = arith.index_cast %swap3A_1312 : i32 to index
            %swap3A_1314 = arith.constant 32 : index
            %swap3A_1315 = tpu.vector_load %arg22[%swap3A_1313, %swap3A_1314] {strides = array<i32>} : memref<1x48xi32, #tpu.memory_space<vmem>>, vector<16xi32>,
            tpu.vector_store %arg22[%swap3A_1313, %swap3A_1314], %and3A_1311 {strides = array<i32>} : memref<1x48xi32, #tpu.memory_space<vmem>>, vector<16xi32>,
            %add3A_1316 = arith.constant 1 : i32
            %add3A_1317 = arith.addi %add3A_1136, %add3A_1316 : i32
            %dma_start3A_1318 = arith.constant 0 : i32
            %dma_start3A_1319 = arith.constant 0 : i32
            %dma_start3A_1320 = tpu.memref_slice %arg22[%dma_start3A_1318, %dma_start3A_1319] : memref<1x48xi32, #tpu.memory_space<vmem>> -> memref<1x48xi32, #tpu.memory_space<vmem>>
            %dma_start3A_1321 = tpu.memref_squeeze %dma_start3A_1320 : memref<1x48xi32, #tpu.memory_space<vmem>> -> memref<48xi32, #tpu.memory_space<vmem>>
            %dma_start3A_1322 = arith.constant 0 : i32
            %dma_start3A_1323 = arith.constant 0 : i32
            %dma_start3A_1324 = tpu.memref_slice %arg2[%dma_start3A_1322, %dma_start3A_1323] : memref<10000x128xf32, #tpu.memory_space<hbm>> -> memref<10000x128xf32, #tpu.memory_space<hbm>>
            tpu.enqueue_indirect_dma source(%dma_start3A_1324 : memref<10000x128xf32, #tpu.memory_space<hbm>>) target(%arg24 : memref<48x128xf32, #tpu.memory_space<vmem>>) offsets(%dma_start3A_1321 : memref<48xi32, #tpu.memory_space<vmem>>) semaphore(%arg30 : memref<!tpu.dma_semaphore, #tpu.memory_space<semaphore_mem>>)
          } else {
          }
          %dma_wait3A_1143 = arith.constant 0 : i32
          %dma_wait3A_1144 = arith.constant 0 : i32
          %dma_wait3A_1145 = tpu.memref_slice %arg21[%dma_wait3A_1143, %dma_wait3A_1144] : memref<1x48xi32, #tpu.memory_space<vmem>> -> memref<1x48xi32, #tpu.memory_space<vmem>>
          %dma_wait3A_1146 = tpu.memref_squeeze %dma_wait3A_1145 : memref<1x48xi32, #tpu.memory_space<vmem>> -> memref<48xi32, #tpu.memory_space<vmem>>
          %dma_wait3A_1147 = arith.constant 0 : i32
          %dma_wait3A_1148 = arith.constant 0 : i32
          %dma_wait3A_1149 = tpu.memref_slice %arg2[%dma_wait3A_1147, %dma_wait3A_1148] : memref<10000x128xf32, #tpu.memory_space<hbm>> -> memref<10000x128xf32, #tpu.memory_space<hbm>>
          tpu.wait_indirect_dma semaphore(%arg29 : memref<!tpu.dma_semaphore, #tpu.memory_space<semaphore_mem>>) src(%dma_wait3A_1149 : memref<10000x128xf32, #tpu.memory_space<hbm>>) dst(%arg23 : memref<48x128xf32, #tpu.memory_space<vmem>>)
          %gt3A_1150 = arith.constant 0 : i32
          %gt3A_1151 = arith.cmpi sgt, %add3A_1136, %gt3A_1150 : i32
          %convert_element_type3A_1152 = arith.extui %gt3A_1151 : i1 to i32
          %cond3A_1153 = arith.constant 0 : i32
          %cond3A_1154 = arith.cmpi ne, %convert_element_type3A_1152, %cond3A_1153 : i32
          scf.if %cond3A_1154 {
            %dma_wait3A_1234 = arith.constant 0 : i32
            %dma_wait3A_1235 = arith.constant 0 : i32
            %dma_wait3A_1236 = tpu.memref_slice %arg19[%dma_wait3A_1234, %dma_wait3A_1235] : memref<1x48xi32, #tpu.memory_space<vmem>> -> memref<1x48xi32, #tpu.memory_space<vmem>>
            %dma_wait3A_1237 = tpu.memref_squeeze %dma_wait3A_1236 : memref<1x48xi32, #tpu.memory_space<vmem>> -> memref<48xi32, #tpu.memory_space<vmem>>
            %dma_wait3A_1238 = arith.constant 0 : i32
            %dma_wait3A_1239 = arith.constant 0 : i32
            %dma_wait3A_1240 = tpu.memref_slice %arg27[%dma_wait3A_1238, %dma_wait3A_1239] : memref<10000x128xf32, #tpu.memory_space<vmem_shared>> -> memref<10000x128xf32, #tpu.memory_space<vmem_shared>>
            tpu.wait_indirect_dma semaphore(%arg33 : memref<!tpu.dma_semaphore, #tpu.memory_space<semaphore_mem>>) src(%arg25 : memref<48x128xf32, #tpu.memory_space<vmem>>) dst(%dma_wait3A_1240 : memref<10000x128xf32, #tpu.memory_space<vmem_shared>>)
            %dma_wait3A_1241 = arith.constant 0 : i32
            %dma_wait3A_1242 = arith.constant 0 : i32
            %dma_wait3A_1243 = tpu.memref_slice %arg20[%dma_wait3A_1241, %dma_wait3A_1242] : memref<1x48xi32, #tpu.memory_space<vmem>> -> memref<1x48xi32, #tpu.memory_space<vmem>>
            %dma_wait3A_1244 = tpu.memref_squeeze %dma_wait3A_1243 : memref<1x48xi32, #tpu.memory_space<vmem>> -> memref<48xi32, #tpu.memory_space<vmem>>
            %dma_wait3A_1245 = arith.constant 0 : i32
            %dma_wait3A_1246 = arith.constant 0 : i32
            %dma_wait3A_1247 = tpu.memref_slice %arg27[%dma_wait3A_1245, %dma_wait3A_1246] : memref<10000x128xf32, #tpu.memory_space<vmem_shared>> -> memref<10000x128xf32, #tpu.memory_space<vmem_shared>>
            tpu.wait_indirect_dma semaphore(%arg33 : memref<!tpu.dma_semaphore, #tpu.memory_space<semaphore_mem>>) src(%arg26 : memref<48x128xf32, #tpu.memory_space<vmem>>) dst(%dma_wait3A_1247 : memref<10000x128xf32, #tpu.memory_space<vmem_shared>>)
          } else {
          }
          %scan3A_1155 = arith.constant 0 : i32
          %scan3A_1156 = arith.constant 48 : i32
          %scan3A_1157 = arith.addi %scan3A_1155, %scan3A_1156 : i32
          %scan3A_1158 = arith.constant 1 : i32
          scf.for %scan3A_1234 = %scan3A_1155 to %scan3A_1157 step %scan3A_1158  : i32 {
            %mul3A_1235 = arith.constant 1 : i32
            %mul3A_1236 = arith.muli %scan3A_1234, %mul3A_1235 : i32
            %add3A_1237 = arith.constant 0 : i32
            %add3A_1238 = arith.addi %add3A_1237, %mul3A_1236 : i32
            %mul3A_1239 = arith.constant 48 : i32
            %mul3A_1240 = arith.muli %add3A_1136, %mul3A_1239 : i32
            %add3A_1241 = arith.addi %mul3A_1240, %add3A_1238 : i32
            %broadcast_in_dim3A_1242 = vector.broadcast %add3A_1241 : i32 to vector<16xi32>
            %gather3A = tpu.vector_load_idx %arg14[%broadcast_in_dim3A_1242] : memref<10304xf32, #tpu.memory_space<vmem>>[vector<16xi32>], vector<16xf32>,
            %get3A_1243 = arith.index_cast %add3A_1238 : i32 to index
            %get3A_1244 = arith.constant 0 : index
            %get3A_1245 = tpu.vector_load %arg23[%get3A_1243, %get3A_1244] {strides = array<i32>} : memref<48x128xf32, #tpu.memory_space<vmem>>, vector<16xf32>,
            %bitcast3A = vector.bitcast %get3A_1245 : vector<16xf32> to vector<32xbf16>
            %unpack3A = tpu.unpack_subelements %bitcast3A, 0 {pack_format = #tpu.pack_format<interleaved>} : vector<32xbf16> -> vector<16xf32>
            %unpack3A_1246 = tpu.unpack_subelements %bitcast3A, 1 {pack_format = #tpu.pack_format<interleaved>} : vector<32xbf16> -> vector<16xf32>
            %mul3A_1247 = arith.mulf %unpack3A, %gather3A : vector<16xf32>
            %swap3A_1248 = arith.index_cast %add3A_1238 : i32 to index
            %swap3A_1249 = arith.constant 0 : index
            %swap3A_1250 = tpu.vector_load %arg25[%swap3A_1248, %swap3A_1249] {strides = array<i32>} : memref<48x128xf32, #tpu.memory_space<vmem>>, vector<16xf32>,
            tpu.vector_store %arg25[%swap3A_1248, %swap3A_1249], %mul3A_1247 {strides = array<i32>} : memref<48x128xf32, #tpu.memory_space<vmem>>, vector<16xf32>,
            %mul3A_1251 = arith.mulf %unpack3A_1246, %gather3A : vector<16xf32>
            %swap3A_1252 = arith.index_cast %add3A_1238 : i32 to index
            %swap3A_1253 = arith.constant 16 : index
            %swap3A_1254 = tpu.vector_load %arg25[%swap3A_1252, %swap3A_1253] {strides = array<i32>} : memref<48x128xf32, #tpu.memory_space<vmem>>, vector<16xf32>,
            tpu.vector_store %arg25[%swap3A_1252, %swap3A_1253], %mul3A_1251 {strides = array<i32>} : memref<48x128xf32, #tpu.memory_space<vmem>>, vector<16xf32>,
            %get3A_1255 = arith.index_cast %add3A_1238 : i32 to index
            %get3A_1256 = arith.constant 16 : index
            %get3A_1257 = tpu.vector_load %arg23[%get3A_1255, %get3A_1256] {strides = array<i32>} : memref<48x128xf32, #tpu.memory_space<vmem>>, vector<16xf32>,
            %bitcast3A_1258 = vector.bitcast %get3A_1257 : vector<16xf32> to vector<32xbf16>
            %unpack3A_1259 = tpu.unpack_subelements %bitcast3A_1258, 0 {pack_format = #tpu.pack_format<interleaved>} : vector<32xbf16> -> vector<16xf32>
            %unpack3A_1260 = tpu.unpack_subelements %bitcast3A_1258, 1 {pack_format = #tpu.pack_format<interleaved>} : vector<32xbf16> -> vector<16xf32>
            %mul3A_1261 = arith.mulf %unpack3A_1259, %gather3A : vector<16xf32>
            %swap3A_1262 = arith.index_cast %add3A_1238 : i32 to index
            %swap3A_1263 = arith.constant 32 : index
            %swap3A_1264 = tpu.vector_load %arg25[%swap3A_1262, %swap3A_1263] {strides = array<i32>} : memref<48x128xf32, #tpu.memory_space<vmem>>, vector<16xf32>,
            tpu.vector_store %arg25[%swap3A_1262, %swap3A_1263], %mul3A_1261 {strides = array<i32>} : memref<48x128xf32, #tpu.memory_space<vmem>>, vector<16xf32>,
            %mul3A_1265 = arith.mulf %unpack3A_1260, %gather3A : vector<16xf32>
            %swap3A_1266 = arith.index_cast %add3A_1238 : i32 to index
            %swap3A_1267 = arith.constant 48 : index
            %swap3A_1268 = tpu.vector_load %arg25[%swap3A_1266, %swap3A_1267] {strides = array<i32>} : memref<48x128xf32, #tpu.memory_space<vmem>>, vector<16xf32>,
            tpu.vector_store %arg25[%swap3A_1266, %swap3A_1267], %mul3A_1265 {strides = array<i32>} : memref<48x128xf32, #tpu.memory_space<vmem>>, vector<16xf32>,
            %get3A_1269 = arith.index_cast %add3A_1238 : i32 to index
            %get3A_1270 = arith.constant 32 : index
            %get3A_1271 = tpu.vector_load %arg23[%get3A_1269, %get3A_1270] {strides = array<i32>} : memref<48x128xf32, #tpu.memory_space<vmem>>, vector<16xf32>,
            %bitcast3A_1272 = vector.bitcast %get3A_1271 : vector<16xf32> to vector<32xbf16>
            %unpack3A_1273 = tpu.unpack_subelements %bitcast3A_1272, 0 {pack_format = #tpu.pack_format<interleaved>} : vector<32xbf16> -> vector<16xf32>
            %unpack3A_1274 = tpu.unpack_subelements %bitcast3A_1272, 1 {pack_format = #tpu.pack_format<interleaved>} : vector<32xbf16> -> vector<16xf32>
            %mul3A_1275 = arith.mulf %unpack3A_1273, %gather3A : vector<16xf32>
            %swap3A_1276 = arith.index_cast %add3A_1238 : i32 to index
            %swap3A_1277 = arith.constant 64 : index
            %swap3A_1278 = tpu.vector_load %arg25[%swap3A_1276, %swap3A_1277] {strides = array<i32>} : memref<48x128xf32, #tpu.memory_space<vmem>>, vector<16xf32>,
            tpu.vector_store %arg25[%swap3A_1276, %swap3A_1277], %mul3A_1275 {strides = array<i32>} : memref<48x128xf32, #tpu.memory_space<vmem>>, vector<16xf32>,
            %mul3A_1279 = arith.mulf %unpack3A_1274, %gather3A : vector<16xf32>
            %swap3A_1280 = arith.index_cast %add3A_1238 : i32 to index
            %swap3A_1281 = arith.constant 80 : index
            %swap3A_1282 = tpu.vector_load %arg25[%swap3A_1280, %swap3A_1281] {strides = array<i32>} : memref<48x128xf32, #tpu.memory_space<vmem>>, vector<16xf32>,
            tpu.vector_store %arg25[%swap3A_1280, %swap3A_1281], %mul3A_1279 {strides = array<i32>} : memref<48x128xf32, #tpu.memory_space<vmem>>, vector<16xf32>,
            %get3A_1283 = arith.index_cast %add3A_1238 : i32 to index
            %get3A_1284 = arith.constant 48 : index
            %get3A_1285 = tpu.vector_load %arg23[%get3A_1283, %get3A_1284] {strides = array<i32>} : memref<48x128xf32, #tpu.memory_space<vmem>>, vector<16xf32>,
            %bitcast3A_1286 = vector.bitcast %get3A_1285 : vector<16xf32> to vector<32xbf16>
            %unpack3A_1287 = tpu.unpack_subelements %bitcast3A_1286, 0 {pack_format = #tpu.pack_format<interleaved>} : vector<32xbf16> -> vector<16xf32>
            %unpack3A_1288 = tpu.unpack_subelements %bitcast3A_1286, 1 {pack_format = #tpu.pack_format<interleaved>} : vector<32xbf16> -> vector<16xf32>
            %mul3A_1289 = arith.mulf %unpack3A_1287, %gather3A : vector<16xf32>
            %swap3A_1290 = arith.index_cast %add3A_1238 : i32 to index
            %swap3A_1291 = arith.constant 96 : index
            %swap3A_1292 = tpu.vector_load %arg25[%swap3A_1290, %swap3A_1291] {strides = array<i32>} : memref<48x128xf32, #tpu.memory_space<vmem>>, vector<16xf32>,
            tpu.vector_store %arg25[%swap3A_1290, %swap3A_1291], %mul3A_1289 {strides = array<i32>} : memref<48x128xf32, #tpu.memory_space<vmem>>, vector<16xf32>,
            %mul3A_1293 = arith.mulf %unpack3A_1288, %gather3A : vector<16xf32>
            %swap3A_1294 = arith.index_cast %add3A_1238 : i32 to index
            %swap3A_1295 = arith.constant 112 : index
            %swap3A_1296 = tpu.vector_load %arg25[%swap3A_1294, %swap3A_1295] {strides = array<i32>} : memref<48x128xf32, #tpu.memory_space<vmem>>, vector<16xf32>,
            tpu.vector_store %arg25[%swap3A_1294, %swap3A_1295], %mul3A_1293 {strides = array<i32>} : memref<48x128xf32, #tpu.memory_space<vmem>>, vector<16xf32>,
            %get3A_1297 = arith.index_cast %add3A_1238 : i32 to index
            %get3A_1298 = arith.constant 64 : index
            %get3A_1299 = tpu.vector_load %arg23[%get3A_1297, %get3A_1298] {strides = array<i32>} : memref<48x128xf32, #tpu.memory_space<vmem>>, vector<16xf32>,
            %bitcast3A_1300 = vector.bitcast %get3A_1299 : vector<16xf32> to vector<32xbf16>
            %unpack3A_1301 = tpu.unpack_subelements %bitcast3A_1300, 0 {pack_format = #tpu.pack_format<interleaved>} : vector<32xbf16> -> vector<16xf32>
            %unpack3A_1302 = tpu.unpack_subelements %bitcast3A_1300, 1 {pack_format = #tpu.pack_format<interleaved>} : vector<32xbf16> -> vector<16xf32>
            %mul3A_1303 = arith.mulf %unpack3A_1301, %gather3A : vector<16xf32>
            %swap3A_1304 = arith.index_cast %add3A_1238 : i32 to index
            %swap3A_1305 = arith.constant 0 : index
            %swap3A_1306 = tpu.vector_load %arg26[%swap3A_1304, %swap3A_1305] {strides = array<i32>} : memref<48x128xf32, #tpu.memory_space<vmem>>, vector<16xf32>,
            tpu.vector_store %arg26[%swap3A_1304, %swap3A_1305], %mul3A_1303 {strides = array<i32>} : memref<48x128xf32, #tpu.memory_space<vmem>>, vector<16xf32>,
            %mul3A_1307 = arith.mulf %unpack3A_1302, %gather3A : vector<16xf32>
            %swap3A_1308 = arith.index_cast %add3A_1238 : i32 to index
            %swap3A_1309 = arith.constant 16 : index
            %swap3A_1310 = tpu.vector_load %arg26[%swap3A_1308, %swap3A_1309] {strides = array<i32>} : memref<48x128xf32, #tpu.memory_space<vmem>>, vector<16xf32>,
            tpu.vector_store %arg26[%swap3A_1308, %swap3A_1309], %mul3A_1307 {strides = array<i32>} : memref<48x128xf32, #tpu.memory_space<vmem>>, vector<16xf32>,
            %get3A_1311 = arith.index_cast %add3A_1238 : i32 to index
            %get3A_1312 = arith.constant 80 : index
            %get3A_1313 = tpu.vector_load %arg23[%get3A_1311, %get3A_1312] {strides = array<i32>} : memref<48x128xf32, #tpu.memory_space<vmem>>, vector<16xf32>,
            %bitcast3A_1314 = vector.bitcast %get3A_1313 : vector<16xf32> to vector<32xbf16>
            %unpack3A_1315 = tpu.unpack_subelements %bitcast3A_1314, 0 {pack_format = #tpu.pack_format<interleaved>} : vector<32xbf16> -> vector<16xf32>
            %unpack3A_1316 = tpu.unpack_subelements %bitcast3A_1314, 1 {pack_format = #tpu.pack_format<interleaved>} : vector<32xbf16> -> vector<16xf32>
            %mul3A_1317 = arith.mulf %unpack3A_1315, %gather3A : vector<16xf32>
            %swap3A_1318 = arith.index_cast %add3A_1238 : i32 to index
            %swap3A_1319 = arith.constant 32 : index
            %swap3A_1320 = tpu.vector_load %arg26[%swap3A_1318, %swap3A_1319] {strides = array<i32>} : memref<48x128xf32, #tpu.memory_space<vmem>>, vector<16xf32>,
            tpu.vector_store %arg26[%swap3A_1318, %swap3A_1319], %mul3A_1317 {strides = array<i32>} : memref<48x128xf32, #tpu.memory_space<vmem>>, vector<16xf32>,
            %mul3A_1321 = arith.mulf %unpack3A_1316, %gather3A : vector<16xf32>
            %swap3A_1322 = arith.index_cast %add3A_1238 : i32 to index
            %swap3A_1323 = arith.constant 48 : index
            %swap3A_1324 = tpu.vector_load %arg26[%swap3A_1322, %swap3A_1323] {strides = array<i32>} : memref<48x128xf32, #tpu.memory_space<vmem>>, vector<16xf32>,
            tpu.vector_store %arg26[%swap3A_1322, %swap3A_1323], %mul3A_1321 {strides = array<i32>} : memref<48x128xf32, #tpu.memory_space<vmem>>, vector<16xf32>,
            %get3A_1325 = arith.index_cast %add3A_1238 : i32 to index
            %get3A_1326 = arith.constant 96 : index
            %get3A_1327 = tpu.vector_load %arg23[%get3A_1325, %get3A_1326] {strides = array<i32>} : memref<48x128xf32, #tpu.memory_space<vmem>>, vector<16xf32>,
            %bitcast3A_1328 = vector.bitcast %get3A_1327 : vector<16xf32> to vector<32xbf16>
            %unpack3A_1329 = tpu.unpack_subelements %bitcast3A_1328, 0 {pack_format = #tpu.pack_format<interleaved>} : vector<32xbf16> -> vector<16xf32>
            %unpack3A_1330 = tpu.unpack_subelements %bitcast3A_1328, 1 {pack_format = #tpu.pack_format<interleaved>} : vector<32xbf16> -> vector<16xf32>
            %mul3A_1331 = arith.mulf %unpack3A_1329, %gather3A : vector<16xf32>
            %swap3A_1332 = arith.index_cast %add3A_1238 : i32 to index
            %swap3A_1333 = arith.constant 64 : index
            %swap3A_1334 = tpu.vector_load %arg26[%swap3A_1332, %swap3A_1333] {strides = array<i32>} : memref<48x128xf32, #tpu.memory_space<vmem>>, vector<16xf32>,
            tpu.vector_store %arg26[%swap3A_1332, %swap3A_1333], %mul3A_1331 {strides = array<i32>} : memref<48x128xf32, #tpu.memory_space<vmem>>, vector<16xf32>,
            %mul3A_1335 = arith.mulf %unpack3A_1330, %gather3A : vector<16xf32>
            %swap3A_1336 = arith.index_cast %add3A_1238 : i32 to index
            %swap3A_1337 = arith.constant 80 : index
            %swap3A_1338 = tpu.vector_load %arg26[%swap3A_1336, %swap3A_1337] {strides = array<i32>} : memref<48x128xf32, #tpu.memory_space<vmem>>, vector<16xf32>,
            tpu.vector_store %arg26[%swap3A_1336, %swap3A_1337], %mul3A_1335 {strides = array<i32>} : memref<48x128xf32, #tpu.memory_space<vmem>>, vector<16xf32>,
            %get3A_1339 = arith.index_cast %add3A_1238 : i32 to index
            %get3A_1340 = arith.constant 112 : index
            %get3A_1341 = tpu.vector_load %arg23[%get3A_1339, %get3A_1340] {strides = array<i32>} : memref<48x128xf32, #tpu.memory_space<vmem>>, vector<16xf32>,
            %bitcast3A_1342 = vector.bitcast %get3A_1341 : vector<16xf32> to vector<32xbf16>
            %unpack3A_1343 = tpu.unpack_subelements %bitcast3A_1342, 0 {pack_format = #tpu.pack_format<interleaved>} : vector<32xbf16> -> vector<16xf32>
            %unpack3A_1344 = tpu.unpack_subelements %bitcast3A_1342, 1 {pack_format = #tpu.pack_format<interleaved>} : vector<32xbf16> -> vector<16xf32>
            %mul3A_1345 = arith.mulf %unpack3A_1343, %gather3A : vector<16xf32>
            %swap3A_1346 = arith.index_cast %add3A_1238 : i32 to index
            %swap3A_1347 = arith.constant 96 : index
            %swap3A_1348 = tpu.vector_load %arg26[%swap3A_1346, %swap3A_1347] {strides = array<i32>} : memref<48x128xf32, #tpu.memory_space<vmem>>, vector<16xf32>,
            tpu.vector_store %arg26[%swap3A_1346, %swap3A_1347], %mul3A_1345 {strides = array<i32>} : memref<48x128xf32, #tpu.memory_space<vmem>>, vector<16xf32>,
            %mul3A_1349 = arith.mulf %unpack3A_1344, %gather3A : vector<16xf32>
            %swap3A_1350 = arith.index_cast %add3A_1238 : i32 to index
            %swap3A_1351 = arith.constant 112 : index
            %swap3A_1352 = tpu.vector_load %arg26[%swap3A_1350, %swap3A_1351] {strides = array<i32>} : memref<48x128xf32, #tpu.memory_space<vmem>>, vector<16xf32>,
            tpu.vector_store %arg26[%swap3A_1350, %swap3A_1351], %mul3A_1349 {strides = array<i32>} : memref<48x128xf32, #tpu.memory_space<vmem>>, vector<16xf32>,
          }
          %scan3A_1159 = arith.constant 48 : i32
          %get3A_1160 = arith.constant 0 : i32
          %get3A_1161 = arith.index_cast %get3A_1160 : i32 to index
          %get3A_1162 = arith.constant 0 : index
          %get3A_1163 = tpu.vector_load %arg15[%get3A_1161, %get3A_1162] {strides = array<i32>} : memref<1x48xi32, #tpu.memory_space<vmem>>, vector<16xi32>,
          %swap3A_1164 = arith.constant 0 : i32
          %swap3A_1165 = arith.index_cast %swap3A_1164 : i32 to index
          %swap3A_1166 = arith.constant 0 : index
          %swap3A_1167 = tpu.vector_load %arg19[%swap3A_1165, %swap3A_1166] {strides = array<i32>} : memref<1x48xi32, #tpu.memory_space<vmem>>, vector<16xi32>,
          tpu.vector_store %arg19[%swap3A_1165, %swap3A_1166], %get3A_1163 {strides = array<i32>} : memref<1x48xi32, #tpu.memory_space<vmem>>, vector<16xi32>,
          %get3A_1168 = arith.constant 0 : i32
          %get3A_1169 = arith.index_cast %get3A_1168 : i32 to index
          %get3A_1170 = arith.constant 0 : index
          %get3A_1171 = tpu.vector_load %arg17[%get3A_1169, %get3A_1170] {strides = array<i32>} : memref<1x48xi32, #tpu.memory_space<vmem>>, vector<16xi32>,
          %swap3A_1172 = arith.constant 0 : i32
          %swap3A_1173 = arith.index_cast %swap3A_1172 : i32 to index
          %swap3A_1174 = arith.constant 0 : index
          %swap3A_1175 = tpu.vector_load %arg20[%swap3A_1173, %swap3A_1174] {strides = array<i32>} : memref<1x48xi32, #tpu.memory_space<vmem>>, vector<16xi32>,
          tpu.vector_store %arg20[%swap3A_1173, %swap3A_1174], %get3A_1171 {strides = array<i32>} : memref<1x48xi32, #tpu.memory_space<vmem>>, vector<16xi32>,
          %get3A_1176 = arith.constant 0 : i32
          %get3A_1177 = arith.index_cast %get3A_1176 : i32 to index
          %get3A_1178 = arith.constant 16 : index
          %get3A_1179 = tpu.vector_load %arg15[%get3A_1177, %get3A_1178] {strides = array<i32>} : memref<1x48xi32, #tpu.memory_space<vmem>>, vector<16xi32>,
          %swap3A_1180 = arith.constant 0 : i32
          %swap3A_1181 = arith.index_cast %swap3A_1180 : i32 to index
          %swap3A_1182 = arith.constant 16 : index
          %swap3A_1183 = tpu.vector_load %arg19[%swap3A_1181, %swap3A_1182] {strides = array<i32>} : memref<1x48xi32, #tpu.memory_space<vmem>>, vector<16xi32>,
          tpu.vector_store %arg19[%swap3A_1181, %swap3A_1182], %get3A_1179 {strides = array<i32>} : memref<1x48xi32, #tpu.memory_space<vmem>>, vector<16xi32>,
          %get3A_1184 = arith.constant 0 : i32
          %get3A_1185 = arith.index_cast %get3A_1184 : i32 to index
          %get3A_1186 = arith.constant 16 : index
          %get3A_1187 = tpu.vector_load %arg17[%get3A_1185, %get3A_1186] {strides = array<i32>} : memref<1x48xi32, #tpu.memory_space<vmem>>, vector<16xi32>,
          %swap3A_1188 = arith.constant 0 : i32
          %swap3A_1189 = arith.index_cast %swap3A_1188 : i32 to index
          %swap3A_1190 = arith.constant 16 : index
          %swap3A_1191 = tpu.vector_load %arg20[%swap3A_1189, %swap3A_1190] {strides = array<i32>} : memref<1x48xi32, #tpu.memory_space<vmem>>, vector<16xi32>,
          tpu.vector_store %arg20[%swap3A_1189, %swap3A_1190], %get3A_1187 {strides = array<i32>} : memref<1x48xi32, #tpu.memory_space<vmem>>, vector<16xi32>,
          %get3A_1192 = arith.constant 0 : i32
          %get3A_1193 = arith.index_cast %get3A_1192 : i32 to index
          %get3A_1194 = arith.constant 32 : index
          %get3A_1195 = tpu.vector_load %arg15[%get3A_1193, %get3A_1194] {strides = array<i32>} : memref<1x48xi32, #tpu.memory_space<vmem>>, vector<16xi32>,
          %swap3A_1196 = arith.constant 0 : i32
          %swap3A_1197 = arith.index_cast %swap3A_1196 : i32 to index
          %swap3A_1198 = arith.constant 32 : index
          %swap3A_1199 = tpu.vector_load %arg19[%swap3A_1197, %swap3A_1198] {strides = array<i32>} : memref<1x48xi32, #tpu.memory_space<vmem>>, vector<16xi32>,
          tpu.vector_store %arg19[%swap3A_1197, %swap3A_1198], %get3A_1195 {strides = array<i32>} : memref<1x48xi32, #tpu.memory_space<vmem>>, vector<16xi32>,
          %get3A_1200 = arith.constant 0 : i32
          %get3A_1201 = arith.index_cast %get3A_1200 : i32 to index
          %get3A_1202 = arith.constant 32 : index
          %get3A_1203 = tpu.vector_load %arg17[%get3A_1201, %get3A_1202] {strides = array<i32>} : memref<1x48xi32, #tpu.memory_space<vmem>>, vector<16xi32>,
          %swap3A_1204 = arith.constant 0 : i32
          %swap3A_1205 = arith.index_cast %swap3A_1204 : i32 to index
          %swap3A_1206 = arith.constant 32 : index
          %swap3A_1207 = tpu.vector_load %arg20[%swap3A_1205, %swap3A_1206] {strides = array<i32>} : memref<1x48xi32, #tpu.memory_space<vmem>>, vector<16xi32>,
          tpu.vector_store %arg20[%swap3A_1205, %swap3A_1206], %get3A_1203 {strides = array<i32>} : memref<1x48xi32, #tpu.memory_space<vmem>>, vector<16xi32>,
          %dma_start3A_1208 = arith.constant 0 : i32
          %dma_start3A_1209 = arith.constant 0 : i32
          %dma_start3A_1210 = tpu.memref_slice %arg19[%dma_start3A_1208, %dma_start3A_1209] : memref<1x48xi32, #tpu.memory_space<vmem>> -> memref<1x48xi32, #tpu.memory_space<vmem>>
          %dma_start3A_1211 = tpu.memref_squeeze %dma_start3A_1210 : memref<1x48xi32, #tpu.memory_space<vmem>> -> memref<48xi32, #tpu.memory_space<vmem>>
          %dma_start3A_1212 = arith.constant 0 : i32
          %dma_start3A_1213 = arith.constant 0 : i32
          %dma_start3A_1214 = tpu.memref_slice %arg27[%dma_start3A_1212, %dma_start3A_1213] : memref<10000x128xf32, #tpu.memory_space<vmem_shared>> -> memref<10000x128xf32, #tpu.memory_space<vmem_shared>>
          tpu.enqueue_indirect_dma source(%arg25 : memref<48x128xf32, #tpu.memory_space<vmem>>) target(%dma_start3A_1214 : memref<10000x128xf32, #tpu.memory_space<vmem_shared>>) offsets(%dma_start3A_1211 : memref<48xi32, #tpu.memory_space<vmem>>) semaphore(%arg33 : memref<!tpu.dma_semaphore, #tpu.memory_space<semaphore_mem>>) {add = true}
          %dma_start3A_1215 = arith.constant 0 : i32
          %dma_start3A_1216 = arith.constant 0 : i32
          %dma_start3A_1217 = tpu.memref_slice %arg20[%dma_start3A_1215, %dma_start3A_1216] : memref<1x48xi32, #tpu.memory_space<vmem>> -> memref<1x48xi32, #tpu.memory_space<vmem>>
          %dma_start3A_1218 = tpu.memref_squeeze %dma_start3A_1217 : memref<1x48xi32, #tpu.memory_space<vmem>> -> memref<48xi32, #tpu.memory_space<vmem>>
          %dma_start3A_1219 = arith.constant 0 : i32
          %dma_start3A_1220 = arith.constant 0 : i32
          %dma_start3A_1221 = tpu.memref_slice %arg27[%dma_start3A_1219, %dma_start3A_1220] : memref<10000x128xf32, #tpu.memory_space<vmem_shared>> -> memref<10000x128xf32, #tpu.memory_space<vmem_shared>>
          tpu.enqueue_indirect_dma source(%arg26 : memref<48x128xf32, #tpu.memory_space<vmem>>) target(%dma_start3A_1221 : memref<10000x128xf32, #tpu.memory_space<vmem_shared>>) offsets(%dma_start3A_1218 : memref<48xi32, #tpu.memory_space<vmem>>) semaphore(%arg33 : memref<!tpu.dma_semaphore, #tpu.memory_space<semaphore_mem>>) {add = true}
          %add3A_1222 = arith.constant 2 : i32
          %add3A_1223 = arith.addi %add3A_1136, %add3A_1222 : i32
          %lt3A_1224 = arith.cmpi slt, %add3A_1223, %div3A_1100 : i32
          %convert_element_type3A_1225 = arith.extui %lt3A_1224 : i1 to i32
          %cond3A_1226 = arith.constant 0 : i32
          %cond3A_1227 = arith.cmpi ne, %convert_element_type3A_1225, %cond3A_1226 : i32
          scf.if %cond3A_1227 {
            %add3A_1234 = arith.constant 2 : i32
            %add3A_1235 = arith.addi %add3A_1136, %add3A_1234 : i32
            %mul3A_1236 = arith.constant 48 : i32
            %mul3A_1237 = arith.muli %add3A_1235, %mul3A_1236 : i32
            %add3A_1238 = arith.constant 0 : i32
            %add3A_1239 = arith.addi %mul3A_1237, %add3A_1238 : i32
            %get3A_1240 = arith.index_cast %add3A_1239 : i32 to index
            %get3A_1241 = tpu.vector_load %arg13[%get3A_1240] {strides = array<i32>} : memref<10304xi32, #tpu.memory_space<vmem>>, vector<16xi32>,
            %shift_right_logical3A = arith.constant 15 : i32
            %shift_right_logical3A_1242 = vector.broadcast %shift_right_logical3A : i32 to vector<16xi32>
            %shift_right_logical3A_1243 = arith.shrui %get3A_1241, %shift_right_logical3A_1242 : vector<16xi32>
            %swap3A_1244 = arith.constant 0 : i32
            %swap3A_1245 = arith.index_cast %swap3A_1244 : i32 to index
            %swap3A_1246 = arith.constant 0 : index
            %swap3A_1247 = tpu.vector_load %arg15[%swap3A_1245, %swap3A_1246] {strides = array<i32>} : memref<1x48xi32, #tpu.memory_space<vmem>>, vector<16xi32>,
            tpu.vector_store %arg15[%swap3A_1245, %swap3A_1246], %shift_right_logical3A_1243 {strides = array<i32>} : memref<1x48xi32, #tpu.memory_space<vmem>>, vector<16xi32>,
            %or3A_1248 = arith.constant 1 : i32
            %or3A_1249 = vector.broadcast %or3A_1248 : i32 to vector<16xi32>
            %or3A_1250 = arith.ori %shift_right_logical3A_1243, %or3A_1249 : vector<16xi32>
            %swap3A_1251 = arith.constant 0 : i32
            %swap3A_1252 = arith.index_cast %swap3A_1251 : i32 to index
            %swap3A_1253 = arith.constant 0 : index
            %swap3A_1254 = tpu.vector_load %arg17[%swap3A_1252, %swap3A_1253] {strides = array<i32>} : memref<1x48xi32, #tpu.memory_space<vmem>>, vector<16xi32>,
            tpu.vector_store %arg17[%swap3A_1252, %swap3A_1253], %or3A_1250 {strides = array<i32>} : memref<1x48xi32, #tpu.memory_space<vmem>>, vector<16xi32>,
            %and3A_1255 = arith.constant 65535 : i32
            %and3A_1256 = vector.broadcast %and3A_1255 : i32 to vector<16xi32>
            %and3A_1257 = arith.andi %get3A_1241, %and3A_1256 : vector<16xi32>
            %swap3A_1258 = arith.constant 0 : i32
            %swap3A_1259 = arith.index_cast %swap3A_1258 : i32 to index
            %swap3A_1260 = arith.constant 0 : index
            %swap3A_1261 = tpu.vector_load %arg21[%swap3A_1259, %swap3A_1260] {strides = array<i32>} : memref<1x48xi32, #tpu.memory_space<vmem>>, vector<16xi32>,
            tpu.vector_store %arg21[%swap3A_1259, %swap3A_1260], %and3A_1257 {strides = array<i32>} : memref<1x48xi32, #tpu.memory_space<vmem>>, vector<16xi32>,
            %mul3A_1262 = arith.constant 48 : i32
            %mul3A_1263 = arith.muli %add3A_1235, %mul3A_1262 : i32
            %add3A_1264 = arith.constant 16 : i32
            %add3A_1265 = arith.addi %mul3A_1263, %add3A_1264 : i32
            %get3A_1266 = arith.index_cast %add3A_1265 : i32 to index
            %get3A_1267 = tpu.vector_load %arg13[%get3A_1266] {strides = array<i32>} : memref<10304xi32, #tpu.memory_space<vmem>>, vector<16xi32>,
            %shift_right_logical3A_1268 = arith.constant 15 : i32
            %shift_right_logical3A_1269 = vector.broadcast %shift_right_logical3A_1268 : i32 to vector<16xi32>
            %shift_right_logical3A_1270 = arith.shrui %get3A_1267, %shift_right_logical3A_1269 : vector<16xi32>
            %swap3A_1271 = arith.constant 0 : i32
            %swap3A_1272 = arith.index_cast %swap3A_1271 : i32 to index
            %swap3A_1273 = arith.constant 16 : index
            %swap3A_1274 = tpu.vector_load %arg15[%swap3A_1272, %swap3A_1273] {strides = array<i32>} : memref<1x48xi32, #tpu.memory_space<vmem>>, vector<16xi32>,
            tpu.vector_store %arg15[%swap3A_1272, %swap3A_1273], %shift_right_logical3A_1270 {strides = array<i32>} : memref<1x48xi32, #tpu.memory_space<vmem>>, vector<16xi32>,
            %or3A_1275 = arith.constant 1 : i32
            %or3A_1276 = vector.broadcast %or3A_1275 : i32 to vector<16xi32>
            %or3A_1277 = arith.ori %shift_right_logical3A_1270, %or3A_1276 : vector<16xi32>
            %swap3A_1278 = arith.constant 0 : i32
            %swap3A_1279 = arith.index_cast %swap3A_1278 : i32 to index
            %swap3A_1280 = arith.constant 16 : index
            %swap3A_1281 = tpu.vector_load %arg17[%swap3A_1279, %swap3A_1280] {strides = array<i32>} : memref<1x48xi32, #tpu.memory_space<vmem>>, vector<16xi32>,
            tpu.vector_store %arg17[%swap3A_1279, %swap3A_1280], %or3A_1277 {strides = array<i32>} : memref<1x48xi32, #tpu.memory_space<vmem>>, vector<16xi32>,
            %and3A_1282 = arith.constant 65535 : i32
            %and3A_1283 = vector.broadcast %and3A_1282 : i32 to vector<16xi32>
            %and3A_1284 = arith.andi %get3A_1267, %and3A_1283 : vector<16xi32>
            %swap3A_1285 = arith.constant 0 : i32
            %swap3A_1286 = arith.index_cast %swap3A_1285 : i32 to index
            %swap3A_1287 = arith.constant 16 : index
            %swap3A_1288 = tpu.vector_load %arg21[%swap3A_1286, %swap3A_1287] {strides = array<i32>} : memref<1x48xi32, #tpu.memory_space<vmem>>, vector<16xi32>,
            tpu.vector_store %arg21[%swap3A_1286, %swap3A_1287], %and3A_1284 {strides = array<i32>} : memref<1x48xi32, #tpu.memory_space<vmem>>, vector<16xi32>,
            %mul3A_1289 = arith.constant 48 : i32
            %mul3A_1290 = arith.muli %add3A_1235, %mul3A_1289 : i32
            %add3A_1291 = arith.constant 32 : i32
            %add3A_1292 = arith.addi %mul3A_1290, %add3A_1291 : i32
            %get3A_1293 = arith.index_cast %add3A_1292 : i32 to index
            %get3A_1294 = tpu.vector_load %arg13[%get3A_1293] {strides = array<i32>} : memref<10304xi32, #tpu.memory_space<vmem>>, vector<16xi32>,
            %shift_right_logical3A_1295 = arith.constant 15 : i32
            %shift_right_logical3A_1296 = vector.broadcast %shift_right_logical3A_1295 : i32 to vector<16xi32>
            %shift_right_logical3A_1297 = arith.shrui %get3A_1294, %shift_right_logical3A_1296 : vector<16xi32>
            %swap3A_1298 = arith.constant 0 : i32
            %swap3A_1299 = arith.index_cast %swap3A_1298 : i32 to index
            %swap3A_1300 = arith.constant 32 : index
            %swap3A_1301 = tpu.vector_load %arg15[%swap3A_1299, %swap3A_1300] {strides = array<i32>} : memref<1x48xi32, #tpu.memory_space<vmem>>, vector<16xi32>,
            tpu.vector_store %arg15[%swap3A_1299, %swap3A_1300], %shift_right_logical3A_1297 {strides = array<i32>} : memref<1x48xi32, #tpu.memory_space<vmem>>, vector<16xi32>,
            %or3A_1302 = arith.constant 1 : i32
            %or3A_1303 = vector.broadcast %or3A_1302 : i32 to vector<16xi32>
            %or3A_1304 = arith.ori %shift_right_logical3A_1297, %or3A_1303 : vector<16xi32>
            %swap3A_1305 = arith.constant 0 : i32
            %swap3A_1306 = arith.index_cast %swap3A_1305 : i32 to index
            %swap3A_1307 = arith.constant 32 : index
            %swap3A_1308 = tpu.vector_load %arg17[%swap3A_1306, %swap3A_1307] {strides = array<i32>} : memref<1x48xi32, #tpu.memory_space<vmem>>, vector<16xi32>,
            tpu.vector_store %arg17[%swap3A_1306, %swap3A_1307], %or3A_1304 {strides = array<i32>} : memref<1x48xi32, #tpu.memory_space<vmem>>, vector<16xi32>,
            %and3A_1309 = arith.constant 65535 : i32
            %and3A_1310 = vector.broadcast %and3A_1309 : i32 to vector<16xi32>
            %and3A_1311 = arith.andi %get3A_1294, %and3A_1310 : vector<16xi32>
            %swap3A_1312 = arith.constant 0 : i32
            %swap3A_1313 = arith.index_cast %swap3A_1312 : i32 to index
            %swap3A_1314 = arith.constant 32 : index
            %swap3A_1315 = tpu.vector_load %arg21[%swap3A_1313, %swap3A_1314] {strides = array<i32>} : memref<1x48xi32, #tpu.memory_space<vmem>>, vector<16xi32>,
            tpu.vector_store %arg21[%swap3A_1313, %swap3A_1314], %and3A_1311 {strides = array<i32>} : memref<1x48xi32, #tpu.memory_space<vmem>>, vector<16xi32>,
            %add3A_1316 = arith.constant 2 : i32
            %add3A_1317 = arith.addi %add3A_1136, %add3A_1316 : i32
            %dma_start3A_1318 = arith.constant 0 : i32
            %dma_start3A_1319 = arith.constant 0 : i32
            %dma_start3A_1320 = tpu.memref_slice %arg21[%dma_start3A_1318, %dma_start3A_1319] : memref<1x48xi32, #tpu.memory_space<vmem>> -> memref<1x48xi32, #tpu.memory_space<vmem>>
            %dma_start3A_1321 = tpu.memref_squeeze %dma_start3A_1320 : memref<1x48xi32, #tpu.memory_space<vmem>> -> memref<48xi32, #tpu.memory_space<vmem>>
            %dma_start3A_1322 = arith.constant 0 : i32
            %dma_start3A_1323 = arith.constant 0 : i32
            %dma_start3A_1324 = tpu.memref_slice %arg2[%dma_start3A_1322, %dma_start3A_1323] : memref<10000x128xf32, #tpu.memory_space<hbm>> -> memref<10000x128xf32, #tpu.memory_space<hbm>>
            tpu.enqueue_indirect_dma source(%dma_start3A_1324 : memref<10000x128xf32, #tpu.memory_space<hbm>>) target(%arg23 : memref<48x128xf32, #tpu.memory_space<vmem>>) offsets(%dma_start3A_1321 : memref<48xi32, #tpu.memory_space<vmem>>) semaphore(%arg29 : memref<!tpu.dma_semaphore, #tpu.memory_space<semaphore_mem>>)
          } else {
          }
          %add3A_1228 = arith.constant 1 : i32
          %add3A_1229 = arith.addi %add3A_1136, %add3A_1228 : i32
          %lt3A_1230 = arith.cmpi slt, %add3A_1229, %div3A_1100 : i32
          %convert_element_type3A_1231 = arith.extui %lt3A_1230 : i1 to i32
          %cond3A_1232 = arith.constant 0 : i32
          %cond3A_1233 = arith.cmpi ne, %convert_element_type3A_1231, %cond3A_1232 : i32
          scf.if %cond3A_1233 {
            %dma_wait3A_1234 = arith.constant 0 : i32
            %dma_wait3A_1235 = arith.constant 0 : i32
            %dma_wait3A_1236 = tpu.memref_slice %arg22[%dma_wait3A_1234, %dma_wait3A_1235] : memref<1x48xi32, #tpu.memory_space<vmem>> -> memref<1x48xi32, #tpu.memory_space<vmem>>
            %dma_wait3A_1237 = tpu.memref_squeeze %dma_wait3A_1236 : memref<1x48xi32, #tpu.memory_space<vmem>> -> memref<48xi32, #tpu.memory_space<vmem>>
            %dma_wait3A_1238 = arith.constant 0 : i32
            %dma_wait3A_1239 = arith.constant 0 : i32
            %dma_wait3A_1240 = tpu.memref_slice %arg2[%dma_wait3A_1238, %dma_wait3A_1239] : memref<10000x128xf32, #tpu.memory_space<hbm>> -> memref<10000x128xf32, #tpu.memory_space<hbm>>
            tpu.wait_indirect_dma semaphore(%arg30 : memref<!tpu.dma_semaphore, #tpu.memory_space<semaphore_mem>>) src(%dma_wait3A_1240 : memref<10000x128xf32, #tpu.memory_space<hbm>>) dst(%arg24 : memref<48x128xf32, #tpu.memory_space<vmem>>)
            %dma_wait3A_1241 = arith.constant 0 : i32
            %dma_wait3A_1242 = arith.constant 0 : i32
            %dma_wait3A_1243 = tpu.memref_slice %arg19[%dma_wait3A_1241, %dma_wait3A_1242] : memref<1x48xi32, #tpu.memory_space<vmem>> -> memref<1x48xi32, #tpu.memory_space<vmem>>
            %dma_wait3A_1244 = tpu.memref_squeeze %dma_wait3A_1243 : memref<1x48xi32, #tpu.memory_space<vmem>> -> memref<48xi32, #tpu.memory_space<vmem>>
            %dma_wait3A_1245 = arith.constant 0 : i32
            %dma_wait3A_1246 = arith.constant 0 : i32
            %dma_wait3A_1247 = tpu.memref_slice %arg27[%dma_wait3A_1245, %dma_wait3A_1246] : memref<10000x128xf32, #tpu.memory_space<vmem_shared>> -> memref<10000x128xf32, #tpu.memory_space<vmem_shared>>
            tpu.wait_indirect_dma semaphore(%arg33 : memref<!tpu.dma_semaphore, #tpu.memory_space<semaphore_mem>>) src(%arg25 : memref<48x128xf32, #tpu.memory_space<vmem>>) dst(%dma_wait3A_1247 : memref<10000x128xf32, #tpu.memory_space<vmem_shared>>)
            %dma_wait3A_1248 = arith.constant 0 : i32
            %dma_wait3A_1249 = arith.constant 0 : i32
            %dma_wait3A_1250 = tpu.memref_slice %arg20[%dma_wait3A_1248, %dma_wait3A_1249] : memref<1x48xi32, #tpu.memory_space<vmem>> -> memref<1x48xi32, #tpu.memory_space<vmem>>
            %dma_wait3A_1251 = tpu.memref_squeeze %dma_wait3A_1250 : memref<1x48xi32, #tpu.memory_space<vmem>> -> memref<48xi32, #tpu.memory_space<vmem>>
            %dma_wait3A_1252 = arith.constant 0 : i32
            %dma_wait3A_1253 = arith.constant 0 : i32
            %dma_wait3A_1254 = tpu.memref_slice %arg27[%dma_wait3A_1252, %dma_wait3A_1253] : memref<10000x128xf32, #tpu.memory_space<vmem_shared>> -> memref<10000x128xf32, #tpu.memory_space<vmem_shared>>
            tpu.wait_indirect_dma semaphore(%arg33 : memref<!tpu.dma_semaphore, #tpu.memory_space<semaphore_mem>>) src(%arg26 : memref<48x128xf32, #tpu.memory_space<vmem>>) dst(%dma_wait3A_1254 : memref<10000x128xf32, #tpu.memory_space<vmem_shared>>)
            %add3A_1255 = arith.constant 1 : i32
            %add3A_1256 = arith.addi %add3A_1136, %add3A_1255 : i32
            %scan3A_1257 = arith.constant 0 : i32
            %scan3A_1258 = arith.constant 48 : i32
            %scan3A_1259 = arith.addi %scan3A_1257, %scan3A_1258 : i32
            %scan3A_1260 = arith.constant 1 : i32
            scf.for %scan3A_1324 = %scan3A_1257 to %scan3A_1259 step %scan3A_1260  : i32 {
              %mul3A_1325 = arith.constant 1 : i32
              %mul3A_1326 = arith.muli %scan3A_1324, %mul3A_1325 : i32
              %add3A_1327 = arith.constant 0 : i32
              %add3A_1328 = arith.addi %add3A_1327, %mul3A_1326 : i32
              %mul3A_1329 = arith.constant 48 : i32
              %mul3A_1330 = arith.muli %add3A_1256, %mul3A_1329 : i32
              %add3A_1331 = arith.addi %mul3A_1330, %add3A_1328 : i32
              %broadcast_in_dim3A_1332 = vector.broadcast %add3A_1331 : i32 to vector<16xi32>
              %gather3A = tpu.vector_load_idx %arg14[%broadcast_in_dim3A_1332] : memref<10304xf32, #tpu.memory_space<vmem>>[vector<16xi32>], vector<16xf32>,
              %get3A_1333 = arith.index_cast %add3A_1328 : i32 to index
              %get3A_1334 = arith.constant 0 : index
              %get3A_1335 = tpu.vector_load %arg24[%get3A_1333, %get3A_1334] {strides = array<i32>} : memref<48x128xf32, #tpu.memory_space<vmem>>, vector<16xf32>,
              %bitcast3A = vector.bitcast %get3A_1335 : vector<16xf32> to vector<32xbf16>
              %unpack3A = tpu.unpack_subelements %bitcast3A, 0 {pack_format = #tpu.pack_format<interleaved>} : vector<32xbf16> -> vector<16xf32>
              %unpack3A_1336 = tpu.unpack_subelements %bitcast3A, 1 {pack_format = #tpu.pack_format<interleaved>} : vector<32xbf16> -> vector<16xf32>
              %mul3A_1337 = arith.mulf %unpack3A, %gather3A : vector<16xf32>
              %swap3A_1338 = arith.index_cast %add3A_1328 : i32 to index
              %swap3A_1339 = arith.constant 0 : index
              %swap3A_1340 = tpu.vector_load %arg25[%swap3A_1338, %swap3A_1339] {strides = array<i32>} : memref<48x128xf32, #tpu.memory_space<vmem>>, vector<16xf32>,
              tpu.vector_store %arg25[%swap3A_1338, %swap3A_1339], %mul3A_1337 {strides = array<i32>} : memref<48x128xf32, #tpu.memory_space<vmem>>, vector<16xf32>,
              %mul3A_1341 = arith.mulf %unpack3A_1336, %gather3A : vector<16xf32>
              %swap3A_1342 = arith.index_cast %add3A_1328 : i32 to index
              %swap3A_1343 = arith.constant 16 : index
              %swap3A_1344 = tpu.vector_load %arg25[%swap3A_1342, %swap3A_1343] {strides = array<i32>} : memref<48x128xf32, #tpu.memory_space<vmem>>, vector<16xf32>,
              tpu.vector_store %arg25[%swap3A_1342, %swap3A_1343], %mul3A_1341 {strides = array<i32>} : memref<48x128xf32, #tpu.memory_space<vmem>>, vector<16xf32>,
              %get3A_1345 = arith.index_cast %add3A_1328 : i32 to index
              %get3A_1346 = arith.constant 16 : index
              %get3A_1347 = tpu.vector_load %arg24[%get3A_1345, %get3A_1346] {strides = array<i32>} : memref<48x128xf32, #tpu.memory_space<vmem>>, vector<16xf32>,
              %bitcast3A_1348 = vector.bitcast %get3A_1347 : vector<16xf32> to vector<32xbf16>
              %unpack3A_1349 = tpu.unpack_subelements %bitcast3A_1348, 0 {pack_format = #tpu.pack_format<interleaved>} : vector<32xbf16> -> vector<16xf32>
              %unpack3A_1350 = tpu.unpack_subelements %bitcast3A_1348, 1 {pack_format = #tpu.pack_format<interleaved>} : vector<32xbf16> -> vector<16xf32>
              %mul3A_1351 = arith.mulf %unpack3A_1349, %gather3A : vector<16xf32>
              %swap3A_1352 = arith.index_cast %add3A_1328 : i32 to index
              %swap3A_1353 = arith.constant 32 : index
              %swap3A_1354 = tpu.vector_load %arg25[%swap3A_1352, %swap3A_1353] {strides = array<i32>} : memref<48x128xf32, #tpu.memory_space<vmem>>, vector<16xf32>,
              tpu.vector_store %arg25[%swap3A_1352, %swap3A_1353], %mul3A_1351 {strides = array<i32>} : memref<48x128xf32, #tpu.memory_space<vmem>>, vector<16xf32>,
              %mul3A_1355 = arith.mulf %unpack3A_1350, %gather3A : vector<16xf32>
              %swap3A_1356 = arith.index_cast %add3A_1328 : i32 to index
              %swap3A_1357 = arith.constant 48 : index
              %swap3A_1358 = tpu.vector_load %arg25[%swap3A_1356, %swap3A_1357] {strides = array<i32>} : memref<48x128xf32, #tpu.memory_space<vmem>>, vector<16xf32>,
              tpu.vector_store %arg25[%swap3A_1356, %swap3A_1357], %mul3A_1355 {strides = array<i32>} : memref<48x128xf32, #tpu.memory_space<vmem>>, vector<16xf32>,
              %get3A_1359 = arith.index_cast %add3A_1328 : i32 to index
              %get3A_1360 = arith.constant 32 : index
              %get3A_1361 = tpu.vector_load %arg24[%get3A_1359, %get3A_1360] {strides = array<i32>} : memref<48x128xf32, #tpu.memory_space<vmem>>, vector<16xf32>,
              %bitcast3A_1362 = vector.bitcast %get3A_1361 : vector<16xf32> to vector<32xbf16>
              %unpack3A_1363 = tpu.unpack_subelements %bitcast3A_1362, 0 {pack_format = #tpu.pack_format<interleaved>} : vector<32xbf16> -> vector<16xf32>
              %unpack3A_1364 = tpu.unpack_subelements %bitcast3A_1362, 1 {pack_format = #tpu.pack_format<interleaved>} : vector<32xbf16> -> vector<16xf32>
              %mul3A_1365 = arith.mulf %unpack3A_1363, %gather3A : vector<16xf32>
              %swap3A_1366 = arith.index_cast %add3A_1328 : i32 to index
              %swap3A_1367 = arith.constant 64 : index
              %swap3A_1368 = tpu.vector_load %arg25[%swap3A_1366, %swap3A_1367] {strides = array<i32>} : memref<48x128xf32, #tpu.memory_space<vmem>>, vector<16xf32>,
              tpu.vector_store %arg25[%swap3A_1366, %swap3A_1367], %mul3A_1365 {strides = array<i32>} : memref<48x128xf32, #tpu.memory_space<vmem>>, vector<16xf32>,
              %mul3A_1369 = arith.mulf %unpack3A_1364, %gather3A : vector<16xf32>
              %swap3A_1370 = arith.index_cast %add3A_1328 : i32 to index
              %swap3A_1371 = arith.constant 80 : index
              %swap3A_1372 = tpu.vector_load %arg25[%swap3A_1370, %swap3A_1371] {strides = array<i32>} : memref<48x128xf32, #tpu.memory_space<vmem>>, vector<16xf32>,
              tpu.vector_store %arg25[%swap3A_1370, %swap3A_1371], %mul3A_1369 {strides = array<i32>} : memref<48x128xf32, #tpu.memory_space<vmem>>, vector<16xf32>,
              %get3A_1373 = arith.index_cast %add3A_1328 : i32 to index
              %get3A_1374 = arith.constant 48 : index
              %get3A_1375 = tpu.vector_load %arg24[%get3A_1373, %get3A_1374] {strides = array<i32>} : memref<48x128xf32, #tpu.memory_space<vmem>>, vector<16xf32>,
              %bitcast3A_1376 = vector.bitcast %get3A_1375 : vector<16xf32> to vector<32xbf16>
              %unpack3A_1377 = tpu.unpack_subelements %bitcast3A_1376, 0 {pack_format = #tpu.pack_format<interleaved>} : vector<32xbf16> -> vector<16xf32>
              %unpack3A_1378 = tpu.unpack_subelements %bitcast3A_1376, 1 {pack_format = #tpu.pack_format<interleaved>} : vector<32xbf16> -> vector<16xf32>
              %mul3A_1379 = arith.mulf %unpack3A_1377, %gather3A : vector<16xf32>
              %swap3A_1380 = arith.index_cast %add3A_1328 : i32 to index
              %swap3A_1381 = arith.constant 96 : index
              %swap3A_1382 = tpu.vector_load %arg25[%swap3A_1380, %swap3A_1381] {strides = array<i32>} : memref<48x128xf32, #tpu.memory_space<vmem>>, vector<16xf32>,
              tpu.vector_store %arg25[%swap3A_1380, %swap3A_1381], %mul3A_1379 {strides = array<i32>} : memref<48x128xf32, #tpu.memory_space<vmem>>, vector<16xf32>,
              %mul3A_1383 = arith.mulf %unpack3A_1378, %gather3A : vector<16xf32>
              %swap3A_1384 = arith.index_cast %add3A_1328 : i32 to index
              %swap3A_1385 = arith.constant 112 : index
              %swap3A_1386 = tpu.vector_load %arg25[%swap3A_1384, %swap3A_1385] {strides = array<i32>} : memref<48x128xf32, #tpu.memory_space<vmem>>, vector<16xf32>,
              tpu.vector_store %arg25[%swap3A_1384, %swap3A_1385], %mul3A_1383 {strides = array<i32>} : memref<48x128xf32, #tpu.memory_space<vmem>>, vector<16xf32>,
              %get3A_1387 = arith.index_cast %add3A_1328 : i32 to index
              %get3A_1388 = arith.constant 64 : index
              %get3A_1389 = tpu.vector_load %arg24[%get3A_1387, %get3A_1388] {strides = array<i32>} : memref<48x128xf32, #tpu.memory_space<vmem>>, vector<16xf32>,
              %bitcast3A_1390 = vector.bitcast %get3A_1389 : vector<16xf32> to vector<32xbf16>
              %unpack3A_1391 = tpu.unpack_subelements %bitcast3A_1390, 0 {pack_format = #tpu.pack_format<interleaved>} : vector<32xbf16> -> vector<16xf32>
              %unpack3A_1392 = tpu.unpack_subelements %bitcast3A_1390, 1 {pack_format = #tpu.pack_format<interleaved>} : vector<32xbf16> -> vector<16xf32>
              %mul3A_1393 = arith.mulf %unpack3A_1391, %gather3A : vector<16xf32>
              %swap3A_1394 = arith.index_cast %add3A_1328 : i32 to index
              %swap3A_1395 = arith.constant 0 : index
              %swap3A_1396 = tpu.vector_load %arg26[%swap3A_1394, %swap3A_1395] {strides = array<i32>} : memref<48x128xf32, #tpu.memory_space<vmem>>, vector<16xf32>,
              tpu.vector_store %arg26[%swap3A_1394, %swap3A_1395], %mul3A_1393 {strides = array<i32>} : memref<48x128xf32, #tpu.memory_space<vmem>>, vector<16xf32>,
              %mul3A_1397 = arith.mulf %unpack3A_1392, %gather3A : vector<16xf32>
              %swap3A_1398 = arith.index_cast %add3A_1328 : i32 to index
              %swap3A_1399 = arith.constant 16 : index
              %swap3A_1400 = tpu.vector_load %arg26[%swap3A_1398, %swap3A_1399] {strides = array<i32>} : memref<48x128xf32, #tpu.memory_space<vmem>>, vector<16xf32>,
              tpu.vector_store %arg26[%swap3A_1398, %swap3A_1399], %mul3A_1397 {strides = array<i32>} : memref<48x128xf32, #tpu.memory_space<vmem>>, vector<16xf32>,
              %get3A_1401 = arith.index_cast %add3A_1328 : i32 to index
              %get3A_1402 = arith.constant 80 : index
              %get3A_1403 = tpu.vector_load %arg24[%get3A_1401, %get3A_1402] {strides = array<i32>} : memref<48x128xf32, #tpu.memory_space<vmem>>, vector<16xf32>,
              %bitcast3A_1404 = vector.bitcast %get3A_1403 : vector<16xf32> to vector<32xbf16>
              %unpack3A_1405 = tpu.unpack_subelements %bitcast3A_1404, 0 {pack_format = #tpu.pack_format<interleaved>} : vector<32xbf16> -> vector<16xf32>
              %unpack3A_1406 = tpu.unpack_subelements %bitcast3A_1404, 1 {pack_format = #tpu.pack_format<interleaved>} : vector<32xbf16> -> vector<16xf32>
              %mul3A_1407 = arith.mulf %unpack3A_1405, %gather3A : vector<16xf32>
              %swap3A_1408 = arith.index_cast %add3A_1328 : i32 to index
              %swap3A_1409 = arith.constant 32 : index
              %swap3A_1410 = tpu.vector_load %arg26[%swap3A_1408, %swap3A_1409] {strides = array<i32>} : memref<48x128xf32, #tpu.memory_space<vmem>>, vector<16xf32>,
              tpu.vector_store %arg26[%swap3A_1408, %swap3A_1409], %mul3A_1407 {strides = array<i32>} : memref<48x128xf32, #tpu.memory_space<vmem>>, vector<16xf32>,
              %mul3A_1411 = arith.mulf %unpack3A_1406, %gather3A : vector<16xf32>
              %swap3A_1412 = arith.index_cast %add3A_1328 : i32 to index
              %swap3A_1413 = arith.constant 48 : index
              %swap3A_1414 = tpu.vector_load %arg26[%swap3A_1412, %swap3A_1413] {strides = array<i32>} : memref<48x128xf32, #tpu.memory_space<vmem>>, vector<16xf32>,
              tpu.vector_store %arg26[%swap3A_1412, %swap3A_1413], %mul3A_1411 {strides = array<i32>} : memref<48x128xf32, #tpu.memory_space<vmem>>, vector<16xf32>,
              %get3A_1415 = arith.index_cast %add3A_1328 : i32 to index
              %get3A_1416 = arith.constant 96 : index
              %get3A_1417 = tpu.vector_load %arg24[%get3A_1415, %get3A_1416] {strides = array<i32>} : memref<48x128xf32, #tpu.memory_space<vmem>>, vector<16xf32>,
              %bitcast3A_1418 = vector.bitcast %get3A_1417 : vector<16xf32> to vector<32xbf16>
              %unpack3A_1419 = tpu.unpack_subelements %bitcast3A_1418, 0 {pack_format = #tpu.pack_format<interleaved>} : vector<32xbf16> -> vector<16xf32>
              %unpack3A_1420 = tpu.unpack_subelements %bitcast3A_1418, 1 {pack_format = #tpu.pack_format<interleaved>} : vector<32xbf16> -> vector<16xf32>
              %mul3A_1421 = arith.mulf %unpack3A_1419, %gather3A : vector<16xf32>
              %swap3A_1422 = arith.index_cast %add3A_1328 : i32 to index
              %swap3A_1423 = arith.constant 64 : index
              %swap3A_1424 = tpu.vector_load %arg26[%swap3A_1422, %swap3A_1423] {strides = array<i32>} : memref<48x128xf32, #tpu.memory_space<vmem>>, vector<16xf32>,
              tpu.vector_store %arg26[%swap3A_1422, %swap3A_1423], %mul3A_1421 {strides = array<i32>} : memref<48x128xf32, #tpu.memory_space<vmem>>, vector<16xf32>,
              %mul3A_1425 = arith.mulf %unpack3A_1420, %gather3A : vector<16xf32>
              %swap3A_1426 = arith.index_cast %add3A_1328 : i32 to index
              %swap3A_1427 = arith.constant 80 : index
              %swap3A_1428 = tpu.vector_load %arg26[%swap3A_1426, %swap3A_1427] {strides = array<i32>} : memref<48x128xf32, #tpu.memory_space<vmem>>, vector<16xf32>,
              tpu.vector_store %arg26[%swap3A_1426, %swap3A_1427], %mul3A_1425 {strides = array<i32>} : memref<48x128xf32, #tpu.memory_space<vmem>>, vector<16xf32>,
              %get3A_1429 = arith.index_cast %add3A_1328 : i32 to index
              %get3A_1430 = arith.constant 112 : index
              %get3A_1431 = tpu.vector_load %arg24[%get3A_1429, %get3A_1430] {strides = array<i32>} : memref<48x128xf32, #tpu.memory_space<vmem>>, vector<16xf32>,
              %bitcast3A_1432 = vector.bitcast %get3A_1431 : vector<16xf32> to vector<32xbf16>
              %unpack3A_1433 = tpu.unpack_subelements %bitcast3A_1432, 0 {pack_format = #tpu.pack_format<interleaved>} : vector<32xbf16> -> vector<16xf32>
              %unpack3A_1434 = tpu.unpack_subelements %bitcast3A_1432, 1 {pack_format = #tpu.pack_format<interleaved>} : vector<32xbf16> -> vector<16xf32>
              %mul3A_1435 = arith.mulf %unpack3A_1433, %gather3A : vector<16xf32>
              %swap3A_1436 = arith.index_cast %add3A_1328 : i32 to index
              %swap3A_1437 = arith.constant 96 : index
              %swap3A_1438 = tpu.vector_load %arg26[%swap3A_1436, %swap3A_1437] {strides = array<i32>} : memref<48x128xf32, #tpu.memory_space<vmem>>, vector<16xf32>,
              tpu.vector_store %arg26[%swap3A_1436, %swap3A_1437], %mul3A_1435 {strides = array<i32>} : memref<48x128xf32, #tpu.memory_space<vmem>>, vector<16xf32>,
              %mul3A_1439 = arith.mulf %unpack3A_1434, %gather3A : vector<16xf32>
              %swap3A_1440 = arith.index_cast %add3A_1328 : i32 to index
              %swap3A_1441 = arith.constant 112 : index
              %swap3A_1442 = tpu.vector_load %arg26[%swap3A_1440, %swap3A_1441] {strides = array<i32>} : memref<48x128xf32, #tpu.memory_space<vmem>>, vector<16xf32>,
              tpu.vector_store %arg26[%swap3A_1440, %swap3A_1441], %mul3A_1439 {strides = array<i32>} : memref<48x128xf32, #tpu.memory_space<vmem>>, vector<16xf32>,
            }
            %scan3A_1261 = arith.constant 48 : i32
            %get3A_1262 = arith.constant 0 : i32
            %get3A_1263 = arith.index_cast %get3A_1262 : i32 to index
            %get3A_1264 = arith.constant 0 : index
            %get3A_1265 = tpu.vector_load %arg16[%get3A_1263, %get3A_1264] {strides = array<i32>} : memref<1x48xi32, #tpu.memory_space<vmem>>, vector<16xi32>,
            %swap3A_1266 = arith.constant 0 : i32
            %swap3A_1267 = arith.index_cast %swap3A_1266 : i32 to index
            %swap3A_1268 = arith.constant 0 : index
            %swap3A_1269 = tpu.vector_load %arg19[%swap3A_1267, %swap3A_1268] {strides = array<i32>} : memref<1x48xi32, #tpu.memory_space<vmem>>, vector<16xi32>,
            tpu.vector_store %arg19[%swap3A_1267, %swap3A_1268], %get3A_1265 {strides = array<i32>} : memref<1x48xi32, #tpu.memory_space<vmem>>, vector<16xi32>,
            %get3A_1270 = arith.constant 0 : i32
            %get3A_1271 = arith.index_cast %get3A_1270 : i32 to index
            %get3A_1272 = arith.constant 0 : index
            %get3A_1273 = tpu.vector_load %arg18[%get3A_1271, %get3A_1272] {strides = array<i32>} : memref<1x48xi32, #tpu.memory_space<vmem>>, vector<16xi32>,
            %swap3A_1274 = arith.constant 0 : i32
            %swap3A_1275 = arith.index_cast %swap3A_1274 : i32 to index
            %swap3A_1276 = arith.constant 0 : index
            %swap3A_1277 = tpu.vector_load %arg20[%swap3A_1275, %swap3A_1276] {strides = array<i32>} : memref<1x48xi32, #tpu.memory_space<vmem>>, vector<16xi32>,
            tpu.vector_store %arg20[%swap3A_1275, %swap3A_1276], %get3A_1273 {strides = array<i32>} : memref<1x48xi32, #tpu.memory_space<vmem>>, vector<16xi32>,
            %get3A_1278 = arith.constant 0 : i32
            %get3A_1279 = arith.index_cast %get3A_1278 : i32 to index
            %get3A_1280 = arith.constant 16 : index
            %get3A_1281 = tpu.vector_load %arg16[%get3A_1279, %get3A_1280] {strides = array<i32>} : memref<1x48xi32, #tpu.memory_space<vmem>>, vector<16xi32>,
            %swap3A_1282 = arith.constant 0 : i32
            %swap3A_1283 = arith.index_cast %swap3A_1282 : i32 to index
            %swap3A_1284 = arith.constant 16 : index
            %swap3A_1285 = tpu.vector_load %arg19[%swap3A_1283, %swap3A_1284] {strides = array<i32>} : memref<1x48xi32, #tpu.memory_space<vmem>>, vector<16xi32>,
            tpu.vector_store %arg19[%swap3A_1283, %swap3A_1284], %get3A_1281 {strides = array<i32>} : memref<1x48xi32, #tpu.memory_space<vmem>>, vector<16xi32>,
            %get3A_1286 = arith.constant 0 : i32
            %get3A_1287 = arith.index_cast %get3A_1286 : i32 to index
            %get3A_1288 = arith.constant 16 : index
            %get3A_1289 = tpu.vector_load %arg18[%get3A_1287, %get3A_1288] {strides = array<i32>} : memref<1x48xi32, #tpu.memory_space<vmem>>, vector<16xi32>,
            %swap3A_1290 = arith.constant 0 : i32
            %swap3A_1291 = arith.index_cast %swap3A_1290 : i32 to index
            %swap3A_1292 = arith.constant 16 : index
            %swap3A_1293 = tpu.vector_load %arg20[%swap3A_1291, %swap3A_1292] {strides = array<i32>} : memref<1x48xi32, #tpu.memory_space<vmem>>, vector<16xi32>,
            tpu.vector_store %arg20[%swap3A_1291, %swap3A_1292], %get3A_1289 {strides = array<i32>} : memref<1x48xi32, #tpu.memory_space<vmem>>, vector<16xi32>,
            %get3A_1294 = arith.constant 0 : i32
            %get3A_1295 = arith.index_cast %get3A_1294 : i32 to index
            %get3A_1296 = arith.constant 32 : index
            %get3A_1297 = tpu.vector_load %arg16[%get3A_1295, %get3A_1296] {strides = array<i32>} : memref<1x48xi32, #tpu.memory_space<vmem>>, vector<16xi32>,
            %swap3A_1298 = arith.constant 0 : i32
            %swap3A_1299 = arith.index_cast %swap3A_1298 : i32 to index
            %swap3A_1300 = arith.constant 32 : index
            %swap3A_1301 = tpu.vector_load %arg19[%swap3A_1299, %swap3A_1300] {strides = array<i32>} : memref<1x48xi32, #tpu.memory_space<vmem>>, vector<16xi32>,
            tpu.vector_store %arg19[%swap3A_1299, %swap3A_1300], %get3A_1297 {strides = array<i32>} : memref<1x48xi32, #tpu.memory_space<vmem>>, vector<16xi32>,
            %get3A_1302 = arith.constant 0 : i32
            %get3A_1303 = arith.index_cast %get3A_1302 : i32 to index
            %get3A_1304 = arith.constant 32 : index
            %get3A_1305 = tpu.vector_load %arg18[%get3A_1303, %get3A_1304] {strides = array<i32>} : memref<1x48xi32, #tpu.memory_space<vmem>>, vector<16xi32>,
            %swap3A_1306 = arith.constant 0 : i32
            %swap3A_1307 = arith.index_cast %swap3A_1306 : i32 to index
            %swap3A_1308 = arith.constant 32 : index
            %swap3A_1309 = tpu.vector_load %arg20[%swap3A_1307, %swap3A_1308] {strides = array<i32>} : memref<1x48xi32, #tpu.memory_space<vmem>>, vector<16xi32>,
            tpu.vector_store %arg20[%swap3A_1307, %swap3A_1308], %get3A_1305 {strides = array<i32>} : memref<1x48xi32, #tpu.memory_space<vmem>>, vector<16xi32>,
            %dma_start3A_1310 = arith.constant 0 : i32
            %dma_start3A_1311 = arith.constant 0 : i32
            %dma_start3A_1312 = tpu.memref_slice %arg19[%dma_start3A_1310, %dma_start3A_1311] : memref<1x48xi32, #tpu.memory_space<vmem>> -> memref<1x48xi32, #tpu.memory_space<vmem>>
            %dma_start3A_1313 = tpu.memref_squeeze %dma_start3A_1312 : memref<1x48xi32, #tpu.memory_space<vmem>> -> memref<48xi32, #tpu.memory_space<vmem>>
            %dma_start3A_1314 = arith.constant 0 : i32
            %dma_start3A_1315 = arith.constant 0 : i32
            %dma_start3A_1316 = tpu.memref_slice %arg27[%dma_start3A_1314, %dma_start3A_1315] : memref<10000x128xf32, #tpu.memory_space<vmem_shared>> -> memref<10000x128xf32, #tpu.memory_space<vmem_shared>>
            tpu.enqueue_indirect_dma source(%arg25 : memref<48x128xf32, #tpu.memory_space<vmem>>) target(%dma_start3A_1316 : memref<10000x128xf32, #tpu.memory_space<vmem_shared>>) offsets(%dma_start3A_1313 : memref<48xi32, #tpu.memory_space<vmem>>) semaphore(%arg33 : memref<!tpu.dma_semaphore, #tpu.memory_space<semaphore_mem>>) {add = true}
            %dma_start3A_1317 = arith.constant 0 : i32
            %dma_start3A_1318 = arith.constant 0 : i32
            %dma_start3A_1319 = tpu.memref_slice %arg20[%dma_start3A_1317, %dma_start3A_1318] : memref<1x48xi32, #tpu.memory_space<vmem>> -> memref<1x48xi32, #tpu.memory_space<vmem>>
            %dma_start3A_1320 = tpu.memref_squeeze %dma_start3A_1319 : memref<1x48xi32, #tpu.memory_space<vmem>> -> memref<48xi32, #tpu.memory_space<vmem>>
            %dma_start3A_1321 = arith.constant 0 : i32
            %dma_start3A_1322 = arith.constant 0 : i32
            %dma_start3A_1323 = tpu.memref_slice %arg27[%dma_start3A_1321, %dma_start3A_1322] : memref<10000x128xf32, #tpu.memory_space<vmem_shared>> -> memref<10000x128xf32, #tpu.memory_space<vmem_shared>>
            tpu.enqueue_indirect_dma source(%arg26 : memref<48x128xf32, #tpu.memory_space<vmem>>) target(%dma_start3A_1323 : memref<10000x128xf32, #tpu.memory_space<vmem_shared>>) offsets(%dma_start3A_1320 : memref<48xi32, #tpu.memory_space<vmem>>) semaphore(%arg33 : memref<!tpu.dma_semaphore, #tpu.memory_space<semaphore_mem>>) {add = true}
          } else {
          }
        }
        %while3A_1124 = arith.constant 1 : i32
        scf.for %while3A_1134 = %while3A_1122 to %while3A_1118 step %while3A_1124  : i32 {
          %mul3A_1135 = arith.muli %while3A_1134, %while3A_1114 : i32
          %add3A_1136 = arith.addi %while3A_1115, %mul3A_1135 : i32
          %add3A_1137 = arith.constant 1 : i32
          %add3A_1138 = arith.addi %add3A_1136, %add3A_1137 : i32
          %lt3A_1139 = arith.cmpi slt, %add3A_1138, %div3A_1100 : i32
          %convert_element_type3A_1140 = arith.extui %lt3A_1139 : i1 to i32
          %cond3A_1141 = arith.constant 0 : i32
          %cond3A_1142 = arith.cmpi ne, %convert_element_type3A_1140, %cond3A_1141 : i32
          scf.if %cond3A_1142 {
            %add3A_1234 = arith.constant 1 : i32
            %add3A_1235 = arith.addi %add3A_1136, %add3A_1234 : i32
            %mul3A_1236 = arith.constant 48 : i32
            %mul3A_1237 = arith.muli %add3A_1235, %mul3A_1236 : i32
            %add3A_1238 = arith.constant 0 : i32
            %add3A_1239 = arith.addi %mul3A_1237, %add3A_1238 : i32
            %get3A_1240 = arith.index_cast %add3A_1239 : i32 to index
            %get3A_1241 = tpu.vector_load %arg13[%get3A_1240] {strides = array<i32>} : memref<10304xi32, #tpu.memory_space<vmem>>, vector<16xi32>,
            %shift_right_logical3A = arith.constant 15 : i32
            %shift_right_logical3A_1242 = vector.broadcast %shift_right_logical3A : i32 to vector<16xi32>
            %shift_right_logical3A_1243 = arith.shrui %get3A_1241, %shift_right_logical3A_1242 : vector<16xi32>
            %swap3A_1244 = arith.constant 0 : i32
            %swap3A_1245 = arith.index_cast %swap3A_1244 : i32 to index
            %swap3A_1246 = arith.constant 0 : index
            %swap3A_1247 = tpu.vector_load %arg16[%swap3A_1245, %swap3A_1246] {strides = array<i32>} : memref<1x48xi32, #tpu.memory_space<vmem>>, vector<16xi32>,
            tpu.vector_store %arg16[%swap3A_1245, %swap3A_1246], %shift_right_logical3A_1243 {strides = array<i32>} : memref<1x48xi32, #tpu.memory_space<vmem>>, vector<16xi32>,
            %or3A_1248 = arith.constant 1 : i32
            %or3A_1249 = vector.broadcast %or3A_1248 : i32 to vector<16xi32>
            %or3A_1250 = arith.ori %shift_right_logical3A_1243, %or3A_1249 : vector<16xi32>
            %swap3A_1251 = arith.constant 0 : i32
            %swap3A_1252 = arith.index_cast %swap3A_1251 : i32 to index
            %swap3A_1253 = arith.constant 0 : index
            %swap3A_1254 = tpu.vector_load %arg18[%swap3A_1252, %swap3A_1253] {strides = array<i32>} : memref<1x48xi32, #tpu.memory_space<vmem>>, vector<16xi32>,
            tpu.vector_store %arg18[%swap3A_1252, %swap3A_1253], %or3A_1250 {strides = array<i32>} : memref<1x48xi32, #tpu.memory_space<vmem>>, vector<16xi32>,
            %and3A_1255 = arith.constant 65535 : i32
            %and3A_1256 = vector.broadcast %and3A_1255 : i32 to vector<16xi32>
            %and3A_1257 = arith.andi %get3A_1241, %and3A_1256 : vector<16xi32>
            %swap3A_1258 = arith.constant 0 : i32
            %swap3A_1259 = arith.index_cast %swap3A_1258 : i32 to index
            %swap3A_1260 = arith.constant 0 : index
            %swap3A_1261 = tpu.vector_load %arg22[%swap3A_1259, %swap3A_1260] {strides = array<i32>} : memref<1x48xi32, #tpu.memory_space<vmem>>, vector<16xi32>,
            tpu.vector_store %arg22[%swap3A_1259, %swap3A_1260], %and3A_1257 {strides = array<i32>} : memref<1x48xi32, #tpu.memory_space<vmem>>, vector<16xi32>,
            %mul3A_1262 = arith.constant 48 : i32
            %mul3A_1263 = arith.muli %add3A_1235, %mul3A_1262 : i32
            %add3A_1264 = arith.constant 16 : i32
            %add3A_1265 = arith.addi %mul3A_1263, %add3A_1264 : i32
            %get3A_1266 = arith.index_cast %add3A_1265 : i32 to index
            %get3A_1267 = tpu.vector_load %arg13[%get3A_1266] {strides = array<i32>} : memref<10304xi32, #tpu.memory_space<vmem>>, vector<16xi32>,
            %shift_right_logical3A_1268 = arith.constant 15 : i32
            %shift_right_logical3A_1269 = vector.broadcast %shift_right_logical3A_1268 : i32 to vector<16xi32>
            %shift_right_logical3A_1270 = arith.shrui %get3A_1267, %shift_right_logical3A_1269 : vector<16xi32>
            %swap3A_1271 = arith.constant 0 : i32
            %swap3A_1272 = arith.index_cast %swap3A_1271 : i32 to index
            %swap3A_1273 = arith.constant 16 : index
            %swap3A_1274 = tpu.vector_load %arg16[%swap3A_1272, %swap3A_1273] {strides = array<i32>} : memref<1x48xi32, #tpu.memory_space<vmem>>, vector<16xi32>,
            tpu.vector_store %arg16[%swap3A_1272, %swap3A_1273], %shift_right_logical3A_1270 {strides = array<i32>} : memref<1x48xi32, #tpu.memory_space<vmem>>, vector<16xi32>,
            %or3A_1275 = arith.constant 1 : i32
            %or3A_1276 = vector.broadcast %or3A_1275 : i32 to vector<16xi32>
            %or3A_1277 = arith.ori %shift_right_logical3A_1270, %or3A_1276 : vector<16xi32>
            %swap3A_1278 = arith.constant 0 : i32
            %swap3A_1279 = arith.index_cast %swap3A_1278 : i32 to index
            %swap3A_1280 = arith.constant 16 : index
            %swap3A_1281 = tpu.vector_load %arg18[%swap3A_1279, %swap3A_1280] {strides = array<i32>} : memref<1x48xi32, #tpu.memory_space<vmem>>, vector<16xi32>,
            tpu.vector_store %arg18[%swap3A_1279, %swap3A_1280], %or3A_1277 {strides = array<i32>} : memref<1x48xi32, #tpu.memory_space<vmem>>, vector<16xi32>,
            %and3A_1282 = arith.constant 65535 : i32
            %and3A_1283 = vector.broadcast %and3A_1282 : i32 to vector<16xi32>
            %and3A_1284 = arith.andi %get3A_1267, %and3A_1283 : vector<16xi32>
            %swap3A_1285 = arith.constant 0 : i32
            %swap3A_1286 = arith.index_cast %swap3A_1285 : i32 to index
            %swap3A_1287 = arith.constant 16 : index
            %swap3A_1288 = tpu.vector_load %arg22[%swap3A_1286, %swap3A_1287] {strides = array<i32>} : memref<1x48xi32, #tpu.memory_space<vmem>>, vector<16xi32>,
            tpu.vector_store %arg22[%swap3A_1286, %swap3A_1287], %and3A_1284 {strides = array<i32>} : memref<1x48xi32, #tpu.memory_space<vmem>>, vector<16xi32>,
            %mul3A_1289 = arith.constant 48 : i32
            %mul3A_1290 = arith.muli %add3A_1235, %mul3A_1289 : i32
            %add3A_1291 = arith.constant 32 : i32
            %add3A_1292 = arith.addi %mul3A_1290, %add3A_1291 : i32
            %get3A_1293 = arith.index_cast %add3A_1292 : i32 to index
            %get3A_1294 = tpu.vector_load %arg13[%get3A_1293] {strides = array<i32>} : memref<10304xi32, #tpu.memory_space<vmem>>, vector<16xi32>,
            %shift_right_logical3A_1295 = arith.constant 15 : i32
            %shift_right_logical3A_1296 = vector.broadcast %shift_right_logical3A_1295 : i32 to vector<16xi32>
            %shift_right_logical3A_1297 = arith.shrui %get3A_1294, %shift_right_logical3A_1296 : vector<16xi32>
            %swap3A_1298 = arith.constant 0 : i32
            %swap3A_1299 = arith.index_cast %swap3A_1298 : i32 to index
            %swap3A_1300 = arith.constant 32 : index
            %swap3A_1301 = tpu.vector_load %arg16[%swap3A_1299, %swap3A_1300] {strides = array<i32>} : memref<1x48xi32, #tpu.memory_space<vmem>>, vector<16xi32>,
            tpu.vector_store %arg16[%swap3A_1299, %swap3A_1300], %shift_right_logical3A_1297 {strides = array<i32>} : memref<1x48xi32, #tpu.memory_space<vmem>>, vector<16xi32>,
            %or3A_1302 = arith.constant 1 : i32
            %or3A_1303 = vector.broadcast %or3A_1302 : i32 to vector<16xi32>
            %or3A_1304 = arith.ori %shift_right_logical3A_1297, %or3A_1303 : vector<16xi32>
            %swap3A_1305 = arith.constant 0 : i32
            %swap3A_1306 = arith.index_cast %swap3A_1305 : i32 to index
            %swap3A_1307 = arith.constant 32 : index
            %swap3A_1308 = tpu.vector_load %arg18[%swap3A_1306, %swap3A_1307] {strides = array<i32>} : memref<1x48xi32, #tpu.memory_space<vmem>>, vector<16xi32>,
            tpu.vector_store %arg18[%swap3A_1306, %swap3A_1307], %or3A_1304 {strides = array<i32>} : memref<1x48xi32, #tpu.memory_space<vmem>>, vector<16xi32>,
            %and3A_1309 = arith.constant 65535 : i32
            %and3A_1310 = vector.broadcast %and3A_1309 : i32 to vector<16xi32>
            %and3A_1311 = arith.andi %get3A_1294, %and3A_1310 : vector<16xi32>
            %swap3A_1312 = arith.constant 0 : i32
            %swap3A_1313 = arith.index_cast %swap3A_1312 : i32 to index
            %swap3A_1314 = arith.constant 32 : index
            %swap3A_1315 = tpu.vector_load %arg22[%swap3A_1313, %swap3A_1314] {strides = array<i32>} : memref<1x48xi32, #tpu.memory_space<vmem>>, vector<16xi32>,
            tpu.vector_store %arg22[%swap3A_1313, %swap3A_1314], %and3A_1311 {strides = array<i32>} : memref<1x48xi32, #tpu.memory_space<vmem>>, vector<16xi32>,
            %add3A_1316 = arith.constant 1 : i32
            %add3A_1317 = arith.addi %add3A_1136, %add3A_1316 : i32
            %dma_start3A_1318 = arith.constant 0 : i32
            %dma_start3A_1319 = arith.constant 0 : i32
            %dma_start3A_1320 = tpu.memref_slice %arg22[%dma_start3A_1318, %dma_start3A_1319] : memref<1x48xi32, #tpu.memory_space<vmem>> -> memref<1x48xi32, #tpu.memory_space<vmem>>
            %dma_start3A_1321 = tpu.memref_squeeze %dma_start3A_1320 : memref<1x48xi32, #tpu.memory_space<vmem>> -> memref<48xi32, #tpu.memory_space<vmem>>
            %dma_start3A_1322 = arith.constant 0 : i32
            %dma_start3A_1323 = arith.constant 0 : i32
            %dma_start3A_1324 = tpu.memref_slice %arg2[%dma_start3A_1322, %dma_start3A_1323] : memref<10000x128xf32, #tpu.memory_space<hbm>> -> memref<10000x128xf32, #tpu.memory_space<hbm>>
            tpu.enqueue_indirect_dma source(%dma_start3A_1324 : memref<10000x128xf32, #tpu.memory_space<hbm>>) target(%arg24 : memref<48x128xf32, #tpu.memory_space<vmem>>) offsets(%dma_start3A_1321 : memref<48xi32, #tpu.memory_space<vmem>>) semaphore(%arg30 : memref<!tpu.dma_semaphore, #tpu.memory_space<semaphore_mem>>)
          } else {
          }
          %dma_wait3A_1143 = arith.constant 0 : i32
          %dma_wait3A_1144 = arith.constant 0 : i32
          %dma_wait3A_1145 = tpu.memref_slice %arg21[%dma_wait3A_1143, %dma_wait3A_1144] : memref<1x48xi32, #tpu.memory_space<vmem>> -> memref<1x48xi32, #tpu.memory_space<vmem>>
          %dma_wait3A_1146 = tpu.memref_squeeze %dma_wait3A_1145 : memref<1x48xi32, #tpu.memory_space<vmem>> -> memref<48xi32, #tpu.memory_space<vmem>>
          %dma_wait3A_1147 = arith.constant 0 : i32
          %dma_wait3A_1148 = arith.constant 0 : i32
          %dma_wait3A_1149 = tpu.memref_slice %arg2[%dma_wait3A_1147, %dma_wait3A_1148] : memref<10000x128xf32, #tpu.memory_space<hbm>> -> memref<10000x128xf32, #tpu.memory_space<hbm>>
          tpu.wait_indirect_dma semaphore(%arg29 : memref<!tpu.dma_semaphore, #tpu.memory_space<semaphore_mem>>) src(%dma_wait3A_1149 : memref<10000x128xf32, #tpu.memory_space<hbm>>) dst(%arg23 : memref<48x128xf32, #tpu.memory_space<vmem>>)
          %gt3A_1150 = arith.constant 0 : i32
          %gt3A_1151 = arith.cmpi sgt, %add3A_1136, %gt3A_1150 : i32
          %convert_element_type3A_1152 = arith.extui %gt3A_1151 : i1 to i32
          %cond3A_1153 = arith.constant 0 : i32
          %cond3A_1154 = arith.cmpi ne, %convert_element_type3A_1152, %cond3A_1153 : i32
          scf.if %cond3A_1154 {
            %dma_wait3A_1234 = arith.constant 0 : i32
            %dma_wait3A_1235 = arith.constant 0 : i32
            %dma_wait3A_1236 = tpu.memref_slice %arg19[%dma_wait3A_1234, %dma_wait3A_1235] : memref<1x48xi32, #tpu.memory_space<vmem>> -> memref<1x48xi32, #tpu.memory_space<vmem>>
            %dma_wait3A_1237 = tpu.memref_squeeze %dma_wait3A_1236 : memref<1x48xi32, #tpu.memory_space<vmem>> -> memref<48xi32, #tpu.memory_space<vmem>>
            %dma_wait3A_1238 = arith.constant 0 : i32
            %dma_wait3A_1239 = arith.constant 0 : i32
            %dma_wait3A_1240 = tpu.memref_slice %arg27[%dma_wait3A_1238, %dma_wait3A_1239] : memref<10000x128xf32, #tpu.memory_space<vmem_shared>> -> memref<10000x128xf32, #tpu.memory_space<vmem_shared>>
            tpu.wait_indirect_dma semaphore(%arg33 : memref<!tpu.dma_semaphore, #tpu.memory_space<semaphore_mem>>) src(%arg25 : memref<48x128xf32, #tpu.memory_space<vmem>>) dst(%dma_wait3A_1240 : memref<10000x128xf32, #tpu.memory_space<vmem_shared>>)
            %dma_wait3A_1241 = arith.constant 0 : i32
            %dma_wait3A_1242 = arith.constant 0 : i32
            %dma_wait3A_1243 = tpu.memref_slice %arg20[%dma_wait3A_1241, %dma_wait3A_1242] : memref<1x48xi32, #tpu.memory_space<vmem>> -> memref<1x48xi32, #tpu.memory_space<vmem>>
            %dma_wait3A_1244 = tpu.memref_squeeze %dma_wait3A_1243 : memref<1x48xi32, #tpu.memory_space<vmem>> -> memref<48xi32, #tpu.memory_space<vmem>>
            %dma_wait3A_1245 = arith.constant 0 : i32
            %dma_wait3A_1246 = arith.constant 0 : i32
            %dma_wait3A_1247 = tpu.memref_slice %arg27[%dma_wait3A_1245, %dma_wait3A_1246] : memref<10000x128xf32, #tpu.memory_space<vmem_shared>> -> memref<10000x128xf32, #tpu.memory_space<vmem_shared>>
            tpu.wait_indirect_dma semaphore(%arg33 : memref<!tpu.dma_semaphore, #tpu.memory_space<semaphore_mem>>) src(%arg26 : memref<48x128xf32, #tpu.memory_space<vmem>>) dst(%dma_wait3A_1247 : memref<10000x128xf32, #tpu.memory_space<vmem_shared>>)
          } else {
          }
          %scan3A_1155 = arith.constant 0 : i32
          %scan3A_1156 = arith.constant 48 : i32
          %scan3A_1157 = arith.addi %scan3A_1155, %scan3A_1156 : i32
          %scan3A_1158 = arith.constant 1 : i32
          scf.for %scan3A_1234 = %scan3A_1155 to %scan3A_1157 step %scan3A_1158  : i32 {
            %mul3A_1235 = arith.constant 1 : i32
            %mul3A_1236 = arith.muli %scan3A_1234, %mul3A_1235 : i32
            %add3A_1237 = arith.constant 0 : i32
            %add3A_1238 = arith.addi %add3A_1237, %mul3A_1236 : i32
            %mul3A_1239 = arith.constant 48 : i32
            %mul3A_1240 = arith.muli %add3A_1136, %mul3A_1239 : i32
            %add3A_1241 = arith.addi %mul3A_1240, %add3A_1238 : i32
            %broadcast_in_dim3A_1242 = vector.broadcast %add3A_1241 : i32 to vector<16xi32>
            %gather3A = tpu.vector_load_idx %arg14[%broadcast_in_dim3A_1242] : memref<10304xf32, #tpu.memory_space<vmem>>[vector<16xi32>], vector<16xf32>,
            %get3A_1243 = arith.index_cast %add3A_1238 : i32 to index
            %get3A_1244 = arith.constant 0 : index
            %get3A_1245 = tpu.vector_load %arg23[%get3A_1243, %get3A_1244] {strides = array<i32>} : memref<48x128xf32, #tpu.memory_space<vmem>>, vector<16xf32>,
            %bitcast3A = vector.bitcast %get3A_1245 : vector<16xf32> to vector<32xbf16>
            %unpack3A = tpu.unpack_subelements %bitcast3A, 0 {pack_format = #tpu.pack_format<interleaved>} : vector<32xbf16> -> vector<16xf32>
            %unpack3A_1246 = tpu.unpack_subelements %bitcast3A, 1 {pack_format = #tpu.pack_format<interleaved>} : vector<32xbf16> -> vector<16xf32>
            %mul3A_1247 = arith.mulf %unpack3A, %gather3A : vector<16xf32>
            %swap3A_1248 = arith.index_cast %add3A_1238 : i32 to index
            %swap3A_1249 = arith.constant 0 : index
            %swap3A_1250 = tpu.vector_load %arg25[%swap3A_1248, %swap3A_1249] {strides = array<i32>} : memref<48x128xf32, #tpu.memory_space<vmem>>, vector<16xf32>,
            tpu.vector_store %arg25[%swap3A_1248, %swap3A_1249], %mul3A_1247 {strides = array<i32>} : memref<48x128xf32, #tpu.memory_space<vmem>>, vector<16xf32>,
            %mul3A_1251 = arith.mulf %unpack3A_1246, %gather3A : vector<16xf32>
            %swap3A_1252 = arith.index_cast %add3A_1238 : i32 to index
            %swap3A_1253 = arith.constant 16 : index
            %swap3A_1254 = tpu.vector_load %arg25[%swap3A_1252, %swap3A_1253] {strides = array<i32>} : memref<48x128xf32, #tpu.memory_space<vmem>>, vector<16xf32>,
            tpu.vector_store %arg25[%swap3A_1252, %swap3A_1253], %mul3A_1251 {strides = array<i32>} : memref<48x128xf32, #tpu.memory_space<vmem>>, vector<16xf32>,
            %get3A_1255 = arith.index_cast %add3A_1238 : i32 to index
            %get3A_1256 = arith.constant 16 : index
            %get3A_1257 = tpu.vector_load %arg23[%get3A_1255, %get3A_1256] {strides = array<i32>} : memref<48x128xf32, #tpu.memory_space<vmem>>, vector<16xf32>,
            %bitcast3A_1258 = vector.bitcast %get3A_1257 : vector<16xf32> to vector<32xbf16>
            %unpack3A_1259 = tpu.unpack_subelements %bitcast3A_1258, 0 {pack_format = #tpu.pack_format<interleaved>} : vector<32xbf16> -> vector<16xf32>
            %unpack3A_1260 = tpu.unpack_subelements %bitcast3A_1258, 1 {pack_format = #tpu.pack_format<interleaved>} : vector<32xbf16> -> vector<16xf32>
            %mul3A_1261 = arith.mulf %unpack3A_1259, %gather3A : vector<16xf32>
            %swap3A_1262 = arith.index_cast %add3A_1238 : i32 to index
            %swap3A_1263 = arith.constant 32 : index
            %swap3A_1264 = tpu.vector_load %arg25[%swap3A_1262, %swap3A_1263] {strides = array<i32>} : memref<48x128xf32, #tpu.memory_space<vmem>>, vector<16xf32>,
            tpu.vector_store %arg25[%swap3A_1262, %swap3A_1263], %mul3A_1261 {strides = array<i32>} : memref<48x128xf32, #tpu.memory_space<vmem>>, vector<16xf32>,
            %mul3A_1265 = arith.mulf %unpack3A_1260, %gather3A : vector<16xf32>
            %swap3A_1266 = arith.index_cast %add3A_1238 : i32 to index
            %swap3A_1267 = arith.constant 48 : index
            %swap3A_1268 = tpu.vector_load %arg25[%swap3A_1266, %swap3A_1267] {strides = array<i32>} : memref<48x128xf32, #tpu.memory_space<vmem>>, vector<16xf32>,
            tpu.vector_store %arg25[%swap3A_1266, %swap3A_1267], %mul3A_1265 {strides = array<i32>} : memref<48x128xf32, #tpu.memory_space<vmem>>, vector<16xf32>,
            %get3A_1269 = arith.index_cast %add3A_1238 : i32 to index
            %get3A_1270 = arith.constant 32 : index
            %get3A_1271 = tpu.vector_load %arg23[%get3A_1269, %get3A_1270] {strides = array<i32>} : memref<48x128xf32, #tpu.memory_space<vmem>>, vector<16xf32>,
            %bitcast3A_1272 = vector.bitcast %get3A_1271 : vector<16xf32> to vector<32xbf16>
            %unpack3A_1273 = tpu.unpack_subelements %bitcast3A_1272, 0 {pack_format = #tpu.pack_format<interleaved>} : vector<32xbf16> -> vector<16xf32>
            %unpack3A_1274 = tpu.unpack_subelements %bitcast3A_1272, 1 {pack_format = #tpu.pack_format<interleaved>} : vector<32xbf16> -> vector<16xf32>
            %mul3A_1275 = arith.mulf %unpack3A_1273, %gather3A : vector<16xf32>
            %swap3A_1276 = arith.index_cast %add3A_1238 : i32 to index
            %swap3A_1277 = arith.constant 64 : index
            %swap3A_1278 = tpu.vector_load %arg25[%swap3A_1276, %swap3A_1277] {strides = array<i32>} : memref<48x128xf32, #tpu.memory_space<vmem>>, vector<16xf32>,
            tpu.vector_store %arg25[%swap3A_1276, %swap3A_1277], %mul3A_1275 {strides = array<i32>} : memref<48x128xf32, #tpu.memory_space<vmem>>, vector<16xf32>,
            %mul3A_1279 = arith.mulf %unpack3A_1274, %gather3A : vector<16xf32>
            %swap3A_1280 = arith.index_cast %add3A_1238 : i32 to index
            %swap3A_1281 = arith.constant 80 : index
            %swap3A_1282 = tpu.vector_load %arg25[%swap3A_1280, %swap3A_1281] {strides = array<i32>} : memref<48x128xf32, #tpu.memory_space<vmem>>, vector<16xf32>,
            tpu.vector_store %arg25[%swap3A_1280, %swap3A_1281], %mul3A_1279 {strides = array<i32>} : memref<48x128xf32, #tpu.memory_space<vmem>>, vector<16xf32>,
            %get3A_1283 = arith.index_cast %add3A_1238 : i32 to index
            %get3A_1284 = arith.constant 48 : index
            %get3A_1285 = tpu.vector_load %arg23[%get3A_1283, %get3A_1284] {strides = array<i32>} : memref<48x128xf32, #tpu.memory_space<vmem>>, vector<16xf32>,
            %bitcast3A_1286 = vector.bitcast %get3A_1285 : vector<16xf32> to vector<32xbf16>
            %unpack3A_1287 = tpu.unpack_subelements %bitcast3A_1286, 0 {pack_format = #tpu.pack_format<interleaved>} : vector<32xbf16> -> vector<16xf32>
            %unpack3A_1288 = tpu.unpack_subelements %bitcast3A_1286, 1 {pack_format = #tpu.pack_format<interleaved>} : vector<32xbf16> -> vector<16xf32>
            %mul3A_1289 = arith.mulf %unpack3A_1287, %gather3A : vector<16xf32>
            %swap3A_1290 = arith.index_cast %add3A_1238 : i32 to index
            %swap3A_1291 = arith.constant 96 : index
            %swap3A_1292 = tpu.vector_load %arg25[%swap3A_1290, %swap3A_1291] {strides = array<i32>} : memref<48x128xf32, #tpu.memory_space<vmem>>, vector<16xf32>,
            tpu.vector_store %arg25[%swap3A_1290, %swap3A_1291], %mul3A_1289 {strides = array<i32>} : memref<48x128xf32, #tpu.memory_space<vmem>>, vector<16xf32>,
            %mul3A_1293 = arith.mulf %unpack3A_1288, %gather3A : vector<16xf32>
            %swap3A_1294 = arith.index_cast %add3A_1238 : i32 to index
            %swap3A_1295 = arith.constant 112 : index
            %swap3A_1296 = tpu.vector_load %arg25[%swap3A_1294, %swap3A_1295] {strides = array<i32>} : memref<48x128xf32, #tpu.memory_space<vmem>>, vector<16xf32>,
            tpu.vector_store %arg25[%swap3A_1294, %swap3A_1295], %mul3A_1293 {strides = array<i32>} : memref<48x128xf32, #tpu.memory_space<vmem>>, vector<16xf32>,
            %get3A_1297 = arith.index_cast %add3A_1238 : i32 to index
            %get3A_1298 = arith.constant 64 : index
            %get3A_1299 = tpu.vector_load %arg23[%get3A_1297, %get3A_1298] {strides = array<i32>} : memref<48x128xf32, #tpu.memory_space<vmem>>, vector<16xf32>,
            %bitcast3A_1300 = vector.bitcast %get3A_1299 : vector<16xf32> to vector<32xbf16>
            %unpack3A_1301 = tpu.unpack_subelements %bitcast3A_1300, 0 {pack_format = #tpu.pack_format<interleaved>} : vector<32xbf16> -> vector<16xf32>
            %unpack3A_1302 = tpu.unpack_subelements %bitcast3A_1300, 1 {pack_format = #tpu.pack_format<interleaved>} : vector<32xbf16> -> vector<16xf32>
            %mul3A_1303 = arith.mulf %unpack3A_1301, %gather3A : vector<16xf32>
            %swap3A_1304 = arith.index_cast %add3A_1238 : i32 to index
            %swap3A_1305 = arith.constant 0 : index
            %swap3A_1306 = tpu.vector_load %arg26[%swap3A_1304, %swap3A_1305] {strides = array<i32>} : memref<48x128xf32, #tpu.memory_space<vmem>>, vector<16xf32>,
            tpu.vector_store %arg26[%swap3A_1304, %swap3A_1305], %mul3A_1303 {strides = array<i32>} : memref<48x128xf32, #tpu.memory_space<vmem>>, vector<16xf32>,
            %mul3A_1307 = arith.mulf %unpack3A_1302, %gather3A : vector<16xf32>
            %swap3A_1308 = arith.index_cast %add3A_1238 : i32 to index
            %swap3A_1309 = arith.constant 16 : index
            %swap3A_1310 = tpu.vector_load %arg26[%swap3A_1308, %swap3A_1309] {strides = array<i32>} : memref<48x128xf32, #tpu.memory_space<vmem>>, vector<16xf32>,
            tpu.vector_store %arg26[%swap3A_1308, %swap3A_1309], %mul3A_1307 {strides = array<i32>} : memref<48x128xf32, #tpu.memory_space<vmem>>, vector<16xf32>,
            %get3A_1311 = arith.index_cast %add3A_1238 : i32 to index
            %get3A_1312 = arith.constant 80 : index
            %get3A_1313 = tpu.vector_load %arg23[%get3A_1311, %get3A_1312] {strides = array<i32>} : memref<48x128xf32, #tpu.memory_space<vmem>>, vector<16xf32>,
            %bitcast3A_1314 = vector.bitcast %get3A_1313 : vector<16xf32> to vector<32xbf16>
            %unpack3A_1315 = tpu.unpack_subelements %bitcast3A_1314, 0 {pack_format = #tpu.pack_format<interleaved>} : vector<32xbf16> -> vector<16xf32>
            %unpack3A_1316 = tpu.unpack_subelements %bitcast3A_1314, 1 {pack_format = #tpu.pack_format<interleaved>} : vector<32xbf16> -> vector<16xf32>
            %mul3A_1317 = arith.mulf %unpack3A_1315, %gather3A : vector<16xf32>
            %swap3A_1318 = arith.index_cast %add3A_1238 : i32 to index
            %swap3A_1319 = arith.constant 32 : index
            %swap3A_1320 = tpu.vector_load %arg26[%swap3A_1318, %swap3A_1319] {strides = array<i32>} : memref<48x128xf32, #tpu.memory_space<vmem>>, vector<16xf32>,
            tpu.vector_store %arg26[%swap3A_1318, %swap3A_1319], %mul3A_1317 {strides = array<i32>} : memref<48x128xf32, #tpu.memory_space<vmem>>, vector<16xf32>,
            %mul3A_1321 = arith.mulf %unpack3A_1316, %gather3A : vector<16xf32>
            %swap3A_1322 = arith.index_cast %add3A_1238 : i32 to index
            %swap3A_1323 = arith.constant 48 : index
            %swap3A_1324 = tpu.vector_load %arg26[%swap3A_1322, %swap3A_1323] {strides = array<i32>} : memref<48x128xf32, #tpu.memory_space<vmem>>, vector<16xf32>,
            tpu.vector_store %arg26[%swap3A_1322, %swap3A_1323], %mul3A_1321 {strides = array<i32>} : memref<48x128xf32, #tpu.memory_space<vmem>>, vector<16xf32>,
            %get3A_1325 = arith.index_cast %add3A_1238 : i32 to index
            %get3A_1326 = arith.constant 96 : index
            %get3A_1327 = tpu.vector_load %arg23[%get3A_1325, %get3A_1326] {strides = array<i32>} : memref<48x128xf32, #tpu.memory_space<vmem>>, vector<16xf32>,
            %bitcast3A_1328 = vector.bitcast %get3A_1327 : vector<16xf32> to vector<32xbf16>
            %unpack3A_1329 = tpu.unpack_subelements %bitcast3A_1328, 0 {pack_format = #tpu.pack_format<interleaved>} : vector<32xbf16> -> vector<16xf32>
            %unpack3A_1330 = tpu.unpack_subelements %bitcast3A_1328, 1 {pack_format = #tpu.pack_format<interleaved>} : vector<32xbf16> -> vector<16xf32>
            %mul3A_1331 = arith.mulf %unpack3A_1329, %gather3A : vector<16xf32>
            %swap3A_1332 = arith.index_cast %add3A_1238 : i32 to index
            %swap3A_1333 = arith.constant 64 : index
            %swap3A_1334 = tpu.vector_load %arg26[%swap3A_1332, %swap3A_1333] {strides = array<i32>} : memref<48x128xf32, #tpu.memory_space<vmem>>, vector<16xf32>,
            tpu.vector_store %arg26[%swap3A_1332, %swap3A_1333], %mul3A_1331 {strides = array<i32>} : memref<48x128xf32, #tpu.memory_space<vmem>>, vector<16xf32>,
            %mul3A_1335 = arith.mulf %unpack3A_1330, %gather3A : vector<16xf32>
            %swap3A_1336 = arith.index_cast %add3A_1238 : i32 to index
            %swap3A_1337 = arith.constant 80 : index
            %swap3A_1338 = tpu.vector_load %arg26[%swap3A_1336, %swap3A_1337] {strides = array<i32>} : memref<48x128xf32, #tpu.memory_space<vmem>>, vector<16xf32>,
            tpu.vector_store %arg26[%swap3A_1336, %swap3A_1337], %mul3A_1335 {strides = array<i32>} : memref<48x128xf32, #tpu.memory_space<vmem>>, vector<16xf32>,
            %get3A_1339 = arith.index_cast %add3A_1238 : i32 to index
            %get3A_1340 = arith.constant 112 : index
            %get3A_1341 = tpu.vector_load %arg23[%get3A_1339, %get3A_1340] {strides = array<i32>} : memref<48x128xf32, #tpu.memory_space<vmem>>, vector<16xf32>,
            %bitcast3A_1342 = vector.bitcast %get3A_1341 : vector<16xf32> to vector<32xbf16>
            %unpack3A_1343 = tpu.unpack_subelements %bitcast3A_1342, 0 {pack_format = #tpu.pack_format<interleaved>} : vector<32xbf16> -> vector<16xf32>
            %unpack3A_1344 = tpu.unpack_subelements %bitcast3A_1342, 1 {pack_format = #tpu.pack_format<interleaved>} : vector<32xbf16> -> vector<16xf32>
            %mul3A_1345 = arith.mulf %unpack3A_1343, %gather3A : vector<16xf32>
            %swap3A_1346 = arith.index_cast %add3A_1238 : i32 to index
            %swap3A_1347 = arith.constant 96 : index
            %swap3A_1348 = tpu.vector_load %arg26[%swap3A_1346, %swap3A_1347] {strides = array<i32>} : memref<48x128xf32, #tpu.memory_space<vmem>>, vector<16xf32>,
            tpu.vector_store %arg26[%swap3A_1346, %swap3A_1347], %mul3A_1345 {strides = array<i32>} : memref<48x128xf32, #tpu.memory_space<vmem>>, vector<16xf32>,
            %mul3A_1349 = arith.mulf %unpack3A_1344, %gather3A : vector<16xf32>
            %swap3A_1350 = arith.index_cast %add3A_1238 : i32 to index
            %swap3A_1351 = arith.constant 112 : index
            %swap3A_1352 = tpu.vector_load %arg26[%swap3A_1350, %swap3A_1351] {strides = array<i32>} : memref<48x128xf32, #tpu.memory_space<vmem>>, vector<16xf32>,
            tpu.vector_store %arg26[%swap3A_1350, %swap3A_1351], %mul3A_1349 {strides = array<i32>} : memref<48x128xf32, #tpu.memory_space<vmem>>, vector<16xf32>,
          }
          %scan3A_1159 = arith.constant 48 : i32
          %get3A_1160 = arith.constant 0 : i32
          %get3A_1161 = arith.index_cast %get3A_1160 : i32 to index
          %get3A_1162 = arith.constant 0 : index
          %get3A_1163 = tpu.vector_load %arg15[%get3A_1161, %get3A_1162] {strides = array<i32>} : memref<1x48xi32, #tpu.memory_space<vmem>>, vector<16xi32>,
          %swap3A_1164 = arith.constant 0 : i32
          %swap3A_1165 = arith.index_cast %swap3A_1164 : i32 to index
          %swap3A_1166 = arith.constant 0 : index
          %swap3A_1167 = tpu.vector_load %arg19[%swap3A_1165, %swap3A_1166] {strides = array<i32>} : memref<1x48xi32, #tpu.memory_space<vmem>>, vector<16xi32>,
          tpu.vector_store %arg19[%swap3A_1165, %swap3A_1166], %get3A_1163 {strides = array<i32>} : memref<1x48xi32, #tpu.memory_space<vmem>>, vector<16xi32>,
          %get3A_1168 = arith.constant 0 : i32
          %get3A_1169 = arith.index_cast %get3A_1168 : i32 to index
          %get3A_1170 = arith.constant 0 : index
          %get3A_1171 = tpu.vector_load %arg17[%get3A_1169, %get3A_1170] {strides = array<i32>} : memref<1x48xi32, #tpu.memory_space<vmem>>, vector<16xi32>,
          %swap3A_1172 = arith.constant 0 : i32
          %swap3A_1173 = arith.index_cast %swap3A_1172 : i32 to index
          %swap3A_1174 = arith.constant 0 : index
          %swap3A_1175 = tpu.vector_load %arg20[%swap3A_1173, %swap3A_1174] {strides = array<i32>} : memref<1x48xi32, #tpu.memory_space<vmem>>, vector<16xi32>,
          tpu.vector_store %arg20[%swap3A_1173, %swap3A_1174], %get3A_1171 {strides = array<i32>} : memref<1x48xi32, #tpu.memory_space<vmem>>, vector<16xi32>,
          %get3A_1176 = arith.constant 0 : i32
          %get3A_1177 = arith.index_cast %get3A_1176 : i32 to index
          %get3A_1178 = arith.constant 16 : index
          %get3A_1179 = tpu.vector_load %arg15[%get3A_1177, %get3A_1178] {strides = array<i32>} : memref<1x48xi32, #tpu.memory_space<vmem>>, vector<16xi32>,
          %swap3A_1180 = arith.constant 0 : i32
          %swap3A_1181 = arith.index_cast %swap3A_1180 : i32 to index
          %swap3A_1182 = arith.constant 16 : index
          %swap3A_1183 = tpu.vector_load %arg19[%swap3A_1181, %swap3A_1182] {strides = array<i32>} : memref<1x48xi32, #tpu.memory_space<vmem>>, vector<16xi32>,
          tpu.vector_store %arg19[%swap3A_1181, %swap3A_1182], %get3A_1179 {strides = array<i32>} : memref<1x48xi32, #tpu.memory_space<vmem>>, vector<16xi32>,
          %get3A_1184 = arith.constant 0 : i32
          %get3A_1185 = arith.index_cast %get3A_1184 : i32 to index
          %get3A_1186 = arith.constant 16 : index
          %get3A_1187 = tpu.vector_load %arg17[%get3A_1185, %get3A_1186] {strides = array<i32>} : memref<1x48xi32, #tpu.memory_space<vmem>>, vector<16xi32>,
          %swap3A_1188 = arith.constant 0 : i32
          %swap3A_1189 = arith.index_cast %swap3A_1188 : i32 to index
          %swap3A_1190 = arith.constant 16 : index
          %swap3A_1191 = tpu.vector_load %arg20[%swap3A_1189, %swap3A_1190] {strides = array<i32>} : memref<1x48xi32, #tpu.memory_space<vmem>>, vector<16xi32>,
          tpu.vector_store %arg20[%swap3A_1189, %swap3A_1190], %get3A_1187 {strides = array<i32>} : memref<1x48xi32, #tpu.memory_space<vmem>>, vector<16xi32>,
          %get3A_1192 = arith.constant 0 : i32
          %get3A_1193 = arith.index_cast %get3A_1192 : i32 to index
          %get3A_1194 = arith.constant 32 : index
          %get3A_1195 = tpu.vector_load %arg15[%get3A_1193, %get3A_1194] {strides = array<i32>} : memref<1x48xi32, #tpu.memory_space<vmem>>, vector<16xi32>,
          %swap3A_1196 = arith.constant 0 : i32
          %swap3A_1197 = arith.index_cast %swap3A_1196 : i32 to index
          %swap3A_1198 = arith.constant 32 : index
          %swap3A_1199 = tpu.vector_load %arg19[%swap3A_1197, %swap3A_1198] {strides = array<i32>} : memref<1x48xi32, #tpu.memory_space<vmem>>, vector<16xi32>,
          tpu.vector_store %arg19[%swap3A_1197, %swap3A_1198], %get3A_1195 {strides = array<i32>} : memref<1x48xi32, #tpu.memory_space<vmem>>, vector<16xi32>,
          %get3A_1200 = arith.constant 0 : i32
          %get3A_1201 = arith.index_cast %get3A_1200 : i32 to index
          %get3A_1202 = arith.constant 32 : index
          %get3A_1203 = tpu.vector_load %arg17[%get3A_1201, %get3A_1202] {strides = array<i32>} : memref<1x48xi32, #tpu.memory_space<vmem>>, vector<16xi32>,
          %swap3A_1204 = arith.constant 0 : i32
          %swap3A_1205 = arith.index_cast %swap3A_1204 : i32 to index
          %swap3A_1206 = arith.constant 32 : index
          %swap3A_1207 = tpu.vector_load %arg20[%swap3A_1205, %swap3A_1206] {strides = array<i32>} : memref<1x48xi32, #tpu.memory_space<vmem>>, vector<16xi32>,
          tpu.vector_store %arg20[%swap3A_1205, %swap3A_1206], %get3A_1203 {strides = array<i32>} : memref<1x48xi32, #tpu.memory_space<vmem>>, vector<16xi32>,
          %dma_start3A_1208 = arith.constant 0 : i32
          %dma_start3A_1209 = arith.constant 0 : i32
          %dma_start3A_1210 = tpu.memref_slice %arg19[%dma_start3A_1208, %dma_start3A_1209] : memref<1x48xi32, #tpu.memory_space<vmem>> -> memref<1x48xi32, #tpu.memory_space<vmem>>
          %dma_start3A_1211 = tpu.memref_squeeze %dma_start3A_1210 : memref<1x48xi32, #tpu.memory_space<vmem>> -> memref<48xi32, #tpu.memory_space<vmem>>
          %dma_start3A_1212 = arith.constant 0 : i32
          %dma_start3A_1213 = arith.constant 0 : i32
          %dma_start3A_1214 = tpu.memref_slice %arg27[%dma_start3A_1212, %dma_start3A_1213] : memref<10000x128xf32, #tpu.memory_space<vmem_shared>> -> memref<10000x128xf32, #tpu.memory_space<vmem_shared>>
          tpu.enqueue_indirect_dma source(%arg25 : memref<48x128xf32, #tpu.memory_space<vmem>>) target(%dma_start3A_1214 : memref<10000x128xf32, #tpu.memory_space<vmem_shared>>) offsets(%dma_start3A_1211 : memref<48xi32, #tpu.memory_space<vmem>>) semaphore(%arg33 : memref<!tpu.dma_semaphore, #tpu.memory_space<semaphore_mem>>) {add = true}
          %dma_start3A_1215 = arith.constant 0 : i32
          %dma_start3A_1216 = arith.constant 0 : i32
          %dma_start3A_1217 = tpu.memref_slice %arg20[%dma_start3A_1215, %dma_start3A_1216] : memref<1x48xi32, #tpu.memory_space<vmem>> -> memref<1x48xi32, #tpu.memory_space<vmem>>
          %dma_start3A_1218 = tpu.memref_squeeze %dma_start3A_1217 : memref<1x48xi32, #tpu.memory_space<vmem>> -> memref<48xi32, #tpu.memory_space<vmem>>
          %dma_start3A_1219 = arith.constant 0 : i32
          %dma_start3A_1220 = arith.constant 0 : i32
          %dma_start3A_1221 = tpu.memref_slice %arg27[%dma_start3A_1219, %dma_start3A_1220] : memref<10000x128xf32, #tpu.memory_space<vmem_shared>> -> memref<10000x128xf32, #tpu.memory_space<vmem_shared>>
          tpu.enqueue_indirect_dma source(%arg26 : memref<48x128xf32, #tpu.memory_space<vmem>>) target(%dma_start3A_1221 : memref<10000x128xf32, #tpu.memory_space<vmem_shared>>) offsets(%dma_start3A_1218 : memref<48xi32, #tpu.memory_space<vmem>>) semaphore(%arg33 : memref<!tpu.dma_semaphore, #tpu.memory_space<semaphore_mem>>) {add = true}
          %add3A_1222 = arith.constant 2 : i32
          %add3A_1223 = arith.addi %add3A_1136, %add3A_1222 : i32
          %lt3A_1224 = arith.cmpi slt, %add3A_1223, %div3A_1100 : i32
          %convert_element_type3A_1225 = arith.extui %lt3A_1224 : i1 to i32
          %cond3A_1226 = arith.constant 0 : i32
          %cond3A_1227 = arith.cmpi ne, %convert_element_type3A_1225, %cond3A_1226 : i32
          scf.if %cond3A_1227 {
            %add3A_1234 = arith.constant 2 : i32
            %add3A_1235 = arith.addi %add3A_1136, %add3A_1234 : i32
            %mul3A_1236 = arith.constant 48 : i32
            %mul3A_1237 = arith.muli %add3A_1235, %mul3A_1236 : i32
            %add3A_1238 = arith.constant 0 : i32
            %add3A_1239 = arith.addi %mul3A_1237, %add3A_1238 : i32
            %get3A_1240 = arith.index_cast %add3A_1239 : i32 to index
            %get3A_1241 = tpu.vector_load %arg13[%get3A_1240] {strides = array<i32>} : memref<10304xi32, #tpu.memory_space<vmem>>, vector<16xi32>,
            %shift_right_logical3A = arith.constant 15 : i32
            %shift_right_logical3A_1242 = vector.broadcast %shift_right_logical3A : i32 to vector<16xi32>
            %shift_right_logical3A_1243 = arith.shrui %get3A_1241, %shift_right_logical3A_1242 : vector<16xi32>
            %swap3A_1244 = arith.constant 0 : i32
            %swap3A_1245 = arith.index_cast %swap3A_1244 : i32 to index
            %swap3A_1246 = arith.constant 0 : index
            %swap3A_1247 = tpu.vector_load %arg15[%swap3A_1245, %swap3A_1246] {strides = array<i32>} : memref<1x48xi32, #tpu.memory_space<vmem>>, vector<16xi32>,
            tpu.vector_store %arg15[%swap3A_1245, %swap3A_1246], %shift_right_logical3A_1243 {strides = array<i32>} : memref<1x48xi32, #tpu.memory_space<vmem>>, vector<16xi32>,
            %or3A_1248 = arith.constant 1 : i32
            %or3A_1249 = vector.broadcast %or3A_1248 : i32 to vector<16xi32>
            %or3A_1250 = arith.ori %shift_right_logical3A_1243, %or3A_1249 : vector<16xi32>
            %swap3A_1251 = arith.constant 0 : i32
            %swap3A_1252 = arith.index_cast %swap3A_1251 : i32 to index
            %swap3A_1253 = arith.constant 0 : index
            %swap3A_1254 = tpu.vector_load %arg17[%swap3A_1252, %swap3A_1253] {strides = array<i32>} : memref<1x48xi32, #tpu.memory_space<vmem>>, vector<16xi32>,
            tpu.vector_store %arg17[%swap3A_1252, %swap3A_1253], %or3A_1250 {strides = array<i32>} : memref<1x48xi32, #tpu.memory_space<vmem>>, vector<16xi32>,
            %and3A_1255 = arith.constant 65535 : i32
            %and3A_1256 = vector.broadcast %and3A_1255 : i32 to vector<16xi32>
            %and3A_1257 = arith.andi %get3A_1241, %and3A_1256 : vector<16xi32>
            %swap3A_1258 = arith.constant 0 : i32
            %swap3A_1259 = arith.index_cast %swap3A_1258 : i32 to index
            %swap3A_1260 = arith.constant 0 : index
            %swap3A_1261 = tpu.vector_load %arg21[%swap3A_1259, %swap3A_1260] {strides = array<i32>} : memref<1x48xi32, #tpu.memory_space<vmem>>, vector<16xi32>,
            tpu.vector_store %arg21[%swap3A_1259, %swap3A_1260], %and3A_1257 {strides = array<i32>} : memref<1x48xi32, #tpu.memory_space<vmem>>, vector<16xi32>,
            %mul3A_1262 = arith.constant 48 : i32
            %mul3A_1263 = arith.muli %add3A_1235, %mul3A_1262 : i32
            %add3A_1264 = arith.constant 16 : i32
            %add3A_1265 = arith.addi %mul3A_1263, %add3A_1264 : i32
            %get3A_1266 = arith.index_cast %add3A_1265 : i32 to index
            %get3A_1267 = tpu.vector_load %arg13[%get3A_1266] {strides = array<i32>} : memref<10304xi32, #tpu.memory_space<vmem>>, vector<16xi32>,
            %shift_right_logical3A_1268 = arith.constant 15 : i32
            %shift_right_logical3A_1269 = vector.broadcast %shift_right_logical3A_1268 : i32 to vector<16xi32>
            %shift_right_logical3A_1270 = arith.shrui %get3A_1267, %shift_right_logical3A_1269 : vector<16xi32>
            %swap3A_1271 = arith.constant 0 : i32
            %swap3A_1272 = arith.index_cast %swap3A_1271 : i32 to index
            %swap3A_1273 = arith.constant 16 : index
            %swap3A_1274 = tpu.vector_load %arg15[%swap3A_1272, %swap3A_1273] {strides = array<i32>} : memref<1x48xi32, #tpu.memory_space<vmem>>, vector<16xi32>,
            tpu.vector_store %arg15[%swap3A_1272, %swap3A_1273], %shift_right_logical3A_1270 {strides = array<i32>} : memref<1x48xi32, #tpu.memory_space<vmem>>, vector<16xi32>,
            %or3A_1275 = arith.constant 1 : i32
            %or3A_1276 = vector.broadcast %or3A_1275 : i32 to vector<16xi32>
            %or3A_1277 = arith.ori %shift_right_logical3A_1270, %or3A_1276 : vector<16xi32>
            %swap3A_1278 = arith.constant 0 : i32
            %swap3A_1279 = arith.index_cast %swap3A_1278 : i32 to index
            %swap3A_1280 = arith.constant 16 : index
            %swap3A_1281 = tpu.vector_load %arg17[%swap3A_1279, %swap3A_1280] {strides = array<i32>} : memref<1x48xi32, #tpu.memory_space<vmem>>, vector<16xi32>,
            tpu.vector_store %arg17[%swap3A_1279, %swap3A_1280], %or3A_1277 {strides = array<i32>} : memref<1x48xi32, #tpu.memory_space<vmem>>, vector<16xi32>,
            %and3A_1282 = arith.constant 65535 : i32
            %and3A_1283 = vector.broadcast %and3A_1282 : i32 to vector<16xi32>
            %and3A_1284 = arith.andi %get3A_1267, %and3A_1283 : vector<16xi32>
            %swap3A_1285 = arith.constant 0 : i32
            %swap3A_1286 = arith.index_cast %swap3A_1285 : i32 to index
            %swap3A_1287 = arith.constant 16 : index
            %swap3A_1288 = tpu.vector_load %arg21[%swap3A_1286, %swap3A_1287] {strides = array<i32>} : memref<1x48xi32, #tpu.memory_space<vmem>>, vector<16xi32>,
            tpu.vector_store %arg21[%swap3A_1286, %swap3A_1287], %and3A_1284 {strides = array<i32>} : memref<1x48xi32, #tpu.memory_space<vmem>>, vector<16xi32>,
            %mul3A_1289 = arith.constant 48 : i32
            %mul3A_1290 = arith.muli %add3A_1235, %mul3A_1289 : i32
            %add3A_1291 = arith.constant 32 : i32
            %add3A_1292 = arith.addi %mul3A_1290, %add3A_1291 : i32
            %get3A_1293 = arith.index_cast %add3A_1292 : i32 to index
            %get3A_1294 = tpu.vector_load %arg13[%get3A_1293] {strides = array<i32>} : memref<10304xi32, #tpu.memory_space<vmem>>, vector<16xi32>,
            %shift_right_logical3A_1295 = arith.constant 15 : i32
            %shift_right_logical3A_1296 = vector.broadcast %shift_right_logical3A_1295 : i32 to vector<16xi32>
            %shift_right_logical3A_1297 = arith.shrui %get3A_1294, %shift_right_logical3A_1296 : vector<16xi32>
            %swap3A_1298 = arith.constant 0 : i32
            %swap3A_1299 = arith.index_cast %swap3A_1298 : i32 to index
            %swap3A_1300 = arith.constant 32 : index
            %swap3A_1301 = tpu.vector_load %arg15[%swap3A_1299, %swap3A_1300] {strides = array<i32>} : memref<1x48xi32, #tpu.memory_space<vmem>>, vector<16xi32>,
            tpu.vector_store %arg15[%swap3A_1299, %swap3A_1300], %shift_right_logical3A_1297 {strides = array<i32>} : memref<1x48xi32, #tpu.memory_space<vmem>>, vector<16xi32>,
            %or3A_1302 = arith.constant 1 : i32
            %or3A_1303 = vector.broadcast %or3A_1302 : i32 to vector<16xi32>
            %or3A_1304 = arith.ori %shift_right_logical3A_1297, %or3A_1303 : vector<16xi32>
            %swap3A_1305 = arith.constant 0 : i32
            %swap3A_1306 = arith.index_cast %swap3A_1305 : i32 to index
            %swap3A_1307 = arith.constant 32 : index
            %swap3A_1308 = tpu.vector_load %arg17[%swap3A_1306, %swap3A_1307] {strides = array<i32>} : memref<1x48xi32, #tpu.memory_space<vmem>>, vector<16xi32>,
            tpu.vector_store %arg17[%swap3A_1306, %swap3A_1307], %or3A_1304 {strides = array<i32>} : memref<1x48xi32, #tpu.memory_space<vmem>>, vector<16xi32>,
            %and3A_1309 = arith.constant 65535 : i32
            %and3A_1310 = vector.broadcast %and3A_1309 : i32 to vector<16xi32>
            %and3A_1311 = arith.andi %get3A_1294, %and3A_1310 : vector<16xi32>
            %swap3A_1312 = arith.constant 0 : i32
            %swap3A_1313 = arith.index_cast %swap3A_1312 : i32 to index
            %swap3A_1314 = arith.constant 32 : index
            %swap3A_1315 = tpu.vector_load %arg21[%swap3A_1313, %swap3A_1314] {strides = array<i32>} : memref<1x48xi32, #tpu.memory_space<vmem>>, vector<16xi32>,
            tpu.vector_store %arg21[%swap3A_1313, %swap3A_1314], %and3A_1311 {strides = array<i32>} : memref<1x48xi32, #tpu.memory_space<vmem>>, vector<16xi32>,
            %add3A_1316 = arith.constant 2 : i32
            %add3A_1317 = arith.addi %add3A_1136, %add3A_1316 : i32
            %dma_start3A_1318 = arith.constant 0 : i32
            %dma_start3A_1319 = arith.constant 0 : i32
            %dma_start3A_1320 = tpu.memref_slice %arg21[%dma_start3A_1318, %dma_start3A_1319] : memref<1x48xi32, #tpu.memory_space<vmem>> -> memref<1x48xi32, #tpu.memory_space<vmem>>
            %dma_start3A_1321 = tpu.memref_squeeze %dma_start3A_1320 : memref<1x48xi32, #tpu.memory_space<vmem>> -> memref<48xi32, #tpu.memory_space<vmem>>
            %dma_start3A_1322 = arith.constant 0 : i32
            %dma_start3A_1323 = arith.constant 0 : i32
            %dma_start3A_1324 = tpu.memref_slice %arg2[%dma_start3A_1322, %dma_start3A_1323] : memref<10000x128xf32, #tpu.memory_space<hbm>> -> memref<10000x128xf32, #tpu.memory_space<hbm>>
            tpu.enqueue_indirect_dma source(%dma_start3A_1324 : memref<10000x128xf32, #tpu.memory_space<hbm>>) target(%arg23 : memref<48x128xf32, #tpu.memory_space<vmem>>) offsets(%dma_start3A_1321 : memref<48xi32, #tpu.memory_space<vmem>>) semaphore(%arg29 : memref<!tpu.dma_semaphore, #tpu.memory_space<semaphore_mem>>)
          } else {
          }
          %add3A_1228 = arith.constant 1 : i32
          %add3A_1229 = arith.addi %add3A_1136, %add3A_1228 : i32
          %lt3A_1230 = arith.cmpi slt, %add3A_1229, %div3A_1100 : i32
          %convert_element_type3A_1231 = arith.extui %lt3A_1230 : i1 to i32
          %cond3A_1232 = arith.constant 0 : i32
          %cond3A_1233 = arith.cmpi ne, %convert_element_type3A_1231, %cond3A_1232 : i32
          scf.if %cond3A_1233 {
            %dma_wait3A_1234 = arith.constant 0 : i32
            %dma_wait3A_1235 = arith.constant 0 : i32
            %dma_wait3A_1236 = tpu.memref_slice %arg22[%dma_wait3A_1234, %dma_wait3A_1235] : memref<1x48xi32, #tpu.memory_space<vmem>> -> memref<1x48xi32, #tpu.memory_space<vmem>>
            %dma_wait3A_1237 = tpu.memref_squeeze %dma_wait3A_1236 : memref<1x48xi32, #tpu.memory_space<vmem>> -> memref<48xi32, #tpu.memory_space<vmem>>
            %dma_wait3A_1238 = arith.constant 0 : i32
            %dma_wait3A_1239 = arith.constant 0 : i32
            %dma_wait3A_1240 = tpu.memref_slice %arg2[%dma_wait3A_1238, %dma_wait3A_1239] : memref<10000x128xf32, #tpu.memory_space<hbm>> -> memref<10000x128xf32, #tpu.memory_space<hbm>>
            tpu.wait_indirect_dma semaphore(%arg30 : memref<!tpu.dma_semaphore, #tpu.memory_space<semaphore_mem>>) src(%dma_wait3A_1240 : memref<10000x128xf32, #tpu.memory_space<hbm>>) dst(%arg24 : memref<48x128xf32, #tpu.memory_space<vmem>>)
            %dma_wait3A_1241 = arith.constant 0 : i32
            %dma_wait3A_1242 = arith.constant 0 : i32
            %dma_wait3A_1243 = tpu.memref_slice %arg19[%dma_wait3A_1241, %dma_wait3A_1242] : memref<1x48xi32, #tpu.memory_space<vmem>> -> memref<1x48xi32, #tpu.memory_space<vmem>>
            %dma_wait3A_1244 = tpu.memref_squeeze %dma_wait3A_1243 : memref<1x48xi32, #tpu.memory_space<vmem>> -> memref<48xi32, #tpu.memory_space<vmem>>
            %dma_wait3A_1245 = arith.constant 0 : i32
            %dma_wait3A_1246 = arith.constant 0 : i32
            %dma_wait3A_1247 = tpu.memref_slice %arg27[%dma_wait3A_1245, %dma_wait3A_1246] : memref<10000x128xf32, #tpu.memory_space<vmem_shared>> -> memref<10000x128xf32, #tpu.memory_space<vmem_shared>>
            tpu.wait_indirect_dma semaphore(%arg33 : memref<!tpu.dma_semaphore, #tpu.memory_space<semaphore_mem>>) src(%arg25 : memref<48x128xf32, #tpu.memory_space<vmem>>) dst(%dma_wait3A_1247 : memref<10000x128xf32, #tpu.memory_space<vmem_shared>>)
            %dma_wait3A_1248 = arith.constant 0 : i32
            %dma_wait3A_1249 = arith.constant 0 : i32
            %dma_wait3A_1250 = tpu.memref_slice %arg20[%dma_wait3A_1248, %dma_wait3A_1249] : memref<1x48xi32, #tpu.memory_space<vmem>> -> memref<1x48xi32, #tpu.memory_space<vmem>>
            %dma_wait3A_1251 = tpu.memref_squeeze %dma_wait3A_1250 : memref<1x48xi32, #tpu.memory_space<vmem>> -> memref<48xi32, #tpu.memory_space<vmem>>
            %dma_wait3A_1252 = arith.constant 0 : i32
            %dma_wait3A_1253 = arith.constant 0 : i32
            %dma_wait3A_1254 = tpu.memref_slice %arg27[%dma_wait3A_1252, %dma_wait3A_1253] : memref<10000x128xf32, #tpu.memory_space<vmem_shared>> -> memref<10000x128xf32, #tpu.memory_space<vmem_shared>>
            tpu.wait_indirect_dma semaphore(%arg33 : memref<!tpu.dma_semaphore, #tpu.memory_space<semaphore_mem>>) src(%arg26 : memref<48x128xf32, #tpu.memory_space<vmem>>) dst(%dma_wait3A_1254 : memref<10000x128xf32, #tpu.memory_space<vmem_shared>>)
            %add3A_1255 = arith.constant 1 : i32
            %add3A_1256 = arith.addi %add3A_1136, %add3A_1255 : i32
            %scan3A_1257 = arith.constant 0 : i32
            %scan3A_1258 = arith.constant 48 : i32
            %scan3A_1259 = arith.addi %scan3A_1257, %scan3A_1258 : i32
            %scan3A_1260 = arith.constant 1 : i32
            scf.for %scan3A_1324 = %scan3A_1257 to %scan3A_1259 step %scan3A_1260  : i32 {
              %mul3A_1325 = arith.constant 1 : i32
              %mul3A_1326 = arith.muli %scan3A_1324, %mul3A_1325 : i32
              %add3A_1327 = arith.constant 0 : i32
              %add3A_1328 = arith.addi %add3A_1327, %mul3A_1326 : i32
              %mul3A_1329 = arith.constant 48 : i32
              %mul3A_1330 = arith.muli %add3A_1256, %mul3A_1329 : i32
              %add3A_1331 = arith.addi %mul3A_1330, %add3A_1328 : i32
              %broadcast_in_dim3A_1332 = vector.broadcast %add3A_1331 : i32 to vector<16xi32>
              %gather3A = tpu.vector_load_idx %arg14[%broadcast_in_dim3A_1332] : memref<10304xf32, #tpu.memory_space<vmem>>[vector<16xi32>], vector<16xf32>,
              %get3A_1333 = arith.index_cast %add3A_1328 : i32 to index
              %get3A_1334 = arith.constant 0 : index
              %get3A_1335 = tpu.vector_load %arg24[%get3A_1333, %get3A_1334] {strides = array<i32>} : memref<48x128xf32, #tpu.memory_space<vmem>>, vector<16xf32>,
              %bitcast3A = vector.bitcast %get3A_1335 : vector<16xf32> to vector<32xbf16>
              %unpack3A = tpu.unpack_subelements %bitcast3A, 0 {pack_format = #tpu.pack_format<interleaved>} : vector<32xbf16> -> vector<16xf32>
              %unpack3A_1336 = tpu.unpack_subelements %bitcast3A, 1 {pack_format = #tpu.pack_format<interleaved>} : vector<32xbf16> -> vector<16xf32>
              %mul3A_1337 = arith.mulf %unpack3A, %gather3A : vector<16xf32>
              %swap3A_1338 = arith.index_cast %add3A_1328 : i32 to index
              %swap3A_1339 = arith.constant 0 : index
              %swap3A_1340 = tpu.vector_load %arg25[%swap3A_1338, %swap3A_1339] {strides = array<i32>} : memref<48x128xf32, #tpu.memory_space<vmem>>, vector<16xf32>,
              tpu.vector_store %arg25[%swap3A_1338, %swap3A_1339], %mul3A_1337 {strides = array<i32>} : memref<48x128xf32, #tpu.memory_space<vmem>>, vector<16xf32>,
              %mul3A_1341 = arith.mulf %unpack3A_1336, %gather3A : vector<16xf32>
              %swap3A_1342 = arith.index_cast %add3A_1328 : i32 to index
              %swap3A_1343 = arith.constant 16 : index
              %swap3A_1344 = tpu.vector_load %arg25[%swap3A_1342, %swap3A_1343] {strides = array<i32>} : memref<48x128xf32, #tpu.memory_space<vmem>>, vector<16xf32>,
              tpu.vector_store %arg25[%swap3A_1342, %swap3A_1343], %mul3A_1341 {strides = array<i32>} : memref<48x128xf32, #tpu.memory_space<vmem>>, vector<16xf32>,
              %get3A_1345 = arith.index_cast %add3A_1328 : i32 to index
              %get3A_1346 = arith.constant 16 : index
              %get3A_1347 = tpu.vector_load %arg24[%get3A_1345, %get3A_1346] {strides = array<i32>} : memref<48x128xf32, #tpu.memory_space<vmem>>, vector<16xf32>,
              %bitcast3A_1348 = vector.bitcast %get3A_1347 : vector<16xf32> to vector<32xbf16>
              %unpack3A_1349 = tpu.unpack_subelements %bitcast3A_1348, 0 {pack_format = #tpu.pack_format<interleaved>} : vector<32xbf16> -> vector<16xf32>
              %unpack3A_1350 = tpu.unpack_subelements %bitcast3A_1348, 1 {pack_format = #tpu.pack_format<interleaved>} : vector<32xbf16> -> vector<16xf32>
              %mul3A_1351 = arith.mulf %unpack3A_1349, %gather3A : vector<16xf32>
              %swap3A_1352 = arith.index_cast %add3A_1328 : i32 to index
              %swap3A_1353 = arith.constant 32 : index
              %swap3A_1354 = tpu.vector_load %arg25[%swap3A_1352, %swap3A_1353] {strides = array<i32>} : memref<48x128xf32, #tpu.memory_space<vmem>>, vector<16xf32>,
              tpu.vector_store %arg25[%swap3A_1352, %swap3A_1353], %mul3A_1351 {strides = array<i32>} : memref<48x128xf32, #tpu.memory_space<vmem>>, vector<16xf32>,
              %mul3A_1355 = arith.mulf %unpack3A_1350, %gather3A : vector<16xf32>
              %swap3A_1356 = arith.index_cast %add3A_1328 : i32 to index
              %swap3A_1357 = arith.constant 48 : index
              %swap3A_1358 = tpu.vector_load %arg25[%swap3A_1356, %swap3A_1357] {strides = array<i32>} : memref<48x128xf32, #tpu.memory_space<vmem>>, vector<16xf32>,
              tpu.vector_store %arg25[%swap3A_1356, %swap3A_1357], %mul3A_1355 {strides = array<i32>} : memref<48x128xf32, #tpu.memory_space<vmem>>, vector<16xf32>,
              %get3A_1359 = arith.index_cast %add3A_1328 : i32 to index
              %get3A_1360 = arith.constant 32 : index
              %get3A_1361 = tpu.vector_load %arg24[%get3A_1359, %get3A_1360] {strides = array<i32>} : memref<48x128xf32, #tpu.memory_space<vmem>>, vector<16xf32>,
              %bitcast3A_1362 = vector.bitcast %get3A_1361 : vector<16xf32> to vector<32xbf16>
              %unpack3A_1363 = tpu.unpack_subelements %bitcast3A_1362, 0 {pack_format = #tpu.pack_format<interleaved>} : vector<32xbf16> -> vector<16xf32>
              %unpack3A_1364 = tpu.unpack_subelements %bitcast3A_1362, 1 {pack_format = #tpu.pack_format<interleaved>} : vector<32xbf16> -> vector<16xf32>
              %mul3A_1365 = arith.mulf %unpack3A_1363, %gather3A : vector<16xf32>
              %swap3A_1366 = arith.index_cast %add3A_1328 : i32 to index
              %swap3A_1367 = arith.constant 64 : index
              %swap3A_1368 = tpu.vector_load %arg25[%swap3A_1366, %swap3A_1367] {strides = array<i32>} : memref<48x128xf32, #tpu.memory_space<vmem>>, vector<16xf32>,
              tpu.vector_store %arg25[%swap3A_1366, %swap3A_1367], %mul3A_1365 {strides = array<i32>} : memref<48x128xf32, #tpu.memory_space<vmem>>, vector<16xf32>,
              %mul3A_1369 = arith.mulf %unpack3A_1364, %gather3A : vector<16xf32>
              %swap3A_1370 = arith.index_cast %add3A_1328 : i32 to index
              %swap3A_1371 = arith.constant 80 : index
              %swap3A_1372 = tpu.vector_load %arg25[%swap3A_1370, %swap3A_1371] {strides = array<i32>} : memref<48x128xf32, #tpu.memory_space<vmem>>, vector<16xf32>,
              tpu.vector_store %arg25[%swap3A_1370, %swap3A_1371], %mul3A_1369 {strides = array<i32>} : memref<48x128xf32, #tpu.memory_space<vmem>>, vector<16xf32>,
              %get3A_1373 = arith.index_cast %add3A_1328 : i32 to index
              %get3A_1374 = arith.constant 48 : index
              %get3A_1375 = tpu.vector_load %arg24[%get3A_1373, %get3A_1374] {strides = array<i32>} : memref<48x128xf32, #tpu.memory_space<vmem>>, vector<16xf32>,
              %bitcast3A_1376 = vector.bitcast %get3A_1375 : vector<16xf32> to vector<32xbf16>
              %unpack3A_1377 = tpu.unpack_subelements %bitcast3A_1376, 0 {pack_format = #tpu.pack_format<interleaved>} : vector<32xbf16> -> vector<16xf32>
              %unpack3A_1378 = tpu.unpack_subelements %bitcast3A_1376, 1 {pack_format = #tpu.pack_format<interleaved>} : vector<32xbf16> -> vector<16xf32>
              %mul3A_1379 = arith.mulf %unpack3A_1377, %gather3A : vector<16xf32>
              %swap3A_1380 = arith.index_cast %add3A_1328 : i32 to index
              %swap3A_1381 = arith.constant 96 : index
              %swap3A_1382 = tpu.vector_load %arg25[%swap3A_1380, %swap3A_1381] {strides = array<i32>} : memref<48x128xf32, #tpu.memory_space<vmem>>, vector<16xf32>,
              tpu.vector_store %arg25[%swap3A_1380, %swap3A_1381], %mul3A_1379 {strides = array<i32>} : memref<48x128xf32, #tpu.memory_space<vmem>>, vector<16xf32>,
              %mul3A_1383 = arith.mulf %unpack3A_1378, %gather3A : vector<16xf32>
              %swap3A_1384 = arith.index_cast %add3A_1328 : i32 to index
              %swap3A_1385 = arith.constant 112 : index
              %swap3A_1386 = tpu.vector_load %arg25[%swap3A_1384, %swap3A_1385] {strides = array<i32>} : memref<48x128xf32, #tpu.memory_space<vmem>>, vector<16xf32>,
              tpu.vector_store %arg25[%swap3A_1384, %swap3A_1385], %mul3A_1383 {strides = array<i32>} : memref<48x128xf32, #tpu.memory_space<vmem>>, vector<16xf32>,
              %get3A_1387 = arith.index_cast %add3A_1328 : i32 to index
              %get3A_1388 = arith.constant 64 : index
              %get3A_1389 = tpu.vector_load %arg24[%get3A_1387, %get3A_1388] {strides = array<i32>} : memref<48x128xf32, #tpu.memory_space<vmem>>, vector<16xf32>,
              %bitcast3A_1390 = vector.bitcast %get3A_1389 : vector<16xf32> to vector<32xbf16>
              %unpack3A_1391 = tpu.unpack_subelements %bitcast3A_1390, 0 {pack_format = #tpu.pack_format<interleaved>} : vector<32xbf16> -> vector<16xf32>
              %unpack3A_1392 = tpu.unpack_subelements %bitcast3A_1390, 1 {pack_format = #tpu.pack_format<interleaved>} : vector<32xbf16> -> vector<16xf32>
              %mul3A_1393 = arith.mulf %unpack3A_1391, %gather3A : vector<16xf32>
              %swap3A_1394 = arith.index_cast %add3A_1328 : i32 to index
              %swap3A_1395 = arith.constant 0 : index
              %swap3A_1396 = tpu.vector_load %arg26[%swap3A_1394, %swap3A_1395] {strides = array<i32>} : memref<48x128xf32, #tpu.memory_space<vmem>>, vector<16xf32>,
              tpu.vector_store %arg26[%swap3A_1394, %swap3A_1395], %mul3A_1393 {strides = array<i32>} : memref<48x128xf32, #tpu.memory_space<vmem>>, vector<16xf32>,
              %mul3A_1397 = arith.mulf %unpack3A_1392, %gather3A : vector<16xf32>
              %swap3A_1398 = arith.index_cast %add3A_1328 : i32 to index
              %swap3A_1399 = arith.constant 16 : index
              %swap3A_1400 = tpu.vector_load %arg26[%swap3A_1398, %swap3A_1399] {strides = array<i32>} : memref<48x128xf32, #tpu.memory_space<vmem>>, vector<16xf32>,
              tpu.vector_store %arg26[%swap3A_1398, %swap3A_1399], %mul3A_1397 {strides = array<i32>} : memref<48x128xf32, #tpu.memory_space<vmem>>, vector<16xf32>,
              %get3A_1401 = arith.index_cast %add3A_1328 : i32 to index
              %get3A_1402 = arith.constant 80 : index
              %get3A_1403 = tpu.vector_load %arg24[%get3A_1401, %get3A_1402] {strides = array<i32>} : memref<48x128xf32, #tpu.memory_space<vmem>>, vector<16xf32>,
              %bitcast3A_1404 = vector.bitcast %get3A_1403 : vector<16xf32> to vector<32xbf16>
              %unpack3A_1405 = tpu.unpack_subelements %bitcast3A_1404, 0 {pack_format = #tpu.pack_format<interleaved>} : vector<32xbf16> -> vector<16xf32>
              %unpack3A_1406 = tpu.unpack_subelements %bitcast3A_1404, 1 {pack_format = #tpu.pack_format<interleaved>} : vector<32xbf16> -> vector<16xf32>
              %mul3A_1407 = arith.mulf %unpack3A_1405, %gather3A : vector<16xf32>
              %swap3A_1408 = arith.index_cast %add3A_1328 : i32 to index
              %swap3A_1409 = arith.constant 32 : index
              %swap3A_1410 = tpu.vector_load %arg26[%swap3A_1408, %swap3A_1409] {strides = array<i32>} : memref<48x128xf32, #tpu.memory_space<vmem>>, vector<16xf32>,
              tpu.vector_store %arg26[%swap3A_1408, %swap3A_1409], %mul3A_1407 {strides = array<i32>} : memref<48x128xf32, #tpu.memory_space<vmem>>, vector<16xf32>,
              %mul3A_1411 = arith.mulf %unpack3A_1406, %gather3A : vector<16xf32>
              %swap3A_1412 = arith.index_cast %add3A_1328 : i32 to index
              %swap3A_1413 = arith.constant 48 : index
              %swap3A_1414 = tpu.vector_load %arg26[%swap3A_1412, %swap3A_1413] {strides = array<i32>} : memref<48x128xf32, #tpu.memory_space<vmem>>, vector<16xf32>,
              tpu.vector_store %arg26[%swap3A_1412, %swap3A_1413], %mul3A_1411 {strides = array<i32>} : memref<48x128xf32, #tpu.memory_space<vmem>>, vector<16xf32>,
              %get3A_1415 = arith.index_cast %add3A_1328 : i32 to index
              %get3A_1416 = arith.constant 96 : index
              %get3A_1417 = tpu.vector_load %arg24[%get3A_1415, %get3A_1416] {strides = array<i32>} : memref<48x128xf32, #tpu.memory_space<vmem>>, vector<16xf32>,
              %bitcast3A_1418 = vector.bitcast %get3A_1417 : vector<16xf32> to vector<32xbf16>
              %unpack3A_1419 = tpu.unpack_subelements %bitcast3A_1418, 0 {pack_format = #tpu.pack_format<interleaved>} : vector<32xbf16> -> vector<16xf32>
              %unpack3A_1420 = tpu.unpack_subelements %bitcast3A_1418, 1 {pack_format = #tpu.pack_format<interleaved>} : vector<32xbf16> -> vector<16xf32>
              %mul3A_1421 = arith.mulf %unpack3A_1419, %gather3A : vector<16xf32>
              %swap3A_1422 = arith.index_cast %add3A_1328 : i32 to index
              %swap3A_1423 = arith.constant 64 : index
              %swap3A_1424 = tpu.vector_load %arg26[%swap3A_1422, %swap3A_1423] {strides = array<i32>} : memref<48x128xf32, #tpu.memory_space<vmem>>, vector<16xf32>,
              tpu.vector_store %arg26[%swap3A_1422, %swap3A_1423], %mul3A_1421 {strides = array<i32>} : memref<48x128xf32, #tpu.memory_space<vmem>>, vector<16xf32>,
              %mul3A_1425 = arith.mulf %unpack3A_1420, %gather3A : vector<16xf32>
              %swap3A_1426 = arith.index_cast %add3A_1328 : i32 to index
              %swap3A_1427 = arith.constant 80 : index
              %swap3A_1428 = tpu.vector_load %arg26[%swap3A_1426, %swap3A_1427] {strides = array<i32>} : memref<48x128xf32, #tpu.memory_space<vmem>>, vector<16xf32>,
              tpu.vector_store %arg26[%swap3A_1426, %swap3A_1427], %mul3A_1425 {strides = array<i32>} : memref<48x128xf32, #tpu.memory_space<vmem>>, vector<16xf32>,
              %get3A_1429 = arith.index_cast %add3A_1328 : i32 to index
              %get3A_1430 = arith.constant 112 : index
              %get3A_1431 = tpu.vector_load %arg24[%get3A_1429, %get3A_1430] {strides = array<i32>} : memref<48x128xf32, #tpu.memory_space<vmem>>, vector<16xf32>,
              %bitcast3A_1432 = vector.bitcast %get3A_1431 : vector<16xf32> to vector<32xbf16>
              %unpack3A_1433 = tpu.unpack_subelements %bitcast3A_1432, 0 {pack_format = #tpu.pack_format<interleaved>} : vector<32xbf16> -> vector<16xf32>
              %unpack3A_1434 = tpu.unpack_subelements %bitcast3A_1432, 1 {pack_format = #tpu.pack_format<interleaved>} : vector<32xbf16> -> vector<16xf32>
              %mul3A_1435 = arith.mulf %unpack3A_1433, %gather3A : vector<16xf32>
              %swap3A_1436 = arith.index_cast %add3A_1328 : i32 to index
              %swap3A_1437 = arith.constant 96 : index
              %swap3A_1438 = tpu.vector_load %arg26[%swap3A_1436, %swap3A_1437] {strides = array<i32>} : memref<48x128xf32, #tpu.memory_space<vmem>>, vector<16xf32>,
              tpu.vector_store %arg26[%swap3A_1436, %swap3A_1437], %mul3A_1435 {strides = array<i32>} : memref<48x128xf32, #tpu.memory_space<vmem>>, vector<16xf32>,
              %mul3A_1439 = arith.mulf %unpack3A_1434, %gather3A : vector<16xf32>
              %swap3A_1440 = arith.index_cast %add3A_1328 : i32 to index
              %swap3A_1441 = arith.constant 112 : index
              %swap3A_1442 = tpu.vector_load %arg26[%swap3A_1440, %swap3A_1441] {strides = array<i32>} : memref<48x128xf32, #tpu.memory_space<vmem>>, vector<16xf32>,
              tpu.vector_store %arg26[%swap3A_1440, %swap3A_1441], %mul3A_1439 {strides = array<i32>} : memref<48x128xf32, #tpu.memory_space<vmem>>, vector<16xf32>,
            }
            %scan3A_1261 = arith.constant 48 : i32
            %get3A_1262 = arith.constant 0 : i32
            %get3A_1263 = arith.index_cast %get3A_1262 : i32 to index
            %get3A_1264 = arith.constant 0 : index
            %get3A_1265 = tpu.vector_load %arg16[%get3A_1263, %get3A_1264] {strides = array<i32>} : memref<1x48xi32, #tpu.memory_space<vmem>>, vector<16xi32>,
            %swap3A_1266 = arith.constant 0 : i32
            %swap3A_1267 = arith.index_cast %swap3A_1266 : i32 to index
            %swap3A_1268 = arith.constant 0 : index
            %swap3A_1269 = tpu.vector_load %arg19[%swap3A_1267, %swap3A_1268] {strides = array<i32>} : memref<1x48xi32, #tpu.memory_space<vmem>>, vector<16xi32>,
            tpu.vector_store %arg19[%swap3A_1267, %swap3A_1268], %get3A_1265 {strides = array<i32>} : memref<1x48xi32, #tpu.memory_space<vmem>>, vector<16xi32>,
            %get3A_1270 = arith.constant 0 : i32
            %get3A_1271 = arith.index_cast %get3A_1270 : i32 to index
            %get3A_1272 = arith.constant 0 : index
            %get3A_1273 = tpu.vector_load %arg18[%get3A_1271, %get3A_1272] {strides = array<i32>} : memref<1x48xi32, #tpu.memory_space<vmem>>, vector<16xi32>,
            %swap3A_1274 = arith.constant 0 : i32
            %swap3A_1275 = arith.index_cast %swap3A_1274 : i32 to index
            %swap3A_1276 = arith.constant 0 : index
            %swap3A_1277 = tpu.vector_load %arg20[%swap3A_1275, %swap3A_1276] {strides = array<i32>} : memref<1x48xi32, #tpu.memory_space<vmem>>, vector<16xi32>,
            tpu.vector_store %arg20[%swap3A_1275, %swap3A_1276], %get3A_1273 {strides = array<i32>} : memref<1x48xi32, #tpu.memory_space<vmem>>, vector<16xi32>,
            %get3A_1278 = arith.constant 0 : i32
            %get3A_1279 = arith.index_cast %get3A_1278 : i32 to index
            %get3A_1280 = arith.constant 16 : index
            %get3A_1281 = tpu.vector_load %arg16[%get3A_1279, %get3A_1280] {strides = array<i32>} : memref<1x48xi32, #tpu.memory_space<vmem>>, vector<16xi32>,
            %swap3A_1282 = arith.constant 0 : i32
            %swap3A_1283 = arith.index_cast %swap3A_1282 : i32 to index
            %swap3A_1284 = arith.constant 16 : index
            %swap3A_1285 = tpu.vector_load %arg19[%swap3A_1283, %swap3A_1284] {strides = array<i32>} : memref<1x48xi32, #tpu.memory_space<vmem>>, vector<16xi32>,
            tpu.vector_store %arg19[%swap3A_1283, %swap3A_1284], %get3A_1281 {strides = array<i32>} : memref<1x48xi32, #tpu.memory_space<vmem>>, vector<16xi32>,
            %get3A_1286 = arith.constant 0 : i32
            %get3A_1287 = arith.index_cast %get3A_1286 : i32 to index
            %get3A_1288 = arith.constant 16 : index
            %get3A_1289 = tpu.vector_load %arg18[%get3A_1287, %get3A_1288] {strides = array<i32>} : memref<1x48xi32, #tpu.memory_space<vmem>>, vector<16xi32>,
            %swap3A_1290 = arith.constant 0 : i32
            %swap3A_1291 = arith.index_cast %swap3A_1290 : i32 to index
            %swap3A_1292 = arith.constant 16 : index
            %swap3A_1293 = tpu.vector_load %arg20[%swap3A_1291, %swap3A_1292] {strides = array<i32>} : memref<1x48xi32, #tpu.memory_space<vmem>>, vector<16xi32>,
            tpu.vector_store %arg20[%swap3A_1291, %swap3A_1292], %get3A_1289 {strides = array<i32>} : memref<1x48xi32, #tpu.memory_space<vmem>>, vector<16xi32>,
            %get3A_1294 = arith.constant 0 : i32
            %get3A_1295 = arith.index_cast %get3A_1294 : i32 to index
            %get3A_1296 = arith.constant 32 : index
            %get3A_1297 = tpu.vector_load %arg16[%get3A_1295, %get3A_1296] {strides = array<i32>} : memref<1x48xi32, #tpu.memory_space<vmem>>, vector<16xi32>,
            %swap3A_1298 = arith.constant 0 : i32
            %swap3A_1299 = arith.index_cast %swap3A_1298 : i32 to index
            %swap3A_1300 = arith.constant 32 : index
            %swap3A_1301 = tpu.vector_load %arg19[%swap3A_1299, %swap3A_1300] {strides = array<i32>} : memref<1x48xi32, #tpu.memory_space<vmem>>, vector<16xi32>,
            tpu.vector_store %arg19[%swap3A_1299, %swap3A_1300], %get3A_1297 {strides = array<i32>} : memref<1x48xi32, #tpu.memory_space<vmem>>, vector<16xi32>,
            %get3A_1302 = arith.constant 0 : i32
            %get3A_1303 = arith.index_cast %get3A_1302 : i32 to index
            %get3A_1304 = arith.constant 32 : index
            %get3A_1305 = tpu.vector_load %arg18[%get3A_1303, %get3A_1304] {strides = array<i32>} : memref<1x48xi32, #tpu.memory_space<vmem>>, vector<16xi32>,
            %swap3A_1306 = arith.constant 0 : i32
            %swap3A_1307 = arith.index_cast %swap3A_1306 : i32 to index
            %swap3A_1308 = arith.constant 32 : index
            %swap3A_1309 = tpu.vector_load %arg20[%swap3A_1307, %swap3A_1308] {strides = array<i32>} : memref<1x48xi32, #tpu.memory_space<vmem>>, vector<16xi32>,
            tpu.vector_store %arg20[%swap3A_1307, %swap3A_1308], %get3A_1305 {strides = array<i32>} : memref<1x48xi32, #tpu.memory_space<vmem>>, vector<16xi32>,
            %dma_start3A_1310 = arith.constant 0 : i32
            %dma_start3A_1311 = arith.constant 0 : i32
            %dma_start3A_1312 = tpu.memref_slice %arg19[%dma_start3A_1310, %dma_start3A_1311] : memref<1x48xi32, #tpu.memory_space<vmem>> -> memref<1x48xi32, #tpu.memory_space<vmem>>
            %dma_start3A_1313 = tpu.memref_squeeze %dma_start3A_1312 : memref<1x48xi32, #tpu.memory_space<vmem>> -> memref<48xi32, #tpu.memory_space<vmem>>
            %dma_start3A_1314 = arith.constant 0 : i32
            %dma_start3A_1315 = arith.constant 0 : i32
            %dma_start3A_1316 = tpu.memref_slice %arg27[%dma_start3A_1314, %dma_start3A_1315] : memref<10000x128xf32, #tpu.memory_space<vmem_shared>> -> memref<10000x128xf32, #tpu.memory_space<vmem_shared>>
            tpu.enqueue_indirect_dma source(%arg25 : memref<48x128xf32, #tpu.memory_space<vmem>>) target(%dma_start3A_1316 : memref<10000x128xf32, #tpu.memory_space<vmem_shared>>) offsets(%dma_start3A_1313 : memref<48xi32, #tpu.memory_space<vmem>>) semaphore(%arg33 : memref<!tpu.dma_semaphore, #tpu.memory_space<semaphore_mem>>) {add = true}
            %dma_start3A_1317 = arith.constant 0 : i32
            %dma_start3A_1318 = arith.constant 0 : i32
            %dma_start3A_1319 = tpu.memref_slice %arg20[%dma_start3A_1317, %dma_start3A_1318] : memref<1x48xi32, #tpu.memory_space<vmem>> -> memref<1x48xi32, #tpu.memory_space<vmem>>
            %dma_start3A_1320 = tpu.memref_squeeze %dma_start3A_1319 : memref<1x48xi32, #tpu.memory_space<vmem>> -> memref<48xi32, #tpu.memory_space<vmem>>
            %dma_start3A_1321 = arith.constant 0 : i32
            %dma_start3A_1322 = arith.constant 0 : i32
            %dma_start3A_1323 = tpu.memref_slice %arg27[%dma_start3A_1321, %dma_start3A_1322] : memref<10000x128xf32, #tpu.memory_space<vmem_shared>> -> memref<10000x128xf32, #tpu.memory_space<vmem_shared>>
            tpu.enqueue_indirect_dma source(%arg26 : memref<48x128xf32, #tpu.memory_space<vmem>>) target(%dma_start3A_1323 : memref<10000x128xf32, #tpu.memory_space<vmem_shared>>) offsets(%dma_start3A_1320 : memref<48xi32, #tpu.memory_space<vmem>>) semaphore(%arg33 : memref<!tpu.dma_semaphore, #tpu.memory_space<semaphore_mem>>) {add = true}
          } else {
          }
        }
        %gt3A_1125 = arith.constant 0 : i32
        %gt3A_1126 = arith.cmpi sgt, %div3A_1100, %gt3A_1125 : i32
        %convert_element_type3A_1127 = arith.extui %gt3A_1126 : i1 to i32
        %cond3A_1128 = arith.constant 0 : i32
        %cond3A_1129 = arith.cmpi ne, %convert_element_type3A_1127, %cond3A_1128 : i32
        scf.if %cond3A_1129 {
          %dma_wait3A_1134 = arith.constant 0 : i32
          %dma_wait3A_1135 = arith.constant 0 : i32
          %dma_wait3A_1136 = tpu.memref_slice %arg19[%dma_wait3A_1134, %dma_wait3A_1135] : memref<1x48xi32, #tpu.memory_space<vmem>> -> memref<1x48xi32, #tpu.memory_space<vmem>>
          %dma_wait3A_1137 = tpu.memref_squeeze %dma_wait3A_1136 : memref<1x48xi32, #tpu.memory_space<vmem>> -> memref<48xi32, #tpu.memory_space<vmem>>
          %dma_wait3A_1138 = arith.constant 0 : i32
          %dma_wait3A_1139 = arith.constant 0 : i32
          %dma_wait3A_1140 = tpu.memref_slice %arg27[%dma_wait3A_1138, %dma_wait3A_1139] : memref<10000x128xf32, #tpu.memory_space<vmem_shared>> -> memref<10000x128xf32, #tpu.memory_space<vmem_shared>>
          tpu.wait_indirect_dma semaphore(%arg33 : memref<!tpu.dma_semaphore, #tpu.memory_space<semaphore_mem>>) src(%arg25 : memref<48x128xf32, #tpu.memory_space<vmem>>) dst(%dma_wait3A_1140 : memref<10000x128xf32, #tpu.memory_space<vmem_shared>>)
          %dma_wait3A_1141 = arith.constant 0 : i32
          %dma_wait3A_1142 = arith.constant 0 : i32
          %dma_wait3A_1143 = tpu.memref_slice %arg20[%dma_wait3A_1141, %dma_wait3A_1142] : memref<1x48xi32, #tpu.memory_space<vmem>> -> memref<1x48xi32, #tpu.memory_space<vmem>>
          %dma_wait3A_1144 = tpu.memref_squeeze %dma_wait3A_1143 : memref<1x48xi32, #tpu.memory_space<vmem>> -> memref<48xi32, #tpu.memory_space<vmem>>
          %dma_wait3A_1145 = arith.constant 0 : i32
          %dma_wait3A_1146 = arith.constant 0 : i32
          %dma_wait3A_1147 = tpu.memref_slice %arg27[%dma_wait3A_1145, %dma_wait3A_1146] : memref<10000x128xf32, #tpu.memory_space<vmem_shared>> -> memref<10000x128xf32, #tpu.memory_space<vmem_shared>>
          tpu.wait_indirect_dma semaphore(%arg33 : memref<!tpu.dma_semaphore, #tpu.memory_space<semaphore_mem>>) src(%arg26 : memref<48x128xf32, #tpu.memory_space<vmem>>) dst(%dma_wait3A_1147 : memref<10000x128xf32, #tpu.memory_space<vmem_shared>>)
        } else {
        }
        %swap3A_1130 = arith.constant 0 : i32
        %swap3A_1131 = arith.constant 0 : i32
        %swap3A_1132 = arith.index_cast %swap3A_1131 : i32 to index
        %swap3A_1133 = memref.load %arg28[%swap3A_1132] : memref<1xi32, #tpu.memory_space<smem>>
        memref.store %swap3A_1130, %arg28[%swap3A_1132] : memref<1xi32, #tpu.memory_space<smem>>
      } else {
      }
    }
    %scan3A_236 = arith.constant 40 : i32
    %get3A = arith.constant 0 : i32
    %get3A_237 = arith.index_cast %get3A : i32 to index
    %get3A_238 = memref.load %arg28[%get3A_237] : memref<1xi32, #tpu.memory_space<smem>>
    %broadcast_in_dim3A = arith.constant 0.000000e+00 : f32
    %broadcast_in_dim3A_239 = vector.broadcast %broadcast_in_dim3A : f32 to vector<16xf32>
    %add3A_240 = arith.constant 0 : i32
    %add3A_241 = arith.addi %get3A_238, %add3A_240 : i32
    %swap3A_242 = arith.index_cast %add3A_241 : i32 to index
    %swap3A_243 = tpu.vector_load %arg14[%swap3A_242] {strides = array<i32>} : memref<10304xf32, #tpu.memory_space<vmem>>, vector<16xf32>,
    tpu.vector_store %arg14[%swap3A_242], %broadcast_in_dim3A_239 {strides = array<i32>} : memref<10304xf32, #tpu.memory_space<vmem>>, vector<16xf32>,
    %broadcast_in_dim3A_244 = arith.constant 0 : i32
    %broadcast_in_dim3A_245 = vector.broadcast %broadcast_in_dim3A_244 : i32 to vector<16xi32>
    %add3A_246 = arith.constant 0 : i32
    %add3A_247 = arith.addi %get3A_238, %add3A_246 : i32
    %swap3A_248 = arith.index_cast %add3A_247 : i32 to index
    %swap3A_249 = tpu.vector_load %arg13[%swap3A_248] {strides = array<i32>} : memref<10304xi32, #tpu.memory_space<vmem>>, vector<16xi32>,
    tpu.vector_store %arg13[%swap3A_248], %broadcast_in_dim3A_245 {strides = array<i32>} : memref<10304xi32, #tpu.memory_space<vmem>>, vector<16xi32>,
    %broadcast_in_dim3A_250 = arith.constant 0.000000e+00 : f32
    %broadcast_in_dim3A_251 = vector.broadcast %broadcast_in_dim3A_250 : f32 to vector<16xf32>
    %add3A_252 = arith.constant 16 : i32
    %add3A_253 = arith.addi %get3A_238, %add3A_252 : i32
    %swap3A_254 = arith.index_cast %add3A_253 : i32 to index
    %swap3A_255 = tpu.vector_load %arg14[%swap3A_254] {strides = array<i32>} : memref<10304xf32, #tpu.memory_space<vmem>>, vector<16xf32>,
    tpu.vector_store %arg14[%swap3A_254], %broadcast_in_dim3A_251 {strides = array<i32>} : memref<10304xf32, #tpu.memory_space<vmem>>, vector<16xf32>,
    %broadcast_in_dim3A_256 = arith.constant 0 : i32
    %broadcast_in_dim3A_257 = vector.broadcast %broadcast_in_dim3A_256 : i32 to vector<16xi32>
    %add3A_258 = arith.constant 16 : i32
    %add3A_259 = arith.addi %get3A_238, %add3A_258 : i32
    %swap3A_260 = arith.index_cast %add3A_259 : i32 to index
    %swap3A_261 = tpu.vector_load %arg13[%swap3A_260] {strides = array<i32>} : memref<10304xi32, #tpu.memory_space<vmem>>, vector<16xi32>,
    tpu.vector_store %arg13[%swap3A_260], %broadcast_in_dim3A_257 {strides = array<i32>} : memref<10304xi32, #tpu.memory_space<vmem>>, vector<16xi32>,
    %broadcast_in_dim3A_262 = arith.constant 0.000000e+00 : f32
    %broadcast_in_dim3A_263 = vector.broadcast %broadcast_in_dim3A_262 : f32 to vector<16xf32>
    %add3A_264 = arith.constant 32 : i32
    %add3A_265 = arith.addi %get3A_238, %add3A_264 : i32
    %swap3A_266 = arith.index_cast %add3A_265 : i32 to index
    %swap3A_267 = tpu.vector_load %arg14[%swap3A_266] {strides = array<i32>} : memref<10304xf32, #tpu.memory_space<vmem>>, vector<16xf32>,
    tpu.vector_store %arg14[%swap3A_266], %broadcast_in_dim3A_263 {strides = array<i32>} : memref<10304xf32, #tpu.memory_space<vmem>>, vector<16xf32>,
    %broadcast_in_dim3A_268 = arith.constant 0 : i32
    %broadcast_in_dim3A_269 = vector.broadcast %broadcast_in_dim3A_268 : i32 to vector<16xi32>
    %add3A_270 = arith.constant 32 : i32
    %add3A_271 = arith.addi %get3A_238, %add3A_270 : i32
    %swap3A_272 = arith.index_cast %add3A_271 : i32 to index
    %swap3A_273 = tpu.vector_load %arg13[%swap3A_272] {strides = array<i32>} : memref<10304xi32, #tpu.memory_space<vmem>>, vector<16xi32>,
    tpu.vector_store %arg13[%swap3A_272], %broadcast_in_dim3A_269 {strides = array<i32>} : memref<10304xi32, #tpu.memory_space<vmem>>, vector<16xi32>,
    %add3A_274 = arith.constant 48 : i32
    %add3A_275 = arith.addi %get3A_238, %add3A_274 : i32
    %sub3A = arith.constant 1 : i32
    %sub3A_276 = arith.subi %add3A_275, %sub3A : i32
    %div3A = arith.constant 48 : i32
    %div3A_277 = arith.divsi %sub3A_276, %div3A : i32
    %gt3A = arith.constant 0 : i32
    %gt3A_278 = arith.cmpi sgt, %div3A_277, %gt3A : i32
    %convert_element_type3A_279 = arith.extui %gt3A_278 : i1 to i32
    %cond3A_280 = arith.constant 0 : i32
    %cond3A_281 = arith.cmpi ne, %convert_element_type3A_279, %cond3A_280 : i32
    scf.if %cond3A_281 {
      %get3A_323 = arith.constant 0 : index
      %get3A_324 = tpu.vector_load %arg13[%get3A_323] {strides = array<i32>} : memref<10304xi32, #tpu.memory_space<vmem>>, vector<16xi32>,
      %shift_right_logical3A = arith.constant 15 : i32
      %shift_right_logical3A_325 = vector.broadcast %shift_right_logical3A : i32 to vector<16xi32>
      %shift_right_logical3A_326 = arith.shrui %get3A_324, %shift_right_logical3A_325 : vector<16xi32>
      %swap3A_327 = arith.constant 0 : i32
      %swap3A_328 = arith.index_cast %swap3A_327 : i32 to index
      %swap3A_329 = arith.constant 0 : index
      %swap3A_330 = tpu.vector_load %arg15[%swap3A_328, %swap3A_329] {strides = array<i32>} : memref<1x48xi32, #tpu.memory_space<vmem>>, vector<16xi32>,
      tpu.vector_store %arg15[%swap3A_328, %swap3A_329], %shift_right_logical3A_326 {strides = array<i32>} : memref<1x48xi32, #tpu.memory_space<vmem>>, vector<16xi32>,
      %or3A = arith.constant 1 : i32
      %or3A_331 = vector.broadcast %or3A : i32 to vector<16xi32>
      %or3A_332 = arith.ori %shift_right_logical3A_326, %or3A_331 : vector<16xi32>
      %swap3A_333 = arith.constant 0 : i32
      %swap3A_334 = arith.index_cast %swap3A_333 : i32 to index
      %swap3A_335 = arith.constant 0 : index
      %swap3A_336 = tpu.vector_load %arg17[%swap3A_334, %swap3A_335] {strides = array<i32>} : memref<1x48xi32, #tpu.memory_space<vmem>>, vector<16xi32>,
      tpu.vector_store %arg17[%swap3A_334, %swap3A_335], %or3A_332 {strides = array<i32>} : memref<1x48xi32, #tpu.memory_space<vmem>>, vector<16xi32>,
      %and3A = arith.constant 65535 : i32
      %and3A_337 = vector.broadcast %and3A : i32 to vector<16xi32>
      %and3A_338 = arith.andi %get3A_324, %and3A_337 : vector<16xi32>
      %swap3A_339 = arith.constant 0 : i32
      %swap3A_340 = arith.index_cast %swap3A_339 : i32 to index
      %swap3A_341 = arith.constant 0 : index
      %swap3A_342 = tpu.vector_load %arg21[%swap3A_340, %swap3A_341] {strides = array<i32>} : memref<1x48xi32, #tpu.memory_space<vmem>>, vector<16xi32>,
      tpu.vector_store %arg21[%swap3A_340, %swap3A_341], %and3A_338 {strides = array<i32>} : memref<1x48xi32, #tpu.memory_space<vmem>>, vector<16xi32>,
      %get3A_343 = arith.constant 16 : index
      %get3A_344 = tpu.vector_load %arg13[%get3A_343] {strides = array<i32>} : memref<10304xi32, #tpu.memory_space<vmem>>, vector<16xi32>,
      %shift_right_logical3A_345 = arith.constant 15 : i32
      %shift_right_logical3A_346 = vector.broadcast %shift_right_logical3A_345 : i32 to vector<16xi32>
      %shift_right_logical3A_347 = arith.shrui %get3A_344, %shift_right_logical3A_346 : vector<16xi32>
      %swap3A_348 = arith.constant 0 : i32
      %swap3A_349 = arith.index_cast %swap3A_348 : i32 to index
      %swap3A_350 = arith.constant 16 : index
      %swap3A_351 = tpu.vector_load %arg15[%swap3A_349, %swap3A_350] {strides = array<i32>} : memref<1x48xi32, #tpu.memory_space<vmem>>, vector<16xi32>,
      tpu.vector_store %arg15[%swap3A_349, %swap3A_350], %shift_right_logical3A_347 {strides = array<i32>} : memref<1x48xi32, #tpu.memory_space<vmem>>, vector<16xi32>,
      %or3A_352 = arith.constant 1 : i32
      %or3A_353 = vector.broadcast %or3A_352 : i32 to vector<16xi32>
      %or3A_354 = arith.ori %shift_right_logical3A_347, %or3A_353 : vector<16xi32>
      %swap3A_355 = arith.constant 0 : i32
      %swap3A_356 = arith.index_cast %swap3A_355 : i32 to index
      %swap3A_357 = arith.constant 16 : index
      %swap3A_358 = tpu.vector_load %arg17[%swap3A_356, %swap3A_357] {strides = array<i32>} : memref<1x48xi32, #tpu.memory_space<vmem>>, vector<16xi32>,
      tpu.vector_store %arg17[%swap3A_356, %swap3A_357], %or3A_354 {strides = array<i32>} : memref<1x48xi32, #tpu.memory_space<vmem>>, vector<16xi32>,
      %and3A_359 = arith.constant 65535 : i32
      %and3A_360 = vector.broadcast %and3A_359 : i32 to vector<16xi32>
      %and3A_361 = arith.andi %get3A_344, %and3A_360 : vector<16xi32>
      %swap3A_362 = arith.constant 0 : i32
      %swap3A_363 = arith.index_cast %swap3A_362 : i32 to index
      %swap3A_364 = arith.constant 16 : index
      %swap3A_365 = tpu.vector_load %arg21[%swap3A_363, %swap3A_364] {strides = array<i32>} : memref<1x48xi32, #tpu.memory_space<vmem>>, vector<16xi32>,
      tpu.vector_store %arg21[%swap3A_363, %swap3A_364], %and3A_361 {strides = array<i32>} : memref<1x48xi32, #tpu.memory_space<vmem>>, vector<16xi32>,
      %get3A_366 = arith.constant 32 : index
      %get3A_367 = tpu.vector_load %arg13[%get3A_366] {strides = array<i32>} : memref<10304xi32, #tpu.memory_space<vmem>>, vector<16xi32>,
      %shift_right_logical3A_368 = arith.constant 15 : i32
      %shift_right_logical3A_369 = vector.broadcast %shift_right_logical3A_368 : i32 to vector<16xi32>
      %shift_right_logical3A_370 = arith.shrui %get3A_367, %shift_right_logical3A_369 : vector<16xi32>
      %swap3A_371 = arith.constant 0 : i32
      %swap3A_372 = arith.index_cast %swap3A_371 : i32 to index
      %swap3A_373 = arith.constant 32 : index
      %swap3A_374 = tpu.vector_load %arg15[%swap3A_372, %swap3A_373] {strides = array<i32>} : memref<1x48xi32, #tpu.memory_space<vmem>>, vector<16xi32>,
      tpu.vector_store %arg15[%swap3A_372, %swap3A_373], %shift_right_logical3A_370 {strides = array<i32>} : memref<1x48xi32, #tpu.memory_space<vmem>>, vector<16xi32>,
      %or3A_375 = arith.constant 1 : i32
      %or3A_376 = vector.broadcast %or3A_375 : i32 to vector<16xi32>
      %or3A_377 = arith.ori %shift_right_logical3A_370, %or3A_376 : vector<16xi32>
      %swap3A_378 = arith.constant 0 : i32
      %swap3A_379 = arith.index_cast %swap3A_378 : i32 to index
      %swap3A_380 = arith.constant 32 : index
      %swap3A_381 = tpu.vector_load %arg17[%swap3A_379, %swap3A_380] {strides = array<i32>} : memref<1x48xi32, #tpu.memory_space<vmem>>, vector<16xi32>,
      tpu.vector_store %arg17[%swap3A_379, %swap3A_380], %or3A_377 {strides = array<i32>} : memref<1x48xi32, #tpu.memory_space<vmem>>, vector<16xi32>,
      %and3A_382 = arith.constant 65535 : i32
      %and3A_383 = vector.broadcast %and3A_382 : i32 to vector<16xi32>
      %and3A_384 = arith.andi %get3A_367, %and3A_383 : vector<16xi32>
      %swap3A_385 = arith.constant 0 : i32
      %swap3A_386 = arith.index_cast %swap3A_385 : i32 to index
      %swap3A_387 = arith.constant 32 : index
      %swap3A_388 = tpu.vector_load %arg21[%swap3A_386, %swap3A_387] {strides = array<i32>} : memref<1x48xi32, #tpu.memory_space<vmem>>, vector<16xi32>,
      tpu.vector_store %arg21[%swap3A_386, %swap3A_387], %and3A_384 {strides = array<i32>} : memref<1x48xi32, #tpu.memory_space<vmem>>, vector<16xi32>,
      %dma_start3A_389 = arith.constant 0 : i32
      %dma_start3A_390 = arith.constant 0 : i32
      %dma_start3A_391 = tpu.memref_slice %arg21[%dma_start3A_389, %dma_start3A_390] : memref<1x48xi32, #tpu.memory_space<vmem>> -> memref<1x48xi32, #tpu.memory_space<vmem>>
      %dma_start3A_392 = tpu.memref_squeeze %dma_start3A_391 : memref<1x48xi32, #tpu.memory_space<vmem>> -> memref<48xi32, #tpu.memory_space<vmem>>
      %dma_start3A_393 = arith.constant 0 : i32
      %dma_start3A_394 = arith.constant 0 : i32
      %dma_start3A_395 = tpu.memref_slice %arg2[%dma_start3A_393, %dma_start3A_394] : memref<10000x128xf32, #tpu.memory_space<hbm>> -> memref<10000x128xf32, #tpu.memory_space<hbm>>
      tpu.enqueue_indirect_dma source(%dma_start3A_395 : memref<10000x128xf32, #tpu.memory_space<hbm>>) target(%arg23 : memref<48x128xf32, #tpu.memory_space<vmem>>) offsets(%dma_start3A_392 : memref<48xi32, #tpu.memory_space<vmem>>) semaphore(%arg29 : memref<!tpu.dma_semaphore, #tpu.memory_space<semaphore_mem>>)
    } else {
    }
    %sub3A_282 = arith.constant 0 : i32
    %sub3A_283 = arith.subi %div3A_277, %sub3A_282 : i32
    %sub3A_284 = arith.constant 2 : i32
    %sub3A_285 = arith.constant 1 : i32
    %sub3A_286 = arith.subi %sub3A_284, %sub3A_285 : i32
    %add3A_287 = arith.addi %sub3A_283, %sub3A_286 : i32
    %div3A_288 = arith.constant 2 : i32
    %div3A_289 = arith.divsi %add3A_287, %div3A_288 : i32
    %while3A = arith.constant 2 : i32
    %while3A_290 = arith.constant 0 : i32
    %while3A_291 = arith.constant 0 : i32
    %while3A_292 = arith.subi %div3A_289, %while3A_291 : i32
    %while3A_293 = arith.addi %while3A_291, %while3A_292 : i32
    %while3A_294 = arith.constant 1 : i32
    %while3A_295 = arith.divsi %while3A_292, %while3A_294 : i32
    %while3A_296 = arith.muli %while3A_295, %while3A_294 : i32
    %while3A_297 = arith.addi %while3A_291, %while3A_296 : i32
    %while3A_298 = arith.constant 1 : i32
    scf.for %while3A_323 = %while3A_291 to %while3A_297 step %while3A_298  : i32 {
      %mul3A_324 = arith.muli %while3A_323, %while3A : i32
      %add3A_325 = arith.addi %while3A_290, %mul3A_324 : i32
      %add3A_326 = arith.constant 1 : i32
      %add3A_327 = arith.addi %add3A_325, %add3A_326 : i32
      %lt3A = arith.cmpi slt, %add3A_327, %div3A_277 : i32
      %convert_element_type3A_328 = arith.extui %lt3A : i1 to i32
      %cond3A_329 = arith.constant 0 : i32
      %cond3A_330 = arith.cmpi ne, %convert_element_type3A_328, %cond3A_329 : i32
      scf.if %cond3A_330 {
        %add3A_422 = arith.constant 1 : i32
        %add3A_423 = arith.addi %add3A_325, %add3A_422 : i32
        %mul3A_424 = arith.constant 48 : i32
        %mul3A_425 = arith.muli %add3A_423, %mul3A_424 : i32
        %add3A_426 = arith.constant 0 : i32
        %add3A_427 = arith.addi %mul3A_425, %add3A_426 : i32
        %get3A_428 = arith.index_cast %add3A_427 : i32 to index
        %get3A_429 = tpu.vector_load %arg13[%get3A_428] {strides = array<i32>} : memref<10304xi32, #tpu.memory_space<vmem>>, vector<16xi32>,
        %shift_right_logical3A = arith.constant 15 : i32
        %shift_right_logical3A_430 = vector.broadcast %shift_right_logical3A : i32 to vector<16xi32>
        %shift_right_logical3A_431 = arith.shrui %get3A_429, %shift_right_logical3A_430 : vector<16xi32>
        %swap3A_432 = arith.constant 0 : i32
        %swap3A_433 = arith.index_cast %swap3A_432 : i32 to index
        %swap3A_434 = arith.constant 0 : index
        %swap3A_435 = tpu.vector_load %arg16[%swap3A_433, %swap3A_434] {strides = array<i32>} : memref<1x48xi32, #tpu.memory_space<vmem>>, vector<16xi32>,
        tpu.vector_store %arg16[%swap3A_433, %swap3A_434], %shift_right_logical3A_431 {strides = array<i32>} : memref<1x48xi32, #tpu.memory_space<vmem>>, vector<16xi32>,
        %or3A = arith.constant 1 : i32
        %or3A_436 = vector.broadcast %or3A : i32 to vector<16xi32>
        %or3A_437 = arith.ori %shift_right_logical3A_431, %or3A_436 : vector<16xi32>
        %swap3A_438 = arith.constant 0 : i32
        %swap3A_439 = arith.index_cast %swap3A_438 : i32 to index
        %swap3A_440 = arith.constant 0 : index
        %swap3A_441 = tpu.vector_load %arg18[%swap3A_439, %swap3A_440] {strides = array<i32>} : memref<1x48xi32, #tpu.memory_space<vmem>>, vector<16xi32>,
        tpu.vector_store %arg18[%swap3A_439, %swap3A_440], %or3A_437 {strides = array<i32>} : memref<1x48xi32, #tpu.memory_space<vmem>>, vector<16xi32>,
        %and3A = arith.constant 65535 : i32
        %and3A_442 = vector.broadcast %and3A : i32 to vector<16xi32>
        %and3A_443 = arith.andi %get3A_429, %and3A_442 : vector<16xi32>
        %swap3A_444 = arith.constant 0 : i32
        %swap3A_445 = arith.index_cast %swap3A_444 : i32 to index
        %swap3A_446 = arith.constant 0 : index
        %swap3A_447 = tpu.vector_load %arg22[%swap3A_445, %swap3A_446] {strides = array<i32>} : memref<1x48xi32, #tpu.memory_space<vmem>>, vector<16xi32>,
        tpu.vector_store %arg22[%swap3A_445, %swap3A_446], %and3A_443 {strides = array<i32>} : memref<1x48xi32, #tpu.memory_space<vmem>>, vector<16xi32>,
        %mul3A_448 = arith.constant 48 : i32
        %mul3A_449 = arith.muli %add3A_423, %mul3A_448 : i32
        %add3A_450 = arith.constant 16 : i32
        %add3A_451 = arith.addi %mul3A_449, %add3A_450 : i32
        %get3A_452 = arith.index_cast %add3A_451 : i32 to index
        %get3A_453 = tpu.vector_load %arg13[%get3A_452] {strides = array<i32>} : memref<10304xi32, #tpu.memory_space<vmem>>, vector<16xi32>,
        %shift_right_logical3A_454 = arith.constant 15 : i32
        %shift_right_logical3A_455 = vector.broadcast %shift_right_logical3A_454 : i32 to vector<16xi32>
        %shift_right_logical3A_456 = arith.shrui %get3A_453, %shift_right_logical3A_455 : vector<16xi32>
        %swap3A_457 = arith.constant 0 : i32
        %swap3A_458 = arith.index_cast %swap3A_457 : i32 to index
        %swap3A_459 = arith.constant 16 : index
        %swap3A_460 = tpu.vector_load %arg16[%swap3A_458, %swap3A_459] {strides = array<i32>} : memref<1x48xi32, #tpu.memory_space<vmem>>, vector<16xi32>,
        tpu.vector_store %arg16[%swap3A_458, %swap3A_459], %shift_right_logical3A_456 {strides = array<i32>} : memref<1x48xi32, #tpu.memory_space<vmem>>, vector<16xi32>,
        %or3A_461 = arith.constant 1 : i32
        %or3A_462 = vector.broadcast %or3A_461 : i32 to vector<16xi32>
        %or3A_463 = arith.ori %shift_right_logical3A_456, %or3A_462 : vector<16xi32>
        %swap3A_464 = arith.constant 0 : i32
        %swap3A_465 = arith.index_cast %swap3A_464 : i32 to index
        %swap3A_466 = arith.constant 16 : index
        %swap3A_467 = tpu.vector_load %arg18[%swap3A_465, %swap3A_466] {strides = array<i32>} : memref<1x48xi32, #tpu.memory_space<vmem>>, vector<16xi32>,
        tpu.vector_store %arg18[%swap3A_465, %swap3A_466], %or3A_463 {strides = array<i32>} : memref<1x48xi32, #tpu.memory_space<vmem>>, vector<16xi32>,
        %and3A_468 = arith.constant 65535 : i32
        %and3A_469 = vector.broadcast %and3A_468 : i32 to vector<16xi32>
        %and3A_470 = arith.andi %get3A_453, %and3A_469 : vector<16xi32>
        %swap3A_471 = arith.constant 0 : i32
        %swap3A_472 = arith.index_cast %swap3A_471 : i32 to index
        %swap3A_473 = arith.constant 16 : index
        %swap3A_474 = tpu.vector_load %arg22[%swap3A_472, %swap3A_473] {strides = array<i32>} : memref<1x48xi32, #tpu.memory_space<vmem>>, vector<16xi32>,
        tpu.vector_store %arg22[%swap3A_472, %swap3A_473], %and3A_470 {strides = array<i32>} : memref<1x48xi32, #tpu.memory_space<vmem>>, vector<16xi32>,
        %mul3A_475 = arith.constant 48 : i32
        %mul3A_476 = arith.muli %add3A_423, %mul3A_475 : i32
        %add3A_477 = arith.constant 32 : i32
        %add3A_478 = arith.addi %mul3A_476, %add3A_477 : i32
        %get3A_479 = arith.index_cast %add3A_478 : i32 to index
        %get3A_480 = tpu.vector_load %arg13[%get3A_479] {strides = array<i32>} : memref<10304xi32, #tpu.memory_space<vmem>>, vector<16xi32>,
        %shift_right_logical3A_481 = arith.constant 15 : i32
        %shift_right_logical3A_482 = vector.broadcast %shift_right_logical3A_481 : i32 to vector<16xi32>
        %shift_right_logical3A_483 = arith.shrui %get3A_480, %shift_right_logical3A_482 : vector<16xi32>
        %swap3A_484 = arith.constant 0 : i32
        %swap3A_485 = arith.index_cast %swap3A_484 : i32 to index
        %swap3A_486 = arith.constant 32 : index
        %swap3A_487 = tpu.vector_load %arg16[%swap3A_485, %swap3A_486] {strides = array<i32>} : memref<1x48xi32, #tpu.memory_space<vmem>>, vector<16xi32>,
        tpu.vector_store %arg16[%swap3A_485, %swap3A_486], %shift_right_logical3A_483 {strides = array<i32>} : memref<1x48xi32, #tpu.memory_space<vmem>>, vector<16xi32>,
        %or3A_488 = arith.constant 1 : i32
        %or3A_489 = vector.broadcast %or3A_488 : i32 to vector<16xi32>
        %or3A_490 = arith.ori %shift_right_logical3A_483, %or3A_489 : vector<16xi32>
        %swap3A_491 = arith.constant 0 : i32
        %swap3A_492 = arith.index_cast %swap3A_491 : i32 to index
        %swap3A_493 = arith.constant 32 : index
        %swap3A_494 = tpu.vector_load %arg18[%swap3A_492, %swap3A_493] {strides = array<i32>} : memref<1x48xi32, #tpu.memory_space<vmem>>, vector<16xi32>,
        tpu.vector_store %arg18[%swap3A_492, %swap3A_493], %or3A_490 {strides = array<i32>} : memref<1x48xi32, #tpu.memory_space<vmem>>, vector<16xi32>,
        %and3A_495 = arith.constant 65535 : i32
        %and3A_496 = vector.broadcast %and3A_495 : i32 to vector<16xi32>
        %and3A_497 = arith.andi %get3A_480, %and3A_496 : vector<16xi32>
        %swap3A_498 = arith.constant 0 : i32
        %swap3A_499 = arith.index_cast %swap3A_498 : i32 to index
        %swap3A_500 = arith.constant 32 : index
        %swap3A_501 = tpu.vector_load %arg22[%swap3A_499, %swap3A_500] {strides = array<i32>} : memref<1x48xi32, #tpu.memory_space<vmem>>, vector<16xi32>,
        tpu.vector_store %arg22[%swap3A_499, %swap3A_500], %and3A_497 {strides = array<i32>} : memref<1x48xi32, #tpu.memory_space<vmem>>, vector<16xi32>,
        %add3A_502 = arith.constant 1 : i32
        %add3A_503 = arith.addi %add3A_325, %add3A_502 : i32
        %dma_start3A_504 = arith.constant 0 : i32
        %dma_start3A_505 = arith.constant 0 : i32
        %dma_start3A_506 = tpu.memref_slice %arg22[%dma_start3A_504, %dma_start3A_505] : memref<1x48xi32, #tpu.memory_space<vmem>> -> memref<1x48xi32, #tpu.memory_space<vmem>>
        %dma_start3A_507 = tpu.memref_squeeze %dma_start3A_506 : memref<1x48xi32, #tpu.memory_space<vmem>> -> memref<48xi32, #tpu.memory_space<vmem>>
        %dma_start3A_508 = arith.constant 0 : i32
        %dma_start3A_509 = arith.constant 0 : i32
        %dma_start3A_510 = tpu.memref_slice %arg2[%dma_start3A_508, %dma_start3A_509] : memref<10000x128xf32, #tpu.memory_space<hbm>> -> memref<10000x128xf32, #tpu.memory_space<hbm>>
        tpu.enqueue_indirect_dma source(%dma_start3A_510 : memref<10000x128xf32, #tpu.memory_space<hbm>>) target(%arg24 : memref<48x128xf32, #tpu.memory_space<vmem>>) offsets(%dma_start3A_507 : memref<48xi32, #tpu.memory_space<vmem>>) semaphore(%arg30 : memref<!tpu.dma_semaphore, #tpu.memory_space<semaphore_mem>>)
      } else {
      }
      %dma_wait3A_331 = arith.constant 0 : i32
      %dma_wait3A_332 = arith.constant 0 : i32
      %dma_wait3A_333 = tpu.memref_slice %arg21[%dma_wait3A_331, %dma_wait3A_332] : memref<1x48xi32, #tpu.memory_space<vmem>> -> memref<1x48xi32, #tpu.memory_space<vmem>>
      %dma_wait3A_334 = tpu.memref_squeeze %dma_wait3A_333 : memref<1x48xi32, #tpu.memory_space<vmem>> -> memref<48xi32, #tpu.memory_space<vmem>>
      %dma_wait3A_335 = arith.constant 0 : i32
      %dma_wait3A_336 = arith.constant 0 : i32
      %dma_wait3A_337 = tpu.memref_slice %arg2[%dma_wait3A_335, %dma_wait3A_336] : memref<10000x128xf32, #tpu.memory_space<hbm>> -> memref<10000x128xf32, #tpu.memory_space<hbm>>
      tpu.wait_indirect_dma semaphore(%arg29 : memref<!tpu.dma_semaphore, #tpu.memory_space<semaphore_mem>>) src(%dma_wait3A_337 : memref<10000x128xf32, #tpu.memory_space<hbm>>) dst(%arg23 : memref<48x128xf32, #tpu.memory_space<vmem>>)
      %gt3A_338 = arith.constant 0 : i32
      %gt3A_339 = arith.cmpi sgt, %add3A_325, %gt3A_338 : i32
      %convert_element_type3A_340 = arith.extui %gt3A_339 : i1 to i32
      %cond3A_341 = arith.constant 0 : i32
      %cond3A_342 = arith.cmpi ne, %convert_element_type3A_340, %cond3A_341 : i32
      scf.if %cond3A_342 {
        %dma_wait3A_422 = arith.constant 0 : i32
        %dma_wait3A_423 = arith.constant 0 : i32
        %dma_wait3A_424 = tpu.memref_slice %arg19[%dma_wait3A_422, %dma_wait3A_423] : memref<1x48xi32, #tpu.memory_space<vmem>> -> memref<1x48xi32, #tpu.memory_space<vmem>>
        %dma_wait3A_425 = tpu.memref_squeeze %dma_wait3A_424 : memref<1x48xi32, #tpu.memory_space<vmem>> -> memref<48xi32, #tpu.memory_space<vmem>>
        %dma_wait3A_426 = arith.constant 0 : i32
        %dma_wait3A_427 = arith.constant 0 : i32
        %dma_wait3A_428 = tpu.memref_slice %arg27[%dma_wait3A_426, %dma_wait3A_427] : memref<10000x128xf32, #tpu.memory_space<vmem_shared>> -> memref<10000x128xf32, #tpu.memory_space<vmem_shared>>
        tpu.wait_indirect_dma semaphore(%arg33 : memref<!tpu.dma_semaphore, #tpu.memory_space<semaphore_mem>>) src(%arg25 : memref<48x128xf32, #tpu.memory_space<vmem>>) dst(%dma_wait3A_428 : memref<10000x128xf32, #tpu.memory_space<vmem_shared>>)
        %dma_wait3A_429 = arith.constant 0 : i32
        %dma_wait3A_430 = arith.constant 0 : i32
        %dma_wait3A_431 = tpu.memref_slice %arg20[%dma_wait3A_429, %dma_wait3A_430] : memref<1x48xi32, #tpu.memory_space<vmem>> -> memref<1x48xi32, #tpu.memory_space<vmem>>
        %dma_wait3A_432 = tpu.memref_squeeze %dma_wait3A_431 : memref<1x48xi32, #tpu.memory_space<vmem>> -> memref<48xi32, #tpu.memory_space<vmem>>
        %dma_wait3A_433 = arith.constant 0 : i32
        %dma_wait3A_434 = arith.constant 0 : i32
        %dma_wait3A_435 = tpu.memref_slice %arg27[%dma_wait3A_433, %dma_wait3A_434] : memref<10000x128xf32, #tpu.memory_space<vmem_shared>> -> memref<10000x128xf32, #tpu.memory_space<vmem_shared>>
        tpu.wait_indirect_dma semaphore(%arg33 : memref<!tpu.dma_semaphore, #tpu.memory_space<semaphore_mem>>) src(%arg26 : memref<48x128xf32, #tpu.memory_space<vmem>>) dst(%dma_wait3A_435 : memref<10000x128xf32, #tpu.memory_space<vmem_shared>>)
      } else {
      }
      %scan3A_343 = arith.constant 0 : i32
      %scan3A_344 = arith.constant 48 : i32
      %scan3A_345 = arith.addi %scan3A_343, %scan3A_344 : i32
      %scan3A_346 = arith.constant 1 : i32
      scf.for %scan3A_422 = %scan3A_343 to %scan3A_345 step %scan3A_346  : i32 {
        %mul3A_423 = arith.constant 1 : i32
        %mul3A_424 = arith.muli %scan3A_422, %mul3A_423 : i32
        %add3A_425 = arith.constant 0 : i32
        %add3A_426 = arith.addi %add3A_425, %mul3A_424 : i32
        %mul3A_427 = arith.constant 48 : i32
        %mul3A_428 = arith.muli %add3A_325, %mul3A_427 : i32
        %add3A_429 = arith.addi %mul3A_428, %add3A_426 : i32
        %broadcast_in_dim3A_430 = vector.broadcast %add3A_429 : i32 to vector<16xi32>
        %gather3A = tpu.vector_load_idx %arg14[%broadcast_in_dim3A_430] : memref<10304xf32, #tpu.memory_space<vmem>>[vector<16xi32>], vector<16xf32>,
        %get3A_431 = arith.index_cast %add3A_426 : i32 to index
        %get3A_432 = arith.constant 0 : index
        %get3A_433 = tpu.vector_load %arg23[%get3A_431, %get3A_432] {strides = array<i32>} : memref<48x128xf32, #tpu.memory_space<vmem>>, vector<16xf32>,
        %bitcast3A = vector.bitcast %get3A_433 : vector<16xf32> to vector<32xbf16>
        %unpack3A = tpu.unpack_subelements %bitcast3A, 0 {pack_format = #tpu.pack_format<interleaved>} : vector<32xbf16> -> vector<16xf32>
        %unpack3A_434 = tpu.unpack_subelements %bitcast3A, 1 {pack_format = #tpu.pack_format<interleaved>} : vector<32xbf16> -> vector<16xf32>
        %mul3A_435 = arith.mulf %unpack3A, %gather3A : vector<16xf32>
        %swap3A_436 = arith.index_cast %add3A_426 : i32 to index
        %swap3A_437 = arith.constant 0 : index
        %swap3A_438 = tpu.vector_load %arg25[%swap3A_436, %swap3A_437] {strides = array<i32>} : memref<48x128xf32, #tpu.memory_space<vmem>>, vector<16xf32>,
        tpu.vector_store %arg25[%swap3A_436, %swap3A_437], %mul3A_435 {strides = array<i32>} : memref<48x128xf32, #tpu.memory_space<vmem>>, vector<16xf32>,
        %mul3A_439 = arith.mulf %unpack3A_434, %gather3A : vector<16xf32>
        %swap3A_440 = arith.index_cast %add3A_426 : i32 to index
        %swap3A_441 = arith.constant 16 : index
        %swap3A_442 = tpu.vector_load %arg25[%swap3A_440, %swap3A_441] {strides = array<i32>} : memref<48x128xf32, #tpu.memory_space<vmem>>, vector<16xf32>,
        tpu.vector_store %arg25[%swap3A_440, %swap3A_441], %mul3A_439 {strides = array<i32>} : memref<48x128xf32, #tpu.memory_space<vmem>>, vector<16xf32>,
        %get3A_443 = arith.index_cast %add3A_426 : i32 to index
        %get3A_444 = arith.constant 16 : index
        %get3A_445 = tpu.vector_load %arg23[%get3A_443, %get3A_444] {strides = array<i32>} : memref<48x128xf32, #tpu.memory_space<vmem>>, vector<16xf32>,
        %bitcast3A_446 = vector.bitcast %get3A_445 : vector<16xf32> to vector<32xbf16>
        %unpack3A_447 = tpu.unpack_subelements %bitcast3A_446, 0 {pack_format = #tpu.pack_format<interleaved>} : vector<32xbf16> -> vector<16xf32>
        %unpack3A_448 = tpu.unpack_subelements %bitcast3A_446, 1 {pack_format = #tpu.pack_format<interleaved>} : vector<32xbf16> -> vector<16xf32>
        %mul3A_449 = arith.mulf %unpack3A_447, %gather3A : vector<16xf32>
        %swap3A_450 = arith.index_cast %add3A_426 : i32 to index
        %swap3A_451 = arith.constant 32 : index
        %swap3A_452 = tpu.vector_load %arg25[%swap3A_450, %swap3A_451] {strides = array<i32>} : memref<48x128xf32, #tpu.memory_space<vmem>>, vector<16xf32>,
        tpu.vector_store %arg25[%swap3A_450, %swap3A_451], %mul3A_449 {strides = array<i32>} : memref<48x128xf32, #tpu.memory_space<vmem>>, vector<16xf32>,
        %mul3A_453 = arith.mulf %unpack3A_448, %gather3A : vector<16xf32>
        %swap3A_454 = arith.index_cast %add3A_426 : i32 to index
        %swap3A_455 = arith.constant 48 : index
        %swap3A_456 = tpu.vector_load %arg25[%swap3A_454, %swap3A_455] {strides = array<i32>} : memref<48x128xf32, #tpu.memory_space<vmem>>, vector<16xf32>,
        tpu.vector_store %arg25[%swap3A_454, %swap3A_455], %mul3A_453 {strides = array<i32>} : memref<48x128xf32, #tpu.memory_space<vmem>>, vector<16xf32>,
        %get3A_457 = arith.index_cast %add3A_426 : i32 to index
        %get3A_458 = arith.constant 32 : index
        %get3A_459 = tpu.vector_load %arg23[%get3A_457, %get3A_458] {strides = array<i32>} : memref<48x128xf32, #tpu.memory_space<vmem>>, vector<16xf32>,
        %bitcast3A_460 = vector.bitcast %get3A_459 : vector<16xf32> to vector<32xbf16>
        %unpack3A_461 = tpu.unpack_subelements %bitcast3A_460, 0 {pack_format = #tpu.pack_format<interleaved>} : vector<32xbf16> -> vector<16xf32>
        %unpack3A_462 = tpu.unpack_subelements %bitcast3A_460, 1 {pack_format = #tpu.pack_format<interleaved>} : vector<32xbf16> -> vector<16xf32>
        %mul3A_463 = arith.mulf %unpack3A_461, %gather3A : vector<16xf32>
        %swap3A_464 = arith.index_cast %add3A_426 : i32 to index
        %swap3A_465 = arith.constant 64 : index
        %swap3A_466 = tpu.vector_load %arg25[%swap3A_464, %swap3A_465] {strides = array<i32>} : memref<48x128xf32, #tpu.memory_space<vmem>>, vector<16xf32>,
        tpu.vector_store %arg25[%swap3A_464, %swap3A_465], %mul3A_463 {strides = array<i32>} : memref<48x128xf32, #tpu.memory_space<vmem>>, vector<16xf32>,
        %mul3A_467 = arith.mulf %unpack3A_462, %gather3A : vector<16xf32>
        %swap3A_468 = arith.index_cast %add3A_426 : i32 to index
        %swap3A_469 = arith.constant 80 : index
        %swap3A_470 = tpu.vector_load %arg25[%swap3A_468, %swap3A_469] {strides = array<i32>} : memref<48x128xf32, #tpu.memory_space<vmem>>, vector<16xf32>,
        tpu.vector_store %arg25[%swap3A_468, %swap3A_469], %mul3A_467 {strides = array<i32>} : memref<48x128xf32, #tpu.memory_space<vmem>>, vector<16xf32>,
        %get3A_471 = arith.index_cast %add3A_426 : i32 to index
        %get3A_472 = arith.constant 48 : index
        %get3A_473 = tpu.vector_load %arg23[%get3A_471, %get3A_472] {strides = array<i32>} : memref<48x128xf32, #tpu.memory_space<vmem>>, vector<16xf32>,
        %bitcast3A_474 = vector.bitcast %get3A_473 : vector<16xf32> to vector<32xbf16>
        %unpack3A_475 = tpu.unpack_subelements %bitcast3A_474, 0 {pack_format = #tpu.pack_format<interleaved>} : vector<32xbf16> -> vector<16xf32>
        %unpack3A_476 = tpu.unpack_subelements %bitcast3A_474, 1 {pack_format = #tpu.pack_format<interleaved>} : vector<32xbf16> -> vector<16xf32>
        %mul3A_477 = arith.mulf %unpack3A_475, %gather3A : vector<16xf32>
        %swap3A_478 = arith.index_cast %add3A_426 : i32 to index
        %swap3A_479 = arith.constant 96 : index
        %swap3A_480 = tpu.vector_load %arg25[%swap3A_478, %swap3A_479] {strides = array<i32>} : memref<48x128xf32, #tpu.memory_space<vmem>>, vector<16xf32>,
        tpu.vector_store %arg25[%swap3A_478, %swap3A_479], %mul3A_477 {strides = array<i32>} : memref<48x128xf32, #tpu.memory_space<vmem>>, vector<16xf32>,
        %mul3A_481 = arith.mulf %unpack3A_476, %gather3A : vector<16xf32>
        %swap3A_482 = arith.index_cast %add3A_426 : i32 to index
        %swap3A_483 = arith.constant 112 : index
        %swap3A_484 = tpu.vector_load %arg25[%swap3A_482, %swap3A_483] {strides = array<i32>} : memref<48x128xf32, #tpu.memory_space<vmem>>, vector<16xf32>,
        tpu.vector_store %arg25[%swap3A_482, %swap3A_483], %mul3A_481 {strides = array<i32>} : memref<48x128xf32, #tpu.memory_space<vmem>>, vector<16xf32>,
        %get3A_485 = arith.index_cast %add3A_426 : i32 to index
        %get3A_486 = arith.constant 64 : index
        %get3A_487 = tpu.vector_load %arg23[%get3A_485, %get3A_486] {strides = array<i32>} : memref<48x128xf32, #tpu.memory_space<vmem>>, vector<16xf32>,
        %bitcast3A_488 = vector.bitcast %get3A_487 : vector<16xf32> to vector<32xbf16>
        %unpack3A_489 = tpu.unpack_subelements %bitcast3A_488, 0 {pack_format = #tpu.pack_format<interleaved>} : vector<32xbf16> -> vector<16xf32>
        %unpack3A_490 = tpu.unpack_subelements %bitcast3A_488, 1 {pack_format = #tpu.pack_format<interleaved>} : vector<32xbf16> -> vector<16xf32>
        %mul3A_491 = arith.mulf %unpack3A_489, %gather3A : vector<16xf32>
        %swap3A_492 = arith.index_cast %add3A_426 : i32 to index
        %swap3A_493 = arith.constant 0 : index
        %swap3A_494 = tpu.vector_load %arg26[%swap3A_492, %swap3A_493] {strides = array<i32>} : memref<48x128xf32, #tpu.memory_space<vmem>>, vector<16xf32>,
        tpu.vector_store %arg26[%swap3A_492, %swap3A_493], %mul3A_491 {strides = array<i32>} : memref<48x128xf32, #tpu.memory_space<vmem>>, vector<16xf32>,
        %mul3A_495 = arith.mulf %unpack3A_490, %gather3A : vector<16xf32>
        %swap3A_496 = arith.index_cast %add3A_426 : i32 to index
        %swap3A_497 = arith.constant 16 : index
        %swap3A_498 = tpu.vector_load %arg26[%swap3A_496, %swap3A_497] {strides = array<i32>} : memref<48x128xf32, #tpu.memory_space<vmem>>, vector<16xf32>,
        tpu.vector_store %arg26[%swap3A_496, %swap3A_497], %mul3A_495 {strides = array<i32>} : memref<48x128xf32, #tpu.memory_space<vmem>>, vector<16xf32>,
        %get3A_499 = arith.index_cast %add3A_426 : i32 to index
        %get3A_500 = arith.constant 80 : index
        %get3A_501 = tpu.vector_load %arg23[%get3A_499, %get3A_500] {strides = array<i32>} : memref<48x128xf32, #tpu.memory_space<vmem>>, vector<16xf32>,
        %bitcast3A_502 = vector.bitcast %get3A_501 : vector<16xf32> to vector<32xbf16>
        %unpack3A_503 = tpu.unpack_subelements %bitcast3A_502, 0 {pack_format = #tpu.pack_format<interleaved>} : vector<32xbf16> -> vector<16xf32>
        %unpack3A_504 = tpu.unpack_subelements %bitcast3A_502, 1 {pack_format = #tpu.pack_format<interleaved>} : vector<32xbf16> -> vector<16xf32>
        %mul3A_505 = arith.mulf %unpack3A_503, %gather3A : vector<16xf32>
        %swap3A_506 = arith.index_cast %add3A_426 : i32 to index
        %swap3A_507 = arith.constant 32 : index
        %swap3A_508 = tpu.vector_load %arg26[%swap3A_506, %swap3A_507] {strides = array<i32>} : memref<48x128xf32, #tpu.memory_space<vmem>>, vector<16xf32>,
        tpu.vector_store %arg26[%swap3A_506, %swap3A_507], %mul3A_505 {strides = array<i32>} : memref<48x128xf32, #tpu.memory_space<vmem>>, vector<16xf32>,
        %mul3A_509 = arith.mulf %unpack3A_504, %gather3A : vector<16xf32>
        %swap3A_510 = arith.index_cast %add3A_426 : i32 to index
        %swap3A_511 = arith.constant 48 : index
        %swap3A_512 = tpu.vector_load %arg26[%swap3A_510, %swap3A_511] {strides = array<i32>} : memref<48x128xf32, #tpu.memory_space<vmem>>, vector<16xf32>,
        tpu.vector_store %arg26[%swap3A_510, %swap3A_511], %mul3A_509 {strides = array<i32>} : memref<48x128xf32, #tpu.memory_space<vmem>>, vector<16xf32>,
        %get3A_513 = arith.index_cast %add3A_426 : i32 to index
        %get3A_514 = arith.constant 96 : index
        %get3A_515 = tpu.vector_load %arg23[%get3A_513, %get3A_514] {strides = array<i32>} : memref<48x128xf32, #tpu.memory_space<vmem>>, vector<16xf32>,
        %bitcast3A_516 = vector.bitcast %get3A_515 : vector<16xf32> to vector<32xbf16>
        %unpack3A_517 = tpu.unpack_subelements %bitcast3A_516, 0 {pack_format = #tpu.pack_format<interleaved>} : vector<32xbf16> -> vector<16xf32>
        %unpack3A_518 = tpu.unpack_subelements %bitcast3A_516, 1 {pack_format = #tpu.pack_format<interleaved>} : vector<32xbf16> -> vector<16xf32>
        %mul3A_519 = arith.mulf %unpack3A_517, %gather3A : vector<16xf32>
        %swap3A_520 = arith.index_cast %add3A_426 : i32 to index
        %swap3A_521 = arith.constant 64 : index
        %swap3A_522 = tpu.vector_load %arg26[%swap3A_520, %swap3A_521] {strides = array<i32>} : memref<48x128xf32, #tpu.memory_space<vmem>>, vector<16xf32>,
        tpu.vector_store %arg26[%swap3A_520, %swap3A_521], %mul3A_519 {strides = array<i32>} : memref<48x128xf32, #tpu.memory_space<vmem>>, vector<16xf32>,
        %mul3A_523 = arith.mulf %unpack3A_518, %gather3A : vector<16xf32>
        %swap3A_524 = arith.index_cast %add3A_426 : i32 to index
        %swap3A_525 = arith.constant 80 : index
        %swap3A_526 = tpu.vector_load %arg26[%swap3A_524, %swap3A_525] {strides = array<i32>} : memref<48x128xf32, #tpu.memory_space<vmem>>, vector<16xf32>,
        tpu.vector_store %arg26[%swap3A_524, %swap3A_525], %mul3A_523 {strides = array<i32>} : memref<48x128xf32, #tpu.memory_space<vmem>>, vector<16xf32>,
        %get3A_527 = arith.index_cast %add3A_426 : i32 to index
        %get3A_528 = arith.constant 112 : index
        %get3A_529 = tpu.vector_load %arg23[%get3A_527, %get3A_528] {strides = array<i32>} : memref<48x128xf32, #tpu.memory_space<vmem>>, vector<16xf32>,
        %bitcast3A_530 = vector.bitcast %get3A_529 : vector<16xf32> to vector<32xbf16>
        %unpack3A_531 = tpu.unpack_subelements %bitcast3A_530, 0 {pack_format = #tpu.pack_format<interleaved>} : vector<32xbf16> -> vector<16xf32>
        %unpack3A_532 = tpu.unpack_subelements %bitcast3A_530, 1 {pack_format = #tpu.pack_format<interleaved>} : vector<32xbf16> -> vector<16xf32>
        %mul3A_533 = arith.mulf %unpack3A_531, %gather3A : vector<16xf32>
        %swap3A_534 = arith.index_cast %add3A_426 : i32 to index
        %swap3A_535 = arith.constant 96 : index
        %swap3A_536 = tpu.vector_load %arg26[%swap3A_534, %swap3A_535] {strides = array<i32>} : memref<48x128xf32, #tpu.memory_space<vmem>>, vector<16xf32>,
        tpu.vector_store %arg26[%swap3A_534, %swap3A_535], %mul3A_533 {strides = array<i32>} : memref<48x128xf32, #tpu.memory_space<vmem>>, vector<16xf32>,
        %mul3A_537 = arith.mulf %unpack3A_532, %gather3A : vector<16xf32>
        %swap3A_538 = arith.index_cast %add3A_426 : i32 to index
        %swap3A_539 = arith.constant 112 : index
        %swap3A_540 = tpu.vector_load %arg26[%swap3A_538, %swap3A_539] {strides = array<i32>} : memref<48x128xf32, #tpu.memory_space<vmem>>, vector<16xf32>,
        tpu.vector_store %arg26[%swap3A_538, %swap3A_539], %mul3A_537 {strides = array<i32>} : memref<48x128xf32, #tpu.memory_space<vmem>>, vector<16xf32>,
      }
      %scan3A_347 = arith.constant 48 : i32
      %get3A_348 = arith.constant 0 : i32
      %get3A_349 = arith.index_cast %get3A_348 : i32 to index
      %get3A_350 = arith.constant 0 : index
      %get3A_351 = tpu.vector_load %arg15[%get3A_349, %get3A_350] {strides = array<i32>} : memref<1x48xi32, #tpu.memory_space<vmem>>, vector<16xi32>,
      %swap3A_352 = arith.constant 0 : i32
      %swap3A_353 = arith.index_cast %swap3A_352 : i32 to index
      %swap3A_354 = arith.constant 0 : index
      %swap3A_355 = tpu.vector_load %arg19[%swap3A_353, %swap3A_354] {strides = array<i32>} : memref<1x48xi32, #tpu.memory_space<vmem>>, vector<16xi32>,
      tpu.vector_store %arg19[%swap3A_353, %swap3A_354], %get3A_351 {strides = array<i32>} : memref<1x48xi32, #tpu.memory_space<vmem>>, vector<16xi32>,
      %get3A_356 = arith.constant 0 : i32
      %get3A_357 = arith.index_cast %get3A_356 : i32 to index
      %get3A_358 = arith.constant 0 : index
      %get3A_359 = tpu.vector_load %arg17[%get3A_357, %get3A_358] {strides = array<i32>} : memref<1x48xi32, #tpu.memory_space<vmem>>, vector<16xi32>,
      %swap3A_360 = arith.constant 0 : i32
      %swap3A_361 = arith.index_cast %swap3A_360 : i32 to index
      %swap3A_362 = arith.constant 0 : index
      %swap3A_363 = tpu.vector_load %arg20[%swap3A_361, %swap3A_362] {strides = array<i32>} : memref<1x48xi32, #tpu.memory_space<vmem>>, vector<16xi32>,
      tpu.vector_store %arg20[%swap3A_361, %swap3A_362], %get3A_359 {strides = array<i32>} : memref<1x48xi32, #tpu.memory_space<vmem>>, vector<16xi32>,
      %get3A_364 = arith.constant 0 : i32
      %get3A_365 = arith.index_cast %get3A_364 : i32 to index
      %get3A_366 = arith.constant 16 : index
      %get3A_367 = tpu.vector_load %arg15[%get3A_365, %get3A_366] {strides = array<i32>} : memref<1x48xi32, #tpu.memory_space<vmem>>, vector<16xi32>,
      %swap3A_368 = arith.constant 0 : i32
      %swap3A_369 = arith.index_cast %swap3A_368 : i32 to index
      %swap3A_370 = arith.constant 16 : index
      %swap3A_371 = tpu.vector_load %arg19[%swap3A_369, %swap3A_370] {strides = array<i32>} : memref<1x48xi32, #tpu.memory_space<vmem>>, vector<16xi32>,
      tpu.vector_store %arg19[%swap3A_369, %swap3A_370], %get3A_367 {strides = array<i32>} : memref<1x48xi32, #tpu.memory_space<vmem>>, vector<16xi32>,
      %get3A_372 = arith.constant 0 : i32
      %get3A_373 = arith.index_cast %get3A_372 : i32 to index
      %get3A_374 = arith.constant 16 : index
      %get3A_375 = tpu.vector_load %arg17[%get3A_373, %get3A_374] {strides = array<i32>} : memref<1x48xi32, #tpu.memory_space<vmem>>, vector<16xi32>,
      %swap3A_376 = arith.constant 0 : i32
      %swap3A_377 = arith.index_cast %swap3A_376 : i32 to index
      %swap3A_378 = arith.constant 16 : index
      %swap3A_379 = tpu.vector_load %arg20[%swap3A_377, %swap3A_378] {strides = array<i32>} : memref<1x48xi32, #tpu.memory_space<vmem>>, vector<16xi32>,
      tpu.vector_store %arg20[%swap3A_377, %swap3A_378], %get3A_375 {strides = array<i32>} : memref<1x48xi32, #tpu.memory_space<vmem>>, vector<16xi32>,
      %get3A_380 = arith.constant 0 : i32
      %get3A_381 = arith.index_cast %get3A_380 : i32 to index
      %get3A_382 = arith.constant 32 : index
      %get3A_383 = tpu.vector_load %arg15[%get3A_381, %get3A_382] {strides = array<i32>} : memref<1x48xi32, #tpu.memory_space<vmem>>, vector<16xi32>,
      %swap3A_384 = arith.constant 0 : i32
      %swap3A_385 = arith.index_cast %swap3A_384 : i32 to index
      %swap3A_386 = arith.constant 32 : index
      %swap3A_387 = tpu.vector_load %arg19[%swap3A_385, %swap3A_386] {strides = array<i32>} : memref<1x48xi32, #tpu.memory_space<vmem>>, vector<16xi32>,
      tpu.vector_store %arg19[%swap3A_385, %swap3A_386], %get3A_383 {strides = array<i32>} : memref<1x48xi32, #tpu.memory_space<vmem>>, vector<16xi32>,
      %get3A_388 = arith.constant 0 : i32
      %get3A_389 = arith.index_cast %get3A_388 : i32 to index
      %get3A_390 = arith.constant 32 : index
      %get3A_391 = tpu.vector_load %arg17[%get3A_389, %get3A_390] {strides = array<i32>} : memref<1x48xi32, #tpu.memory_space<vmem>>, vector<16xi32>,
      %swap3A_392 = arith.constant 0 : i32
      %swap3A_393 = arith.index_cast %swap3A_392 : i32 to index
      %swap3A_394 = arith.constant 32 : index
      %swap3A_395 = tpu.vector_load %arg20[%swap3A_393, %swap3A_394] {strides = array<i32>} : memref<1x48xi32, #tpu.memory_space<vmem>>, vector<16xi32>,
      tpu.vector_store %arg20[%swap3A_393, %swap3A_394], %get3A_391 {strides = array<i32>} : memref<1x48xi32, #tpu.memory_space<vmem>>, vector<16xi32>,
      %dma_start3A_396 = arith.constant 0 : i32
      %dma_start3A_397 = arith.constant 0 : i32
      %dma_start3A_398 = tpu.memref_slice %arg19[%dma_start3A_396, %dma_start3A_397] : memref<1x48xi32, #tpu.memory_space<vmem>> -> memref<1x48xi32, #tpu.memory_space<vmem>>
      %dma_start3A_399 = tpu.memref_squeeze %dma_start3A_398 : memref<1x48xi32, #tpu.memory_space<vmem>> -> memref<48xi32, #tpu.memory_space<vmem>>
      %dma_start3A_400 = arith.constant 0 : i32
      %dma_start3A_401 = arith.constant 0 : i32
      %dma_start3A_402 = tpu.memref_slice %arg27[%dma_start3A_400, %dma_start3A_401] : memref<10000x128xf32, #tpu.memory_space<vmem_shared>> -> memref<10000x128xf32, #tpu.memory_space<vmem_shared>>
      tpu.enqueue_indirect_dma source(%arg25 : memref<48x128xf32, #tpu.memory_space<vmem>>) target(%dma_start3A_402 : memref<10000x128xf32, #tpu.memory_space<vmem_shared>>) offsets(%dma_start3A_399 : memref<48xi32, #tpu.memory_space<vmem>>) semaphore(%arg33 : memref<!tpu.dma_semaphore, #tpu.memory_space<semaphore_mem>>) {add = true}
      %dma_start3A_403 = arith.constant 0 : i32
      %dma_start3A_404 = arith.constant 0 : i32
      %dma_start3A_405 = tpu.memref_slice %arg20[%dma_start3A_403, %dma_start3A_404] : memref<1x48xi32, #tpu.memory_space<vmem>> -> memref<1x48xi32, #tpu.memory_space<vmem>>
      %dma_start3A_406 = tpu.memref_squeeze %dma_start3A_405 : memref<1x48xi32, #tpu.memory_space<vmem>> -> memref<48xi32, #tpu.memory_space<vmem>>
      %dma_start3A_407 = arith.constant 0 : i32
      %dma_start3A_408 = arith.constant 0 : i32
      %dma_start3A_409 = tpu.memref_slice %arg27[%dma_start3A_407, %dma_start3A_408] : memref<10000x128xf32, #tpu.memory_space<vmem_shared>> -> memref<10000x128xf32, #tpu.memory_space<vmem_shared>>
      tpu.enqueue_indirect_dma source(%arg26 : memref<48x128xf32, #tpu.memory_space<vmem>>) target(%dma_start3A_409 : memref<10000x128xf32, #tpu.memory_space<vmem_shared>>) offsets(%dma_start3A_406 : memref<48xi32, #tpu.memory_space<vmem>>) semaphore(%arg33 : memref<!tpu.dma_semaphore, #tpu.memory_space<semaphore_mem>>) {add = true}
      %add3A_410 = arith.constant 2 : i32
      %add3A_411 = arith.addi %add3A_325, %add3A_410 : i32
      %lt3A_412 = arith.cmpi slt, %add3A_411, %div3A_277 : i32
      %convert_element_type3A_413 = arith.extui %lt3A_412 : i1 to i32
      %cond3A_414 = arith.constant 0 : i32
      %cond3A_415 = arith.cmpi ne, %convert_element_type3A_413, %cond3A_414 : i32
      scf.if %cond3A_415 {
        %add3A_422 = arith.constant 2 : i32
        %add3A_423 = arith.addi %add3A_325, %add3A_422 : i32
        %mul3A_424 = arith.constant 48 : i32
        %mul3A_425 = arith.muli %add3A_423, %mul3A_424 : i32
        %add3A_426 = arith.constant 0 : i32
        %add3A_427 = arith.addi %mul3A_425, %add3A_426 : i32
        %get3A_428 = arith.index_cast %add3A_427 : i32 to index
        %get3A_429 = tpu.vector_load %arg13[%get3A_428] {strides = array<i32>} : memref<10304xi32, #tpu.memory_space<vmem>>, vector<16xi32>,
        %shift_right_logical3A = arith.constant 15 : i32
        %shift_right_logical3A_430 = vector.broadcast %shift_right_logical3A : i32 to vector<16xi32>
        %shift_right_logical3A_431 = arith.shrui %get3A_429, %shift_right_logical3A_430 : vector<16xi32>
        %swap3A_432 = arith.constant 0 : i32
        %swap3A_433 = arith.index_cast %swap3A_432 : i32 to index
        %swap3A_434 = arith.constant 0 : index
        %swap3A_435 = tpu.vector_load %arg15[%swap3A_433, %swap3A_434] {strides = array<i32>} : memref<1x48xi32, #tpu.memory_space<vmem>>, vector<16xi32>,
        tpu.vector_store %arg15[%swap3A_433, %swap3A_434], %shift_right_logical3A_431 {strides = array<i32>} : memref<1x48xi32, #tpu.memory_space<vmem>>, vector<16xi32>,
        %or3A = arith.constant 1 : i32
        %or3A_436 = vector.broadcast %or3A : i32 to vector<16xi32>
        %or3A_437 = arith.ori %shift_right_logical3A_431, %or3A_436 : vector<16xi32>
        %swap3A_438 = arith.constant 0 : i32
        %swap3A_439 = arith.index_cast %swap3A_438 : i32 to index
        %swap3A_440 = arith.constant 0 : index
        %swap3A_441 = tpu.vector_load %arg17[%swap3A_439, %swap3A_440] {strides = array<i32>} : memref<1x48xi32, #tpu.memory_space<vmem>>, vector<16xi32>,
        tpu.vector_store %arg17[%swap3A_439, %swap3A_440], %or3A_437 {strides = array<i32>} : memref<1x48xi32, #tpu.memory_space<vmem>>, vector<16xi32>,
        %and3A = arith.constant 65535 : i32
        %and3A_442 = vector.broadcast %and3A : i32 to vector<16xi32>
        %and3A_443 = arith.andi %get3A_429, %and3A_442 : vector<16xi32>
        %swap3A_444 = arith.constant 0 : i32
        %swap3A_445 = arith.index_cast %swap3A_444 : i32 to index
        %swap3A_446 = arith.constant 0 : index
        %swap3A_447 = tpu.vector_load %arg21[%swap3A_445, %swap3A_446] {strides = array<i32>} : memref<1x48xi32, #tpu.memory_space<vmem>>, vector<16xi32>,
        tpu.vector_store %arg21[%swap3A_445, %swap3A_446], %and3A_443 {strides = array<i32>} : memref<1x48xi32, #tpu.memory_space<vmem>>, vector<16xi32>,
        %mul3A_448 = arith.constant 48 : i32
        %mul3A_449 = arith.muli %add3A_423, %mul3A_448 : i32
        %add3A_450 = arith.constant 16 : i32
        %add3A_451 = arith.addi %mul3A_449, %add3A_450 : i32
        %get3A_452 = arith.index_cast %add3A_451 : i32 to index
        %get3A_453 = tpu.vector_load %arg13[%get3A_452] {strides = array<i32>} : memref<10304xi32, #tpu.memory_space<vmem>>, vector<16xi32>,
        %shift_right_logical3A_454 = arith.constant 15 : i32
        %shift_right_logical3A_455 = vector.broadcast %shift_right_logical3A_454 : i32 to vector<16xi32>
        %shift_right_logical3A_456 = arith.shrui %get3A_453, %shift_right_logical3A_455 : vector<16xi32>
        %swap3A_457 = arith.constant 0 : i32
        %swap3A_458 = arith.index_cast %swap3A_457 : i32 to index
        %swap3A_459 = arith.constant 16 : index
        %swap3A_460 = tpu.vector_load %arg15[%swap3A_458, %swap3A_459] {strides = array<i32>} : memref<1x48xi32, #tpu.memory_space<vmem>>, vector<16xi32>,
        tpu.vector_store %arg15[%swap3A_458, %swap3A_459], %shift_right_logical3A_456 {strides = array<i32>} : memref<1x48xi32, #tpu.memory_space<vmem>>, vector<16xi32>,
        %or3A_461 = arith.constant 1 : i32
        %or3A_462 = vector.broadcast %or3A_461 : i32 to vector<16xi32>
        %or3A_463 = arith.ori %shift_right_logical3A_456, %or3A_462 : vector<16xi32>
        %swap3A_464 = arith.constant 0 : i32
        %swap3A_465 = arith.index_cast %swap3A_464 : i32 to index
        %swap3A_466 = arith.constant 16 : index
        %swap3A_467 = tpu.vector_load %arg17[%swap3A_465, %swap3A_466] {strides = array<i32>} : memref<1x48xi32, #tpu.memory_space<vmem>>, vector<16xi32>,
        tpu.vector_store %arg17[%swap3A_465, %swap3A_466], %or3A_463 {strides = array<i32>} : memref<1x48xi32, #tpu.memory_space<vmem>>, vector<16xi32>,
        %and3A_468 = arith.constant 65535 : i32
        %and3A_469 = vector.broadcast %and3A_468 : i32 to vector<16xi32>
        %and3A_470 = arith.andi %get3A_453, %and3A_469 : vector<16xi32>
        %swap3A_471 = arith.constant 0 : i32
        %swap3A_472 = arith.index_cast %swap3A_471 : i32 to index
        %swap3A_473 = arith.constant 16 : index
        %swap3A_474 = tpu.vector_load %arg21[%swap3A_472, %swap3A_473] {strides = array<i32>} : memref<1x48xi32, #tpu.memory_space<vmem>>, vector<16xi32>,
        tpu.vector_store %arg21[%swap3A_472, %swap3A_473], %and3A_470 {strides = array<i32>} : memref<1x48xi32, #tpu.memory_space<vmem>>, vector<16xi32>,
        %mul3A_475 = arith.constant 48 : i32
        %mul3A_476 = arith.muli %add3A_423, %mul3A_475 : i32
        %add3A_477 = arith.constant 32 : i32
        %add3A_478 = arith.addi %mul3A_476, %add3A_477 : i32
        %get3A_479 = arith.index_cast %add3A_478 : i32 to index
        %get3A_480 = tpu.vector_load %arg13[%get3A_479] {strides = array<i32>} : memref<10304xi32, #tpu.memory_space<vmem>>, vector<16xi32>,
        %shift_right_logical3A_481 = arith.constant 15 : i32
        %shift_right_logical3A_482 = vector.broadcast %shift_right_logical3A_481 : i32 to vector<16xi32>
        %shift_right_logical3A_483 = arith.shrui %get3A_480, %shift_right_logical3A_482 : vector<16xi32>
        %swap3A_484 = arith.constant 0 : i32
        %swap3A_485 = arith.index_cast %swap3A_484 : i32 to index
        %swap3A_486 = arith.constant 32 : index
        %swap3A_487 = tpu.vector_load %arg15[%swap3A_485, %swap3A_486] {strides = array<i32>} : memref<1x48xi32, #tpu.memory_space<vmem>>, vector<16xi32>,
        tpu.vector_store %arg15[%swap3A_485, %swap3A_486], %shift_right_logical3A_483 {strides = array<i32>} : memref<1x48xi32, #tpu.memory_space<vmem>>, vector<16xi32>,
        %or3A_488 = arith.constant 1 : i32
        %or3A_489 = vector.broadcast %or3A_488 : i32 to vector<16xi32>
        %or3A_490 = arith.ori %shift_right_logical3A_483, %or3A_489 : vector<16xi32>
        %swap3A_491 = arith.constant 0 : i32
        %swap3A_492 = arith.index_cast %swap3A_491 : i32 to index
        %swap3A_493 = arith.constant 32 : index
        %swap3A_494 = tpu.vector_load %arg17[%swap3A_492, %swap3A_493] {strides = array<i32>} : memref<1x48xi32, #tpu.memory_space<vmem>>, vector<16xi32>,
        tpu.vector_store %arg17[%swap3A_492, %swap3A_493], %or3A_490 {strides = array<i32>} : memref<1x48xi32, #tpu.memory_space<vmem>>, vector<16xi32>,
        %and3A_495 = arith.constant 65535 : i32
        %and3A_496 = vector.broadcast %and3A_495 : i32 to vector<16xi32>
        %and3A_497 = arith.andi %get3A_480, %and3A_496 : vector<16xi32>
        %swap3A_498 = arith.constant 0 : i32
        %swap3A_499 = arith.index_cast %swap3A_498 : i32 to index
        %swap3A_500 = arith.constant 32 : index
        %swap3A_501 = tpu.vector_load %arg21[%swap3A_499, %swap3A_500] {strides = array<i32>} : memref<1x48xi32, #tpu.memory_space<vmem>>, vector<16xi32>,
        tpu.vector_store %arg21[%swap3A_499, %swap3A_500], %and3A_497 {strides = array<i32>} : memref<1x48xi32, #tpu.memory_space<vmem>>, vector<16xi32>,
        %add3A_502 = arith.constant 2 : i32
        %add3A_503 = arith.addi %add3A_325, %add3A_502 : i32
        %dma_start3A_504 = arith.constant 0 : i32
        %dma_start3A_505 = arith.constant 0 : i32
        %dma_start3A_506 = tpu.memref_slice %arg21[%dma_start3A_504, %dma_start3A_505] : memref<1x48xi32, #tpu.memory_space<vmem>> -> memref<1x48xi32, #tpu.memory_space<vmem>>
        %dma_start3A_507 = tpu.memref_squeeze %dma_start3A_506 : memref<1x48xi32, #tpu.memory_space<vmem>> -> memref<48xi32, #tpu.memory_space<vmem>>
        %dma_start3A_508 = arith.constant 0 : i32
        %dma_start3A_509 = arith.constant 0 : i32
        %dma_start3A_510 = tpu.memref_slice %arg2[%dma_start3A_508, %dma_start3A_509] : memref<10000x128xf32, #tpu.memory_space<hbm>> -> memref<10000x128xf32, #tpu.memory_space<hbm>>
        tpu.enqueue_indirect_dma source(%dma_start3A_510 : memref<10000x128xf32, #tpu.memory_space<hbm>>) target(%arg23 : memref<48x128xf32, #tpu.memory_space<vmem>>) offsets(%dma_start3A_507 : memref<48xi32, #tpu.memory_space<vmem>>) semaphore(%arg29 : memref<!tpu.dma_semaphore, #tpu.memory_space<semaphore_mem>>)
      } else {
      }
      %add3A_416 = arith.constant 1 : i32
      %add3A_417 = arith.addi %add3A_325, %add3A_416 : i32
      %lt3A_418 = arith.cmpi slt, %add3A_417, %div3A_277 : i32
      %convert_element_type3A_419 = arith.extui %lt3A_418 : i1 to i32
      %cond3A_420 = arith.constant 0 : i32
      %cond3A_421 = arith.cmpi ne, %convert_element_type3A_419, %cond3A_420 : i32
      scf.if %cond3A_421 {
        %dma_wait3A_422 = arith.constant 0 : i32
        %dma_wait3A_423 = arith.constant 0 : i32
        %dma_wait3A_424 = tpu.memref_slice %arg22[%dma_wait3A_422, %dma_wait3A_423] : memref<1x48xi32, #tpu.memory_space<vmem>> -> memref<1x48xi32, #tpu.memory_space<vmem>>
        %dma_wait3A_425 = tpu.memref_squeeze %dma_wait3A_424 : memref<1x48xi32, #tpu.memory_space<vmem>> -> memref<48xi32, #tpu.memory_space<vmem>>
        %dma_wait3A_426 = arith.constant 0 : i32
        %dma_wait3A_427 = arith.constant 0 : i32
        %dma_wait3A_428 = tpu.memref_slice %arg2[%dma_wait3A_426, %dma_wait3A_427] : memref<10000x128xf32, #tpu.memory_space<hbm>> -> memref<10000x128xf32, #tpu.memory_space<hbm>>
        tpu.wait_indirect_dma semaphore(%arg30 : memref<!tpu.dma_semaphore, #tpu.memory_space<semaphore_mem>>) src(%dma_wait3A_428 : memref<10000x128xf32, #tpu.memory_space<hbm>>) dst(%arg24 : memref<48x128xf32, #tpu.memory_space<vmem>>)
        %dma_wait3A_429 = arith.constant 0 : i32
        %dma_wait3A_430 = arith.constant 0 : i32
        %dma_wait3A_431 = tpu.memref_slice %arg19[%dma_wait3A_429, %dma_wait3A_430] : memref<1x48xi32, #tpu.memory_space<vmem>> -> memref<1x48xi32, #tpu.memory_space<vmem>>
        %dma_wait3A_432 = tpu.memref_squeeze %dma_wait3A_431 : memref<1x48xi32, #tpu.memory_space<vmem>> -> memref<48xi32, #tpu.memory_space<vmem>>
        %dma_wait3A_433 = arith.constant 0 : i32
        %dma_wait3A_434 = arith.constant 0 : i32
        %dma_wait3A_435 = tpu.memref_slice %arg27[%dma_wait3A_433, %dma_wait3A_434] : memref<10000x128xf32, #tpu.memory_space<vmem_shared>> -> memref<10000x128xf32, #tpu.memory_space<vmem_shared>>
        tpu.wait_indirect_dma semaphore(%arg33 : memref<!tpu.dma_semaphore, #tpu.memory_space<semaphore_mem>>) src(%arg25 : memref<48x128xf32, #tpu.memory_space<vmem>>) dst(%dma_wait3A_435 : memref<10000x128xf32, #tpu.memory_space<vmem_shared>>)
        %dma_wait3A_436 = arith.constant 0 : i32
        %dma_wait3A_437 = arith.constant 0 : i32
        %dma_wait3A_438 = tpu.memref_slice %arg20[%dma_wait3A_436, %dma_wait3A_437] : memref<1x48xi32, #tpu.memory_space<vmem>> -> memref<1x48xi32, #tpu.memory_space<vmem>>
        %dma_wait3A_439 = tpu.memref_squeeze %dma_wait3A_438 : memref<1x48xi32, #tpu.memory_space<vmem>> -> memref<48xi32, #tpu.memory_space<vmem>>
        %dma_wait3A_440 = arith.constant 0 : i32
        %dma_wait3A_441 = arith.constant 0 : i32
        %dma_wait3A_442 = tpu.memref_slice %arg27[%dma_wait3A_440, %dma_wait3A_441] : memref<10000x128xf32, #tpu.memory_space<vmem_shared>> -> memref<10000x128xf32, #tpu.memory_space<vmem_shared>>
        tpu.wait_indirect_dma semaphore(%arg33 : memref<!tpu.dma_semaphore, #tpu.memory_space<semaphore_mem>>) src(%arg26 : memref<48x128xf32, #tpu.memory_space<vmem>>) dst(%dma_wait3A_442 : memref<10000x128xf32, #tpu.memory_space<vmem_shared>>)
        %add3A_443 = arith.constant 1 : i32
        %add3A_444 = arith.addi %add3A_325, %add3A_443 : i32
        %scan3A_445 = arith.constant 0 : i32
        %scan3A_446 = arith.constant 48 : i32
        %scan3A_447 = arith.addi %scan3A_445, %scan3A_446 : i32
        %scan3A_448 = arith.constant 1 : i32
        scf.for %scan3A_512 = %scan3A_445 to %scan3A_447 step %scan3A_448  : i32 {
          %mul3A_513 = arith.constant 1 : i32
          %mul3A_514 = arith.muli %scan3A_512, %mul3A_513 : i32
          %add3A_515 = arith.constant 0 : i32
          %add3A_516 = arith.addi %add3A_515, %mul3A_514 : i32
          %mul3A_517 = arith.constant 48 : i32
          %mul3A_518 = arith.muli %add3A_444, %mul3A_517 : i32
          %add3A_519 = arith.addi %mul3A_518, %add3A_516 : i32
          %broadcast_in_dim3A_520 = vector.broadcast %add3A_519 : i32 to vector<16xi32>
          %gather3A = tpu.vector_load_idx %arg14[%broadcast_in_dim3A_520] : memref<10304xf32, #tpu.memory_space<vmem>>[vector<16xi32>], vector<16xf32>,
          %get3A_521 = arith.index_cast %add3A_516 : i32 to index
          %get3A_522 = arith.constant 0 : index
          %get3A_523 = tpu.vector_load %arg24[%get3A_521, %get3A_522] {strides = array<i32>} : memref<48x128xf32, #tpu.memory_space<vmem>>, vector<16xf32>,
          %bitcast3A = vector.bitcast %get3A_523 : vector<16xf32> to vector<32xbf16>
          %unpack3A = tpu.unpack_subelements %bitcast3A, 0 {pack_format = #tpu.pack_format<interleaved>} : vector<32xbf16> -> vector<16xf32>
          %unpack3A_524 = tpu.unpack_subelements %bitcast3A, 1 {pack_format = #tpu.pack_format<interleaved>} : vector<32xbf16> -> vector<16xf32>
          %mul3A_525 = arith.mulf %unpack3A, %gather3A : vector<16xf32>
          %swap3A_526 = arith.index_cast %add3A_516 : i32 to index
          %swap3A_527 = arith.constant 0 : index
          %swap3A_528 = tpu.vector_load %arg25[%swap3A_526, %swap3A_527] {strides = array<i32>} : memref<48x128xf32, #tpu.memory_space<vmem>>, vector<16xf32>,
          tpu.vector_store %arg25[%swap3A_526, %swap3A_527], %mul3A_525 {strides = array<i32>} : memref<48x128xf32, #tpu.memory_space<vmem>>, vector<16xf32>,
          %mul3A_529 = arith.mulf %unpack3A_524, %gather3A : vector<16xf32>
          %swap3A_530 = arith.index_cast %add3A_516 : i32 to index
          %swap3A_531 = arith.constant 16 : index
          %swap3A_532 = tpu.vector_load %arg25[%swap3A_530, %swap3A_531] {strides = array<i32>} : memref<48x128xf32, #tpu.memory_space<vmem>>, vector<16xf32>,
          tpu.vector_store %arg25[%swap3A_530, %swap3A_531], %mul3A_529 {strides = array<i32>} : memref<48x128xf32, #tpu.memory_space<vmem>>, vector<16xf32>,
          %get3A_533 = arith.index_cast %add3A_516 : i32 to index
          %get3A_534 = arith.constant 16 : index
          %get3A_535 = tpu.vector_load %arg24[%get3A_533, %get3A_534] {strides = array<i32>} : memref<48x128xf32, #tpu.memory_space<vmem>>, vector<16xf32>,
          %bitcast3A_536 = vector.bitcast %get3A_535 : vector<16xf32> to vector<32xbf16>
          %unpack3A_537 = tpu.unpack_subelements %bitcast3A_536, 0 {pack_format = #tpu.pack_format<interleaved>} : vector<32xbf16> -> vector<16xf32>
          %unpack3A_538 = tpu.unpack_subelements %bitcast3A_536, 1 {pack_format = #tpu.pack_format<interleaved>} : vector<32xbf16> -> vector<16xf32>
          %mul3A_539 = arith.mulf %unpack3A_537, %gather3A : vector<16xf32>
          %swap3A_540 = arith.index_cast %add3A_516 : i32 to index
          %swap3A_541 = arith.constant 32 : index
          %swap3A_542 = tpu.vector_load %arg25[%swap3A_540, %swap3A_541] {strides = array<i32>} : memref<48x128xf32, #tpu.memory_space<vmem>>, vector<16xf32>,
          tpu.vector_store %arg25[%swap3A_540, %swap3A_541], %mul3A_539 {strides = array<i32>} : memref<48x128xf32, #tpu.memory_space<vmem>>, vector<16xf32>,
          %mul3A_543 = arith.mulf %unpack3A_538, %gather3A : vector<16xf32>
          %swap3A_544 = arith.index_cast %add3A_516 : i32 to index
          %swap3A_545 = arith.constant 48 : index
          %swap3A_546 = tpu.vector_load %arg25[%swap3A_544, %swap3A_545] {strides = array<i32>} : memref<48x128xf32, #tpu.memory_space<vmem>>, vector<16xf32>,
          tpu.vector_store %arg25[%swap3A_544, %swap3A_545], %mul3A_543 {strides = array<i32>} : memref<48x128xf32, #tpu.memory_space<vmem>>, vector<16xf32>,
          %get3A_547 = arith.index_cast %add3A_516 : i32 to index
          %get3A_548 = arith.constant 32 : index
          %get3A_549 = tpu.vector_load %arg24[%get3A_547, %get3A_548] {strides = array<i32>} : memref<48x128xf32, #tpu.memory_space<vmem>>, vector<16xf32>,
          %bitcast3A_550 = vector.bitcast %get3A_549 : vector<16xf32> to vector<32xbf16>
          %unpack3A_551 = tpu.unpack_subelements %bitcast3A_550, 0 {pack_format = #tpu.pack_format<interleaved>} : vector<32xbf16> -> vector<16xf32>
          %unpack3A_552 = tpu.unpack_subelements %bitcast3A_550, 1 {pack_format = #tpu.pack_format<interleaved>} : vector<32xbf16> -> vector<16xf32>
          %mul3A_553 = arith.mulf %unpack3A_551, %gather3A : vector<16xf32>
          %swap3A_554 = arith.index_cast %add3A_516 : i32 to index
          %swap3A_555 = arith.constant 64 : index
          %swap3A_556 = tpu.vector_load %arg25[%swap3A_554, %swap3A_555] {strides = array<i32>} : memref<48x128xf32, #tpu.memory_space<vmem>>, vector<16xf32>,
          tpu.vector_store %arg25[%swap3A_554, %swap3A_555], %mul3A_553 {strides = array<i32>} : memref<48x128xf32, #tpu.memory_space<vmem>>, vector<16xf32>,
          %mul3A_557 = arith.mulf %unpack3A_552, %gather3A : vector<16xf32>
          %swap3A_558 = arith.index_cast %add3A_516 : i32 to index
          %swap3A_559 = arith.constant 80 : index
          %swap3A_560 = tpu.vector_load %arg25[%swap3A_558, %swap3A_559] {strides = array<i32>} : memref<48x128xf32, #tpu.memory_space<vmem>>, vector<16xf32>,
          tpu.vector_store %arg25[%swap3A_558, %swap3A_559], %mul3A_557 {strides = array<i32>} : memref<48x128xf32, #tpu.memory_space<vmem>>, vector<16xf32>,
          %get3A_561 = arith.index_cast %add3A_516 : i32 to index
          %get3A_562 = arith.constant 48 : index
          %get3A_563 = tpu.vector_load %arg24[%get3A_561, %get3A_562] {strides = array<i32>} : memref<48x128xf32, #tpu.memory_space<vmem>>, vector<16xf32>,
          %bitcast3A_564 = vector.bitcast %get3A_563 : vector<16xf32> to vector<32xbf16>
          %unpack3A_565 = tpu.unpack_subelements %bitcast3A_564, 0 {pack_format = #tpu.pack_format<interleaved>} : vector<32xbf16> -> vector<16xf32>
          %unpack3A_566 = tpu.unpack_subelements %bitcast3A_564, 1 {pack_format = #tpu.pack_format<interleaved>} : vector<32xbf16> -> vector<16xf32>
          %mul3A_567 = arith.mulf %unpack3A_565, %gather3A : vector<16xf32>
          %swap3A_568 = arith.index_cast %add3A_516 : i32 to index
          %swap3A_569 = arith.constant 96 : index
          %swap3A_570 = tpu.vector_load %arg25[%swap3A_568, %swap3A_569] {strides = array<i32>} : memref<48x128xf32, #tpu.memory_space<vmem>>, vector<16xf32>,
          tpu.vector_store %arg25[%swap3A_568, %swap3A_569], %mul3A_567 {strides = array<i32>} : memref<48x128xf32, #tpu.memory_space<vmem>>, vector<16xf32>,
          %mul3A_571 = arith.mulf %unpack3A_566, %gather3A : vector<16xf32>
          %swap3A_572 = arith.index_cast %add3A_516 : i32 to index
          %swap3A_573 = arith.constant 112 : index
          %swap3A_574 = tpu.vector_load %arg25[%swap3A_572, %swap3A_573] {strides = array<i32>} : memref<48x128xf32, #tpu.memory_space<vmem>>, vector<16xf32>,
          tpu.vector_store %arg25[%swap3A_572, %swap3A_573], %mul3A_571 {strides = array<i32>} : memref<48x128xf32, #tpu.memory_space<vmem>>, vector<16xf32>,
          %get3A_575 = arith.index_cast %add3A_516 : i32 to index
          %get3A_576 = arith.constant 64 : index
          %get3A_577 = tpu.vector_load %arg24[%get3A_575, %get3A_576] {strides = array<i32>} : memref<48x128xf32, #tpu.memory_space<vmem>>, vector<16xf32>,
          %bitcast3A_578 = vector.bitcast %get3A_577 : vector<16xf32> to vector<32xbf16>
          %unpack3A_579 = tpu.unpack_subelements %bitcast3A_578, 0 {pack_format = #tpu.pack_format<interleaved>} : vector<32xbf16> -> vector<16xf32>
          %unpack3A_580 = tpu.unpack_subelements %bitcast3A_578, 1 {pack_format = #tpu.pack_format<interleaved>} : vector<32xbf16> -> vector<16xf32>
          %mul3A_581 = arith.mulf %unpack3A_579, %gather3A : vector<16xf32>
          %swap3A_582 = arith.index_cast %add3A_516 : i32 to index
          %swap3A_583 = arith.constant 0 : index
          %swap3A_584 = tpu.vector_load %arg26[%swap3A_582, %swap3A_583] {strides = array<i32>} : memref<48x128xf32, #tpu.memory_space<vmem>>, vector<16xf32>,
          tpu.vector_store %arg26[%swap3A_582, %swap3A_583], %mul3A_581 {strides = array<i32>} : memref<48x128xf32, #tpu.memory_space<vmem>>, vector<16xf32>,
          %mul3A_585 = arith.mulf %unpack3A_580, %gather3A : vector<16xf32>
          %swap3A_586 = arith.index_cast %add3A_516 : i32 to index
          %swap3A_587 = arith.constant 16 : index
          %swap3A_588 = tpu.vector_load %arg26[%swap3A_586, %swap3A_587] {strides = array<i32>} : memref<48x128xf32, #tpu.memory_space<vmem>>, vector<16xf32>,
          tpu.vector_store %arg26[%swap3A_586, %swap3A_587], %mul3A_585 {strides = array<i32>} : memref<48x128xf32, #tpu.memory_space<vmem>>, vector<16xf32>,
          %get3A_589 = arith.index_cast %add3A_516 : i32 to index
          %get3A_590 = arith.constant 80 : index
          %get3A_591 = tpu.vector_load %arg24[%get3A_589, %get3A_590] {strides = array<i32>} : memref<48x128xf32, #tpu.memory_space<vmem>>, vector<16xf32>,
          %bitcast3A_592 = vector.bitcast %get3A_591 : vector<16xf32> to vector<32xbf16>
          %unpack3A_593 = tpu.unpack_subelements %bitcast3A_592, 0 {pack_format = #tpu.pack_format<interleaved>} : vector<32xbf16> -> vector<16xf32>
          %unpack3A_594 = tpu.unpack_subelements %bitcast3A_592, 1 {pack_format = #tpu.pack_format<interleaved>} : vector<32xbf16> -> vector<16xf32>
          %mul3A_595 = arith.mulf %unpack3A_593, %gather3A : vector<16xf32>
          %swap3A_596 = arith.index_cast %add3A_516 : i32 to index
          %swap3A_597 = arith.constant 32 : index
          %swap3A_598 = tpu.vector_load %arg26[%swap3A_596, %swap3A_597] {strides = array<i32>} : memref<48x128xf32, #tpu.memory_space<vmem>>, vector<16xf32>,
          tpu.vector_store %arg26[%swap3A_596, %swap3A_597], %mul3A_595 {strides = array<i32>} : memref<48x128xf32, #tpu.memory_space<vmem>>, vector<16xf32>,
          %mul3A_599 = arith.mulf %unpack3A_594, %gather3A : vector<16xf32>
          %swap3A_600 = arith.index_cast %add3A_516 : i32 to index
          %swap3A_601 = arith.constant 48 : index
          %swap3A_602 = tpu.vector_load %arg26[%swap3A_600, %swap3A_601] {strides = array<i32>} : memref<48x128xf32, #tpu.memory_space<vmem>>, vector<16xf32>,
          tpu.vector_store %arg26[%swap3A_600, %swap3A_601], %mul3A_599 {strides = array<i32>} : memref<48x128xf32, #tpu.memory_space<vmem>>, vector<16xf32>,
          %get3A_603 = arith.index_cast %add3A_516 : i32 to index
          %get3A_604 = arith.constant 96 : index
          %get3A_605 = tpu.vector_load %arg24[%get3A_603, %get3A_604] {strides = array<i32>} : memref<48x128xf32, #tpu.memory_space<vmem>>, vector<16xf32>,
          %bitcast3A_606 = vector.bitcast %get3A_605 : vector<16xf32> to vector<32xbf16>
          %unpack3A_607 = tpu.unpack_subelements %bitcast3A_606, 0 {pack_format = #tpu.pack_format<interleaved>} : vector<32xbf16> -> vector<16xf32>
          %unpack3A_608 = tpu.unpack_subelements %bitcast3A_606, 1 {pack_format = #tpu.pack_format<interleaved>} : vector<32xbf16> -> vector<16xf32>
          %mul3A_609 = arith.mulf %unpack3A_607, %gather3A : vector<16xf32>
          %swap3A_610 = arith.index_cast %add3A_516 : i32 to index
          %swap3A_611 = arith.constant 64 : index
          %swap3A_612 = tpu.vector_load %arg26[%swap3A_610, %swap3A_611] {strides = array<i32>} : memref<48x128xf32, #tpu.memory_space<vmem>>, vector<16xf32>,
          tpu.vector_store %arg26[%swap3A_610, %swap3A_611], %mul3A_609 {strides = array<i32>} : memref<48x128xf32, #tpu.memory_space<vmem>>, vector<16xf32>,
          %mul3A_613 = arith.mulf %unpack3A_608, %gather3A : vector<16xf32>
          %swap3A_614 = arith.index_cast %add3A_516 : i32 to index
          %swap3A_615 = arith.constant 80 : index
          %swap3A_616 = tpu.vector_load %arg26[%swap3A_614, %swap3A_615] {strides = array<i32>} : memref<48x128xf32, #tpu.memory_space<vmem>>, vector<16xf32>,
          tpu.vector_store %arg26[%swap3A_614, %swap3A_615], %mul3A_613 {strides = array<i32>} : memref<48x128xf32, #tpu.memory_space<vmem>>, vector<16xf32>,
          %get3A_617 = arith.index_cast %add3A_516 : i32 to index
          %get3A_618 = arith.constant 112 : index
          %get3A_619 = tpu.vector_load %arg24[%get3A_617, %get3A_618] {strides = array<i32>} : memref<48x128xf32, #tpu.memory_space<vmem>>, vector<16xf32>,
          %bitcast3A_620 = vector.bitcast %get3A_619 : vector<16xf32> to vector<32xbf16>
          %unpack3A_621 = tpu.unpack_subelements %bitcast3A_620, 0 {pack_format = #tpu.pack_format<interleaved>} : vector<32xbf16> -> vector<16xf32>
          %unpack3A_622 = tpu.unpack_subelements %bitcast3A_620, 1 {pack_format = #tpu.pack_format<interleaved>} : vector<32xbf16> -> vector<16xf32>
          %mul3A_623 = arith.mulf %unpack3A_621, %gather3A : vector<16xf32>
          %swap3A_624 = arith.index_cast %add3A_516 : i32 to index
          %swap3A_625 = arith.constant 96 : index
          %swap3A_626 = tpu.vector_load %arg26[%swap3A_624, %swap3A_625] {strides = array<i32>} : memref<48x128xf32, #tpu.memory_space<vmem>>, vector<16xf32>,
          tpu.vector_store %arg26[%swap3A_624, %swap3A_625], %mul3A_623 {strides = array<i32>} : memref<48x128xf32, #tpu.memory_space<vmem>>, vector<16xf32>,
          %mul3A_627 = arith.mulf %unpack3A_622, %gather3A : vector<16xf32>
          %swap3A_628 = arith.index_cast %add3A_516 : i32 to index
          %swap3A_629 = arith.constant 112 : index
          %swap3A_630 = tpu.vector_load %arg26[%swap3A_628, %swap3A_629] {strides = array<i32>} : memref<48x128xf32, #tpu.memory_space<vmem>>, vector<16xf32>,
          tpu.vector_store %arg26[%swap3A_628, %swap3A_629], %mul3A_627 {strides = array<i32>} : memref<48x128xf32, #tpu.memory_space<vmem>>, vector<16xf32>,
        }
        %scan3A_449 = arith.constant 48 : i32
        %get3A_450 = arith.constant 0 : i32
        %get3A_451 = arith.index_cast %get3A_450 : i32 to index
        %get3A_452 = arith.constant 0 : index
        %get3A_453 = tpu.vector_load %arg16[%get3A_451, %get3A_452] {strides = array<i32>} : memref<1x48xi32, #tpu.memory_space<vmem>>, vector<16xi32>,
        %swap3A_454 = arith.constant 0 : i32
        %swap3A_455 = arith.index_cast %swap3A_454 : i32 to index
        %swap3A_456 = arith.constant 0 : index
        %swap3A_457 = tpu.vector_load %arg19[%swap3A_455, %swap3A_456] {strides = array<i32>} : memref<1x48xi32, #tpu.memory_space<vmem>>, vector<16xi32>,
        tpu.vector_store %arg19[%swap3A_455, %swap3A_456], %get3A_453 {strides = array<i32>} : memref<1x48xi32, #tpu.memory_space<vmem>>, vector<16xi32>,
        %get3A_458 = arith.constant 0 : i32
        %get3A_459 = arith.index_cast %get3A_458 : i32 to index
        %get3A_460 = arith.constant 0 : index
        %get3A_461 = tpu.vector_load %arg18[%get3A_459, %get3A_460] {strides = array<i32>} : memref<1x48xi32, #tpu.memory_space<vmem>>, vector<16xi32>,
        %swap3A_462 = arith.constant 0 : i32
        %swap3A_463 = arith.index_cast %swap3A_462 : i32 to index
        %swap3A_464 = arith.constant 0 : index
        %swap3A_465 = tpu.vector_load %arg20[%swap3A_463, %swap3A_464] {strides = array<i32>} : memref<1x48xi32, #tpu.memory_space<vmem>>, vector<16xi32>,
        tpu.vector_store %arg20[%swap3A_463, %swap3A_464], %get3A_461 {strides = array<i32>} : memref<1x48xi32, #tpu.memory_space<vmem>>, vector<16xi32>,
        %get3A_466 = arith.constant 0 : i32
        %get3A_467 = arith.index_cast %get3A_466 : i32 to index
        %get3A_468 = arith.constant 16 : index
        %get3A_469 = tpu.vector_load %arg16[%get3A_467, %get3A_468] {strides = array<i32>} : memref<1x48xi32, #tpu.memory_space<vmem>>, vector<16xi32>,
        %swap3A_470 = arith.constant 0 : i32
        %swap3A_471 = arith.index_cast %swap3A_470 : i32 to index
        %swap3A_472 = arith.constant 16 : index
        %swap3A_473 = tpu.vector_load %arg19[%swap3A_471, %swap3A_472] {strides = array<i32>} : memref<1x48xi32, #tpu.memory_space<vmem>>, vector<16xi32>,
        tpu.vector_store %arg19[%swap3A_471, %swap3A_472], %get3A_469 {strides = array<i32>} : memref<1x48xi32, #tpu.memory_space<vmem>>, vector<16xi32>,
        %get3A_474 = arith.constant 0 : i32
        %get3A_475 = arith.index_cast %get3A_474 : i32 to index
        %get3A_476 = arith.constant 16 : index
        %get3A_477 = tpu.vector_load %arg18[%get3A_475, %get3A_476] {strides = array<i32>} : memref<1x48xi32, #tpu.memory_space<vmem>>, vector<16xi32>,
        %swap3A_478 = arith.constant 0 : i32
        %swap3A_479 = arith.index_cast %swap3A_478 : i32 to index
        %swap3A_480 = arith.constant 16 : index
        %swap3A_481 = tpu.vector_load %arg20[%swap3A_479, %swap3A_480] {strides = array<i32>} : memref<1x48xi32, #tpu.memory_space<vmem>>, vector<16xi32>,
        tpu.vector_store %arg20[%swap3A_479, %swap3A_480], %get3A_477 {strides = array<i32>} : memref<1x48xi32, #tpu.memory_space<vmem>>, vector<16xi32>,
        %get3A_482 = arith.constant 0 : i32
        %get3A_483 = arith.index_cast %get3A_482 : i32 to index
        %get3A_484 = arith.constant 32 : index
        %get3A_485 = tpu.vector_load %arg16[%get3A_483, %get3A_484] {strides = array<i32>} : memref<1x48xi32, #tpu.memory_space<vmem>>, vector<16xi32>,
        %swap3A_486 = arith.constant 0 : i32
        %swap3A_487 = arith.index_cast %swap3A_486 : i32 to index
        %swap3A_488 = arith.constant 32 : index
        %swap3A_489 = tpu.vector_load %arg19[%swap3A_487, %swap3A_488] {strides = array<i32>} : memref<1x48xi32, #tpu.memory_space<vmem>>, vector<16xi32>,
        tpu.vector_store %arg19[%swap3A_487, %swap3A_488], %get3A_485 {strides = array<i32>} : memref<1x48xi32, #tpu.memory_space<vmem>>, vector<16xi32>,
        %get3A_490 = arith.constant 0 : i32
        %get3A_491 = arith.index_cast %get3A_490 : i32 to index
        %get3A_492 = arith.constant 32 : index
        %get3A_493 = tpu.vector_load %arg18[%get3A_491, %get3A_492] {strides = array<i32>} : memref<1x48xi32, #tpu.memory_space<vmem>>, vector<16xi32>,
        %swap3A_494 = arith.constant 0 : i32
        %swap3A_495 = arith.index_cast %swap3A_494 : i32 to index
        %swap3A_496 = arith.constant 32 : index
        %swap3A_497 = tpu.vector_load %arg20[%swap3A_495, %swap3A_496] {strides = array<i32>} : memref<1x48xi32, #tpu.memory_space<vmem>>, vector<16xi32>,
        tpu.vector_store %arg20[%swap3A_495, %swap3A_496], %get3A_493 {strides = array<i32>} : memref<1x48xi32, #tpu.memory_space<vmem>>, vector<16xi32>,
        %dma_start3A_498 = arith.constant 0 : i32
        %dma_start3A_499 = arith.constant 0 : i32
        %dma_start3A_500 = tpu.memref_slice %arg19[%dma_start3A_498, %dma_start3A_499] : memref<1x48xi32, #tpu.memory_space<vmem>> -> memref<1x48xi32, #tpu.memory_space<vmem>>
        %dma_start3A_501 = tpu.memref_squeeze %dma_start3A_500 : memref<1x48xi32, #tpu.memory_space<vmem>> -> memref<48xi32, #tpu.memory_space<vmem>>
        %dma_start3A_502 = arith.constant 0 : i32
        %dma_start3A_503 = arith.constant 0 : i32
        %dma_start3A_504 = tpu.memref_slice %arg27[%dma_start3A_502, %dma_start3A_503] : memref<10000x128xf32, #tpu.memory_space<vmem_shared>> -> memref<10000x128xf32, #tpu.memory_space<vmem_shared>>
        tpu.enqueue_indirect_dma source(%arg25 : memref<48x128xf32, #tpu.memory_space<vmem>>) target(%dma_start3A_504 : memref<10000x128xf32, #tpu.memory_space<vmem_shared>>) offsets(%dma_start3A_501 : memref<48xi32, #tpu.memory_space<vmem>>) semaphore(%arg33 : memref<!tpu.dma_semaphore, #tpu.memory_space<semaphore_mem>>) {add = true}
        %dma_start3A_505 = arith.constant 0 : i32
        %dma_start3A_506 = arith.constant 0 : i32
        %dma_start3A_507 = tpu.memref_slice %arg20[%dma_start3A_505, %dma_start3A_506] : memref<1x48xi32, #tpu.memory_space<vmem>> -> memref<1x48xi32, #tpu.memory_space<vmem>>
        %dma_start3A_508 = tpu.memref_squeeze %dma_start3A_507 : memref<1x48xi32, #tpu.memory_space<vmem>> -> memref<48xi32, #tpu.memory_space<vmem>>
        %dma_start3A_509 = arith.constant 0 : i32
        %dma_start3A_510 = arith.constant 0 : i32
        %dma_start3A_511 = tpu.memref_slice %arg27[%dma_start3A_509, %dma_start3A_510] : memref<10000x128xf32, #tpu.memory_space<vmem_shared>> -> memref<10000x128xf32, #tpu.memory_space<vmem_shared>>
        tpu.enqueue_indirect_dma source(%arg26 : memref<48x128xf32, #tpu.memory_space<vmem>>) target(%dma_start3A_511 : memref<10000x128xf32, #tpu.memory_space<vmem_shared>>) offsets(%dma_start3A_508 : memref<48xi32, #tpu.memory_space<vmem>>) semaphore(%arg33 : memref<!tpu.dma_semaphore, #tpu.memory_space<semaphore_mem>>) {add = true}
      } else {
      }
    }
    %while3A_299 = arith.constant 1 : i32
    scf.for %while3A_323 = %while3A_297 to %while3A_293 step %while3A_299  : i32 {
      %mul3A_324 = arith.muli %while3A_323, %while3A : i32
      %add3A_325 = arith.addi %while3A_290, %mul3A_324 : i32
      %add3A_326 = arith.constant 1 : i32
      %add3A_327 = arith.addi %add3A_325, %add3A_326 : i32
      %lt3A = arith.cmpi slt, %add3A_327, %div3A_277 : i32
      %convert_element_type3A_328 = arith.extui %lt3A : i1 to i32
      %cond3A_329 = arith.constant 0 : i32
      %cond3A_330 = arith.cmpi ne, %convert_element_type3A_328, %cond3A_329 : i32
      scf.if %cond3A_330 {
        %add3A_422 = arith.constant 1 : i32
        %add3A_423 = arith.addi %add3A_325, %add3A_422 : i32
        %mul3A_424 = arith.constant 48 : i32
        %mul3A_425 = arith.muli %add3A_423, %mul3A_424 : i32
        %add3A_426 = arith.constant 0 : i32
        %add3A_427 = arith.addi %mul3A_425, %add3A_426 : i32
        %get3A_428 = arith.index_cast %add3A_427 : i32 to index
        %get3A_429 = tpu.vector_load %arg13[%get3A_428] {strides = array<i32>} : memref<10304xi32, #tpu.memory_space<vmem>>, vector<16xi32>,
        %shift_right_logical3A = arith.constant 15 : i32
        %shift_right_logical3A_430 = vector.broadcast %shift_right_logical3A : i32 to vector<16xi32>
        %shift_right_logical3A_431 = arith.shrui %get3A_429, %shift_right_logical3A_430 : vector<16xi32>
        %swap3A_432 = arith.constant 0 : i32
        %swap3A_433 = arith.index_cast %swap3A_432 : i32 to index
        %swap3A_434 = arith.constant 0 : index
        %swap3A_435 = tpu.vector_load %arg16[%swap3A_433, %swap3A_434] {strides = array<i32>} : memref<1x48xi32, #tpu.memory_space<vmem>>, vector<16xi32>,
        tpu.vector_store %arg16[%swap3A_433, %swap3A_434], %shift_right_logical3A_431 {strides = array<i32>} : memref<1x48xi32, #tpu.memory_space<vmem>>, vector<16xi32>,
        %or3A = arith.constant 1 : i32
        %or3A_436 = vector.broadcast %or3A : i32 to vector<16xi32>
        %or3A_437 = arith.ori %shift_right_logical3A_431, %or3A_436 : vector<16xi32>
        %swap3A_438 = arith.constant 0 : i32
        %swap3A_439 = arith.index_cast %swap3A_438 : i32 to index
        %swap3A_440 = arith.constant 0 : index
        %swap3A_441 = tpu.vector_load %arg18[%swap3A_439, %swap3A_440] {strides = array<i32>} : memref<1x48xi32, #tpu.memory_space<vmem>>, vector<16xi32>,
        tpu.vector_store %arg18[%swap3A_439, %swap3A_440], %or3A_437 {strides = array<i32>} : memref<1x48xi32, #tpu.memory_space<vmem>>, vector<16xi32>,
        %and3A = arith.constant 65535 : i32
        %and3A_442 = vector.broadcast %and3A : i32 to vector<16xi32>
        %and3A_443 = arith.andi %get3A_429, %and3A_442 : vector<16xi32>
        %swap3A_444 = arith.constant 0 : i32
        %swap3A_445 = arith.index_cast %swap3A_444 : i32 to index
        %swap3A_446 = arith.constant 0 : index
        %swap3A_447 = tpu.vector_load %arg22[%swap3A_445, %swap3A_446] {strides = array<i32>} : memref<1x48xi32, #tpu.memory_space<vmem>>, vector<16xi32>,
        tpu.vector_store %arg22[%swap3A_445, %swap3A_446], %and3A_443 {strides = array<i32>} : memref<1x48xi32, #tpu.memory_space<vmem>>, vector<16xi32>,
        %mul3A_448 = arith.constant 48 : i32
        %mul3A_449 = arith.muli %add3A_423, %mul3A_448 : i32
        %add3A_450 = arith.constant 16 : i32
        %add3A_451 = arith.addi %mul3A_449, %add3A_450 : i32
        %get3A_452 = arith.index_cast %add3A_451 : i32 to index
        %get3A_453 = tpu.vector_load %arg13[%get3A_452] {strides = array<i32>} : memref<10304xi32, #tpu.memory_space<vmem>>, vector<16xi32>,
        %shift_right_logical3A_454 = arith.constant 15 : i32
        %shift_right_logical3A_455 = vector.broadcast %shift_right_logical3A_454 : i32 to vector<16xi32>
        %shift_right_logical3A_456 = arith.shrui %get3A_453, %shift_right_logical3A_455 : vector<16xi32>
        %swap3A_457 = arith.constant 0 : i32
        %swap3A_458 = arith.index_cast %swap3A_457 : i32 to index
        %swap3A_459 = arith.constant 16 : index
        %swap3A_460 = tpu.vector_load %arg16[%swap3A_458, %swap3A_459] {strides = array<i32>} : memref<1x48xi32, #tpu.memory_space<vmem>>, vector<16xi32>,
        tpu.vector_store %arg16[%swap3A_458, %swap3A_459], %shift_right_logical3A_456 {strides = array<i32>} : memref<1x48xi32, #tpu.memory_space<vmem>>, vector<16xi32>,
        %or3A_461 = arith.constant 1 : i32
        %or3A_462 = vector.broadcast %or3A_461 : i32 to vector<16xi32>
        %or3A_463 = arith.ori %shift_right_logical3A_456, %or3A_462 : vector<16xi32>
        %swap3A_464 = arith.constant 0 : i32
        %swap3A_465 = arith.index_cast %swap3A_464 : i32 to index
        %swap3A_466 = arith.constant 16 : index
        %swap3A_467 = tpu.vector_load %arg18[%swap3A_465, %swap3A_466] {strides = array<i32>} : memref<1x48xi32, #tpu.memory_space<vmem>>, vector<16xi32>,
        tpu.vector_store %arg18[%swap3A_465, %swap3A_466], %or3A_463 {strides = array<i32>} : memref<1x48xi32, #tpu.memory_space<vmem>>, vector<16xi32>,
        %and3A_468 = arith.constant 65535 : i32
        %and3A_469 = vector.broadcast %and3A_468 : i32 to vector<16xi32>
        %and3A_470 = arith.andi %get3A_453, %and3A_469 : vector<16xi32>
        %swap3A_471 = arith.constant 0 : i32
        %swap3A_472 = arith.index_cast %swap3A_471 : i32 to index
        %swap3A_473 = arith.constant 16 : index
        %swap3A_474 = tpu.vector_load %arg22[%swap3A_472, %swap3A_473] {strides = array<i32>} : memref<1x48xi32, #tpu.memory_space<vmem>>, vector<16xi32>,
        tpu.vector_store %arg22[%swap3A_472, %swap3A_473], %and3A_470 {strides = array<i32>} : memref<1x48xi32, #tpu.memory_space<vmem>>, vector<16xi32>,
        %mul3A_475 = arith.constant 48 : i32
        %mul3A_476 = arith.muli %add3A_423, %mul3A_475 : i32
        %add3A_477 = arith.constant 32 : i32
        %add3A_478 = arith.addi %mul3A_476, %add3A_477 : i32
        %get3A_479 = arith.index_cast %add3A_478 : i32 to index
        %get3A_480 = tpu.vector_load %arg13[%get3A_479] {strides = array<i32>} : memref<10304xi32, #tpu.memory_space<vmem>>, vector<16xi32>,
        %shift_right_logical3A_481 = arith.constant 15 : i32
        %shift_right_logical3A_482 = vector.broadcast %shift_right_logical3A_481 : i32 to vector<16xi32>
        %shift_right_logical3A_483 = arith.shrui %get3A_480, %shift_right_logical3A_482 : vector<16xi32>
        %swap3A_484 = arith.constant 0 : i32
        %swap3A_485 = arith.index_cast %swap3A_484 : i32 to index
        %swap3A_486 = arith.constant 32 : index
        %swap3A_487 = tpu.vector_load %arg16[%swap3A_485, %swap3A_486] {strides = array<i32>} : memref<1x48xi32, #tpu.memory_space<vmem>>, vector<16xi32>,
        tpu.vector_store %arg16[%swap3A_485, %swap3A_486], %shift_right_logical3A_483 {strides = array<i32>} : memref<1x48xi32, #tpu.memory_space<vmem>>, vector<16xi32>,
        %or3A_488 = arith.constant 1 : i32
        %or3A_489 = vector.broadcast %or3A_488 : i32 to vector<16xi32>
        %or3A_490 = arith.ori %shift_right_logical3A_483, %or3A_489 : vector<16xi32>
        %swap3A_491 = arith.constant 0 : i32
        %swap3A_492 = arith.index_cast %swap3A_491 : i32 to index
        %swap3A_493 = arith.constant 32 : index
        %swap3A_494 = tpu.vector_load %arg18[%swap3A_492, %swap3A_493] {strides = array<i32>} : memref<1x48xi32, #tpu.memory_space<vmem>>, vector<16xi32>,
        tpu.vector_store %arg18[%swap3A_492, %swap3A_493], %or3A_490 {strides = array<i32>} : memref<1x48xi32, #tpu.memory_space<vmem>>, vector<16xi32>,
        %and3A_495 = arith.constant 65535 : i32
        %and3A_496 = vector.broadcast %and3A_495 : i32 to vector<16xi32>
        %and3A_497 = arith.andi %get3A_480, %and3A_496 : vector<16xi32>
        %swap3A_498 = arith.constant 0 : i32
        %swap3A_499 = arith.index_cast %swap3A_498 : i32 to index
        %swap3A_500 = arith.constant 32 : index
        %swap3A_501 = tpu.vector_load %arg22[%swap3A_499, %swap3A_500] {strides = array<i32>} : memref<1x48xi32, #tpu.memory_space<vmem>>, vector<16xi32>,
        tpu.vector_store %arg22[%swap3A_499, %swap3A_500], %and3A_497 {strides = array<i32>} : memref<1x48xi32, #tpu.memory_space<vmem>>, vector<16xi32>,
        %add3A_502 = arith.constant 1 : i32
        %add3A_503 = arith.addi %add3A_325, %add3A_502 : i32
        %dma_start3A_504 = arith.constant 0 : i32
        %dma_start3A_505 = arith.constant 0 : i32
        %dma_start3A_506 = tpu.memref_slice %arg22[%dma_start3A_504, %dma_start3A_505] : memref<1x48xi32, #tpu.memory_space<vmem>> -> memref<1x48xi32, #tpu.memory_space<vmem>>
        %dma_start3A_507 = tpu.memref_squeeze %dma_start3A_506 : memref<1x48xi32, #tpu.memory_space<vmem>> -> memref<48xi32, #tpu.memory_space<vmem>>
        %dma_start3A_508 = arith.constant 0 : i32
        %dma_start3A_509 = arith.constant 0 : i32
        %dma_start3A_510 = tpu.memref_slice %arg2[%dma_start3A_508, %dma_start3A_509] : memref<10000x128xf32, #tpu.memory_space<hbm>> -> memref<10000x128xf32, #tpu.memory_space<hbm>>
        tpu.enqueue_indirect_dma source(%dma_start3A_510 : memref<10000x128xf32, #tpu.memory_space<hbm>>) target(%arg24 : memref<48x128xf32, #tpu.memory_space<vmem>>) offsets(%dma_start3A_507 : memref<48xi32, #tpu.memory_space<vmem>>) semaphore(%arg30 : memref<!tpu.dma_semaphore, #tpu.memory_space<semaphore_mem>>)
      } else {
      }
      %dma_wait3A_331 = arith.constant 0 : i32
      %dma_wait3A_332 = arith.constant 0 : i32
      %dma_wait3A_333 = tpu.memref_slice %arg21[%dma_wait3A_331, %dma_wait3A_332] : memref<1x48xi32, #tpu.memory_space<vmem>> -> memref<1x48xi32, #tpu.memory_space<vmem>>
      %dma_wait3A_334 = tpu.memref_squeeze %dma_wait3A_333 : memref<1x48xi32, #tpu.memory_space<vmem>> -> memref<48xi32, #tpu.memory_space<vmem>>
      %dma_wait3A_335 = arith.constant 0 : i32
      %dma_wait3A_336 = arith.constant 0 : i32
      %dma_wait3A_337 = tpu.memref_slice %arg2[%dma_wait3A_335, %dma_wait3A_336] : memref<10000x128xf32, #tpu.memory_space<hbm>> -> memref<10000x128xf32, #tpu.memory_space<hbm>>
      tpu.wait_indirect_dma semaphore(%arg29 : memref<!tpu.dma_semaphore, #tpu.memory_space<semaphore_mem>>) src(%dma_wait3A_337 : memref<10000x128xf32, #tpu.memory_space<hbm>>) dst(%arg23 : memref<48x128xf32, #tpu.memory_space<vmem>>)
      %gt3A_338 = arith.constant 0 : i32
      %gt3A_339 = arith.cmpi sgt, %add3A_325, %gt3A_338 : i32
      %convert_element_type3A_340 = arith.extui %gt3A_339 : i1 to i32
      %cond3A_341 = arith.constant 0 : i32
      %cond3A_342 = arith.cmpi ne, %convert_element_type3A_340, %cond3A_341 : i32
      scf.if %cond3A_342 {
        %dma_wait3A_422 = arith.constant 0 : i32
        %dma_wait3A_423 = arith.constant 0 : i32
        %dma_wait3A_424 = tpu.memref_slice %arg19[%dma_wait3A_422, %dma_wait3A_423] : memref<1x48xi32, #tpu.memory_space<vmem>> -> memref<1x48xi32, #tpu.memory_space<vmem>>
        %dma_wait3A_425 = tpu.memref_squeeze %dma_wait3A_424 : memref<1x48xi32, #tpu.memory_space<vmem>> -> memref<48xi32, #tpu.memory_space<vmem>>
        %dma_wait3A_426 = arith.constant 0 : i32
        %dma_wait3A_427 = arith.constant 0 : i32
        %dma_wait3A_428 = tpu.memref_slice %arg27[%dma_wait3A_426, %dma_wait3A_427] : memref<10000x128xf32, #tpu.memory_space<vmem_shared>> -> memref<10000x128xf32, #tpu.memory_space<vmem_shared>>
        tpu.wait_indirect_dma semaphore(%arg33 : memref<!tpu.dma_semaphore, #tpu.memory_space<semaphore_mem>>) src(%arg25 : memref<48x128xf32, #tpu.memory_space<vmem>>) dst(%dma_wait3A_428 : memref<10000x128xf32, #tpu.memory_space<vmem_shared>>)
        %dma_wait3A_429 = arith.constant 0 : i32
        %dma_wait3A_430 = arith.constant 0 : i32
        %dma_wait3A_431 = tpu.memref_slice %arg20[%dma_wait3A_429, %dma_wait3A_430] : memref<1x48xi32, #tpu.memory_space<vmem>> -> memref<1x48xi32, #tpu.memory_space<vmem>>
        %dma_wait3A_432 = tpu.memref_squeeze %dma_wait3A_431 : memref<1x48xi32, #tpu.memory_space<vmem>> -> memref<48xi32, #tpu.memory_space<vmem>>
        %dma_wait3A_433 = arith.constant 0 : i32
        %dma_wait3A_434 = arith.constant 0 : i32
        %dma_wait3A_435 = tpu.memref_slice %arg27[%dma_wait3A_433, %dma_wait3A_434] : memref<10000x128xf32, #tpu.memory_space<vmem_shared>> -> memref<10000x128xf32, #tpu.memory_space<vmem_shared>>
        tpu.wait_indirect_dma semaphore(%arg33 : memref<!tpu.dma_semaphore, #tpu.memory_space<semaphore_mem>>) src(%arg26 : memref<48x128xf32, #tpu.memory_space<vmem>>) dst(%dma_wait3A_435 : memref<10000x128xf32, #tpu.memory_space<vmem_shared>>)
      } else {
      }
      %scan3A_343 = arith.constant 0 : i32
      %scan3A_344 = arith.constant 48 : i32
      %scan3A_345 = arith.addi %scan3A_343, %scan3A_344 : i32
      %scan3A_346 = arith.constant 1 : i32
      scf.for %scan3A_422 = %scan3A_343 to %scan3A_345 step %scan3A_346  : i32 {
        %mul3A_423 = arith.constant 1 : i32
        %mul3A_424 = arith.muli %scan3A_422, %mul3A_423 : i32
        %add3A_425 = arith.constant 0 : i32
        %add3A_426 = arith.addi %add3A_425, %mul3A_424 : i32
        %mul3A_427 = arith.constant 48 : i32
        %mul3A_428 = arith.muli %add3A_325, %mul3A_427 : i32
        %add3A_429 = arith.addi %mul3A_428, %add3A_426 : i32
        %broadcast_in_dim3A_430 = vector.broadcast %add3A_429 : i32 to vector<16xi32>
        %gather3A = tpu.vector_load_idx %arg14[%broadcast_in_dim3A_430] : memref<10304xf32, #tpu.memory_space<vmem>>[vector<16xi32>], vector<16xf32>,
        %get3A_431 = arith.index_cast %add3A_426 : i32 to index
        %get3A_432 = arith.constant 0 : index
        %get3A_433 = tpu.vector_load %arg23[%get3A_431, %get3A_432] {strides = array<i32>} : memref<48x128xf32, #tpu.memory_space<vmem>>, vector<16xf32>,
        %bitcast3A = vector.bitcast %get3A_433 : vector<16xf32> to vector<32xbf16>
        %unpack3A = tpu.unpack_subelements %bitcast3A, 0 {pack_format = #tpu.pack_format<interleaved>} : vector<32xbf16> -> vector<16xf32>
        %unpack3A_434 = tpu.unpack_subelements %bitcast3A, 1 {pack_format = #tpu.pack_format<interleaved>} : vector<32xbf16> -> vector<16xf32>
        %mul3A_435 = arith.mulf %unpack3A, %gather3A : vector<16xf32>
        %swap3A_436 = arith.index_cast %add3A_426 : i32 to index
        %swap3A_437 = arith.constant 0 : index
        %swap3A_438 = tpu.vector_load %arg25[%swap3A_436, %swap3A_437] {strides = array<i32>} : memref<48x128xf32, #tpu.memory_space<vmem>>, vector<16xf32>,
        tpu.vector_store %arg25[%swap3A_436, %swap3A_437], %mul3A_435 {strides = array<i32>} : memref<48x128xf32, #tpu.memory_space<vmem>>, vector<16xf32>,
        %mul3A_439 = arith.mulf %unpack3A_434, %gather3A : vector<16xf32>
        %swap3A_440 = arith.index_cast %add3A_426 : i32 to index
        %swap3A_441 = arith.constant 16 : index
        %swap3A_442 = tpu.vector_load %arg25[%swap3A_440, %swap3A_441] {strides = array<i32>} : memref<48x128xf32, #tpu.memory_space<vmem>>, vector<16xf32>,
        tpu.vector_store %arg25[%swap3A_440, %swap3A_441], %mul3A_439 {strides = array<i32>} : memref<48x128xf32, #tpu.memory_space<vmem>>, vector<16xf32>,
        %get3A_443 = arith.index_cast %add3A_426 : i32 to index
        %get3A_444 = arith.constant 16 : index
        %get3A_445 = tpu.vector_load %arg23[%get3A_443, %get3A_444] {strides = array<i32>} : memref<48x128xf32, #tpu.memory_space<vmem>>, vector<16xf32>,
        %bitcast3A_446 = vector.bitcast %get3A_445 : vector<16xf32> to vector<32xbf16>
        %unpack3A_447 = tpu.unpack_subelements %bitcast3A_446, 0 {pack_format = #tpu.pack_format<interleaved>} : vector<32xbf16> -> vector<16xf32>
        %unpack3A_448 = tpu.unpack_subelements %bitcast3A_446, 1 {pack_format = #tpu.pack_format<interleaved>} : vector<32xbf16> -> vector<16xf32>
        %mul3A_449 = arith.mulf %unpack3A_447, %gather3A : vector<16xf32>
        %swap3A_450 = arith.index_cast %add3A_426 : i32 to index
        %swap3A_451 = arith.constant 32 : index
        %swap3A_452 = tpu.vector_load %arg25[%swap3A_450, %swap3A_451] {strides = array<i32>} : memref<48x128xf32, #tpu.memory_space<vmem>>, vector<16xf32>,
        tpu.vector_store %arg25[%swap3A_450, %swap3A_451], %mul3A_449 {strides = array<i32>} : memref<48x128xf32, #tpu.memory_space<vmem>>, vector<16xf32>,
        %mul3A_453 = arith.mulf %unpack3A_448, %gather3A : vector<16xf32>
        %swap3A_454 = arith.index_cast %add3A_426 : i32 to index
        %swap3A_455 = arith.constant 48 : index
        %swap3A_456 = tpu.vector_load %arg25[%swap3A_454, %swap3A_455] {strides = array<i32>} : memref<48x128xf32, #tpu.memory_space<vmem>>, vector<16xf32>,
        tpu.vector_store %arg25[%swap3A_454, %swap3A_455], %mul3A_453 {strides = array<i32>} : memref<48x128xf32, #tpu.memory_space<vmem>>, vector<16xf32>,
        %get3A_457 = arith.index_cast %add3A_426 : i32 to index
        %get3A_458 = arith.constant 32 : index
        %get3A_459 = tpu.vector_load %arg23[%get3A_457, %get3A_458] {strides = array<i32>} : memref<48x128xf32, #tpu.memory_space<vmem>>, vector<16xf32>,
        %bitcast3A_460 = vector.bitcast %get3A_459 : vector<16xf32> to vector<32xbf16>
        %unpack3A_461 = tpu.unpack_subelements %bitcast3A_460, 0 {pack_format = #tpu.pack_format<interleaved>} : vector<32xbf16> -> vector<16xf32>
        %unpack3A_462 = tpu.unpack_subelements %bitcast3A_460, 1 {pack_format = #tpu.pack_format<interleaved>} : vector<32xbf16> -> vector<16xf32>
        %mul3A_463 = arith.mulf %unpack3A_461, %gather3A : vector<16xf32>
        %swap3A_464 = arith.index_cast %add3A_426 : i32 to index
        %swap3A_465 = arith.constant 64 : index
        %swap3A_466 = tpu.vector_load %arg25[%swap3A_464, %swap3A_465] {strides = array<i32>} : memref<48x128xf32, #tpu.memory_space<vmem>>, vector<16xf32>,
        tpu.vector_store %arg25[%swap3A_464, %swap3A_465], %mul3A_463 {strides = array<i32>} : memref<48x128xf32, #tpu.memory_space<vmem>>, vector<16xf32>,
        %mul3A_467 = arith.mulf %unpack3A_462, %gather3A : vector<16xf32>
        %swap3A_468 = arith.index_cast %add3A_426 : i32 to index
        %swap3A_469 = arith.constant 80 : index
        %swap3A_470 = tpu.vector_load %arg25[%swap3A_468, %swap3A_469] {strides = array<i32>} : memref<48x128xf32, #tpu.memory_space<vmem>>, vector<16xf32>,
        tpu.vector_store %arg25[%swap3A_468, %swap3A_469], %mul3A_467 {strides = array<i32>} : memref<48x128xf32, #tpu.memory_space<vmem>>, vector<16xf32>,
        %get3A_471 = arith.index_cast %add3A_426 : i32 to index
        %get3A_472 = arith.constant 48 : index
        %get3A_473 = tpu.vector_load %arg23[%get3A_471, %get3A_472] {strides = array<i32>} : memref<48x128xf32, #tpu.memory_space<vmem>>, vector<16xf32>,
        %bitcast3A_474 = vector.bitcast %get3A_473 : vector<16xf32> to vector<32xbf16>
        %unpack3A_475 = tpu.unpack_subelements %bitcast3A_474, 0 {pack_format = #tpu.pack_format<interleaved>} : vector<32xbf16> -> vector<16xf32>
        %unpack3A_476 = tpu.unpack_subelements %bitcast3A_474, 1 {pack_format = #tpu.pack_format<interleaved>} : vector<32xbf16> -> vector<16xf32>
        %mul3A_477 = arith.mulf %unpack3A_475, %gather3A : vector<16xf32>
        %swap3A_478 = arith.index_cast %add3A_426 : i32 to index
        %swap3A_479 = arith.constant 96 : index
        %swap3A_480 = tpu.vector_load %arg25[%swap3A_478, %swap3A_479] {strides = array<i32>} : memref<48x128xf32, #tpu.memory_space<vmem>>, vector<16xf32>,
        tpu.vector_store %arg25[%swap3A_478, %swap3A_479], %mul3A_477 {strides = array<i32>} : memref<48x128xf32, #tpu.memory_space<vmem>>, vector<16xf32>,
        %mul3A_481 = arith.mulf %unpack3A_476, %gather3A : vector<16xf32>
        %swap3A_482 = arith.index_cast %add3A_426 : i32 to index
        %swap3A_483 = arith.constant 112 : index
        %swap3A_484 = tpu.vector_load %arg25[%swap3A_482, %swap3A_483] {strides = array<i32>} : memref<48x128xf32, #tpu.memory_space<vmem>>, vector<16xf32>,
        tpu.vector_store %arg25[%swap3A_482, %swap3A_483], %mul3A_481 {strides = array<i32>} : memref<48x128xf32, #tpu.memory_space<vmem>>, vector<16xf32>,
        %get3A_485 = arith.index_cast %add3A_426 : i32 to index
        %get3A_486 = arith.constant 64 : index
        %get3A_487 = tpu.vector_load %arg23[%get3A_485, %get3A_486] {strides = array<i32>} : memref<48x128xf32, #tpu.memory_space<vmem>>, vector<16xf32>,
        %bitcast3A_488 = vector.bitcast %get3A_487 : vector<16xf32> to vector<32xbf16>
        %unpack3A_489 = tpu.unpack_subelements %bitcast3A_488, 0 {pack_format = #tpu.pack_format<interleaved>} : vector<32xbf16> -> vector<16xf32>
        %unpack3A_490 = tpu.unpack_subelements %bitcast3A_488, 1 {pack_format = #tpu.pack_format<interleaved>} : vector<32xbf16> -> vector<16xf32>
        %mul3A_491 = arith.mulf %unpack3A_489, %gather3A : vector<16xf32>
        %swap3A_492 = arith.index_cast %add3A_426 : i32 to index
        %swap3A_493 = arith.constant 0 : index
        %swap3A_494 = tpu.vector_load %arg26[%swap3A_492, %swap3A_493] {strides = array<i32>} : memref<48x128xf32, #tpu.memory_space<vmem>>, vector<16xf32>,
        tpu.vector_store %arg26[%swap3A_492, %swap3A_493], %mul3A_491 {strides = array<i32>} : memref<48x128xf32, #tpu.memory_space<vmem>>, vector<16xf32>,
        %mul3A_495 = arith.mulf %unpack3A_490, %gather3A : vector<16xf32>
        %swap3A_496 = arith.index_cast %add3A_426 : i32 to index
        %swap3A_497 = arith.constant 16 : index
        %swap3A_498 = tpu.vector_load %arg26[%swap3A_496, %swap3A_497] {strides = array<i32>} : memref<48x128xf32, #tpu.memory_space<vmem>>, vector<16xf32>,
        tpu.vector_store %arg26[%swap3A_496, %swap3A_497], %mul3A_495 {strides = array<i32>} : memref<48x128xf32, #tpu.memory_space<vmem>>, vector<16xf32>,
        %get3A_499 = arith.index_cast %add3A_426 : i32 to index
        %get3A_500 = arith.constant 80 : index
        %get3A_501 = tpu.vector_load %arg23[%get3A_499, %get3A_500] {strides = array<i32>} : memref<48x128xf32, #tpu.memory_space<vmem>>, vector<16xf32>,
        %bitcast3A_502 = vector.bitcast %get3A_501 : vector<16xf32> to vector<32xbf16>
        %unpack3A_503 = tpu.unpack_subelements %bitcast3A_502, 0 {pack_format = #tpu.pack_format<interleaved>} : vector<32xbf16> -> vector<16xf32>
        %unpack3A_504 = tpu.unpack_subelements %bitcast3A_502, 1 {pack_format = #tpu.pack_format<interleaved>} : vector<32xbf16> -> vector<16xf32>
        %mul3A_505 = arith.mulf %unpack3A_503, %gather3A : vector<16xf32>
        %swap3A_506 = arith.index_cast %add3A_426 : i32 to index
        %swap3A_507 = arith.constant 32 : index
        %swap3A_508 = tpu.vector_load %arg26[%swap3A_506, %swap3A_507] {strides = array<i32>} : memref<48x128xf32, #tpu.memory_space<vmem>>, vector<16xf32>,
        tpu.vector_store %arg26[%swap3A_506, %swap3A_507], %mul3A_505 {strides = array<i32>} : memref<48x128xf32, #tpu.memory_space<vmem>>, vector<16xf32>,
        %mul3A_509 = arith.mulf %unpack3A_504, %gather3A : vector<16xf32>
        %swap3A_510 = arith.index_cast %add3A_426 : i32 to index
        %swap3A_511 = arith.constant 48 : index
        %swap3A_512 = tpu.vector_load %arg26[%swap3A_510, %swap3A_511] {strides = array<i32>} : memref<48x128xf32, #tpu.memory_space<vmem>>, vector<16xf32>,
        tpu.vector_store %arg26[%swap3A_510, %swap3A_511], %mul3A_509 {strides = array<i32>} : memref<48x128xf32, #tpu.memory_space<vmem>>, vector<16xf32>,
        %get3A_513 = arith.index_cast %add3A_426 : i32 to index
        %get3A_514 = arith.constant 96 : index
        %get3A_515 = tpu.vector_load %arg23[%get3A_513, %get3A_514] {strides = array<i32>} : memref<48x128xf32, #tpu.memory_space<vmem>>, vector<16xf32>,
        %bitcast3A_516 = vector.bitcast %get3A_515 : vector<16xf32> to vector<32xbf16>
        %unpack3A_517 = tpu.unpack_subelements %bitcast3A_516, 0 {pack_format = #tpu.pack_format<interleaved>} : vector<32xbf16> -> vector<16xf32>
        %unpack3A_518 = tpu.unpack_subelements %bitcast3A_516, 1 {pack_format = #tpu.pack_format<interleaved>} : vector<32xbf16> -> vector<16xf32>
        %mul3A_519 = arith.mulf %unpack3A_517, %gather3A : vector<16xf32>
        %swap3A_520 = arith.index_cast %add3A_426 : i32 to index
        %swap3A_521 = arith.constant 64 : index
        %swap3A_522 = tpu.vector_load %arg26[%swap3A_520, %swap3A_521] {strides = array<i32>} : memref<48x128xf32, #tpu.memory_space<vmem>>, vector<16xf32>,
        tpu.vector_store %arg26[%swap3A_520, %swap3A_521], %mul3A_519 {strides = array<i32>} : memref<48x128xf32, #tpu.memory_space<vmem>>, vector<16xf32>,
        %mul3A_523 = arith.mulf %unpack3A_518, %gather3A : vector<16xf32>
        %swap3A_524 = arith.index_cast %add3A_426 : i32 to index
        %swap3A_525 = arith.constant 80 : index
        %swap3A_526 = tpu.vector_load %arg26[%swap3A_524, %swap3A_525] {strides = array<i32>} : memref<48x128xf32, #tpu.memory_space<vmem>>, vector<16xf32>,
        tpu.vector_store %arg26[%swap3A_524, %swap3A_525], %mul3A_523 {strides = array<i32>} : memref<48x128xf32, #tpu.memory_space<vmem>>, vector<16xf32>,
        %get3A_527 = arith.index_cast %add3A_426 : i32 to index
        %get3A_528 = arith.constant 112 : index
        %get3A_529 = tpu.vector_load %arg23[%get3A_527, %get3A_528] {strides = array<i32>} : memref<48x128xf32, #tpu.memory_space<vmem>>, vector<16xf32>,
        %bitcast3A_530 = vector.bitcast %get3A_529 : vector<16xf32> to vector<32xbf16>
        %unpack3A_531 = tpu.unpack_subelements %bitcast3A_530, 0 {pack_format = #tpu.pack_format<interleaved>} : vector<32xbf16> -> vector<16xf32>
        %unpack3A_532 = tpu.unpack_subelements %bitcast3A_530, 1 {pack_format = #tpu.pack_format<interleaved>} : vector<32xbf16> -> vector<16xf32>
        %mul3A_533 = arith.mulf %unpack3A_531, %gather3A : vector<16xf32>
        %swap3A_534 = arith.index_cast %add3A_426 : i32 to index
        %swap3A_535 = arith.constant 96 : index
        %swap3A_536 = tpu.vector_load %arg26[%swap3A_534, %swap3A_535] {strides = array<i32>} : memref<48x128xf32, #tpu.memory_space<vmem>>, vector<16xf32>,
        tpu.vector_store %arg26[%swap3A_534, %swap3A_535], %mul3A_533 {strides = array<i32>} : memref<48x128xf32, #tpu.memory_space<vmem>>, vector<16xf32>,
        %mul3A_537 = arith.mulf %unpack3A_532, %gather3A : vector<16xf32>
        %swap3A_538 = arith.index_cast %add3A_426 : i32 to index
        %swap3A_539 = arith.constant 112 : index
        %swap3A_540 = tpu.vector_load %arg26[%swap3A_538, %swap3A_539] {strides = array<i32>} : memref<48x128xf32, #tpu.memory_space<vmem>>, vector<16xf32>,
        tpu.vector_store %arg26[%swap3A_538, %swap3A_539], %mul3A_537 {strides = array<i32>} : memref<48x128xf32, #tpu.memory_space<vmem>>, vector<16xf32>,
      }
      %scan3A_347 = arith.constant 48 : i32
      %get3A_348 = arith.constant 0 : i32
      %get3A_349 = arith.index_cast %get3A_348 : i32 to index
      %get3A_350 = arith.constant 0 : index
      %get3A_351 = tpu.vector_load %arg15[%get3A_349, %get3A_350] {strides = array<i32>} : memref<1x48xi32, #tpu.memory_space<vmem>>, vector<16xi32>,
      %swap3A_352 = arith.constant 0 : i32
      %swap3A_353 = arith.index_cast %swap3A_352 : i32 to index
      %swap3A_354 = arith.constant 0 : index
      %swap3A_355 = tpu.vector_load %arg19[%swap3A_353, %swap3A_354] {strides = array<i32>} : memref<1x48xi32, #tpu.memory_space<vmem>>, vector<16xi32>,
      tpu.vector_store %arg19[%swap3A_353, %swap3A_354], %get3A_351 {strides = array<i32>} : memref<1x48xi32, #tpu.memory_space<vmem>>, vector<16xi32>,
      %get3A_356 = arith.constant 0 : i32
      %get3A_357 = arith.index_cast %get3A_356 : i32 to index
      %get3A_358 = arith.constant 0 : index
      %get3A_359 = tpu.vector_load %arg17[%get3A_357, %get3A_358] {strides = array<i32>} : memref<1x48xi32, #tpu.memory_space<vmem>>, vector<16xi32>,
      %swap3A_360 = arith.constant 0 : i32
      %swap3A_361 = arith.index_cast %swap3A_360 : i32 to index
      %swap3A_362 = arith.constant 0 : index
      %swap3A_363 = tpu.vector_load %arg20[%swap3A_361, %swap3A_362] {strides = array<i32>} : memref<1x48xi32, #tpu.memory_space<vmem>>, vector<16xi32>,
      tpu.vector_store %arg20[%swap3A_361, %swap3A_362], %get3A_359 {strides = array<i32>} : memref<1x48xi32, #tpu.memory_space<vmem>>, vector<16xi32>,
      %get3A_364 = arith.constant 0 : i32
      %get3A_365 = arith.index_cast %get3A_364 : i32 to index
      %get3A_366 = arith.constant 16 : index
      %get3A_367 = tpu.vector_load %arg15[%get3A_365, %get3A_366] {strides = array<i32>} : memref<1x48xi32, #tpu.memory_space<vmem>>, vector<16xi32>,
      %swap3A_368 = arith.constant 0 : i32
      %swap3A_369 = arith.index_cast %swap3A_368 : i32 to index
      %swap3A_370 = arith.constant 16 : index
      %swap3A_371 = tpu.vector_load %arg19[%swap3A_369, %swap3A_370] {strides = array<i32>} : memref<1x48xi32, #tpu.memory_space<vmem>>, vector<16xi32>,
      tpu.vector_store %arg19[%swap3A_369, %swap3A_370], %get3A_367 {strides = array<i32>} : memref<1x48xi32, #tpu.memory_space<vmem>>, vector<16xi32>,
      %get3A_372 = arith.constant 0 : i32
      %get3A_373 = arith.index_cast %get3A_372 : i32 to index
      %get3A_374 = arith.constant 16 : index
      %get3A_375 = tpu.vector_load %arg17[%get3A_373, %get3A_374] {strides = array<i32>} : memref<1x48xi32, #tpu.memory_space<vmem>>, vector<16xi32>,
      %swap3A_376 = arith.constant 0 : i32
      %swap3A_377 = arith.index_cast %swap3A_376 : i32 to index
      %swap3A_378 = arith.constant 16 : index
      %swap3A_379 = tpu.vector_load %arg20[%swap3A_377, %swap3A_378] {strides = array<i32>} : memref<1x48xi32, #tpu.memory_space<vmem>>, vector<16xi32>,
      tpu.vector_store %arg20[%swap3A_377, %swap3A_378], %get3A_375 {strides = array<i32>} : memref<1x48xi32, #tpu.memory_space<vmem>>, vector<16xi32>,
      %get3A_380 = arith.constant 0 : i32
      %get3A_381 = arith.index_cast %get3A_380 : i32 to index
      %get3A_382 = arith.constant 32 : index
      %get3A_383 = tpu.vector_load %arg15[%get3A_381, %get3A_382] {strides = array<i32>} : memref<1x48xi32, #tpu.memory_space<vmem>>, vector<16xi32>,
      %swap3A_384 = arith.constant 0 : i32
      %swap3A_385 = arith.index_cast %swap3A_384 : i32 to index
      %swap3A_386 = arith.constant 32 : index
      %swap3A_387 = tpu.vector_load %arg19[%swap3A_385, %swap3A_386] {strides = array<i32>} : memref<1x48xi32, #tpu.memory_space<vmem>>, vector<16xi32>,
      tpu.vector_store %arg19[%swap3A_385, %swap3A_386], %get3A_383 {strides = array<i32>} : memref<1x48xi32, #tpu.memory_space<vmem>>, vector<16xi32>,
      %get3A_388 = arith.constant 0 : i32
      %get3A_389 = arith.index_cast %get3A_388 : i32 to index
      %get3A_390 = arith.constant 32 : index
      %get3A_391 = tpu.vector_load %arg17[%get3A_389, %get3A_390] {strides = array<i32>} : memref<1x48xi32, #tpu.memory_space<vmem>>, vector<16xi32>,
      %swap3A_392 = arith.constant 0 : i32
      %swap3A_393 = arith.index_cast %swap3A_392 : i32 to index
      %swap3A_394 = arith.constant 32 : index
      %swap3A_395 = tpu.vector_load %arg20[%swap3A_393, %swap3A_394] {strides = array<i32>} : memref<1x48xi32, #tpu.memory_space<vmem>>, vector<16xi32>,
      tpu.vector_store %arg20[%swap3A_393, %swap3A_394], %get3A_391 {strides = array<i32>} : memref<1x48xi32, #tpu.memory_space<vmem>>, vector<16xi32>,
      %dma_start3A_396 = arith.constant 0 : i32
      %dma_start3A_397 = arith.constant 0 : i32
      %dma_start3A_398 = tpu.memref_slice %arg19[%dma_start3A_396, %dma_start3A_397] : memref<1x48xi32, #tpu.memory_space<vmem>> -> memref<1x48xi32, #tpu.memory_space<vmem>>
      %dma_start3A_399 = tpu.memref_squeeze %dma_start3A_398 : memref<1x48xi32, #tpu.memory_space<vmem>> -> memref<48xi32, #tpu.memory_space<vmem>>
      %dma_start3A_400 = arith.constant 0 : i32
      %dma_start3A_401 = arith.constant 0 : i32
      %dma_start3A_402 = tpu.memref_slice %arg27[%dma_start3A_400, %dma_start3A_401] : memref<10000x128xf32, #tpu.memory_space<vmem_shared>> -> memref<10000x128xf32, #tpu.memory_space<vmem_shared>>
      tpu.enqueue_indirect_dma source(%arg25 : memref<48x128xf32, #tpu.memory_space<vmem>>) target(%dma_start3A_402 : memref<10000x128xf32, #tpu.memory_space<vmem_shared>>) offsets(%dma_start3A_399 : memref<48xi32, #tpu.memory_space<vmem>>) semaphore(%arg33 : memref<!tpu.dma_semaphore, #tpu.memory_space<semaphore_mem>>) {add = true}
      %dma_start3A_403 = arith.constant 0 : i32
      %dma_start3A_404 = arith.constant 0 : i32
      %dma_start3A_405 = tpu.memref_slice %arg20[%dma_start3A_403, %dma_start3A_404] : memref<1x48xi32, #tpu.memory_space<vmem>> -> memref<1x48xi32, #tpu.memory_space<vmem>>
      %dma_start3A_406 = tpu.memref_squeeze %dma_start3A_405 : memref<1x48xi32, #tpu.memory_space<vmem>> -> memref<48xi32, #tpu.memory_space<vmem>>
      %dma_start3A_407 = arith.constant 0 : i32
      %dma_start3A_408 = arith.constant 0 : i32
      %dma_start3A_409 = tpu.memref_slice %arg27[%dma_start3A_407, %dma_start3A_408] : memref<10000x128xf32, #tpu.memory_space<vmem_shared>> -> memref<10000x128xf32, #tpu.memory_space<vmem_shared>>
      tpu.enqueue_indirect_dma source(%arg26 : memref<48x128xf32, #tpu.memory_space<vmem>>) target(%dma_start3A_409 : memref<10000x128xf32, #tpu.memory_space<vmem_shared>>) offsets(%dma_start3A_406 : memref<48xi32, #tpu.memory_space<vmem>>) semaphore(%arg33 : memref<!tpu.dma_semaphore, #tpu.memory_space<semaphore_mem>>) {add = true}
      %add3A_410 = arith.constant 2 : i32
      %add3A_411 = arith.addi %add3A_325, %add3A_410 : i32
      %lt3A_412 = arith.cmpi slt, %add3A_411, %div3A_277 : i32
      %convert_element_type3A_413 = arith.extui %lt3A_412 : i1 to i32
      %cond3A_414 = arith.constant 0 : i32
      %cond3A_415 = arith.cmpi ne, %convert_element_type3A_413, %cond3A_414 : i32
      scf.if %cond3A_415 {
        %add3A_422 = arith.constant 2 : i32
        %add3A_423 = arith.addi %add3A_325, %add3A_422 : i32
        %mul3A_424 = arith.constant 48 : i32
        %mul3A_425 = arith.muli %add3A_423, %mul3A_424 : i32
        %add3A_426 = arith.constant 0 : i32
        %add3A_427 = arith.addi %mul3A_425, %add3A_426 : i32
        %get3A_428 = arith.index_cast %add3A_427 : i32 to index
        %get3A_429 = tpu.vector_load %arg13[%get3A_428] {strides = array<i32>} : memref<10304xi32, #tpu.memory_space<vmem>>, vector<16xi32>,
        %shift_right_logical3A = arith.constant 15 : i32
        %shift_right_logical3A_430 = vector.broadcast %shift_right_logical3A : i32 to vector<16xi32>
        %shift_right_logical3A_431 = arith.shrui %get3A_429, %shift_right_logical3A_430 : vector<16xi32>
        %swap3A_432 = arith.constant 0 : i32
        %swap3A_433 = arith.index_cast %swap3A_432 : i32 to index
        %swap3A_434 = arith.constant 0 : index
        %swap3A_435 = tpu.vector_load %arg15[%swap3A_433, %swap3A_434] {strides = array<i32>} : memref<1x48xi32, #tpu.memory_space<vmem>>, vector<16xi32>,
        tpu.vector_store %arg15[%swap3A_433, %swap3A_434], %shift_right_logical3A_431 {strides = array<i32>} : memref<1x48xi32, #tpu.memory_space<vmem>>, vector<16xi32>,
        %or3A = arith.constant 1 : i32
        %or3A_436 = vector.broadcast %or3A : i32 to vector<16xi32>
        %or3A_437 = arith.ori %shift_right_logical3A_431, %or3A_436 : vector<16xi32>
        %swap3A_438 = arith.constant 0 : i32
        %swap3A_439 = arith.index_cast %swap3A_438 : i32 to index
        %swap3A_440 = arith.constant 0 : index
        %swap3A_441 = tpu.vector_load %arg17[%swap3A_439, %swap3A_440] {strides = array<i32>} : memref<1x48xi32, #tpu.memory_space<vmem>>, vector<16xi32>,
        tpu.vector_store %arg17[%swap3A_439, %swap3A_440], %or3A_437 {strides = array<i32>} : memref<1x48xi32, #tpu.memory_space<vmem>>, vector<16xi32>,
        %and3A = arith.constant 65535 : i32
        %and3A_442 = vector.broadcast %and3A : i32 to vector<16xi32>
        %and3A_443 = arith.andi %get3A_429, %and3A_442 : vector<16xi32>
        %swap3A_444 = arith.constant 0 : i32
        %swap3A_445 = arith.index_cast %swap3A_444 : i32 to index
        %swap3A_446 = arith.constant 0 : index
        %swap3A_447 = tpu.vector_load %arg21[%swap3A_445, %swap3A_446] {strides = array<i32>} : memref<1x48xi32, #tpu.memory_space<vmem>>, vector<16xi32>,
        tpu.vector_store %arg21[%swap3A_445, %swap3A_446], %and3A_443 {strides = array<i32>} : memref<1x48xi32, #tpu.memory_space<vmem>>, vector<16xi32>,
        %mul3A_448 = arith.constant 48 : i32
        %mul3A_449 = arith.muli %add3A_423, %mul3A_448 : i32
        %add3A_450 = arith.constant 16 : i32
        %add3A_451 = arith.addi %mul3A_449, %add3A_450 : i32
        %get3A_452 = arith.index_cast %add3A_451 : i32 to index
        %get3A_453 = tpu.vector_load %arg13[%get3A_452] {strides = array<i32>} : memref<10304xi32, #tpu.memory_space<vmem>>, vector<16xi32>,
        %shift_right_logical3A_454 = arith.constant 15 : i32
        %shift_right_logical3A_455 = vector.broadcast %shift_right_logical3A_454 : i32 to vector<16xi32>
        %shift_right_logical3A_456 = arith.shrui %get3A_453, %shift_right_logical3A_455 : vector<16xi32>
        %swap3A_457 = arith.constant 0 : i32
        %swap3A_458 = arith.index_cast %swap3A_457 : i32 to index
        %swap3A_459 = arith.constant 16 : index
        %swap3A_460 = tpu.vector_load %arg15[%swap3A_458, %swap3A_459] {strides = array<i32>} : memref<1x48xi32, #tpu.memory_space<vmem>>, vector<16xi32>,
        tpu.vector_store %arg15[%swap3A_458, %swap3A_459], %shift_right_logical3A_456 {strides = array<i32>} : memref<1x48xi32, #tpu.memory_space<vmem>>, vector<16xi32>,
        %or3A_461 = arith.constant 1 : i32
        %or3A_462 = vector.broadcast %or3A_461 : i32 to vector<16xi32>
        %or3A_463 = arith.ori %shift_right_logical3A_456, %or3A_462 : vector<16xi32>
        %swap3A_464 = arith.constant 0 : i32
        %swap3A_465 = arith.index_cast %swap3A_464 : i32 to index
        %swap3A_466 = arith.constant 16 : index
        %swap3A_467 = tpu.vector_load %arg17[%swap3A_465, %swap3A_466] {strides = array<i32>} : memref<1x48xi32, #tpu.memory_space<vmem>>, vector<16xi32>,
        tpu.vector_store %arg17[%swap3A_465, %swap3A_466], %or3A_463 {strides = array<i32>} : memref<1x48xi32, #tpu.memory_space<vmem>>, vector<16xi32>,
        %and3A_468 = arith.constant 65535 : i32
        %and3A_469 = vector.broadcast %and3A_468 : i32 to vector<16xi32>
        %and3A_470 = arith.andi %get3A_453, %and3A_469 : vector<16xi32>
        %swap3A_471 = arith.constant 0 : i32
        %swap3A_472 = arith.index_cast %swap3A_471 : i32 to index
        %swap3A_473 = arith.constant 16 : index
        %swap3A_474 = tpu.vector_load %arg21[%swap3A_472, %swap3A_473] {strides = array<i32>} : memref<1x48xi32, #tpu.memory_space<vmem>>, vector<16xi32>,
        tpu.vector_store %arg21[%swap3A_472, %swap3A_473], %and3A_470 {strides = array<i32>} : memref<1x48xi32, #tpu.memory_space<vmem>>, vector<16xi32>,
        %mul3A_475 = arith.constant 48 : i32
        %mul3A_476 = arith.muli %add3A_423, %mul3A_475 : i32
        %add3A_477 = arith.constant 32 : i32
        %add3A_478 = arith.addi %mul3A_476, %add3A_477 : i32
        %get3A_479 = arith.index_cast %add3A_478 : i32 to index
        %get3A_480 = tpu.vector_load %arg13[%get3A_479] {strides = array<i32>} : memref<10304xi32, #tpu.memory_space<vmem>>, vector<16xi32>,
        %shift_right_logical3A_481 = arith.constant 15 : i32
        %shift_right_logical3A_482 = vector.broadcast %shift_right_logical3A_481 : i32 to vector<16xi32>
        %shift_right_logical3A_483 = arith.shrui %get3A_480, %shift_right_logical3A_482 : vector<16xi32>
        %swap3A_484 = arith.constant 0 : i32
        %swap3A_485 = arith.index_cast %swap3A_484 : i32 to index
        %swap3A_486 = arith.constant 32 : index
        %swap3A_487 = tpu.vector_load %arg15[%swap3A_485, %swap3A_486] {strides = array<i32>} : memref<1x48xi32, #tpu.memory_space<vmem>>, vector<16xi32>,
        tpu.vector_store %arg15[%swap3A_485, %swap3A_486], %shift_right_logical3A_483 {strides = array<i32>} : memref<1x48xi32, #tpu.memory_space<vmem>>, vector<16xi32>,
        %or3A_488 = arith.constant 1 : i32
        %or3A_489 = vector.broadcast %or3A_488 : i32 to vector<16xi32>
        %or3A_490 = arith.ori %shift_right_logical3A_483, %or3A_489 : vector<16xi32>
        %swap3A_491 = arith.constant 0 : i32
        %swap3A_492 = arith.index_cast %swap3A_491 : i32 to index
        %swap3A_493 = arith.constant 32 : index
        %swap3A_494 = tpu.vector_load %arg17[%swap3A_492, %swap3A_493] {strides = array<i32>} : memref<1x48xi32, #tpu.memory_space<vmem>>, vector<16xi32>,
        tpu.vector_store %arg17[%swap3A_492, %swap3A_493], %or3A_490 {strides = array<i32>} : memref<1x48xi32, #tpu.memory_space<vmem>>, vector<16xi32>,
        %and3A_495 = arith.constant 65535 : i32
        %and3A_496 = vector.broadcast %and3A_495 : i32 to vector<16xi32>
        %and3A_497 = arith.andi %get3A_480, %and3A_496 : vector<16xi32>
        %swap3A_498 = arith.constant 0 : i32
        %swap3A_499 = arith.index_cast %swap3A_498 : i32 to index
        %swap3A_500 = arith.constant 32 : index
        %swap3A_501 = tpu.vector_load %arg21[%swap3A_499, %swap3A_500] {strides = array<i32>} : memref<1x48xi32, #tpu.memory_space<vmem>>, vector<16xi32>,
        tpu.vector_store %arg21[%swap3A_499, %swap3A_500], %and3A_497 {strides = array<i32>} : memref<1x48xi32, #tpu.memory_space<vmem>>, vector<16xi32>,
        %add3A_502 = arith.constant 2 : i32
        %add3A_503 = arith.addi %add3A_325, %add3A_502 : i32
        %dma_start3A_504 = arith.constant 0 : i32
        %dma_start3A_505 = arith.constant 0 : i32
        %dma_start3A_506 = tpu.memref_slice %arg21[%dma_start3A_504, %dma_start3A_505] : memref<1x48xi32, #tpu.memory_space<vmem>> -> memref<1x48xi32, #tpu.memory_space<vmem>>
        %dma_start3A_507 = tpu.memref_squeeze %dma_start3A_506 : memref<1x48xi32, #tpu.memory_space<vmem>> -> memref<48xi32, #tpu.memory_space<vmem>>
        %dma_start3A_508 = arith.constant 0 : i32
        %dma_start3A_509 = arith.constant 0 : i32
        %dma_start3A_510 = tpu.memref_slice %arg2[%dma_start3A_508, %dma_start3A_509] : memref<10000x128xf32, #tpu.memory_space<hbm>> -> memref<10000x128xf32, #tpu.memory_space<hbm>>
        tpu.enqueue_indirect_dma source(%dma_start3A_510 : memref<10000x128xf32, #tpu.memory_space<hbm>>) target(%arg23 : memref<48x128xf32, #tpu.memory_space<vmem>>) offsets(%dma_start3A_507 : memref<48xi32, #tpu.memory_space<vmem>>) semaphore(%arg29 : memref<!tpu.dma_semaphore, #tpu.memory_space<semaphore_mem>>)
      } else {
      }
      %add3A_416 = arith.constant 1 : i32
      %add3A_417 = arith.addi %add3A_325, %add3A_416 : i32
      %lt3A_418 = arith.cmpi slt, %add3A_417, %div3A_277 : i32
      %convert_element_type3A_419 = arith.extui %lt3A_418 : i1 to i32
      %cond3A_420 = arith.constant 0 : i32
      %cond3A_421 = arith.cmpi ne, %convert_element_type3A_419, %cond3A_420 : i32
      scf.if %cond3A_421 {
        %dma_wait3A_422 = arith.constant 0 : i32
        %dma_wait3A_423 = arith.constant 0 : i32
        %dma_wait3A_424 = tpu.memref_slice %arg22[%dma_wait3A_422, %dma_wait3A_423] : memref<1x48xi32, #tpu.memory_space<vmem>> -> memref<1x48xi32, #tpu.memory_space<vmem>>
        %dma_wait3A_425 = tpu.memref_squeeze %dma_wait3A_424 : memref<1x48xi32, #tpu.memory_space<vmem>> -> memref<48xi32, #tpu.memory_space<vmem>>
        %dma_wait3A_426 = arith.constant 0 : i32
        %dma_wait3A_427 = arith.constant 0 : i32
        %dma_wait3A_428 = tpu.memref_slice %arg2[%dma_wait3A_426, %dma_wait3A_427] : memref<10000x128xf32, #tpu.memory_space<hbm>> -> memref<10000x128xf32, #tpu.memory_space<hbm>>
        tpu.wait_indirect_dma semaphore(%arg30 : memref<!tpu.dma_semaphore, #tpu.memory_space<semaphore_mem>>) src(%dma_wait3A_428 : memref<10000x128xf32, #tpu.memory_space<hbm>>) dst(%arg24 : memref<48x128xf32, #tpu.memory_space<vmem>>)
        %dma_wait3A_429 = arith.constant 0 : i32
        %dma_wait3A_430 = arith.constant 0 : i32
        %dma_wait3A_431 = tpu.memref_slice %arg19[%dma_wait3A_429, %dma_wait3A_430] : memref<1x48xi32, #tpu.memory_space<vmem>> -> memref<1x48xi32, #tpu.memory_space<vmem>>
        %dma_wait3A_432 = tpu.memref_squeeze %dma_wait3A_431 : memref<1x48xi32, #tpu.memory_space<vmem>> -> memref<48xi32, #tpu.memory_space<vmem>>
        %dma_wait3A_433 = arith.constant 0 : i32
        %dma_wait3A_434 = arith.constant 0 : i32
        %dma_wait3A_435 = tpu.memref_slice %arg27[%dma_wait3A_433, %dma_wait3A_434] : memref<10000x128xf32, #tpu.memory_space<vmem_shared>> -> memref<10000x128xf32, #tpu.memory_space<vmem_shared>>
        tpu.wait_indirect_dma semaphore(%arg33 : memref<!tpu.dma_semaphore, #tpu.memory_space<semaphore_mem>>) src(%arg25 : memref<48x128xf32, #tpu.memory_space<vmem>>) dst(%dma_wait3A_435 : memref<10000x128xf32, #tpu.memory_space<vmem_shared>>)
        %dma_wait3A_436 = arith.constant 0 : i32
        %dma_wait3A_437 = arith.constant 0 : i32
        %dma_wait3A_438 = tpu.memref_slice %arg20[%dma_wait3A_436, %dma_wait3A_437] : memref<1x48xi32, #tpu.memory_space<vmem>> -> memref<1x48xi32, #tpu.memory_space<vmem>>
        %dma_wait3A_439 = tpu.memref_squeeze %dma_wait3A_438 : memref<1x48xi32, #tpu.memory_space<vmem>> -> memref<48xi32, #tpu.memory_space<vmem>>
        %dma_wait3A_440 = arith.constant 0 : i32
        %dma_wait3A_441 = arith.constant 0 : i32
        %dma_wait3A_442 = tpu.memref_slice %arg27[%dma_wait3A_440, %dma_wait3A_441] : memref<10000x128xf32, #tpu.memory_space<vmem_shared>> -> memref<10000x128xf32, #tpu.memory_space<vmem_shared>>
        tpu.wait_indirect_dma semaphore(%arg33 : memref<!tpu.dma_semaphore, #tpu.memory_space<semaphore_mem>>) src(%arg26 : memref<48x128xf32, #tpu.memory_space<vmem>>) dst(%dma_wait3A_442 : memref<10000x128xf32, #tpu.memory_space<vmem_shared>>)
        %add3A_443 = arith.constant 1 : i32
        %add3A_444 = arith.addi %add3A_325, %add3A_443 : i32
        %scan3A_445 = arith.constant 0 : i32
        %scan3A_446 = arith.constant 48 : i32
        %scan3A_447 = arith.addi %scan3A_445, %scan3A_446 : i32
        %scan3A_448 = arith.constant 1 : i32
        scf.for %scan3A_512 = %scan3A_445 to %scan3A_447 step %scan3A_448  : i32 {
          %mul3A_513 = arith.constant 1 : i32
          %mul3A_514 = arith.muli %scan3A_512, %mul3A_513 : i32
          %add3A_515 = arith.constant 0 : i32
          %add3A_516 = arith.addi %add3A_515, %mul3A_514 : i32
          %mul3A_517 = arith.constant 48 : i32
          %mul3A_518 = arith.muli %add3A_444, %mul3A_517 : i32
          %add3A_519 = arith.addi %mul3A_518, %add3A_516 : i32
          %broadcast_in_dim3A_520 = vector.broadcast %add3A_519 : i32 to vector<16xi32>
          %gather3A = tpu.vector_load_idx %arg14[%broadcast_in_dim3A_520] : memref<10304xf32, #tpu.memory_space<vmem>>[vector<16xi32>], vector<16xf32>,
          %get3A_521 = arith.index_cast %add3A_516 : i32 to index
          %get3A_522 = arith.constant 0 : index
          %get3A_523 = tpu.vector_load %arg24[%get3A_521, %get3A_522] {strides = array<i32>} : memref<48x128xf32, #tpu.memory_space<vmem>>, vector<16xf32>,
          %bitcast3A = vector.bitcast %get3A_523 : vector<16xf32> to vector<32xbf16>
          %unpack3A = tpu.unpack_subelements %bitcast3A, 0 {pack_format = #tpu.pack_format<interleaved>} : vector<32xbf16> -> vector<16xf32>
          %unpack3A_524 = tpu.unpack_subelements %bitcast3A, 1 {pack_format = #tpu.pack_format<interleaved>} : vector<32xbf16> -> vector<16xf32>
          %mul3A_525 = arith.mulf %unpack3A, %gather3A : vector<16xf32>
          %swap3A_526 = arith.index_cast %add3A_516 : i32 to index
          %swap3A_527 = arith.constant 0 : index
          %swap3A_528 = tpu.vector_load %arg25[%swap3A_526, %swap3A_527] {strides = array<i32>} : memref<48x128xf32, #tpu.memory_space<vmem>>, vector<16xf32>,
          tpu.vector_store %arg25[%swap3A_526, %swap3A_527], %mul3A_525 {strides = array<i32>} : memref<48x128xf32, #tpu.memory_space<vmem>>, vector<16xf32>,
          %mul3A_529 = arith.mulf %unpack3A_524, %gather3A : vector<16xf32>
          %swap3A_530 = arith.index_cast %add3A_516 : i32 to index
          %swap3A_531 = arith.constant 16 : index
          %swap3A_532 = tpu.vector_load %arg25[%swap3A_530, %swap3A_531] {strides = array<i32>} : memref<48x128xf32, #tpu.memory_space<vmem>>, vector<16xf32>,
          tpu.vector_store %arg25[%swap3A_530, %swap3A_531], %mul3A_529 {strides = array<i32>} : memref<48x128xf32, #tpu.memory_space<vmem>>, vector<16xf32>,
          %get3A_533 = arith.index_cast %add3A_516 : i32 to index
          %get3A_534 = arith.constant 16 : index
          %get3A_535 = tpu.vector_load %arg24[%get3A_533, %get3A_534] {strides = array<i32>} : memref<48x128xf32, #tpu.memory_space<vmem>>, vector<16xf32>,
          %bitcast3A_536 = vector.bitcast %get3A_535 : vector<16xf32> to vector<32xbf16>
          %unpack3A_537 = tpu.unpack_subelements %bitcast3A_536, 0 {pack_format = #tpu.pack_format<interleaved>} : vector<32xbf16> -> vector<16xf32>
          %unpack3A_538 = tpu.unpack_subelements %bitcast3A_536, 1 {pack_format = #tpu.pack_format<interleaved>} : vector<32xbf16> -> vector<16xf32>
          %mul3A_539 = arith.mulf %unpack3A_537, %gather3A : vector<16xf32>
          %swap3A_540 = arith.index_cast %add3A_516 : i32 to index
          %swap3A_541 = arith.constant 32 : index
          %swap3A_542 = tpu.vector_load %arg25[%swap3A_540, %swap3A_541] {strides = array<i32>} : memref<48x128xf32, #tpu.memory_space<vmem>>, vector<16xf32>,
          tpu.vector_store %arg25[%swap3A_540, %swap3A_541], %mul3A_539 {strides = array<i32>} : memref<48x128xf32, #tpu.memory_space<vmem>>, vector<16xf32>,
          %mul3A_543 = arith.mulf %unpack3A_538, %gather3A : vector<16xf32>
          %swap3A_544 = arith.index_cast %add3A_516 : i32 to index
          %swap3A_545 = arith.constant 48 : index
          %swap3A_546 = tpu.vector_load %arg25[%swap3A_544, %swap3A_545] {strides = array<i32>} : memref<48x128xf32, #tpu.memory_space<vmem>>, vector<16xf32>,
          tpu.vector_store %arg25[%swap3A_544, %swap3A_545], %mul3A_543 {strides = array<i32>} : memref<48x128xf32, #tpu.memory_space<vmem>>, vector<16xf32>,
          %get3A_547 = arith.index_cast %add3A_516 : i32 to index
          %get3A_548 = arith.constant 32 : index
          %get3A_549 = tpu.vector_load %arg24[%get3A_547, %get3A_548] {strides = array<i32>} : memref<48x128xf32, #tpu.memory_space<vmem>>, vector<16xf32>,
          %bitcast3A_550 = vector.bitcast %get3A_549 : vector<16xf32> to vector<32xbf16>
          %unpack3A_551 = tpu.unpack_subelements %bitcast3A_550, 0 {pack_format = #tpu.pack_format<interleaved>} : vector<32xbf16> -> vector<16xf32>
          %unpack3A_552 = tpu.unpack_subelements %bitcast3A_550, 1 {pack_format = #tpu.pack_format<interleaved>} : vector<32xbf16> -> vector<16xf32>
          %mul3A_553 = arith.mulf %unpack3A_551, %gather3A : vector<16xf32>
          %swap3A_554 = arith.index_cast %add3A_516 : i32 to index
          %swap3A_555 = arith.constant 64 : index
          %swap3A_556 = tpu.vector_load %arg25[%swap3A_554, %swap3A_555] {strides = array<i32>} : memref<48x128xf32, #tpu.memory_space<vmem>>, vector<16xf32>,
          tpu.vector_store %arg25[%swap3A_554, %swap3A_555], %mul3A_553 {strides = array<i32>} : memref<48x128xf32, #tpu.memory_space<vmem>>, vector<16xf32>,
          %mul3A_557 = arith.mulf %unpack3A_552, %gather3A : vector<16xf32>
          %swap3A_558 = arith.index_cast %add3A_516 : i32 to index
          %swap3A_559 = arith.constant 80 : index
          %swap3A_560 = tpu.vector_load %arg25[%swap3A_558, %swap3A_559] {strides = array<i32>} : memref<48x128xf32, #tpu.memory_space<vmem>>, vector<16xf32>,
          tpu.vector_store %arg25[%swap3A_558, %swap3A_559], %mul3A_557 {strides = array<i32>} : memref<48x128xf32, #tpu.memory_space<vmem>>, vector<16xf32>,
          %get3A_561 = arith.index_cast %add3A_516 : i32 to index
          %get3A_562 = arith.constant 48 : index
          %get3A_563 = tpu.vector_load %arg24[%get3A_561, %get3A_562] {strides = array<i32>} : memref<48x128xf32, #tpu.memory_space<vmem>>, vector<16xf32>,
          %bitcast3A_564 = vector.bitcast %get3A_563 : vector<16xf32> to vector<32xbf16>
          %unpack3A_565 = tpu.unpack_subelements %bitcast3A_564, 0 {pack_format = #tpu.pack_format<interleaved>} : vector<32xbf16> -> vector<16xf32>
          %unpack3A_566 = tpu.unpack_subelements %bitcast3A_564, 1 {pack_format = #tpu.pack_format<interleaved>} : vector<32xbf16> -> vector<16xf32>
          %mul3A_567 = arith.mulf %unpack3A_565, %gather3A : vector<16xf32>
          %swap3A_568 = arith.index_cast %add3A_516 : i32 to index
          %swap3A_569 = arith.constant 96 : index
          %swap3A_570 = tpu.vector_load %arg25[%swap3A_568, %swap3A_569] {strides = array<i32>} : memref<48x128xf32, #tpu.memory_space<vmem>>, vector<16xf32>,
          tpu.vector_store %arg25[%swap3A_568, %swap3A_569], %mul3A_567 {strides = array<i32>} : memref<48x128xf32, #tpu.memory_space<vmem>>, vector<16xf32>,
          %mul3A_571 = arith.mulf %unpack3A_566, %gather3A : vector<16xf32>
          %swap3A_572 = arith.index_cast %add3A_516 : i32 to index
          %swap3A_573 = arith.constant 112 : index
          %swap3A_574 = tpu.vector_load %arg25[%swap3A_572, %swap3A_573] {strides = array<i32>} : memref<48x128xf32, #tpu.memory_space<vmem>>, vector<16xf32>,
          tpu.vector_store %arg25[%swap3A_572, %swap3A_573], %mul3A_571 {strides = array<i32>} : memref<48x128xf32, #tpu.memory_space<vmem>>, vector<16xf32>,
          %get3A_575 = arith.index_cast %add3A_516 : i32 to index
          %get3A_576 = arith.constant 64 : index
          %get3A_577 = tpu.vector_load %arg24[%get3A_575, %get3A_576] {strides = array<i32>} : memref<48x128xf32, #tpu.memory_space<vmem>>, vector<16xf32>,
          %bitcast3A_578 = vector.bitcast %get3A_577 : vector<16xf32> to vector<32xbf16>
          %unpack3A_579 = tpu.unpack_subelements %bitcast3A_578, 0 {pack_format = #tpu.pack_format<interleaved>} : vector<32xbf16> -> vector<16xf32>
          %unpack3A_580 = tpu.unpack_subelements %bitcast3A_578, 1 {pack_format = #tpu.pack_format<interleaved>} : vector<32xbf16> -> vector<16xf32>
          %mul3A_581 = arith.mulf %unpack3A_579, %gather3A : vector<16xf32>
          %swap3A_582 = arith.index_cast %add3A_516 : i32 to index
          %swap3A_583 = arith.constant 0 : index
          %swap3A_584 = tpu.vector_load %arg26[%swap3A_582, %swap3A_583] {strides = array<i32>} : memref<48x128xf32, #tpu.memory_space<vmem>>, vector<16xf32>,
          tpu.vector_store %arg26[%swap3A_582, %swap3A_583], %mul3A_581 {strides = array<i32>} : memref<48x128xf32, #tpu.memory_space<vmem>>, vector<16xf32>,
          %mul3A_585 = arith.mulf %unpack3A_580, %gather3A : vector<16xf32>
          %swap3A_586 = arith.index_cast %add3A_516 : i32 to index
          %swap3A_587 = arith.constant 16 : index
          %swap3A_588 = tpu.vector_load %arg26[%swap3A_586, %swap3A_587] {strides = array<i32>} : memref<48x128xf32, #tpu.memory_space<vmem>>, vector<16xf32>,
          tpu.vector_store %arg26[%swap3A_586, %swap3A_587], %mul3A_585 {strides = array<i32>} : memref<48x128xf32, #tpu.memory_space<vmem>>, vector<16xf32>,
          %get3A_589 = arith.index_cast %add3A_516 : i32 to index
          %get3A_590 = arith.constant 80 : index
          %get3A_591 = tpu.vector_load %arg24[%get3A_589, %get3A_590] {strides = array<i32>} : memref<48x128xf32, #tpu.memory_space<vmem>>, vector<16xf32>,
          %bitcast3A_592 = vector.bitcast %get3A_591 : vector<16xf32> to vector<32xbf16>
          %unpack3A_593 = tpu.unpack_subelements %bitcast3A_592, 0 {pack_format = #tpu.pack_format<interleaved>} : vector<32xbf16> -> vector<16xf32>
          %unpack3A_594 = tpu.unpack_subelements %bitcast3A_592, 1 {pack_format = #tpu.pack_format<interleaved>} : vector<32xbf16> -> vector<16xf32>
          %mul3A_595 = arith.mulf %unpack3A_593, %gather3A : vector<16xf32>
          %swap3A_596 = arith.index_cast %add3A_516 : i32 to index
          %swap3A_597 = arith.constant 32 : index
          %swap3A_598 = tpu.vector_load %arg26[%swap3A_596, %swap3A_597] {strides = array<i32>} : memref<48x128xf32, #tpu.memory_space<vmem>>, vector<16xf32>,
          tpu.vector_store %arg26[%swap3A_596, %swap3A_597], %mul3A_595 {strides = array<i32>} : memref<48x128xf32, #tpu.memory_space<vmem>>, vector<16xf32>,
          %mul3A_599 = arith.mulf %unpack3A_594, %gather3A : vector<16xf32>
          %swap3A_600 = arith.index_cast %add3A_516 : i32 to index
          %swap3A_601 = arith.constant 48 : index
          %swap3A_602 = tpu.vector_load %arg26[%swap3A_600, %swap3A_601] {strides = array<i32>} : memref<48x128xf32, #tpu.memory_space<vmem>>, vector<16xf32>,
          tpu.vector_store %arg26[%swap3A_600, %swap3A_601], %mul3A_599 {strides = array<i32>} : memref<48x128xf32, #tpu.memory_space<vmem>>, vector<16xf32>,
          %get3A_603 = arith.index_cast %add3A_516 : i32 to index
          %get3A_604 = arith.constant 96 : index
          %get3A_605 = tpu.vector_load %arg24[%get3A_603, %get3A_604] {strides = array<i32>} : memref<48x128xf32, #tpu.memory_space<vmem>>, vector<16xf32>,
          %bitcast3A_606 = vector.bitcast %get3A_605 : vector<16xf32> to vector<32xbf16>
          %unpack3A_607 = tpu.unpack_subelements %bitcast3A_606, 0 {pack_format = #tpu.pack_format<interleaved>} : vector<32xbf16> -> vector<16xf32>
          %unpack3A_608 = tpu.unpack_subelements %bitcast3A_606, 1 {pack_format = #tpu.pack_format<interleaved>} : vector<32xbf16> -> vector<16xf32>
          %mul3A_609 = arith.mulf %unpack3A_607, %gather3A : vector<16xf32>
          %swap3A_610 = arith.index_cast %add3A_516 : i32 to index
          %swap3A_611 = arith.constant 64 : index
          %swap3A_612 = tpu.vector_load %arg26[%swap3A_610, %swap3A_611] {strides = array<i32>} : memref<48x128xf32, #tpu.memory_space<vmem>>, vector<16xf32>,
          tpu.vector_store %arg26[%swap3A_610, %swap3A_611], %mul3A_609 {strides = array<i32>} : memref<48x128xf32, #tpu.memory_space<vmem>>, vector<16xf32>,
          %mul3A_613 = arith.mulf %unpack3A_608, %gather3A : vector<16xf32>
          %swap3A_614 = arith.index_cast %add3A_516 : i32 to index
          %swap3A_615 = arith.constant 80 : index
          %swap3A_616 = tpu.vector_load %arg26[%swap3A_614, %swap3A_615] {strides = array<i32>} : memref<48x128xf32, #tpu.memory_space<vmem>>, vector<16xf32>,
          tpu.vector_store %arg26[%swap3A_614, %swap3A_615], %mul3A_613 {strides = array<i32>} : memref<48x128xf32, #tpu.memory_space<vmem>>, vector<16xf32>,
          %get3A_617 = arith.index_cast %add3A_516 : i32 to index
          %get3A_618 = arith.constant 112 : index
          %get3A_619 = tpu.vector_load %arg24[%get3A_617, %get3A_618] {strides = array<i32>} : memref<48x128xf32, #tpu.memory_space<vmem>>, vector<16xf32>,
          %bitcast3A_620 = vector.bitcast %get3A_619 : vector<16xf32> to vector<32xbf16>
          %unpack3A_621 = tpu.unpack_subelements %bitcast3A_620, 0 {pack_format = #tpu.pack_format<interleaved>} : vector<32xbf16> -> vector<16xf32>
          %unpack3A_622 = tpu.unpack_subelements %bitcast3A_620, 1 {pack_format = #tpu.pack_format<interleaved>} : vector<32xbf16> -> vector<16xf32>
          %mul3A_623 = arith.mulf %unpack3A_621, %gather3A : vector<16xf32>
          %swap3A_624 = arith.index_cast %add3A_516 : i32 to index
          %swap3A_625 = arith.constant 96 : index
          %swap3A_626 = tpu.vector_load %arg26[%swap3A_624, %swap3A_625] {strides = array<i32>} : memref<48x128xf32, #tpu.memory_space<vmem>>, vector<16xf32>,
          tpu.vector_store %arg26[%swap3A_624, %swap3A_625], %mul3A_623 {strides = array<i32>} : memref<48x128xf32, #tpu.memory_space<vmem>>, vector<16xf32>,
          %mul3A_627 = arith.mulf %unpack3A_622, %gather3A : vector<16xf32>
          %swap3A_628 = arith.index_cast %add3A_516 : i32 to index
          %swap3A_629 = arith.constant 112 : index
          %swap3A_630 = tpu.vector_load %arg26[%swap3A_628, %swap3A_629] {strides = array<i32>} : memref<48x128xf32, #tpu.memory_space<vmem>>, vector<16xf32>,
          tpu.vector_store %arg26[%swap3A_628, %swap3A_629], %mul3A_627 {strides = array<i32>} : memref<48x128xf32, #tpu.memory_space<vmem>>, vector<16xf32>,
        }
        %scan3A_449 = arith.constant 48 : i32
        %get3A_450 = arith.constant 0 : i32
        %get3A_451 = arith.index_cast %get3A_450 : i32 to index
        %get3A_452 = arith.constant 0 : index
        %get3A_453 = tpu.vector_load %arg16[%get3A_451, %get3A_452] {strides = array<i32>} : memref<1x48xi32, #tpu.memory_space<vmem>>, vector<16xi32>,
        %swap3A_454 = arith.constant 0 : i32
        %swap3A_455 = arith.index_cast %swap3A_454 : i32 to index
        %swap3A_456 = arith.constant 0 : index
        %swap3A_457 = tpu.vector_load %arg19[%swap3A_455, %swap3A_456] {strides = array<i32>} : memref<1x48xi32, #tpu.memory_space<vmem>>, vector<16xi32>,
        tpu.vector_store %arg19[%swap3A_455, %swap3A_456], %get3A_453 {strides = array<i32>} : memref<1x48xi32, #tpu.memory_space<vmem>>, vector<16xi32>,
        %get3A_458 = arith.constant 0 : i32
        %get3A_459 = arith.index_cast %get3A_458 : i32 to index
        %get3A_460 = arith.constant 0 : index
        %get3A_461 = tpu.vector_load %arg18[%get3A_459, %get3A_460] {strides = array<i32>} : memref<1x48xi32, #tpu.memory_space<vmem>>, vector<16xi32>,
        %swap3A_462 = arith.constant 0 : i32
        %swap3A_463 = arith.index_cast %swap3A_462 : i32 to index
        %swap3A_464 = arith.constant 0 : index
        %swap3A_465 = tpu.vector_load %arg20[%swap3A_463, %swap3A_464] {strides = array<i32>} : memref<1x48xi32, #tpu.memory_space<vmem>>, vector<16xi32>,
        tpu.vector_store %arg20[%swap3A_463, %swap3A_464], %get3A_461 {strides = array<i32>} : memref<1x48xi32, #tpu.memory_space<vmem>>, vector<16xi32>,
        %get3A_466 = arith.constant 0 : i32
        %get3A_467 = arith.index_cast %get3A_466 : i32 to index
        %get3A_468 = arith.constant 16 : index
        %get3A_469 = tpu.vector_load %arg16[%get3A_467, %get3A_468] {strides = array<i32>} : memref<1x48xi32, #tpu.memory_space<vmem>>, vector<16xi32>,
        %swap3A_470 = arith.constant 0 : i32
        %swap3A_471 = arith.index_cast %swap3A_470 : i32 to index
        %swap3A_472 = arith.constant 16 : index
        %swap3A_473 = tpu.vector_load %arg19[%swap3A_471, %swap3A_472] {strides = array<i32>} : memref<1x48xi32, #tpu.memory_space<vmem>>, vector<16xi32>,
        tpu.vector_store %arg19[%swap3A_471, %swap3A_472], %get3A_469 {strides = array<i32>} : memref<1x48xi32, #tpu.memory_space<vmem>>, vector<16xi32>,
        %get3A_474 = arith.constant 0 : i32
        %get3A_475 = arith.index_cast %get3A_474 : i32 to index
        %get3A_476 = arith.constant 16 : index
        %get3A_477 = tpu.vector_load %arg18[%get3A_475, %get3A_476] {strides = array<i32>} : memref<1x48xi32, #tpu.memory_space<vmem>>, vector<16xi32>,
        %swap3A_478 = arith.constant 0 : i32
        %swap3A_479 = arith.index_cast %swap3A_478 : i32 to index
        %swap3A_480 = arith.constant 16 : index
        %swap3A_481 = tpu.vector_load %arg20[%swap3A_479, %swap3A_480] {strides = array<i32>} : memref<1x48xi32, #tpu.memory_space<vmem>>, vector<16xi32>,
        tpu.vector_store %arg20[%swap3A_479, %swap3A_480], %get3A_477 {strides = array<i32>} : memref<1x48xi32, #tpu.memory_space<vmem>>, vector<16xi32>,
        %get3A_482 = arith.constant 0 : i32
        %get3A_483 = arith.index_cast %get3A_482 : i32 to index
        %get3A_484 = arith.constant 32 : index
        %get3A_485 = tpu.vector_load %arg16[%get3A_483, %get3A_484] {strides = array<i32>} : memref<1x48xi32, #tpu.memory_space<vmem>>, vector<16xi32>,
        %swap3A_486 = arith.constant 0 : i32
        %swap3A_487 = arith.index_cast %swap3A_486 : i32 to index
        %swap3A_488 = arith.constant 32 : index
        %swap3A_489 = tpu.vector_load %arg19[%swap3A_487, %swap3A_488] {strides = array<i32>} : memref<1x48xi32, #tpu.memory_space<vmem>>, vector<16xi32>,
        tpu.vector_store %arg19[%swap3A_487, %swap3A_488], %get3A_485 {strides = array<i32>} : memref<1x48xi32, #tpu.memory_space<vmem>>, vector<16xi32>,
        %get3A_490 = arith.constant 0 : i32
        %get3A_491 = arith.index_cast %get3A_490 : i32 to index
        %get3A_492 = arith.constant 32 : index
        %get3A_493 = tpu.vector_load %arg18[%get3A_491, %get3A_492] {strides = array<i32>} : memref<1x48xi32, #tpu.memory_space<vmem>>, vector<16xi32>,
        %swap3A_494 = arith.constant 0 : i32
        %swap3A_495 = arith.index_cast %swap3A_494 : i32 to index
        %swap3A_496 = arith.constant 32 : index
        %swap3A_497 = tpu.vector_load %arg20[%swap3A_495, %swap3A_496] {strides = array<i32>} : memref<1x48xi32, #tpu.memory_space<vmem>>, vector<16xi32>,
        tpu.vector_store %arg20[%swap3A_495, %swap3A_496], %get3A_493 {strides = array<i32>} : memref<1x48xi32, #tpu.memory_space<vmem>>, vector<16xi32>,
        %dma_start3A_498 = arith.constant 0 : i32
        %dma_start3A_499 = arith.constant 0 : i32
        %dma_start3A_500 = tpu.memref_slice %arg19[%dma_start3A_498, %dma_start3A_499] : memref<1x48xi32, #tpu.memory_space<vmem>> -> memref<1x48xi32, #tpu.memory_space<vmem>>
        %dma_start3A_501 = tpu.memref_squeeze %dma_start3A_500 : memref<1x48xi32, #tpu.memory_space<vmem>> -> memref<48xi32, #tpu.memory_space<vmem>>
        %dma_start3A_502 = arith.constant 0 : i32
        %dma_start3A_503 = arith.constant 0 : i32
        %dma_start3A_504 = tpu.memref_slice %arg27[%dma_start3A_502, %dma_start3A_503] : memref<10000x128xf32, #tpu.memory_space<vmem_shared>> -> memref<10000x128xf32, #tpu.memory_space<vmem_shared>>
        tpu.enqueue_indirect_dma source(%arg25 : memref<48x128xf32, #tpu.memory_space<vmem>>) target(%dma_start3A_504 : memref<10000x128xf32, #tpu.memory_space<vmem_shared>>) offsets(%dma_start3A_501 : memref<48xi32, #tpu.memory_space<vmem>>) semaphore(%arg33 : memref<!tpu.dma_semaphore, #tpu.memory_space<semaphore_mem>>) {add = true}
        %dma_start3A_505 = arith.constant 0 : i32
        %dma_start3A_506 = arith.constant 0 : i32
        %dma_start3A_507 = tpu.memref_slice %arg20[%dma_start3A_505, %dma_start3A_506] : memref<1x48xi32, #tpu.memory_space<vmem>> -> memref<1x48xi32, #tpu.memory_space<vmem>>
        %dma_start3A_508 = tpu.memref_squeeze %dma_start3A_507 : memref<1x48xi32, #tpu.memory_space<vmem>> -> memref<48xi32, #tpu.memory_space<vmem>>
        %dma_start3A_509 = arith.constant 0 : i32
        %dma_start3A_510 = arith.constant 0 : i32
        %dma_start3A_511 = tpu.memref_slice %arg27[%dma_start3A_509, %dma_start3A_510] : memref<10000x128xf32, #tpu.memory_space<vmem_shared>> -> memref<10000x128xf32, #tpu.memory_space<vmem_shared>>
        tpu.enqueue_indirect_dma source(%arg26 : memref<48x128xf32, #tpu.memory_space<vmem>>) target(%dma_start3A_511 : memref<10000x128xf32, #tpu.memory_space<vmem_shared>>) offsets(%dma_start3A_508 : memref<48xi32, #tpu.memory_space<vmem>>) semaphore(%arg33 : memref<!tpu.dma_semaphore, #tpu.memory_space<semaphore_mem>>) {add = true}
      } else {
      }
    }
    %gt3A_300 = arith.constant 0 : i32
    %gt3A_301 = arith.cmpi sgt, %div3A_277, %gt3A_300 : i32
    %convert_element_type3A_302 = arith.extui %gt3A_301 : i1 to i32
    %cond3A_303 = arith.constant 0 : i32
    %cond3A_304 = arith.cmpi ne, %convert_element_type3A_302, %cond3A_303 : i32
    scf.if %cond3A_304 {
      %dma_wait3A_323 = arith.constant 0 : i32
      %dma_wait3A_324 = arith.constant 0 : i32
      %dma_wait3A_325 = tpu.memref_slice %arg19[%dma_wait3A_323, %dma_wait3A_324] : memref<1x48xi32, #tpu.memory_space<vmem>> -> memref<1x48xi32, #tpu.memory_space<vmem>>
      %dma_wait3A_326 = tpu.memref_squeeze %dma_wait3A_325 : memref<1x48xi32, #tpu.memory_space<vmem>> -> memref<48xi32, #tpu.memory_space<vmem>>
      %dma_wait3A_327 = arith.constant 0 : i32
      %dma_wait3A_328 = arith.constant 0 : i32
      %dma_wait3A_329 = tpu.memref_slice %arg27[%dma_wait3A_327, %dma_wait3A_328] : memref<10000x128xf32, #tpu.memory_space<vmem_shared>> -> memref<10000x128xf32, #tpu.memory_space<vmem_shared>>
      tpu.wait_indirect_dma semaphore(%arg33 : memref<!tpu.dma_semaphore, #tpu.memory_space<semaphore_mem>>) src(%arg25 : memref<48x128xf32, #tpu.memory_space<vmem>>) dst(%dma_wait3A_329 : memref<10000x128xf32, #tpu.memory_space<vmem_shared>>)
      %dma_wait3A_330 = arith.constant 0 : i32
      %dma_wait3A_331 = arith.constant 0 : i32
      %dma_wait3A_332 = tpu.memref_slice %arg20[%dma_wait3A_330, %dma_wait3A_331] : memref<1x48xi32, #tpu.memory_space<vmem>> -> memref<1x48xi32, #tpu.memory_space<vmem>>
      %dma_wait3A_333 = tpu.memref_squeeze %dma_wait3A_332 : memref<1x48xi32, #tpu.memory_space<vmem>> -> memref<48xi32, #tpu.memory_space<vmem>>
      %dma_wait3A_334 = arith.constant 0 : i32
      %dma_wait3A_335 = arith.constant 0 : i32
      %dma_wait3A_336 = tpu.memref_slice %arg27[%dma_wait3A_334, %dma_wait3A_335] : memref<10000x128xf32, #tpu.memory_space<vmem_shared>> -> memref<10000x128xf32, #tpu.memory_space<vmem_shared>>
      tpu.wait_indirect_dma semaphore(%arg33 : memref<!tpu.dma_semaphore, #tpu.memory_space<semaphore_mem>>) src(%arg26 : memref<48x128xf32, #tpu.memory_space<vmem>>) dst(%dma_wait3A_336 : memref<10000x128xf32, #tpu.memory_space<vmem_shared>>)
    } else {
    }
    %swap3A_305 = arith.constant 0 : i32
    %swap3A_306 = arith.constant 0 : i32
    %swap3A_307 = arith.index_cast %swap3A_306 : i32 to index
    %swap3A_308 = memref.load %arg28[%swap3A_307] : memref<1xi32, #tpu.memory_space<smem>>
    memref.store %swap3A_305, %arg28[%swap3A_307] : memref<1xi32, #tpu.memory_space<smem>>
    %barrier3A_309 = arith.constant 0 : index
    tpu.barrier barrier_id(%barrier3A_309)
    %mul3A_310 = arith.constant 2 : i32
    %mul3A_311 = arith.muli %arg0, %mul3A_310 : i32
    %mul3A_312 = arith.constant 5000 : i32
    %mul3A_313 = arith.muli %mul3A_311, %mul3A_312 : i32
    %mul3A_314 = arith.constant 624 : i32
    %mul3A_315 = arith.muli %arg1, %mul3A_314 : i32
    %multiple_of3A_316 = tpu.assume_multiple %mul3A_315, 8 : i32
    %add3A_317 = arith.addi %mul3A_313, %multiple_of3A_316 : i32
    "tpu.region"() ({
      %run_scoped3A = tpu.sem_alloc : memref<!tpu.dma_semaphore, #tpu.memory_space<semaphore_mem>>
      %dma_start3A_323 = arith.constant 0 : i32
      %dma_start3A_324 = tpu.memref_slice %arg6[%add3A_317, %dma_start3A_323] : memref<20000x128xf32, #tpu.memory_space<hbm>> -> memref<624x128xf32, #tpu.memory_space<hbm>>
      %dma_start3A_325 = arith.constant 0 : i32
      %dma_start3A_326 = tpu.memref_slice %arg27[%multiple_of3A_316, %dma_start3A_325] : memref<10000x128xf32, #tpu.memory_space<vmem_shared>> -> memref<624x128xf32, #tpu.memory_space<vmem_shared>>
      tpu.enqueue_dma source(%dma_start3A_326 : memref<624x128xf32, #tpu.memory_space<vmem_shared>>) target(%dma_start3A_324 : memref<624x128xf32, #tpu.memory_space<hbm>>) target_semaphore(%run_scoped3A : memref<!tpu.dma_semaphore, #tpu.memory_space<semaphore_mem>>)
      %dma_wait3A_327 = arith.constant 0 : i32
      %dma_wait3A_328 = tpu.memref_slice %arg6[%add3A_317, %dma_wait3A_327] : memref<20000x128xf32, #tpu.memory_space<hbm>> -> memref<624x128xf32, #tpu.memory_space<hbm>>
      %dma_wait3A_329 = arith.constant 0 : i32
      %dma_wait3A_330 = tpu.memref_slice %arg27[%multiple_of3A_316, %dma_wait3A_329] : memref<10000x128xf32, #tpu.memory_space<vmem_shared>> -> memref<624x128xf32, #tpu.memory_space<vmem_shared>>
      tpu.wait_dma2 semaphore(%run_scoped3A : memref<!tpu.dma_semaphore, #tpu.memory_space<semaphore_mem>>) src(%dma_wait3A_330 : memref<624x128xf32, #tpu.memory_space<vmem_shared>>) dst(%dma_wait3A_328 : memref<624x128xf32, #tpu.memory_space<hbm>>)
      tpu.yield
    }) : () -> ()
    %eq3A_318 = arith.constant 15 : i32
    %eq3A_319 = arith.cmpi eq, %arg1, %eq3A_318 : i32
    %convert_element_type3A_320 = arith.extui %eq3A_319 : i1 to i32
    %cond3A_321 = arith.constant 0 : i32
    %cond3A_322 = arith.cmpi ne, %convert_element_type3A_320, %cond3A_321 : i32
    scf.if %cond3A_322 {
      %add3A_323 = arith.constant 9984 : i32
      %add3A_324 = arith.addi %mul3A_313, %add3A_323 : i32
      "tpu.region"() ({
        %run_scoped3A = tpu.sem_alloc : memref<!tpu.dma_semaphore, #tpu.memory_space<semaphore_mem>>
        %dma_start3A_325 = arith.constant 0 : i32
        %dma_start3A_326 = tpu.memref_slice %arg6[%add3A_324, %dma_start3A_325] : memref<20000x128xf32, #tpu.memory_space<hbm>> -> memref<16x128xf32, #tpu.memory_space<hbm>>
        %dma_start3A_327 = arith.constant 9984 : i32
        %dma_start3A_328 = arith.constant 0 : i32
        %dma_start3A_329 = tpu.memref_slice %arg27[%dma_start3A_327, %dma_start3A_328] : memref<10000x128xf32, #tpu.memory_space<vmem_shared>> -> memref<16x128xf32, #tpu.memory_space<vmem_shared>>
        tpu.enqueue_dma source(%dma_start3A_329 : memref<16x128xf32, #tpu.memory_space<vmem_shared>>) target(%dma_start3A_326 : memref<16x128xf32, #tpu.memory_space<hbm>>) target_semaphore(%run_scoped3A : memref<!tpu.dma_semaphore, #tpu.memory_space<semaphore_mem>>)
        %dma_wait3A_330 = arith.constant 0 : i32
        %dma_wait3A_331 = tpu.memref_slice %arg6[%add3A_324, %dma_wait3A_330] : memref<20000x128xf32, #tpu.memory_space<hbm>> -> memref<16x128xf32, #tpu.memory_space<hbm>>
        %dma_wait3A_332 = arith.constant 9984 : i32
        %dma_wait3A_333 = arith.constant 0 : i32
        %dma_wait3A_334 = tpu.memref_slice %arg27[%dma_wait3A_332, %dma_wait3A_333] : memref<10000x128xf32, #tpu.memory_space<vmem_shared>> -> memref<16x128xf32, #tpu.memory_space<vmem_shared>>
        tpu.wait_dma2 semaphore(%run_scoped3A : memref<!tpu.dma_semaphore, #tpu.memory_space<semaphore_mem>>) src(%dma_wait3A_334 : memref<16x128xf32, #tpu.memory_space<vmem_shared>>) dst(%dma_wait3A_331 : memref<16x128xf32, #tpu.memory_space<hbm>>)
        tpu.yield
      }) : () -> ()
    } else {
    }
    return
  }
}

module attributes {stable_mosaic.version = 14 : i64} {
  func.func @_stats_body(%arg0: i32, %arg1: memref<1000x256xf32, #tpu.memory_space<vmem>>, %arg2: memref<256x512xf32, #tpu.memory_space<vmem>>, %arg3: memref<1x512xf32, #tpu.memory_space<vmem>>, %arg4: memref<1x512xf32, #tpu.memory_space<vmem>>, %arg5: memref<2x512xf32, #tpu.memory_space<vmem>>, %arg6: memref<256x256xf32, #tpu.memory_space<vmem>>, %arg7: memref<1x256xf32, #tpu.memory_space<vmem>>) attributes {dimension_semantics = [#tpu.dimension_semantics<arbitrary>], iteration_bounds = array<i64: 10>, scalar_prefetch = 0 : i64, scratch_operands = 2 : i64, tpu.core_type = #tpu.core_type<tc>, window_params = [{transform_indices = @transform_0, window_bounds = array<i64: 1000, 256>}, {pipeline_mode = #tpu.pipeline_mode<synchronous>, transform_indices = @transform_1, window_bounds = array<i64: 256, 512>}, {pipeline_mode = #tpu.pipeline_mode<synchronous>, transform_indices = @transform_2, window_bounds = array<i64: 1, 512>}, {pipeline_mode = #tpu.pipeline_mode<synchronous>, transform_indices = @transform_3, window_bounds = array<i64: 1, 512>}, {pipeline_mode = #tpu.pipeline_mode<synchronous>, transform_indices = @transform_4, window_bounds = array<i64: 2, 512>}]} {
    %eq3A = arith.constant 0 : i32
    %eq3A_0 = arith.cmpi eq, %arg0, %eq3A : i32
    %convert_element_type3A = arith.extui %eq3A_0 : i1 to i32
    %cond3A = arith.constant 0 : i32
    %cond3A_1 = arith.cmpi ne, %convert_element_type3A, %cond3A : i32
    scf.if %cond3A_1 {
      %broadcast_in_dim3A_23 = arith.constant 0.000000e+00 : f32
      %broadcast_in_dim3A_24 = vector.broadcast %broadcast_in_dim3A_23 : f32 to vector<256x256xf32>
      %swap3A_25 = arith.constant 0 : index
      %swap3A_26 = arith.constant 0 : index
      %swap3A_27 = vector.load %arg6[%swap3A_25, %swap3A_26] : memref<256x256xf32, #tpu.memory_space<vmem>>, vector<256x256xf32>
      tpu.vector_store %arg6[%swap3A_25, %swap3A_26], %broadcast_in_dim3A_24 {strides = array<i32>} : memref<256x256xf32, #tpu.memory_space<vmem>>, vector<256x256xf32>,
      %broadcast_in_dim3A_28 = arith.constant 0.000000e+00 : f32
      %broadcast_in_dim3A_29 = vector.broadcast %broadcast_in_dim3A_28 : f32 to vector<1x256xf32>
      %swap3A_30 = arith.constant 0 : index
      %swap3A_31 = arith.constant 0 : index
      %swap3A_32 = vector.load %arg7[%swap3A_30, %swap3A_31] : memref<1x256xf32, #tpu.memory_space<vmem>>, vector<1x256xf32>
      tpu.vector_store %arg7[%swap3A_30, %swap3A_31], %broadcast_in_dim3A_29 {strides = array<i32>} : memref<1x256xf32, #tpu.memory_space<vmem>>, vector<1x256xf32>,
    } else {
    }
    %get3A = arith.constant 0 : index
    %get3A_2 = arith.constant 0 : index
    %get3A_3 = vector.load %arg1[%get3A, %get3A_2] : memref<1000x256xf32, #tpu.memory_space<vmem>>, vector<1000x256xf32>
    %get3A_4 = arith.constant 0 : index
    %get3A_5 = arith.constant 0 : index
    %get3A_6 = vector.load %arg6[%get3A_4, %get3A_5] : memref<256x256xf32, #tpu.memory_space<vmem>>, vector<256x256xf32>
    %dot_general3A = arith.constant dense<0.000000e+00> : vector<256x256xf32>
    %dot_general3A_7 = tpu.matmul %get3A_3, %get3A_3, %dot_general3A {dimension_numbers = #tpu.dot_dimension_numbers<[0], [0], [1], [1], [0, 1, 1, 1], [], []>, transpose_lhs_hint = false} : vector<1000x256xf32>, vector<1000x256xf32>, vector<256x256xf32> -> vector<256x256xf32>
    %add3A = arith.addf %get3A_6, %dot_general3A_7 : vector<256x256xf32>
    %swap3A = arith.constant 0 : index
    %swap3A_8 = arith.constant 0 : index
    %swap3A_9 = vector.load %arg6[%swap3A, %swap3A_8] : memref<256x256xf32, #tpu.memory_space<vmem>>, vector<256x256xf32>
    tpu.vector_store %arg6[%swap3A, %swap3A_8], %add3A {strides = array<i32>} : memref<256x256xf32, #tpu.memory_space<vmem>>, vector<256x256xf32>,
    %get3A_10 = arith.constant 0 : index
    %get3A_11 = arith.constant 0 : index
    %get3A_12 = vector.load %arg7[%get3A_10, %get3A_11] : memref<1x256xf32, #tpu.memory_space<vmem>>, vector<1x256xf32>
    %reduce_sum3A = arith.constant dense<0.000000e+00> : vector<256xf32>
    %reduce_sum3A_13 = vector.multi_reduction <add>, %get3A_3, %reduce_sum3A [0] : vector<1000x256xf32> to vector<256xf32>
    %broadcast_in_dim3A = vector.shape_cast %reduce_sum3A_13 : vector<256xf32> to vector<1x256xf32>
    %add3A_14 = arith.addf %get3A_12, %broadcast_in_dim3A : vector<1x256xf32>
    %swap3A_15 = arith.constant 0 : index
    %swap3A_16 = arith.constant 0 : index
    %swap3A_17 = vector.load %arg7[%swap3A_15, %swap3A_16] : memref<1x256xf32, #tpu.memory_space<vmem>>, vector<1x256xf32>
    tpu.vector_store %arg7[%swap3A_15, %swap3A_16], %add3A_14 {strides = array<i32>} : memref<1x256xf32, #tpu.memory_space<vmem>>, vector<1x256xf32>,
    %eq3A_18 = arith.constant 9 : i32
    %eq3A_19 = arith.cmpi eq, %arg0, %eq3A_18 : i32
    %convert_element_type3A_20 = arith.extui %eq3A_19 : i1 to i32
    %cond3A_21 = arith.constant 0 : i32
    %cond3A_22 = arith.cmpi ne, %convert_element_type3A_20, %cond3A_21 : i32
    scf.if %cond3A_22 {
      %get3A_23 = arith.constant 0 : index
      %get3A_24 = arith.constant 0 : index
      %get3A_25 = vector.load %arg2[%get3A_23, %get3A_24] : memref<256x512xf32, #tpu.memory_space<vmem>>, vector<256x512xf32>
      %get3A_26 = arith.constant 0 : index
      %get3A_27 = arith.constant 0 : index
      %get3A_28 = vector.load %arg7[%get3A_26, %get3A_27] : memref<1x256xf32, #tpu.memory_space<vmem>>, vector<1x256xf32>
      %dot_general3A_29 = arith.constant dense<0.000000e+00> : vector<1x512xf32>
      %dot_general3A_30 = tpu.matmul %get3A_28, %get3A_25, %dot_general3A_29 {dimension_numbers = #tpu.dot_dimension_numbers<[1], [0], [0], [1], [0, 0, 1, 1], [], []>, transpose_lhs_hint = false} : vector<1x256xf32>, vector<256x512xf32>, vector<1x512xf32> -> vector<1x512xf32>
      %mul3A = arith.constant 9.99999974E-5 : f32
      %mul3A_31 = vector.broadcast %mul3A : f32 to vector<1x512xf32>
      %mul3A_32 = arith.mulf %dot_general3A_30, %mul3A_31 : vector<1x512xf32>
      %get3A_33 = arith.constant 0 : index
      %get3A_34 = arith.constant 0 : index
      %get3A_35 = vector.load %arg6[%get3A_33, %get3A_34] : memref<256x256xf32, #tpu.memory_space<vmem>>, vector<256x256xf32>
      %dot_general3A_36 = arith.constant dense<0.000000e+00> : vector<256x512xf32>
      %dot_general3A_37 = tpu.matmul %get3A_35, %get3A_25, %dot_general3A_36 {dimension_numbers = #tpu.dot_dimension_numbers<[1], [0], [0], [1], [0, 0, 1, 1], [], []>, transpose_lhs_hint = false} : vector<256x256xf32>, vector<256x512xf32>, vector<256x512xf32> -> vector<256x512xf32>
      %mul3A_38 = arith.mulf %get3A_25, %dot_general3A_37 : vector<256x512xf32>
      %reduce_sum3A_39 = arith.constant dense<0.000000e+00> : vector<512xf32>
      %reduce_sum3A_40 = vector.multi_reduction <add>, %mul3A_38, %reduce_sum3A_39 [0] : vector<256x512xf32> to vector<512xf32>
      %broadcast_in_dim3A_41 = vector.shape_cast %reduce_sum3A_40 : vector<512xf32> to vector<1x512xf32>
      %mul3A_42 = arith.constant 9.99999974E-5 : f32
      %mul3A_43 = vector.broadcast %mul3A_42 : f32 to vector<1x512xf32>
      %mul3A_44 = arith.mulf %broadcast_in_dim3A_41, %mul3A_43 : vector<1x512xf32>
      %mul3A_45 = arith.mulf %mul3A_32, %mul3A_32 : vector<1x512xf32>
      %sub3A = arith.subf %mul3A_44, %mul3A_45 : vector<1x512xf32>
      %add3A_46 = arith.constant 1.000000e-03 : f32
      %add3A_47 = vector.broadcast %add3A_46 : f32 to vector<1x512xf32>
      %add3A_48 = arith.addf %sub3A, %add3A_47 : vector<1x512xf32>
      %rsqrt3A = math.rsqrt %add3A_48 : vector<1x512xf32>
      %get3A_49 = arith.constant 0 : index
      %get3A_50 = arith.constant 0 : index
      %get3A_51 = vector.load %arg3[%get3A_49, %get3A_50] : memref<1x512xf32, #tpu.memory_space<vmem>>, vector<1x512xf32>
      %mul3A_52 = arith.mulf %get3A_51, %rsqrt3A : vector<1x512xf32>
      %get3A_53 = arith.constant 0 : index
      %get3A_54 = arith.constant 0 : index
      %get3A_55 = vector.load %arg4[%get3A_53, %get3A_54] : memref<1x512xf32, #tpu.memory_space<vmem>>, vector<1x512xf32>
      %mul3A_56 = arith.mulf %mul3A_32, %mul3A_52 : vector<1x512xf32>
      %sub3A_57 = arith.subf %get3A_55, %mul3A_56 : vector<1x512xf32>
      %swap3A_58 = arith.constant 0 : index
      %swap3A_59 = arith.constant 0 : index
      %swap3A_60 = vector.load %arg5[%swap3A_58, %swap3A_59] : memref<2x512xf32, #tpu.memory_space<vmem>>, vector<1x512xf32>
      tpu.vector_store %arg5[%swap3A_58, %swap3A_59], %mul3A_52 {strides = array<i32>} : memref<2x512xf32, #tpu.memory_space<vmem>>, vector<1x512xf32>,
      %swap3A_61 = arith.constant 1 : index
      %swap3A_62 = arith.constant 0 : index
      %swap3A_63 = vector.load %arg5[%swap3A_61, %swap3A_62] : memref<2x512xf32, #tpu.memory_space<vmem>>, vector<1x512xf32>
      tpu.vector_store %arg5[%swap3A_61, %swap3A_62], %sub3A_57 {strides = array<i32>} : memref<2x512xf32, #tpu.memory_space<vmem>>, vector<1x512xf32>,
    } else {
    }
    return
  }
  func.func @transform_0(%arg0: i32) -> (i32, i32) {
    %c0_i32 = arith.constant 0 : i32
    %c0_i32_0 = arith.constant 0 : i32
    return %arg0, %c0_i32 : i32, i32
  }
  func.func @transform_1(%arg0: i32) -> (i32, i32) {
    %c0_i32 = arith.constant 0 : i32
    %c0_i32_0 = arith.constant 0 : i32
    %c0_i32_1 = arith.constant 0 : i32
    return %c0_i32, %c0_i32_0 : i32, i32
  }
  func.func @transform_2(%arg0: i32) -> (i32, i32) {
    %c0_i32 = arith.constant 0 : i32
    %c0_i32_0 = arith.constant 0 : i32
    %c0_i32_1 = arith.constant 0 : i32
    return %c0_i32, %c0_i32_0 : i32, i32
  }
  func.func @transform_3(%arg0: i32) -> (i32, i32) {
    %c0_i32 = arith.constant 0 : i32
    %c0_i32_0 = arith.constant 0 : i32
    %c0_i32_1 = arith.constant 0 : i32
    return %c0_i32, %c0_i32_0 : i32, i32
  }
  func.func @transform_4(%arg0: i32) -> (i32, i32) {
    %c0_i32 = arith.constant 0 : i32
    %c0_i32_0 = arith.constant 0 : i32
    %c0_i32_1 = arith.constant 0 : i32
    return %c0_i32, %c0_i32_0 : i32, i32
  }
}

module attributes {stable_mosaic.version = 14 : i64} {
  func.func @_fin_body(%arg0: i32, %arg1: memref<1000x256xf32, #tpu.memory_space<vmem>>, %arg2: memref<1000x256xf32, #tpu.memory_space<vmem>>, %arg3: memref<256x512xf32, #tpu.memory_space<vmem>>, %arg4: memref<256x512xf32, #tpu.memory_space<vmem>>, %arg5: memref<2x512xf32, #tpu.memory_space<vmem>>, %arg6: memref<1000x512xf32, #tpu.memory_space<vmem>>) attributes {dimension_semantics = [#tpu.dimension_semantics<arbitrary>], iteration_bounds = array<i64: 10>, scalar_prefetch = 0 : i64, scratch_operands = 0 : i64, tpu.core_type = #tpu.core_type<tc>, window_params = [{transform_indices = @transform_0, window_bounds = array<i64: 1000, 256>}, {transform_indices = @transform_1, window_bounds = array<i64: 1000, 256>}, {pipeline_mode = #tpu.pipeline_mode<synchronous>, transform_indices = @transform_2, window_bounds = array<i64: 256, 512>}, {pipeline_mode = #tpu.pipeline_mode<synchronous>, transform_indices = @transform_3, window_bounds = array<i64: 256, 512>}, {pipeline_mode = #tpu.pipeline_mode<synchronous>, transform_indices = @transform_4, window_bounds = array<i64: 2, 512>}, {transform_indices = @transform_5, window_bounds = array<i64: 1000, 512>}]} {
    %get3A = arith.constant 0 : index
    %get3A_0 = arith.constant 0 : index
    %get3A_1 = vector.load %arg1[%get3A, %get3A_0] : memref<1000x256xf32, #tpu.memory_space<vmem>>, vector<1000x256xf32>
    %get3A_2 = arith.constant 0 : index
    %get3A_3 = arith.constant 0 : index
    %get3A_4 = vector.load %arg3[%get3A_2, %get3A_3] : memref<256x512xf32, #tpu.memory_space<vmem>>, vector<256x512xf32>
    %dot_general3A = arith.constant dense<0.000000e+00> : vector<1000x512xf32>
    %dot_general3A_5 = tpu.matmul %get3A_1, %get3A_4, %dot_general3A {dimension_numbers = #tpu.dot_dimension_numbers<[1], [0], [0], [1], [0, 0, 1, 1], [], []>, transpose_lhs_hint = false} : vector<1000x256xf32>, vector<256x512xf32>, vector<1000x512xf32> -> vector<1000x512xf32>
    %get3A_6 = arith.constant 0 : index
    %get3A_7 = arith.constant 0 : index
    %get3A_8 = vector.load %arg2[%get3A_6, %get3A_7] : memref<1000x256xf32, #tpu.memory_space<vmem>>, vector<1000x256xf32>
    %get3A_9 = arith.constant 0 : index
    %get3A_10 = arith.constant 0 : index
    %get3A_11 = vector.load %arg4[%get3A_9, %get3A_10] : memref<256x512xf32, #tpu.memory_space<vmem>>, vector<256x512xf32>
    %dot_general3A_12 = arith.constant dense<0.000000e+00> : vector<1000x512xf32>
    %dot_general3A_13 = tpu.matmul %get3A_8, %get3A_11, %dot_general3A_12 {dimension_numbers = #tpu.dot_dimension_numbers<[1], [0], [0], [1], [0, 0, 1, 1], [], []>, transpose_lhs_hint = false} : vector<1000x256xf32>, vector<256x512xf32>, vector<1000x512xf32> -> vector<1000x512xf32>
    %get3A_14 = arith.constant 0 : index
    %get3A_15 = arith.constant 0 : index
    %get3A_16 = vector.load %arg5[%get3A_14, %get3A_15] : memref<2x512xf32, #tpu.memory_space<vmem>>, vector<1x512xf32>
    %get3A_17 = arith.constant 1 : index
    %get3A_18 = arith.constant 0 : index
    %get3A_19 = vector.load %arg5[%get3A_17, %get3A_18] : memref<2x512xf32, #tpu.memory_space<vmem>>, vector<1x512xf32>
    %mul3A = vector.broadcast %get3A_16 : vector<1x512xf32> to vector<1000x512xf32>
    %mul3A_20 = arith.mulf %dot_general3A_5, %mul3A : vector<1000x512xf32>
    %add3A = vector.broadcast %get3A_19 : vector<1x512xf32> to vector<1000x512xf32>
    %add3A_21 = arith.addf %mul3A_20, %add3A : vector<1000x512xf32>
    %add3A_22 = arith.addf %add3A_21, %dot_general3A_13 : vector<1000x512xf32>
    %max3A = arith.constant 0.000000e+00 : f32
    %max3A_23 = vector.broadcast %max3A : f32 to vector<1000x512xf32>
    %max3A_24 = arith.maximumf %add3A_22, %max3A_23 : vector<1000x512xf32>
    %swap3A = arith.constant 0 : index
    %swap3A_25 = arith.constant 0 : index
    %swap3A_26 = vector.load %arg6[%swap3A, %swap3A_25] : memref<1000x512xf32, #tpu.memory_space<vmem>>, vector<1000x512xf32>
    tpu.vector_store %arg6[%swap3A, %swap3A_25], %max3A_24 {strides = array<i32>} : memref<1000x512xf32, #tpu.memory_space<vmem>>, vector<1000x512xf32>,
    return
  }
  func.func @transform_0(%arg0: i32) -> (i32, i32) {
    %c0_i32 = arith.constant 0 : i32
    %c0_i32_0 = arith.constant 0 : i32
    return %arg0, %c0_i32 : i32, i32
  }
  func.func @transform_1(%arg0: i32) -> (i32, i32) {
    %c0_i32 = arith.constant 0 : i32
    %c0_i32_0 = arith.constant 0 : i32
    return %arg0, %c0_i32 : i32, i32
  }
  func.func @transform_2(%arg0: i32) -> (i32, i32) {
    %c0_i32 = arith.constant 0 : i32
    %c0_i32_0 = arith.constant 0 : i32
    %c0_i32_1 = arith.constant 0 : i32
    return %c0_i32, %c0_i32_0 : i32, i32
  }
  func.func @transform_3(%arg0: i32) -> (i32, i32) {
    %c0_i32 = arith.constant 0 : i32
    %c0_i32_0 = arith.constant 0 : i32
    %c0_i32_1 = arith.constant 0 : i32
    return %c0_i32, %c0_i32_0 : i32, i32
  }
  func.func @transform_4(%arg0: i32) -> (i32, i32) {
    %c0_i32 = arith.constant 0 : i32
    %c0_i32_0 = arith.constant 0 : i32
    %c0_i32_1 = arith.constant 0 : i32
    return %c0_i32, %c0_i32_0 : i32, i32
  }
  func.func @transform_5(%arg0: i32) -> (i32, i32) {
    %c0_i32 = arith.constant 0 : i32
    %c0_i32_0 = arith.constant 0 : i32
    return %arg0, %c0_i32 : i32, i32
  }
}

</mosaic_0001>

<sc_bundles>
// kernel: kernel.5.cloned.1.call-start
scs
__scs_entry_jumppad:
0x0: {  	(pc) =	sbr.rel $0x88, $3  }
0x1: {  	(tag) =	ssettag $0x0;
	lr =	simm.s32 $0x1  }
0x2: {  	[smem:$0x3F9A] =	sst lr;
	_ =	strace $0xD0000000  }
0x3: {  	_ = 	snop  }
0x4: {  	_ = 	snop  }
0x5: {  	_ = 	snop  }
0x6: {  	_ = 	snop  }
0x7: {  	_ = 	snop  }
__scs_overlays_trampoline_lowered:
0x8: {  	[smem:$0x3FA9] =	sst s0  }
0x9: {  	[smem:$0x3FAA] =	sst s1  }
0xa: {  	[smem:$0x3FAB] =	sst s2  }
0xb: {  	[smem:$0x3FAC] =	sst s3  }
0xc: {  	[smem:$0x3FAD] =	sst s4  }
0xd: {  	[smem:$0x3FAE] =	sst s5  }
0xe: {  	[smem:$0x3FAF] =	sst s6  }
0xf: {  	[smem:$0x3FB0] =	sst s7  }
0x10: {  	[smem:$0x3FB1] =	sst s8  }
0x11: {  	[smem:$0x3FB2] =	sst s9;
	s0 =	simm.s32 @!p0 $0x0  }
0x12: {  	s1 =	sld [smem:$0x3F98];
	s0 =	simm.s32 @p0 $0x1  }
0x13: {  	[smem:$0x3FB3] =	sst s0;
	s0 =	simm.s32 @!p1 $0x0  }
0x14: {  	s2 =	sld [smem:$0x3F97];
	s0 =	simm.s32 @p1 $0x1  }
0x15: {  	[smem:$0x3FB4] =	sst s0;
	s0 =	simm.s32 @!p2 $0x0  }
0x16: {  	s3 =	sld [smem:$0x3FDB];
	s0 =	simm.s32 @p2 $0x1  }
0x17: {  	s4 =	simm.s32 $0x1BF5;
	[smem:$0x3FB6] =	sst s0  }
0x18: {  	s0 =	sld [smem:$0x3F99];
	_ =	swait.ge [sflag:s4], $0x0  }
0x19: {  	s7 =	sld [smem:$0x3F9A]  }
0x1a: {  	s8 =	sadd.s32 $0xFFFFE003, lr  }
0x1b: {  	s9 =	sadd.s32 $0xFFFFFEF7, lr;
	s5 =	simm.s32 $0xFFFFFFFF;
	p2 =	slt.u32 s8, $0xFFFFF086  }
0x1c: {  	p1 =	slt.u32 s9, $0xF7A;
	s5 =	simm.s32 @!p2 $0x0  }
0x1d: {  	s5 =	simm.s32 @p1 $0x1;
	p0 =	seq.s32 s7, s2  }
0x1e: {  	s7 =	smul.u32 @!p0 $0xF7A, s2;
	p2 =	seq.s32 @!p0 s5, $0x0  }
0x1f: {  	s9 =	smul.u32 $0xF7A, s1;
	s8 =	simm.s32 @!p0 $0x1BF5;
	p2 =	por !p2, p0  }
0x20: {  	[sflag:s8] =	ssyncset.s32 @!p0 $0xFFFFF086;
	s6 =	sadd.s32 @!p0 s3, s7;
	s7 =	simm.s32 @!p0 $0x108  }
0x21: {  	s3 =	sadd.s32 s3, s9;
	s6 =	sadd.s32 @!p0 $0x88, s6;
	s7 =	simm.s32 @p2 $0x1082  }
0x22: {  	[simem:s7], [sflag:s8] =	dma.local @!p0 [hbm:s6], $0xF7A  }
0x23: {  	s9 =	sor.u32 $0xD0000000, s2;
	s6 =	simm.s32 $0x108;
	_ =	swait.ge @!p0 [sflag:s8], $0x0  }
0x24: {  	s3 =	sadd.s32 $0x88, s3;
	s6 =	simm.s32 @!p1 $0x1082;
	[sflag:s4] =	ssyncset.s32 $0xFFFFF086  }
0x25: {  	[simem:s6], [sflag:s4] =	dma.local [hbm:s3], $0xF7A  }
0x26: {  	[smem:$0x3F9A] =	sst s1;
	(tag) =	ssettag s2;
	_ =	strace s9  }
0x27: {  	s1 =	sld [smem:$0x3FAA]  }
0x28: {  	s2 =	sld [smem:$0x3FAB]  }
0x29: {  	s4 =	sld [smem:$0x3FAD]  }
0x2a: {  	p0 =	seq.s32 s5, $0x0;
	s5 =	sld [smem:$0x3FAE]  }
0x2b: {  	s6 =	sld [smem:$0x3FAF]  }
0x2c: {  	s7 =	sld [smem:$0x3FB0]  }
0x2d: {  	s3 =	simm.s32 $0x108;
	s8 =	sld [smem:$0x3FB1]  }
0x2e: {  	s3 =	simm.s32 @!p0 $0x1082;
	s9 =	sld [smem:$0x3FB2]  }
0x2f: {  	lr =	sadd.s32 s0, s3;
	s0 =	sld [smem:$0x3FA9]  }
0x30: {  	s3 =	sld [smem:$0x3FAC]  }
0x31: {  	[smem:$0x3FB5] =	sst s10  }
0x32: {  	s10 =	sld [smem:$0x3FB3];
	_ =	sdelay $0x3  }
0x33: {  	p0 =	seq.s32 s10, $0x1;
	s10 =	sld [smem:$0x3FB5];
	_ =	sdelay $0x3  }
0x34: {  	[smem:$0x3FB5] =	sst s10  }
0x35: {  	s10 =	sld [smem:$0x3FB4];
	_ =	sdelay $0x3  }
0x36: {  	p1 =	seq.s32 s10, $0x1;
	s10 =	sld [smem:$0x3FB5];
	_ =	sdelay $0x3  }
0x37: {  	[smem:$0x3FB5] =	sst s10  }
0x38: {  	s10 =	sld [smem:$0x3FB6]  }
0x39: {  	_ = 	snop;
	(pc) =	sbr.ind lr, $3  }
0x3a: {  	_ = 	snop  }
0x3b: {  	_ = 	snop  }
0x3c: {  	p2 =	seq.s32 s10, $0x1;
	s10 =	sld [smem:$0x3FB5]  }
0x3d: {  	_ =	shalt  }
0x3e: {  	_ =	shalt  }
0x3f: {  	_ =	shalt  }
0x40: {  	_ =	shalt  }
0x41: {  	_ =	shalt  }
0x42: {  	_ =	shalt  }
0x43: {  	_ =	shalt  }
0x44: {  	_ =	shalt  }
0x45: {  	_ =	shalt  }
0x46: {  	_ =	shalt  }
0x47: {  	_ =	shalt  }
0x48: {  	_ =	shalt  }
0x49: {  	_ =	shalt  }
0x4a: {  	_ =	shalt  }
0x4b: {  	_ =	shalt  }
0x4c: {  	_ =	shalt  }
0x4d: {  	_ =	shalt  }
0x4e: {  	_ =	shalt  }
0x4f: {  	_ =	shalt  }
0x50: {  	_ =	shalt  }
0x51: {  	_ =	shalt  }
0x52: {  	_ =	shalt  }
0x53: {  	_ =	shalt  }
0x54: {  	_ =	shalt  }
0x55: {  	_ =	shalt  }
0x56: {  	_ =	shalt  }
0x57: {  	_ =	shalt  }
0x58: {  	_ =	shalt  }
0x59: {  	_ =	shalt  }
0x5a: {  	_ =	shalt  }
0x5b: {  	_ =	shalt  }
0x5c: {  	_ =	shalt  }
0x5d: {  	_ =	shalt  }
0x5e: {  	_ =	shalt  }
0x5f: {  	_ =	shalt  }
0x60: {  	_ =	shalt  }
0x61: {  	_ =	shalt  }
0x62: {  	_ =	shalt  }
0x63: {  	_ =	shalt  }
0x64: {  	_ =	shalt  }
0x65: {  	_ =	shalt  }
0x66: {  	_ =	shalt  }
0x67: {  	_ =	shalt  }
0x68: {  	_ =	shalt  }
0x69: {  	_ =	shalt  }
0x6a: {  	_ =	shalt  }
0x6b: {  	_ =	shalt  }
0x6c: {  	_ =	shalt  }
0x6d: {  	_ =	shalt  }
0x6e: {  	_ =	shalt  }
0x6f: {  	_ =	shalt  }
0x70: {  	_ =	shalt  }
0x71: {  	_ =	shalt  }
0x72: {  	_ =	shalt  }
0x73: {  	_ =	shalt  }
0x74: {  	_ =	shalt  }
0x75: {  	_ =	shalt  }
0x76: {  	_ =	shalt  }
0x77: {  	_ =	shalt  }
0x78: {  	_ =	shalt  }
0x79: {  	_ =	shalt  }
0x7a: {  	_ =	shalt  }
0x7b: {  	_ =	shalt  }
0x7c: {  	_ =	shalt  }
0x7d: {  	_ =	shalt  }
0x7e: {  	_ =	shalt  }
0x7f: {  	_ =	shalt  }
0x80: {  	_ =	shalt  }
0x81: {  	_ =	shalt  }
0x82: {  	_ =	shalt  }
0x83: {  	_ =	shalt  }
0x84: {  	_ =	shalt  }
0x85: {  	_ =	shalt  }
0x86: {  	_ =	shalt  }
0x87: {  	_ =	shalt  }
.Lfunc_end0:
.L_simem_size_0:
called_computation_lowered:
.L_overlay_start_0:
0x88: {  	s2 =	sld [smem:$0x3FD9]  }
0x89: {  	s3 =	sld [smem:$0x3FFE];
	_ =	sdelay $0x1  }
0x8a: {  	s1 =	srdreg.scid  }
0x8b: {  	s0 =	sand.u32 $0x1, s1  }
0x8c: {  	s17 =	sshll.u32 s0, $0xA;
	s2 =	sadd.s32 s3, s2  }
0x8d: {  	s2 =	sadd.s32 s2, s17  }
0x8e: {  	[smem:$0x3FC1] =	sst s2  }
0x8f: {  	_ = 	snop  }
0x90: {  	s2 =	sld [smem:$0x3FD0];
	(tm) =	ssettm $0x1  }
0x91: {  	s18 =	sld [smem:$0x3FFB];
	_ =	sdelay $0x3  }
0x92: {  	_ =	strace s18  }
0x93: {  	s3 =	sld [smem:$0x3FFC];
	_ =	sdelay $0x3  }
0x94: {  	_ =	strace s3  }
0x95: {  	s3 =	sld [smem:$0x3FFD];
	_ =	sdelay $0x3  }
0x96: {  	_ =	strace s3  }
0x97: {  	_ =	strace $0x8FFFFFFF  }
0x98: {  	s19 =	sld [smem:$0x3FDB];
	_ =	sdelay $0x1  }
0x99: {  	s4 =	simm.s32 $_scs_section_size  }
0x9a: {  	s5 =	simm.s32 $_size__tile_overlayer_lowered;
	s6 =	simm.s32 $_tile_overlayer_lowered  }
0x9b: {  	s22 =	simm.s32 $0x1BFF;
	s21 =	sshll.u32 s6, $0x1;
	s3 =	sadd.s32 s4, s19  }
0x9c: {  	s7 =	simm.s32 $0x0;
	s20 =	sshll.u32 s5, $0x1;
	s5 =	sadd.s32 s21, s3  }
0x9d: {  	[timem:s7], [sflag:s22] =	dma.local [hbm:s5], s20  }
0x9e: {  	_ =	swait.ge [sflag:s22], s20  }
0x9f: {  	s4 =	ssub.s32 $0x0, s20;
	[sflag:s22] =	ssyncset.done $0x0  }
0xa0: {  	[sflag:s22] =	ssyncadd.s32 s4;
	_ =	sdelay $0x1  }
0xa1: {  	s23 =	simm.s32 $0x1B8B  }
0xa2: {  	_ =	swait.ge [sflag:s23], $0x1  }
0xa3: {  	[sflag:s23] =	ssyncset.done $0x0  }
0xa4: {  	s25 =	simm.s32 $0x1B8E;
	s24 =	sld [smem:$0x3FFE];
	[sflag:s23] =	ssyncadd.s32 $0xFFFFFFFF  }
0xa5: {  	s26 =	simm.s32 $execute0_lowered;
	[smem:$0x3FD2] =	sst s25  }
0xa6: {  	s5 =	sshll.u32 s26, $0x1;
	_ =	strace $0x80000046;
	[dreg:$0x1] =	wrdreg $0xFFFFFFFF  }
0xa7: {  	s28 =	simm.s32 $_size_execute0_lowered;
	s3 =	sadd.s32 s3, s5;
	[dreg:$0x0] =	wrdreg $0x0  }
0xa8: {  	s5 =	sshll.u32 s28, $0x1;
	[dreg:$0x2] =	wrdreg s3  }
0xa9: {  	[dreg:$0x3] =	wrdreg s5  }
0xaa: {  	[dreg:$0x4] =	wrdreg $0xC0  }
0xab: {  	_ =	task [dreg:s7], $0x5FFFF  }
0xac: {  	[dreg:$0x1] =	wrdreg $0xFFFFFFFF  }
0xad: {  	[dreg:$0x0] =	wrdreg $0x60  }
0xae: {  	[dreg:$0x2] =	wrdreg s24  }
0xaf: {  	[dreg:$0x3] =	wrdreg s2  }
0xb0: {  	[dreg:$0x4] =	wrdreg $0xB8000  }
0xb1: {  	[dreg:$0x5] =	wrdreg $0x9  }
0xb2: {  	_ =	task.clear_ibuf [dreg:s7], $0x6FFFF;
	_ =	strace $0x90000046  }
0xb3: {  	s29 =	simm.s32 $0x9;
	_ =	strace $0x80000048  }
0xb4: {  	_ =	swait.ge [sflag:s29], $0x1  }
0xb5: {  	[sflag:s29] =	ssyncadd.s32 $0xFFFFFFFF  }
0xb6: {  	_ =	strace $0x90000048  }
0xb7: {  	_ =	sfence  }
0xb8: {  	s30 =	sld [smem:$0x0];
	_ =	sdelay $0x2  }
0xb9: {  	s31 =	sshll.u32 s1, $0xD;
	s1 =	sshrl.u32 s1, $0x2  }
0xba: {  	s3 =	sand.u32 $0x4000, s31;
	s1 =	sadd.s32 s1, s30  }
0xbb: {  	s0 =	sor.u32 s3, s0;
	s1 =	sshll.u32 s1, $0x11  }
0xbc: {  	s0 =	sor.u32 s1, s0  }
0xbd: {  	s0 =	sadd.s32 $0x8F2B, s0  }
0xbe: {  	[sflag:s0] =	ssyncadd.remote.s32 $0x1  }
0xbf: {  	_ =	sfence.sel $0xFFFF  }
0xc0: {  	[dreg:$0x0] =	wrdreg $0xFFFFFFFF;
	(pc) =	sbr.abs _section_cstart, $3  }
0xc1: {  	[dreg:$0x1] =	wrdreg $0xFFFFFFFF  }
0xc2: {  	_ =	task.clear_ibuf [dreg:s7], $0x2FFFF;
	_ =	strace $0x9FFFFFFF  }
0xc3: {  	(tm) =	ssettm $0x7FFFFFFF  }
tec
execute0_lowered:
.L_overlay_start_1:
0x0: {  	(tag) =	ssettag $0x1  }
0x1: {  	s0 =	rddreg [dreg:$0x0]  }
0x2: {  	s2 =	rddreg [dreg:$0x1]  }
0x3: {  	s1 =	rddreg [dreg:$0x2];
	s14 =	stileid.u32  }
0x4: {  	s3 =	simm.s32 $0x0;
	s21 =	srdreg.scid;
	s8 =	smul.u32 $0x4E000, s14  }
0x5: {  	[smem:$0x7FF] =	sst s3;
	s4 =	sadd.s32 $0xE00, s0;
	s9 =	smul.u32 $0x50, s14  }
0x6: {  	s5 =	sadd.s32 $0x32000, s0;
	s6 =	sadd.s32 $0x2D000, s0;
	s24 =	smul.u32 $0x2700, s14  }
0x7: {  	s7 =	sadd.s32 $0x28000, s0;
	s22 =	sand.u32 $0x1, s21;
	s29 =	smul.u32 $0x500, s14  }
0x8: {  	p0 =	sne.s32 s14, $0xF;
	s14 =	simm.s32 $0x1;
	s3 =	ssub.s32 $0x2, s22  }
0x9: {  	_ =	strace $0x80000047;
	s10 =	sshrl.u32 s3, $0x1;
	s13 =	sadd.s32 s5, s29  }
0xa: {  	s16 =	sor.u32 $0x10, s29;
	s15 =	sadd.s32 s6, s29;
	[dreg:$0xa] =	wrdreg s13  }
0xb: {  	s3 =	ssub.s32 s3, s10;
	[dreg:$0xb] =	wrdreg s15;
	s10 =	sadd.s32 s7, s29  }
0xc: {  	s12 =	smul.u32 $0x1388, s22;
	s17 =	sadd.s32 s5, s16;
	[dreg:$0xc] =	wrdreg s10  }
0xd: {  	s31 =	smul.u32 $0x27100, s22;
	s18 =	sadd.s32 s6, s16;
	[dreg:$0xd] =	wrdreg s17  }
0xe: {  	s8 =	sshrl.u32 s8, $0x2;
	s19 =	sadd.s32 s7, s16;
	[dreg:$0xe] =	wrdreg s18  }
0xf: {  	s0 =	smul.u32 $0x138800, s22;
	s23 =	sadd.s32 s8, s1;
	[dreg:$0xf] =	wrdreg s19  }
0x10: {  	s21 =	sor.u32 $0x2, s9;
	s25 =	sadd.s32 $0x1800, s23;
	[dreg:$0x4] =	wrdreg s23  }
0x11: {  	s22 =	sor.u32 $0x3, s9;
	s26 =	sadd.s32 $0x3000, s23;
	[dreg:$0x5] =	wrdreg s25  }
0x12: {  	s9 =	simm.s32 $0x5;
	s28 =	sadd.s32 $0x4800, s23;
	[dreg:$0x6] =	wrdreg s26  }
0x13: {  	s8 =	sadd.s32 s24, s31;
	s11 =	sadd.s32 $0x6000, s23;
	[dreg:$0x7] =	wrdreg s28  }
0x14: {  	s0 =	sshrl.u32 s0, $0x3;
	s30 =	sadd.s32 $0x7800, s23;
	[dreg:$0x8] =	wrdreg s11  }
0x15: {  	s13 =	simm.s32 $0x5800;
	s8 =	sadd.s32 s2, s8;
	[dreg:$0x9] =	wrdreg s30  }
0x16: {  	s15 =	simm.s32 $0x2B80;
	s20 =	smax.u32 s3, $0x1;
	[dreg:$0x10] =	wrdreg s8  }
0x17: {  	s16 =	simm.s32 $0x30;
	s24 =	sadd.s32 $0x9000, s23;
	[dreg:$0x12] =	wrdreg s20  }
0x18: {  	s0 =	sadd.s32 s2, s0;
	s29 =	sadd.s32 $0xF000, s23;
	[dreg:$0x13] =	wrdreg s24  }
0x19: {  	s31 =	sadd.s32 $0x12000, s23;
	s2 =	simm.s32 $0x8800;
	[dreg:$0x17] =	wrdreg s29  }
0x1a: {  	s10 =	simm.s32 $0x3;
	s0 =	sadd.s32 $0x27000, s0;
	[dreg:$0x19] =	wrdreg s31  }
0x1b: {  	s17 =	simm.s32 $0x5600;
	s25 =	sadd.s32 $0xA800, s23;
	[dreg:$0x11] =	wrdreg s0  }
.Ltmp0:
0x1c: {  	s26 =	sadd.s32 $0xC000, s23;
	[dreg:$0x14] =	wrdreg s25;
	(pc) =	sbr.rel .LBB2_1-.Ltmp0, $4  }
0x1d: {  	s18 =	simm.s32 $0x5680;
	s28 =	sadd.s32 $0xD800, s23;
	[dreg:$0x15] =	wrdreg s26  }
0x1e: {  	s19 =	simm.s32 $0xA000;
	s30 =	sadd.s32 $0x10800, s23;
	[dreg:$0x16] =	wrdreg s28  }
0x1f: {  	s11 =	simm.s32 $0x4;
	[dreg:$0x18] =	wrdreg s30;
	s25 =	sadd.s32 $0x138000, s1  }
0x20: {  	v1 =	vimm.f32 $0.0e+00;
	v2 =	vimm.s32 $0x0;
	v0 =	vmov s12;
	s20 =	simm.s32 $0x2;
	s24 =	simm.s32 $0x0;
	[dreg:$0x1a] =	wrdreg s25  }
.LBB2_26:
0x21: {  	_ =	swait.ge [sflag:s9], $0x1800  }
0x22: {  	[sflag:s9] =	ssyncset.done $0x0  }
0x23: {  	[sflag:s9] =	ssyncadd.s32 $0xFFFFE800  }
0x24: {  	_ =	swait.ge [sflag:s9], $0x1800  }
0x25: {  	[sflag:s9] =	ssyncset.done $0x0  }
0x26: {  	[sflag:s9] =	ssyncadd.s32 $0xFFFFE800  }
.LBB2_27:
0x27: {  	s0 =	simm.s32 $0x0  }
0x28: {  	[smem:$0x0] =	sst s0  }
0x29: {  	s29 =	stileid.u32;
	[bflag:$0x0] =	sbarrier.arrive $0xFFFF  }
0x2a: {  	s30 =	simm.s32 $0x6;
	s0 =	sshll.u32 s29, $0x6;
	s23 =	rddreg [dreg:$0x4]  }
0x2b: {  	s0 =	sor.u32 $0x1C06, s0;
	s8 =	rddreg [dreg:$0x10];
	s3 =	sshrl.u32 s23, $0x3  }
0x2c: {  	[hbm:s8], [sflag:s0] =	dma.local [spmem:s3], $0x2700  }
0x2d: {  	_ =	swait.ge [sflag:s30], $0x2700  }
0x2e: {  	[sflag:s30] =	ssyncset.done $0x0;
	s25 =	rddreg [dreg:$0x1a]  }
0x2f: {  	s8 =	rddreg [dreg:$0x11];
	[sflag:s30] =	ssyncadd.s32 $0xFFFFD900;
	s3 =	sshrl.u32 @!p0 s25, $0x3  }
0x30: {  	[hbm:s8], [sflag:s0] =	dma.local @!p0 [spmem:s3], $0x100  }
0x31: {  	s0 =	simm.s32 @!p0 $0x6  }
0x32: {  	_ =	swait.ge @!p0 [sflag:s0], $0x100  }
0x33: {  	s24 =	sadd.s32 $0x1, s24;
	s31 =	rddreg [dreg:$0x12]  }
0x34: {  	p1 =	sne.s32 s24, s31  }
.Ltmp1:
0x35: {  	_ = 	snop;
	(pc) =	sbr.rel @!p1 .LBB2_28-.Ltmp1, $3  }
0x36: {  	_ =	sdelay $0x1  }
0x37: {  	[sflag:s0] =	ssyncset.done @!p0 $0x0  }
0x38: {  	[sflag:s0] =	ssyncadd.s32 @!p0 $0xFFFFFF00  }
.LBB2_1:
0x39: {  	s0 =	simm.s32 $0x0;
	s3 =	simm.s32 $0x200  }
.LBB2_2:
0x3a: {  	p1 =	sne.s32 s3, $0x5E00;
	[tilespmem:s0+$0x8870] =	vst v1  }
0x3b: {  	[tilespmem:s0+$0x8800] =	vst v1  }
0x3c: {  	[tilespmem:s0+$0x8810] =	vst v1  }
.Ltmp2:
0x3d: {  	[tilespmem:s0+$0x8820] =	vst v1;
	(pc) =	sbr.rel @p1 .LBB2_2-.Ltmp2, $4  }
0x3e: {  	[tilespmem:s0+$0x8830] =	vst v1  }
0x3f: {  	[tilespmem:s0+$0x8840] =	vst v1  }
0x40: {  	[tilespmem:s0+$0x8850] =	vst v1  }
0x41: {  	[tilespmem:s0+$0x8860] =	vst v1;
	s0 =	sshra.s32 s3, $0x2;
	s3 =	sadd.s32 $0x200, s3  }
0x42: {  	[tilespmem:s0+$0x8870] =	vst v1  }
0x43: {  	[tilespmem:s0+$0x8800] =	vst v1  }
0x44: {  	[tilespmem:s0+$0x8810] =	vst v1  }
0x45: {  	[tilespmem:s0+$0x8820] =	vst v1  }
0x46: {  	[tilespmem:s0+$0x8830] =	vst v1  }
0x47: {  	[tilespmem:s0+$0x8840] =	vst v1  }
0x48: {  	[tilespmem:s0+$0x8850] =	vst v1  }
0x49: {  	[tilespmem:s0+$0x8860] =	vst v1  }
0x4a: {  	[spmem:s23] =	stream.linear.scatter [tilespmem:s2], [sflag:$0x5], $0x1800, $0x38;
	[tilespmem:$0x1F080] =	vst v63  }
0x4b: {  	s26 =	rddreg [dreg:$0x5]  }
0x4c: {  	[spmem:s26] =	stream.linear.scatter [tilespmem:s2], [sflag:$0x5], $0x1800, $0x38;
	[tilespmem:$0x1F080] =	vst v63  }
0x4d: {  	s28 =	rddreg [dreg:$0x6]  }
0x4e: {  	[spmem:s28] =	stream.linear.scatter [tilespmem:s2], [sflag:$0x5], $0x1800, $0x38;
	[tilespmem:$0x1F080] =	vst v63  }
0x4f: {  	s29 =	rddreg [dreg:$0x7]  }
0x50: {  	[spmem:s29] =	stream.linear.scatter [tilespmem:s2], [sflag:$0x5], $0x1800, $0x38;
	[tilespmem:$0x1F080] =	vst v63  }
0x51: {  	s30 =	rddreg [dreg:$0x8]  }
0x52: {  	[spmem:s30] =	stream.linear.scatter [tilespmem:s2], [sflag:$0x5], $0x1800, $0x38;
	[tilespmem:$0x1F080] =	vst v63  }
0x53: {  	s31 =	rddreg [dreg:$0x9]  }
0x54: {  	[spmem:s31] =	stream.linear.scatter [tilespmem:s2], [sflag:$0x5], $0x1800, $0x38;
	[tilespmem:$0x1F080] =	vst v63  }
0x55: {  	s3 =	rddreg [dreg:$0x13]  }
0x56: {  	[spmem:s3] =	stream.linear.scatter [tilespmem:s2], [sflag:$0x5], $0x1800, $0x38;
	[tilespmem:$0x1F080] =	vst v63  }
0x57: {  	s8 =	rddreg [dreg:$0x14]  }
0x58: {  	[spmem:s8] =	stream.linear.scatter [tilespmem:s2], [sflag:$0x5], $0x1800, $0x38;
	[tilespmem:$0x1F080] =	vst v63  }
0x59: {  	s12 =	rddreg [dreg:$0x15]  }
0x5a: {  	[spmem:s12] =	stream.linear.scatter [tilespmem:s2], [sflag:$0x5], $0x1800, $0x38;
	[tilespmem:$0x1F080] =	vst v63  }
0x5b: {  	s23 =	rddreg [dreg:$0x16]  }
0x5c: {  	[spmem:s23] =	stream.linear.scatter [tilespmem:s2], [sflag:$0x5], $0x1800, $0x38;
	[tilespmem:$0x1F080] =	vst v63  }
0x5d: {  	s26 =	rddreg [dreg:$0x17]  }
0x5e: {  	[spmem:s26] =	stream.linear.scatter [tilespmem:s2], [sflag:$0x5], $0x1800, $0x38;
	[tilespmem:$0x1F080] =	vst v63  }
0x5f: {  	s28 =	rddreg [dreg:$0x18]  }
0x60: {  	[spmem:s28] =	stream.linear.scatter [tilespmem:s2], [sflag:$0x5], $0x1800, $0x38;
	[tilespmem:$0x1F080] =	vst v63  }
0x61: {  	s29 =	rddreg [dreg:$0x19]  }
0x62: {  	[spmem:s29] =	stream.linear.scatter [tilespmem:s2], [sflag:$0x5], $0x1800, $0x38;
	[tilespmem:$0x1F080] =	vst v63  }
0x63: {  	s0 =	simm.s32 @!p0 $0x8800  }
0x64: {  	[spmem:s25] =	stream.linear.scatter @!p0 [tilespmem:s0], [sflag:$0x5], $0x800, $0x38;
	[tilespmem:$0x1F080] =	vst v63  }
0x65: {  	_ =	swait.ge [sflag:s9], $0x1800  }
0x66: {  	[sflag:s9] =	ssyncset.done $0x0  }
0x67: {  	[sflag:s9] =	ssyncadd.s32 $0xFFFFE800  }
0x68: {  	_ =	swait.ge [sflag:s9], $0x1800  }
0x69: {  	[sflag:s9] =	ssyncset.done $0x0  }
0x6a: {  	[sflag:s9] =	ssyncadd.s32 $0xFFFFE800  }
0x6b: {  	_ =	swait.ge [sflag:s9], $0x1800  }
0x6c: {  	[sflag:s9] =	ssyncset.done $0x0  }
0x6d: {  	[sflag:s9] =	ssyncadd.s32 $0xFFFFE800  }
0x6e: {  	_ =	swait.ge [sflag:s9], $0x1800  }
0x6f: {  	[sflag:s9] =	ssyncset.done $0x0  }
0x70: {  	[sflag:s9] =	ssyncadd.s32 $0xFFFFE800  }
0x71: {  	_ =	swait.ge [sflag:s9], $0x1800  }
0x72: {  	[sflag:s9] =	ssyncset.done $0x0  }
0x73: {  	[sflag:s9] =	ssyncadd.s32 $0xFFFFE800  }
0x74: {  	_ =	swait.ge [sflag:s9], $0x1800  }
0x75: {  	[sflag:s9] =	ssyncset.done $0x0  }
0x76: {  	[sflag:s9] =	ssyncadd.s32 $0xFFFFE800  }
0x77: {  	_ =	swait.ge [sflag:s9], $0x1800  }
0x78: {  	[sflag:s9] =	ssyncset.done $0x0  }
0x79: {  	[sflag:s9] =	ssyncadd.s32 $0xFFFFE800  }
0x7a: {  	_ =	swait.ge [sflag:s9], $0x1800  }
0x7b: {  	[sflag:s9] =	ssyncset.done $0x0  }
0x7c: {  	[sflag:s9] =	ssyncadd.s32 $0xFFFFE800  }
0x7d: {  	_ =	swait.ge [sflag:s9], $0x1800  }
0x7e: {  	[sflag:s9] =	ssyncset.done $0x0  }
0x7f: {  	[sflag:s9] =	ssyncadd.s32 $0xFFFFE800  }
0x80: {  	_ =	swait.ge [sflag:s9], $0x1800  }
0x81: {  	[sflag:s9] =	ssyncset.done $0x0  }
0x82: {  	[sflag:s9] =	ssyncadd.s32 $0xFFFFE800  }
0x83: {  	_ =	swait.ge [sflag:s9], $0x1800  }
0x84: {  	[sflag:s9] =	ssyncset.done $0x0  }
0x85: {  	[sflag:s9] =	ssyncadd.s32 $0xFFFFE800  }
0x86: {  	_ =	swait.ge [sflag:s9], $0x1800  }
0x87: {  	[sflag:s9] =	ssyncset.done $0x0  }
0x88: {  	[sflag:s9] =	ssyncadd.s32 $0xFFFFE800  }
0x89: {  	_ =	swait.ge [sflag:s9], $0x1800  }
0x8a: {  	[sflag:s9] =	ssyncset.done $0x0  }
0x8b: {  	s0 =	simm.s32 @!p0 $0x5;
	[sflag:s9] =	ssyncadd.s32 $0xFFFFE800  }
0x8c: {  	_ =	swait.ge @!p0 [sflag:s0], $0x800  }
0x8d: {  	[sflag:s0] =	ssyncset.done @!p0 $0x0  }
0x8e: {  	[sflag:s0] =	ssyncadd.s32 @!p0 $0xFFFFF800  }
0x8f: {  	[bflag:$0x0] =	sbarrier.arrive $0xFFFF  }
0x90: {  	s3 =	simm.s32 $0x0;
	s30 =	rddreg [dreg:$0xa]  }
0x91: {  	[tilespmem:s3], [sflag:$0x3] =	stream.linear.gather [hbm4b:s30+s3], $0x80, $0x38;
	[tilespmem:$0x1F080] =	vst v63  }
0x92: {  	s8 =	simm.s32 $0x100;
	s31 =	rddreg [dreg:$0xb]  }
0x93: {  	[tilespmem:s8], [sflag:$0x3] =	stream.linear.gather [hbm4b:s31+s3], $0x80, $0x38;
	[tilespmem:$0x1F080] =	vst v63  }
0x94: {  	s23 =	simm.s32 $0x200;
	s12 =	rddreg [dreg:$0xc]  }
0x95: {  	[tilespmem:s23], [sflag:$0x3] =	stream.linear.gather [hbm4b:s12+s3], $0x80, $0x38;
	[tilespmem:$0x1F080] =	vst v63  }
0x96: {  	s26 =	simm.s32 $0x80;
	s25 =	rddreg [dreg:$0xd]  }
0x97: {  	[tilespmem:s26], [sflag:$0x4] =	stream.linear.gather [hbm4b:s25+s3], $0x80, $0x38;
	[tilespmem:$0x1F080] =	vst v63  }
.Ltmp3:
0x98: {  	_ = 	snop;
	(pc) =	sbr.rel .LBB2_4-.Ltmp3, $4  }
0x99: {  	s29 =	simm.s32 $0x180;
	s28 =	rddreg [dreg:$0xe]  }
0x9a: {  	[tilespmem:s29], [sflag:$0x4] =	stream.linear.gather [hbm4b:s28+s3], $0x80, $0x38;
	[tilespmem:$0x1F080] =	vst v63  }
0x9b: {  	s30 =	rddreg [dreg:$0xf];
	s31 =	simm.s32 $0x280;
	s25 =	simm.s32 $0x0  }
0x9c: {  	[tilespmem:s31], [sflag:$0x4] =	stream.linear.gather [hbm4b:s30+s3], $0x80, $0x38;
	[tilespmem:$0x1F080] =	vst v63  }
.LBB2_14:
0x9d: {  	_ =	swait.ge [sflag:s9], $0x1800  }
0x9e: {  	[sflag:s9] =	ssyncset.done $0x0  }
0x9f: {  	[sflag:s9] =	ssyncadd.s32 $0xFFFFE800  }
0xa0: {  	_ =	swait.ge [sflag:s9], $0x1800  }
0xa1: {  	[sflag:s9] =	ssyncset.done $0x0  }
0xa2: {  	[sflag:s9] =	ssyncadd.s32 $0xFFFFE800  }
.LBB2_15:
0xa3: {  	s3 =	simm.s32 $0x0  }
0xa4: {  	[smem:$0x0] =	sst s3  }
.LBB2_16:
0xa5: {  	s25 =	sadd.s32 $0x1, s25  }
0xa6: {  	p1 =	sne.s32 s25, $0x28  }
.Ltmp4:
0xa7: {  	_ = 	snop;
	(pc) =	sbr.rel @!p1 .LBB2_17-.Ltmp4, $1  }
0xa8: {  	_ =	sdelay $0x3  }
.LBB2_4:
0xa9: {  	_ =	swait.ge [sflag:s10], $0x80  }
0xaa: {  	[sflag:s10] =	ssyncset.done $0x0  }
0xab: {  	[sflag:s10] =	ssyncadd.s32 $0xFFFFFF80  }
0xac: {  	_ =	swait.ge [sflag:s10], $0x80  }
0xad: {  	[sflag:s10] =	ssyncset.done $0x0  }
0xae: {  	[sflag:s10] =	ssyncadd.s32 $0xFFFFFF80  }
0xaf: {  	_ =	swait.ge [sflag:s10], $0x80  }
0xb0: {  	[sflag:s10] =	ssyncset.done $0x0  }
0xb1: {  	[sflag:s10] =	ssyncadd.s32 $0xFFFFFF80  }
0xb2: {  	v3 =	vld [tilespmem:$0x0];
	_ =	sdelay $0x1  }
0xb3: {  	v4 =	vld [tilespmem:$0x100];
	_ =	sdelay $0x1  }
0xb4: {  	v5 =	vld [tilespmem:$0x200]  }
0xb5: {  	v3 =	vsub.s32 v3, v0  }
0xb6: {  	vm0 =	vlt.u32 v3, $0x1388;
	v3 =	vshll.u32 v3, $0x10  }
0xb7: {  	v3 =	vor.u32 v4, v3;
	v26 =	vsel vm0, $0x1, v2  }
0xb8: {  	[tilespmem:s3+$0x300] =	vst.msk vm0, v3;
	(xrf0) =	vadd.scan.msk.s32 $0xffff, v26  }
0xb9: {  	[tilespmem:s3+$0x2B80] =	vst.msk vm0, v5  }
0xba: {  	v3 =	vld [tilespmem:$0x10];
	_ =	sdelay $0x3  }
0xbb: {  	v4, _, _ =	vpop (xrf0)  }
0xbc: {  	(v2sf) =	vpush v4, $0xF;
	v3 =	vsub.s32 v3, v0  }
0xbd: {  	vm13 =	vlt.u32 v3, $0x1388  }
0xbe: {  	v27 =	vsel vm13, $0x1, v2  }
0xbf: {  	(xrf0) =	vadd.scan.msk.s32 $0xffff, v27;
	_ =	sdelay $0x5  }
0xc0: {  	v4, _, _ =	vpop (xrf0)  }
0xc1: {  	(v2sf) =	vpush v4, $0xF  }
0xc2: {  	v28 =	vld [tilespmem:$0x110];
	_ =	sdelay $0x1  }
0xc3: {  	v5 =	vld [tilespmem:$0x210];
	_ =	sdelay $0x1  }
0xc4: {  	v3 =	vshll.u32 v3, $0x10;
	s0 =	spop (v2sf)  }
0xc5: {  	v3 =	vor.u32 v28, v3;
	s26 =	sadd.s32 s3, s0  }
0xc6: {  	[tilespmem:s26+$0x300] =	vst.msk vm13, v3  }
0xc7: {  	[tilespmem:s26+$0x2B80] =	vst.msk vm13, v5  }
0xc8: {  	v3 =	vld [tilespmem:$0x20];
	_ =	sdelay $0x1  }
0xc9: {  	v29 =	vld [tilespmem:$0x120];
	_ =	sdelay $0x1  }
0xca: {  	v5 =	vld [tilespmem:$0x220]  }
0xcb: {  	v3 =	vsub.s32 v3, v0  }
0xcc: {  	s30 =	spop (v2sf);
	vm14 =	vlt.u32 v3, $0x1388;
	v3 =	vshll.u32 v3, $0x10  }
0xcd: {  	s0 =	sadd.s32 s26, s30;
	v3 =	vor.u32 v29, v3;
	v30 =	vsel vm14, $0x1, v2  }
0xce: {  	[tilespmem:s0+$0x300] =	vst.msk vm14, v3;
	(xrf0) =	vadd.scan.msk.s32 $0xffff, v30  }
0xcf: {  	[tilespmem:s0+$0x2B80] =	vst.msk vm14, v5  }
0xd0: {  	v3 =	vld [tilespmem:$0x30];
	_ =	sdelay $0x3  }
0xd1: {  	v4, _, _ =	vpop (xrf0)  }
0xd2: {  	(v2sf) =	vpush v4, $0xF;
	v3 =	vsub.s32 v3, v0  }
0xd3: {  	vm15 =	vlt.u32 v3, $0x1388  }
0xd4: {  	v31 =	vsel vm15, $0x1, v2  }
0xd5: {  	(xrf0) =	vadd.scan.msk.s32 $0xffff, v31;
	_ =	sdelay $0x5  }
0xd6: {  	v4, _, _ =	vpop (xrf0)  }
0xd7: {  	(v2sf) =	vpush v4, $0xF  }
0xd8: {  	v32 =	vld [tilespmem:$0x130];
	_ =	sdelay $0x1  }
0xd9: {  	v5 =	vld [tilespmem:$0x230];
	_ =	sdelay $0x1  }
0xda: {  	v3 =	vshll.u32 v3, $0x10;
	s31 =	spop (v2sf)  }
0xdb: {  	v3 =	vor.u32 v32, v3;
	s0 =	sadd.s32 s0, s31  }
0xdc: {  	[tilespmem:s0+$0x300] =	vst.msk vm15, v3  }
0xdd: {  	[tilespmem:s0+$0x2B80] =	vst.msk vm15, v5  }
0xde: {  	v3 =	vld [tilespmem:$0x40];
	_ =	sdelay $0x1  }
0xdf: {  	v33 =	vld [tilespmem:$0x140];
	_ =	sdelay $0x1  }
0xe0: {  	v5 =	vld [tilespmem:$0x240]  }
0xe1: {  	v3 =	vsub.s32 v3, v0  }
0xe2: {  	s8 =	spop (v2sf);
	vm4 =	vlt.u32 v3, $0x1388;
	v3 =	vshll.u32 v3, $0x10  }
0xe3: {  	s0 =	sadd.s32 s0, s8;
	v3 =	vor.u32 v33, v3;
	v34 =	vsel vm4, $0x1, v2  }
0xe4: {  	[tilespmem:s0+$0x300] =	vst.msk vm4, v3;
	(xrf0) =	vadd.scan.msk.s32 $0xffff, v34  }
0xe5: {  	[tilespmem:s0+$0x2B80] =	vst.msk vm4, v5  }
0xe6: {  	v3 =	vld [tilespmem:$0x50];
	_ =	sdelay $0x3  }
0xe7: {  	v4, _, _ =	vpop (xrf0)  }
0xe8: {  	(v2sf) =	vpush v4, $0xF;
	v3 =	vsub.s32 v3, v0  }
0xe9: {  	vm5 =	vlt.u32 v3, $0x1388  }
0xea: {  	v35 =	vsel vm5, $0x1, v2  }
0xeb: {  	(xrf0) =	vadd.scan.msk.s32 $0xffff, v35;
	_ =	sdelay $0x5  }
0xec: {  	v4, _, _ =	vpop (xrf0)  }
0xed: {  	(v2sf) =	vpush v4, $0xF  }
0xee: {  	v36 =	vld [tilespmem:$0x150];
	_ =	sdelay $0x1  }
0xef: {  	v5 =	vld [tilespmem:$0x250];
	_ =	sdelay $0x1  }
0xf0: {  	v3 =	vshll.u32 v3, $0x10;
	s12 =	spop (v2sf)  }
0xf1: {  	v3 =	vor.u32 v36, v3;
	s0 =	sadd.s32 s0, s12  }
0xf2: {  	[tilespmem:s0+$0x300] =	vst.msk vm5, v3  }
0xf3: {  	[tilespmem:s0+$0x2B80] =	vst.msk vm5, v5  }
0xf4: {  	v3 =	vld [tilespmem:$0x60];
	_ =	sdelay $0x1  }
0xf5: {  	v37 =	vld [tilespmem:$0x160];
	_ =	sdelay $0x1  }
0xf6: {  	v5 =	vld [tilespmem:$0x260]  }
0xf7: {  	v3 =	vsub.s32 v3, v0  }
0xf8: {  	s23 =	spop (v2sf);
	v6 =	vshll.u32 v3, $0x10  }
0xf9: {  	vm6 =	vlt.u32 v3, $0x1388;
	s0 =	sadd.s32 s0, s23;
	v3 =	vor.u32 v37, v6  }
0xfa: {  	[tilespmem:s0+$0x300] =	vst.msk vm6, v3;
	v3 =	vsel vm6, $0x1, v2  }
0xfb: {  	[tilespmem:s0+$0x2B80] =	vst.msk vm6, v5;
	(xrf0) =	vadd.scan.msk.s32 $0xffff, v3  }
0xfc: {  	v38 =	vld [tilespmem:$0x70];
	_ =	sdelay $0x4  }
0xfd: {  	v3 =	vsub.s32 v38, v0;
	v39, _, _ =	vpop (xrf0)  }
0xfe: {  	vm7 =	vlt.u32 v3, $0x1388;
	(v2sf) =	vpush v39, $0xF  }
0xff: {  	v40 =	vsel vm7, $0x1, v2  }
0x100: {  	(xrf0) =	vadd.scan.msk.s32 $0xffff, v40;
	_ =	sdelay $0x5  }
0x101: {  	v41, _, _ =	vpop (xrf0)  }
0x102: {  	(v2sf) =	vpush v41, $0xF;
	_ =	sdelay $0x1  }
0x103: {  	v42 =	vld [tilespmem:$0x170];
	_ =	sdelay $0x1  }
0x104: {  	v43 =	vld [tilespmem:$0x270];
	_ =	sdelay $0x1  }
0x105: {  	p1 =	seq.s32 s25, $0x27;
	s23 =	sshll.u32 s25, $0x1;
	v3 =	vshll.u32 v3, $0x10;
	s28 =	spop (v2sf)  }
0x106: {  	v3 =	vor.u32 v42, v3;
	s3 =	sadd.s32 s0, s28;
	s0 =	sadd.s32 @!p1 s23, s21  }
0x107: {  	[tilespmem:s3+$0x300] =	vst.msk vm7, v3;
	s8 =	sshll.u32 @!p1 s0, $0x4  }
0x108: {  	s0 =	simm.s32 @!p1 $0x0;
	[tilespmem:s3+$0x2B80] =	vst.msk vm7, v43;
	s12 =	sadd.s32 @!p1 s5, s8  }
0x109: {  	[tilespmem:s0], [sflag:$0x3] =	stream.linear.gather @!p1 [hbm4b:s12+s0], $0x80, $0x38;
	[tilespmem:$0x1F080] =	vst v63  }
0x10a: {  	[smem:$0x0] =	sst s26;
	s26 =	simm.s32 @!p1 $0x100;
	s12 =	sadd.s32 @!p1 s6, s8  }
0x10b: {  	[tilespmem:s26], [sflag:$0x3] =	stream.linear.gather @!p1 [hbm4b:s12+s0], $0x80, $0x38;
	[tilespmem:$0x1F080] =	vst v63  }
0x10c: {  	s8 =	sadd.s32 @!p1 s7, s8;
	s26 =	simm.s32 @!p1 $0x200  }
0x10d: {  	[tilespmem:s26], [sflag:$0x3] =	stream.linear.gather @!p1 [hbm4b:s8+s0], $0x80, $0x38;
	[tilespmem:$0x1F080] =	vst v63  }
0x10e: {  	s29 =	spop (v2sf)  }
0x10f: {  	_ =	swait.ge [sflag:s11], $0x80  }
0x110: {  	[sflag:s11] =	ssyncset.done $0x0  }
0x111: {  	[sflag:s11] =	ssyncadd.s32 $0xFFFFFF80  }
0x112: {  	_ =	swait.ge [sflag:s11], $0x80  }
0x113: {  	[sflag:s11] =	ssyncset.done $0x0  }
0x114: {  	[sflag:s11] =	ssyncadd.s32 $0xFFFFFF80  }
0x115: {  	_ =	swait.ge [sflag:s11], $0x80  }
0x116: {  	[sflag:s11] =	ssyncset.done $0x0  }
0x117: {  	[sflag:s11] =	ssyncadd.s32 $0xFFFFFF80  }
0x118: {  	v3 =	vld [tilespmem:$0x80];
	_ =	sdelay $0x1  }
0x119: {  	v44 =	vld [tilespmem:$0x180];
	_ =	sdelay $0x1  }
0x11a: {  	v45 =	vld [tilespmem:$0x280]  }
0x11b: {  	v3 =	vsub.s32 v3, v0  }
0x11c: {  	vm8 =	vlt.u32 v3, $0x1388;
	v3 =	vshll.u32 v3, $0x10  }
0x11d: {  	s3 =	sadd.s32 s3, s29;
	v3 =	vor.u32 v44, v3;
	v46 =	vsel vm8, $0x1, v2  }
0x11e: {  	[tilespmem:s3+$0x300] =	vst.msk vm8, v3;
	(xrf0) =	vadd.scan.msk.s32 $0xffff, v46  }
0x11f: {  	[tilespmem:s3+$0x2B80] =	vst.msk vm8, v45  }
0x120: {  	v3 =	vld [tilespmem:$0x90];
	_ =	sdelay $0x3  }
0x121: {  	v4, _, _ =	vpop (xrf0)  }
0x122: {  	(v2sf) =	vpush v4, $0xF;
	v3 =	vsub.s32 v3, v0  }
0x123: {  	vm9 =	vlt.u32 v3, $0x1388  }
0x124: {  	v47 =	vsel vm9, $0x1, v2  }
0x125: {  	(xrf0) =	vadd.scan.msk.s32 $0xffff, v47;
	_ =	sdelay $0x5  }
0x126: {  	v4, _, _ =	vpop (xrf0)  }
0x127: {  	(v2sf) =	vpush v4, $0xF  }
0x128: {  	v48 =	vld [tilespmem:$0x190];
	_ =	sdelay $0x1  }
0x129: {  	v5 =	vld [tilespmem:$0x290];
	_ =	sdelay $0x1  }
0x12a: {  	v3 =	vshll.u32 v3, $0x10;
	s30 =	spop (v2sf)  }
0x12b: {  	v3 =	vor.u32 v48, v3;
	s3 =	sadd.s32 s3, s30  }
0x12c: {  	[tilespmem:s3+$0x300] =	vst.msk vm9, v3  }
0x12d: {  	[tilespmem:s3+$0x2B80] =	vst.msk vm9, v5  }
0x12e: {  	v3 =	vld [tilespmem:$0xA0];
	_ =	sdelay $0x1  }
0x12f: {  	v49 =	vld [tilespmem:$0x1A0];
	_ =	sdelay $0x1  }
0x130: {  	v5 =	vld [tilespmem:$0x2A0]  }
0x131: {  	v3 =	vsub.s32 v3, v0  }
0x132: {  	s31 =	spop (v2sf);
	vm10 =	vlt.u32 v3, $0x1388;
	v3 =	vshll.u32 v3, $0x10  }
0x133: {  	s3 =	sadd.s32 s3, s31;
	v3 =	vor.u32 v49, v3;
	v50 =	vsel vm10, $0x1, v2  }
0x134: {  	[tilespmem:s3+$0x300] =	vst.msk vm10, v3;
	(xrf0) =	vadd.scan.msk.s32 $0xffff, v50  }
0x135: {  	[tilespmem:s3+$0x2B80] =	vst.msk vm10, v5  }
0x136: {  	v3 =	vld [tilespmem:$0xB0];
	_ =	sdelay $0x3  }
0x137: {  	v4, _, _ =	vpop (xrf0)  }
0x138: {  	(v2sf) =	vpush v4, $0xF;
	v3 =	vsub.s32 v3, v0  }
0x139: {  	vm11 =	vlt.u32 v3, $0x1388  }
0x13a: {  	v51 =	vsel vm11, $0x1, v2  }
0x13b: {  	(xrf0) =	vadd.scan.msk.s32 $0xffff, v51;
	_ =	sdelay $0x5  }
0x13c: {  	v4, _, _ =	vpop (xrf0)  }
0x13d: {  	(v2sf) =	vpush v4, $0xF  }
0x13e: {  	v52 =	vld [tilespmem:$0x1B0];
	_ =	sdelay $0x1  }
0x13f: {  	v5 =	vld [tilespmem:$0x2B0];
	_ =	sdelay $0x1  }
0x140: {  	v3 =	vshll.u32 v3, $0x10;
	s12 =	spop (v2sf)  }
0x141: {  	v3 =	vor.u32 v52, v3;
	s3 =	sadd.s32 s3, s12  }
0x142: {  	[tilespmem:s3+$0x300] =	vst.msk vm11, v3  }
0x143: {  	[tilespmem:s3+$0x2B80] =	vst.msk vm11, v5  }
0x144: {  	v3 =	vld [tilespmem:$0xC0];
	_ =	sdelay $0x1  }
0x145: {  	v53 =	vld [tilespmem:$0x1C0];
	_ =	sdelay $0x1  }
0x146: {  	v5 =	vld [tilespmem:$0x2C0]  }
0x147: {  	v3 =	vsub.s32 v3, v0  }
0x148: {  	s26 =	spop (v2sf);
	vm12 =	vlt.u32 v3, $0x1388;
	v3 =	vshll.u32 v3, $0x10  }
0x149: {  	s3 =	sadd.s32 s3, s26;
	v3 =	vor.u32 v53, v3;
	v54 =	vsel vm12, $0x1, v2  }
0x14a: {  	[tilespmem:s3+$0x300] =	vst.msk vm12, v3;
	(xrf0) =	vadd.scan.msk.s32 $0xffff, v54  }
0x14b: {  	[tilespmem:s3+$0x2B80] =	vst.msk vm12, v5  }
0x14c: {  	v3 =	vld [tilespmem:$0xD0];
	_ =	sdelay $0x3  }
0x14d: {  	v4, _, _ =	vpop (xrf0)  }
0x14e: {  	(v2sf) =	vpush v4, $0xF;
	v3 =	vsub.s32 v3, v0  }
0x14f: {  	vm13 =	vlt.u32 v3, $0x1388  }
0x150: {  	v55 =	vsel vm13, $0x1, v2  }
0x151: {  	(xrf0) =	vadd.scan.msk.s32 $0xffff, v55;
	_ =	sdelay $0x5  }
0x152: {  	v4, _, _ =	vpop (xrf0)  }
0x153: {  	(v2sf) =	vpush v4, $0xF  }
0x154: {  	v56 =	vld [tilespmem:$0x1D0];
	_ =	sdelay $0x1  }
0x155: {  	v5 =	vld [tilespmem:$0x2D0];
	_ =	sdelay $0x1  }
0x156: {  	v3 =	vshll.u32 v3, $0x10;
	s28 =	spop (v2sf)  }
0x157: {  	v3 =	vor.u32 v56, v3;
	s3 =	sadd.s32 s3, s28  }
0x158: {  	[tilespmem:s3+$0x300] =	vst.msk vm13, v3  }
0x159: {  	[tilespmem:s3+$0x2B80] =	vst.msk vm13, v5  }
0x15a: {  	v3 =	vld [tilespmem:$0xE0];
	_ =	sdelay $0x1  }
0x15b: {  	v57 =	vld [tilespmem:$0x1E0];
	_ =	sdelay $0x1  }
0x15c: {  	v5 =	vld [tilespmem:$0x2E0]  }
0x15d: {  	v3 =	vsub.s32 v3, v0  }
0x15e: {  	s29 =	spop (v2sf);
	v58 =	vshll.u32 v3, $0x10  }
0x15f: {  	vm14 =	vlt.u32 v3, $0x1388;
	s3 =	sadd.s32 s3, s29;
	v3 =	vor.u32 v57, v58  }
0x160: {  	v59 =	vsel vm14, $0x1, v2;
	[tilespmem:s3+$0x300] =	vst.msk vm14, v3  }
0x161: {  	(xrf0) =	vadd.scan.msk.s32 $0xffff, v59;
	[tilespmem:s3+$0x2B80] =	vst.msk vm14, v5  }
0x162: {  	v3 =	vld [tilespmem:$0xF0];
	_ =	sdelay $0x4  }
0x163: {  	v61, _, _ =	vpop (xrf0);
	v3 =	vsub.s32 v3, v0  }
0x164: {  	(v2sf) =	vpush v61, $0xF;
	vm15 =	vlt.u32 v3, $0x1388  }
0x165: {  	v60 =	vsel vm15, $0x1, v2  }
0x166: {  	(xrf0) =	vadd.scan.msk.s32 $0xffff, v60;
	_ =	sdelay $0x5  }
0x167: {  	v62, _, _ =	vpop (xrf0)  }
0x168: {  	(v2sf) =	vpush v62, $0xF;
	_ =	sdelay $0x1  }
0x169: {  	v63 =	vld [tilespmem:$0x1F0];
	_ =	sdelay $0x1  }
0x16a: {  	v5 =	vld [tilespmem:$0x2F0];
	_ =	sdelay $0x1  }
0x16b: {  	v3 =	vshll.u32 v3, $0x10;
	s30 =	spop (v2sf)  }
0x16c: {  	s8 =	sadd.s32 @!p1 s23, s22;
	v3 =	vor.u32 v63, v3;
	s3 =	sadd.s32 s3, s30  }
0x16d: {  	s8 =	sshll.u32 @!p1 s8, $0x4;
	[tilespmem:s3+$0x300] =	vst.msk vm15, v3  }
0x16e: {  	s23 =	simm.s32 @!p1 $0x80;
	s12 =	sadd.s32 @!p1 s5, s8;
	[tilespmem:s3+$0x2B80] =	vst.msk vm15, v5  }
0x16f: {  	[tilespmem:s23], [sflag:$0x4] =	stream.linear.gather @!p1 [hbm4b:s12+s0], $0x80, $0x38;
	[tilespmem:$0x1F080] =	vst v63  }
0x170: {  	s26 =	simm.s32 @!p1 $0x180;
	s23 =	sadd.s32 @!p1 s6, s8  }
0x171: {  	[tilespmem:s26], [sflag:$0x4] =	stream.linear.gather @!p1 [hbm4b:s23+s0], $0x80, $0x38;
	[tilespmem:$0x1F080] =	vst v63  }
0x172: {  	s8 =	sadd.s32 @!p1 s7, s8;
	s12 =	simm.s32 @!p1 $0x280  }
0x173: {  	[tilespmem:s12], [sflag:$0x4] =	stream.linear.gather @!p1 [hbm4b:s8+s0], $0x80, $0x38;
	[tilespmem:$0x1F080] =	vst v63  }
0x174: {  	s31 =	spop (v2sf)  }
0x175: {  	s3 =	sadd.s32 s3, s31  }
0x176: {  	p1 =	slt.s32 s3, $0x2711  }
.Ltmp5:
0x177: {  	_ = 	snop;
	(pc) =	sbr.rel @p1 .LBB2_16-.Ltmp5, $2  }
0x178: {  	_ =	sdelay $0x2  }
0x179: {  	[smem:$0x0] =	sst s3  }
0x17a: {  	s0 =	sadd.s32 $0x2F, s3  }
0x17b: {  	[tilespmem:s3+$0x2B80] =	vst v1;
	p1 =	slt.s32 s0, $0x30  }
.Ltmp6:
0x17c: {  	[tilespmem:s3+$0x300] =	vst v2;
	(pc) =	sbr.rel @p1 .LBB2_15-.Ltmp6, $4  }
0x17d: {  	[tilespmem:s3+$0x2B90] =	vst v1  }
0x17e: {  	[tilespmem:s3+$0x310] =	vst v2  }
0x17f: {  	[tilespmem:s3+$0x2BA0] =	vst v1  }
0x180: {  	[tilespmem:s3+$0x320] =	vst v2  }
0x181: {  	v3 =	vld [tilespmem:$0x300];
	_ =	sdelay $0x2  }
0x182: {  	v4 =	vld [tilespmem:$0x310];
	_ =	sdelay $0x1  }
0x183: {  	v5 =	vshrl.u32 v3, $0xF  }
0x184: {  	v6 =	vld [tilespmem:$0x320];
	s3 =	smulhi.u32 $0x2AAAAAAB, s0;
	s8 =	sshra.s32 s0, $0x1F;
	v3 =	vand.u32 $0xFFFF, v3;
	[tilespmem:$0x5400] =	vst v5  }
0x185: {  	s0 =	smul.u32 $0x2AAAAAAB, s8;
	v5 =	vor.u32 $0x1, v5;
	[tilespmem:$0x5700] =	vst v3  }
0x186: {  	v3 =	vshrl.u32 v4, $0xF;
	[tilespmem:$0x5500] =	vst v5  }
0x187: {  	s0 =	sadd.s32 s0, s3;
	[tilespmem:$0x5410] =	vst v3;
	v3 =	vor.u32 $0x1, v3  }
0x188: {  	s3 =	sshrl.u32 s0, $0x1F;
	s0 =	sshra.s32 s0, $0x3;
	[tilespmem:$0x5510] =	vst v3;
	v3 =	vand.u32 $0xFFFF, v4  }
.Ltmp7:
0x189: {  	s26 =	sadd.s32 s3, s0;
	[tilespmem:$0x5710] =	vst v3;
	v3 =	vshrl.u32 v6, $0xF;
	(pc) =	sbr.rel .LBB2_7-.Ltmp7, $4  }
0x18a: {  	s23 =	sadd.s32 $0x1, s26;
	[tilespmem:$0x5420] =	vst v3;
	v3 =	vor.u32 $0x1, v3  }
0x18b: {  	s28 =	simm.s32 $0x30;
	s12 =	simm.s32 $0x5700;
	s0 =	sshrl.u32 s23, $0x1;
	[tilespmem:$0x5520] =	vst v3;
	v3 =	vand.u32 $0xFFFF, v6  }
0x18c: {  	s30 =	simm.s32 $0x0;
	s31 =	simm.s32 $0x0;
	s29 =	smax.u32 s0, $0x1;
	[tilespmem:$0x5720] =	vst v3  }
0x18d: {  	[tilespmem:s13], [sflag:$0x1] =	stream.indirect.gather [hbm4b:s4+s28], $0x80, s12, s28, $0xb8;
	[tilespmem:$0x1F080] =	vst v63  }
.LBB2_12:
0x18e: {  	v9 =	vld [tilespmem:s8+$0x7010];
	[tilespmem:s0+$0xA040] =	vst v6  }
0x18f: {  	v6 =	vld [tilespmem:s8+$0x7020];
	[tilespmem:s0+$0xA050] =	vst v3  }
0x190: {  	v3 =	vld [tilespmem:s8+$0x7030];
	[tilespmem:s0+$0xA060] =	vst v7  }
0x191: {  	v7 =	vld [tilespmem:s8+$0x7040];
	[tilespmem:s0+$0xA070] =	vst v4  }
0x192: {  	v4 =	vld.idx.msk [tilespmem:v8+s15+$0x0], $0xffff;
	_ =	sdelay $0x3  }
0x193: {  	v10 =	vunpack.i.l.bf16.f32 v5  }
0x194: {  	v51 =	vunpack.i.u.bf16.f32 v5;
	v10 =	vmul.f32 v10, v4  }
0x195: {  	v12 =	vunpack.i.l.bf16.f32 v9;
	v5 =	vmul.f32 v51, v4  }
0x196: {  	v50 =	vld [tilespmem:s8+$0x7050];
	v9 =	vunpack.i.u.bf16.f32 v9;
	v12 =	vmul.f32 v12, v4;
	[tilespmem:s8+$0x8800] =	vst v10  }
0x197: {  	v52 =	vunpack.i.l.bf16.f32 v6;
	v9 =	vmul.f32 v9, v4;
	[tilespmem:s8+$0x8810] =	vst v5  }
0x198: {  	v11 =	vld [tilespmem:s8+$0x7060];
	v55 =	vunpack.i.l.bf16.f32 v3;
	v54 =	vmul.f32 v52, v4;
	[tilespmem:s8+$0x8820] =	vst v12  }
0x199: {  	v3 =	vunpack.i.u.bf16.f32 v3;
	v56 =	vmul.f32 v55, v4;
	[tilespmem:s8+$0x8830] =	vst v9  }
0x19a: {  	v57 =	vunpack.i.l.bf16.f32 v7;
	v3 =	vmul.f32 v3, v4;
	[tilespmem:s8+$0x8840] =	vst v54  }
0x19b: {  	v13 =	vld [tilespmem:s8+$0x7070];
	v53 =	vunpack.i.u.bf16.f32 v6;
	v6 =	vmul.f32 v57, v4;
	v59 =	vunpack.i.l.bf16.f32 v50;
	[tilespmem:s8+$0x8860] =	vst v56  }
0x19c: {  	v58 =	vunpack.i.u.bf16.f32 v7;
	v7 =	vmul.f32 v59, v4;
	[tilespmem:s8+$0x8870] =	vst v3  }
0x19d: {  	v60 =	vunpack.i.l.bf16.f32 v11;
	v5 =	vmul.f32 v53, v4;
	[tilespmem:s8+$0xA000] =	vst v6  }
0x19e: {  	v3 =	vunpack.i.u.bf16.f32 v50;
	v6 =	vmul.f32 v60, v4;
	[tilespmem:s8+$0xA020] =	vst v7  }
0x19f: {  	v3 =	vmul.f32 v3, v4;
	[tilespmem:s8+$0x8850] =	vst v5  }
0x1a0: {  	v62 =	vunpack.i.l.bf16.f32 v13;
	v5 =	vmul.f32 v58, v4;
	[tilespmem:s8+$0xA040] =	vst v6  }
0x1a1: {  	v61 =	vunpack.i.u.bf16.f32 v11;
	v7 =	vmul.f32 v62, v4;
	[tilespmem:s8+$0xA030] =	vst v3  }
0x1a2: {  	v3 =	vunpack.i.u.bf16.f32 v13;
	[tilespmem:s8+$0xA010] =	vst v5;
	v5 =	vmul.f32 v61, v4  }
0x1a3: {  	[tilespmem:s8+$0xA060] =	vst v7;
	v3 =	vmul.f32 v3, v4  }
0x1a4: {  	[tilespmem:s8+$0xA050] =	vst v5  }
0x1a5: {  	[tilespmem:s8+$0xA070] =	vst v3  }
0x1a6: {  	v3 =	vld [tilespmem:$0x5480]  }
0x1a7: {  	v63 =	vld [tilespmem:$0x5580]  }
0x1a8: {  	v5 =	vld [tilespmem:$0x5490]  }
0x1a9: {  	v6 =	vld [tilespmem:$0x5590]  }
0x1aa: {  	v7 =	vld [tilespmem:$0x54A0]  }
0x1ab: {  	[tilespmem:$0x5600] =	vst v3;
	v3 =	vld [tilespmem:$0x55A0]  }
0x1ac: {  	[tilespmem:$0x5680] =	vst v63  }
0x1ad: {  	[tilespmem:$0x5610] =	vst v5  }
0x1ae: {  	[tilespmem:$0x5690] =	vst v6  }
0x1af: {  	[tilespmem:$0x5620] =	vst v7  }
0x1b0: {  	[tilespmem:$0x56A0] =	vst v3  }
0x1b1: {  	[spmem:s1] =	stream.indirect.scatter.add.f32 [tilespmem:s2], [sflag:$0x5], $0x80, s17, s16, $0xb8;
	[tilespmem:$0x1F080] =	vst v63  }
0x1b2: {  	_ = 	snop  }
0x1b3: {  	[spmem:s1] =	stream.indirect.scatter.add.f32 [tilespmem:s19], [sflag:$0x5], $0x80, s18, s16, $0xb8;
	[tilespmem:$0x1F080] =	vst v63  }
.LBB2_13:
0x1b4: {  	s31 =	sadd.s32 $0x1, s31  }
0x1b5: {  	p1 =	sne.s32 s31, s29  }
.Ltmp8:
0x1b6: {  	_ = 	snop;
	(pc) =	sbr.rel @!p1 .LBB2_14-.Ltmp8, $2  }
0x1b7: {  	_ =	sdelay $0x2  }
0x1b8: {  	s30 =	sadd.s32 $0x60, s30;
	s28 =	sadd.s32 $0x60, s28  }
.LBB2_7:
0x1b9: {  	s0 =	sshllo.u32 s31, $0x1  }
0x1ba: {  	p1 =	sge.s32 s0, s26  }
0x1bb: {  	s0 =	smul.u32 @!p1 $0xC0, s0;
	_ =	sdelay $0x1  }
0x1bc: {  	s0 =	sshra.s32 @!p1 s0, $0x2  }
0x1bd: {  	v3 =	vld @!p1 [tilespmem:s0+$0x300];
	_ =	sdelay $0x4  }
0x1be: {  	v4 =	vshrl.u32 @!p1 v3, $0xF  }
0x1bf: {  	v3 =	vand.u32 @!p1 $0xFFFF, v3;
	[tilespmem:$0x5480] =	vst @!p1 v4  }
0x1c0: {  	v4 =	vor.u32 @!p1 $0x1, v4;
	[tilespmem:$0x5780] =	vst @!p1 v3  }
0x1c1: {  	[tilespmem:$0x5580] =	vst @!p1 v4  }
0x1c2: {  	v3 =	vld @!p1 [tilespmem:s0+$0x310];
	_ =	sdelay $0x4  }
0x1c3: {  	v4 =	vshrl.u32 @!p1 v3, $0xF  }
0x1c4: {  	v3 =	vand.u32 @!p1 $0xFFFF, v3;
	[tilespmem:$0x5490] =	vst @!p1 v4  }
0x1c5: {  	v4 =	vor.u32 @!p1 $0x1, v4;
	[tilespmem:$0x5790] =	vst @!p1 v3  }
0x1c6: {  	[tilespmem:$0x5590] =	vst @!p1 v4  }
0x1c7: {  	v3 =	vld @!p1 [tilespmem:s0+$0x320];
	_ =	sdelay $0x4  }
0x1c8: {  	v4 =	vshrl.u32 @!p1 v3, $0xF  }
0x1c9: {  	v3 =	vand.u32 @!p1 $0xFFFF, v3;
	[tilespmem:$0x54A0] =	vst @!p1 v4  }
0x1ca: {  	v4 =	vor.u32 @!p1 $0x1, v4;
	[tilespmem:$0x57A0] =	vst @!p1 v3  }
0x1cb: {  	s3 =	simm.s32 @!p1 $0x5780;
	s8 =	simm.s32 @!p1 $0x7000;
	s0 =	simm.s32 @!p1 $0x30;
	[tilespmem:$0x55A0] =	vst @!p1 v4  }
0x1cc: {  	[tilespmem:s8], [sflag:$0x2] =	stream.indirect.gather @!p1 [hbm4b:s4+s0], $0x80, s3, s0, $0xb8;
	[tilespmem:$0x1F080] =	vst v63  }
0x1cd: {  	_ =	swait.ge [sflag:s14], $0x1800  }
0x1ce: {  	p2 =	seq.s32 s31, $0x0;
	[sflag:s14] =	ssyncset.done $0x0  }
0x1cf: {  	s0 =	simm.s32 @!p2 $0x5;
	[sflag:s14] =	ssyncadd.s32 $0xFFFFE800  }
0x1d0: {  	_ =	swait.ge @!p2 [sflag:s0], $0x1800  }
0x1d1: {  	[sflag:s0] =	ssyncset.done @!p2 $0x0  }
0x1d2: {  	v3 =	vmov s30;
	[sflag:s0] =	ssyncadd.s32 @!p2 $0xFFFFE800  }
0x1d3: {  	_ =	swait.ge @!p2 [sflag:s0], $0x1800  }
0x1d4: {  	[sflag:s0] =	ssyncset.done @!p2 $0x0  }
0x1d5: {  	s23 =	simm.s32 $0x0;
	[sflag:s0] =	ssyncadd.s32 @!p2 $0xFFFFE800  }
0x1d6: {  	v4 =	vld [tilespmem:s23+$0x5800]  }
0x1d7: {  	v8 =	vld.idx.msk [tilespmem:v3+s15+$0x0], $0xffff  }
0x1d8: {  	v5 =	vld [tilespmem:s23+$0x5810];
	_ =	sdelay $0x1  }
0x1d9: {  	v3 =	vld [tilespmem:s23+$0x5820]  }
0x1da: {  	v10 =	vunpack.i.l.bf16.f32 v4  }
0x1db: {  	v6 =	vld [tilespmem:s23+$0x5830];
	v4 =	vunpack.i.u.bf16.f32 v4;
	v10 =	vmul.f32 v10, v8  }
0x1dc: {  	v12 =	vunpack.i.l.bf16.f32 v5;
	v4 =	vmul.f32 v4, v8  }
0x1dd: {  	v7 =	vld [tilespmem:s23+$0x5840];
	v5 =	vunpack.i.u.bf16.f32 v5;
	v12 =	vmul.f32 v12, v8;
	[tilespmem:s23+$0x8800] =	vst v10  }
0x1de: {  	v5 =	vmul.f32 v5, v8;
	v10 =	vunpack.i.l.bf16.f32 v3;
	[tilespmem:s23+$0x8810] =	vst v4  }
0x1df: {  	v9 =	vld [tilespmem:s23+$0x5850];
	v3 =	vunpack.i.u.bf16.f32 v3;
	[tilespmem:s23+$0x8820] =	vst v12;
	v4 =	vmul.f32 v10, v8  }
0x1e0: {  	v13 =	vld [tilespmem:s23+$0x5870];
	[tilespmem:s23+$0x8830] =	vst v5;
	v5 =	vunpack.i.u.bf16.f32 v6;
	v3 =	vmul.f32 v3, v8  }
0x1e1: {  	v11 =	vld [tilespmem:s23+$0x5860];
	v10 =	vunpack.i.l.bf16.f32 v6;
	v5 =	vmul.f32 v5, v8;
	[tilespmem:s23+$0x8840] =	vst v4  }
0x1e2: {  	v6 =	vmul.f32 v10, v8;
	v4 =	vunpack.i.l.bf16.f32 v7;
	[tilespmem:s23+$0x8850] =	vst v3  }
0x1e3: {  	v3 =	vunpack.i.u.bf16.f32 v7;
	[tilespmem:s23+$0x8870] =	vst v5;
	v4 =	vmul.f32 v4, v8  }
0x1e4: {  	[tilespmem:s23+$0x8860] =	vst v6;
	v6 =	vunpack.i.l.bf16.f32 v9;
	v3 =	vmul.f32 v3, v8  }
0x1e5: {  	v10 =	vunpack.i.u.bf16.f32 v13;
	v5 =	vmul.f32 v6, v8;
	[tilespmem:s23+$0xA000] =	vst v4;
	v4 =	vunpack.i.u.bf16.f32 v9  }
0x1e6: {  	v7 =	vunpack.i.u.bf16.f32 v11;
	[tilespmem:s23+$0xA010] =	vst v3;
	v3 =	vunpack.i.l.bf16.f32 v11;
	v9 =	vmul.f32 v4, v8  }
0x1e7: {  	s8 =	simm.s32 $0x80;
	s3 =	sadd.s32 $0x1, s30;
	[tilespmem:s23+$0xA020] =	vst v5;
	v6 =	vmul.f32 v3, v8;
	v3 =	vmul.f32 v7, v8;
	v5 =	vunpack.i.l.bf16.f32 v13  }
0x1e8: {  	s12 =	simm.s32 $0x400;
	s0 =	sshll.u32 s31, $0x1;
	v4 =	vld [tilespmem:s8+$0x5800];
	v7 =	vmul.f32 v5, v8;
	v5 =	vmul.f32 v10, v8;
	v8 =	vmov s3;
	[tilespmem:s23+$0xA030] =	vst v9  }
.LBB2_8:
0x1e9: {  	p2 =	sne.s32 s12, $0x5E00;
	v9 =	vld [tilespmem:s8+$0x5810];
	[tilespmem:s23+$0xA040] =	vst v6  }
0x1ea: {  	v6 =	vld [tilespmem:s8+$0x5820];
	[tilespmem:s23+$0xA050] =	vst v3  }
0x1eb: {  	v3 =	vld [tilespmem:s8+$0x5830];
	[tilespmem:s23+$0xA060] =	vst v7  }
0x1ec: {  	v7 =	vld [tilespmem:s8+$0x5840];
	[tilespmem:s23+$0xA070] =	vst v5;
	s23 =	smov.u32 s8  }
0x1ed: {  	v5 =	vld.idx.msk [tilespmem:v8+s15+$0x0], $0xffff;
	_ =	sdelay $0x1  }
0x1ee: {  	v8 =	vld [tilespmem:s23+$0x5850]  }
0x1ef: {  	v10 =	vunpack.i.u.bf16.f32 v4;
	v4 =	vunpack.i.l.bf16.f32 v4;
	v11 =	vunpack.i.u.bf16.f32 v9  }
0x1f0: {  	v9 =	vunpack.i.l.bf16.f32 v9;
	v12 =	vunpack.i.u.bf16.f32 v6;
	v6 =	vunpack.i.l.bf16.f32 v6;
	v13 =	vld [tilespmem:s23+$0x5860]  }
0x1f1: {  	v14 =	vunpack.i.u.bf16.f32 v3;
	v3 =	vunpack.i.l.bf16.f32 v3;
	v15 =	vunpack.i.u.bf16.f32 v7  }
0x1f2: {  	v7 =	vunpack.i.l.bf16.f32 v7;
	v4 =	vmul.f32 v4, v5;
	v10 =	vmul.f32 v10, v5;
	v16 =	vld [tilespmem:s23+$0x5870]  }
0x1f3: {  	v9 =	vmul.f32 v9, v5;
	v11 =	vmul.f32 v11, v5;
	v17 =	vunpack.i.u.bf16.f32 v8  }
0x1f4: {  	v12 =	vmul.f32 v12, v5;
	[tilespmem:s23+$0x8800] =	vst v4;
	v4 =	vmul.f32 v6, v5;
	v6 =	vunpack.i.l.bf16.f32 v8  }
0x1f5: {  	v8 =	vmul.f32 v3, v5;
	[tilespmem:s23+$0x8810] =	vst v10;
	v10 =	vmul.f32 v14, v5;
	v3 =	vunpack.i.u.bf16.f32 v13  }
0x1f6: {  	v14 =	vmul.f32 v15, v5;
	[tilespmem:s23+$0x8820] =	vst v9;
	v9 =	vmul.f32 v7, v5;
	v7 =	vunpack.i.l.bf16.f32 v13  }
0x1f7: {  	v13 =	vmul.f32 v17, v5;
	[tilespmem:s23+$0x8830] =	vst v11;
	v11 =	vmul.f32 v6, v5;
	v15 =	vunpack.i.u.bf16.f32 v16  }
0x1f8: {  	v3 =	vmul.f32 v3, v5;
	v6 =	vmul.f32 v7, v5;
	[tilespmem:s23+$0x8840] =	vst v4;
	v4 =	vunpack.i.l.bf16.f32 v16  }
0x1f9: {  	[tilespmem:s23+$0x8850] =	vst v12;
	v7 =	vmul.f32 v4, v5;
	v5 =	vmul.f32 v15, v5  }
0x1fa: {  	[tilespmem:s23+$0x8860] =	vst v8  }
.Ltmp9:
0x1fb: {  	[tilespmem:s23+$0x8870] =	vst v10;
	(pc) =	sbr.rel @p2 .LBB2_8-.Ltmp9, $4  }
0x1fc: {  	[tilespmem:s23+$0xA000] =	vst v9  }
0x1fd: {  	[tilespmem:s23+$0xA010] =	vst v14  }
0x1fe: {  	s3 =	sadd.s32 $0x1, s3;
	s8 =	sshra.s32 s12, $0x2;
	[tilespmem:s23+$0xA020] =	vst v11  }
0x1ff: {  	s12 =	sadd.s32 $0x200, s12;
	v8 =	vmov s3;
	v4 =	vld [tilespmem:s8+$0x5800];
	[tilespmem:s23+$0xA030] =	vst v13  }
0x200: {  	v9 =	vld [tilespmem:s8+$0x5810];
	[tilespmem:s23+$0xA040] =	vst v6  }
0x201: {  	v6 =	vld [tilespmem:s8+$0x5820];
	[tilespmem:s23+$0xA050] =	vst v3  }
0x202: {  	v3 =	vld [tilespmem:s8+$0x5830];
	[tilespmem:s23+$0xA060] =	vst v7  }
0x203: {  	v7 =	vld [tilespmem:s8+$0x5840];
	[tilespmem:s23+$0xA070] =	vst v5  }
0x204: {  	v5 =	vld.idx.msk [tilespmem:v8+s15+$0x0], $0xffff;
	_ =	sdelay $0x3  }
0x205: {  	v10 =	vunpack.i.l.bf16.f32 v4  }
0x206: {  	v51 =	vunpack.i.u.bf16.f32 v4;
	v10 =	vmul.f32 v10, v5  }
0x207: {  	v12 =	vunpack.i.l.bf16.f32 v9;
	v4 =	vmul.f32 v51, v5  }
0x208: {  	v50 =	vld [tilespmem:s8+$0x5850];
	v9 =	vunpack.i.u.bf16.f32 v9;
	v12 =	vmul.f32 v12, v5;
	[tilespmem:s8+$0x8800] =	vst v10  }
0x209: {  	v52 =	vunpack.i.l.bf16.f32 v6;
	v9 =	vmul.f32 v9, v5;
	[tilespmem:s8+$0x8810] =	vst v4  }
0x20a: {  	v11 =	vld [tilespmem:s8+$0x5860];
	v55 =	vunpack.i.l.bf16.f32 v3;
	v54 =	vmul.f32 v52, v5;
	[tilespmem:s8+$0x8820] =	vst v12  }
0x20b: {  	v3 =	vunpack.i.u.bf16.f32 v3;
	v56 =	vmul.f32 v55, v5;
	[tilespmem:s8+$0x8830] =	vst v9  }
0x20c: {  	v57 =	vunpack.i.l.bf16.f32 v7;
	v3 =	vmul.f32 v3, v5;
	[tilespmem:s8+$0x8840] =	vst v54  }
0x20d: {  	v13 =	vld [tilespmem:s8+$0x5870];
	v53 =	vunpack.i.u.bf16.f32 v6;
	v6 =	vmul.f32 v57, v5;
	v59 =	vunpack.i.l.bf16.f32 v50;
	[tilespmem:s8+$0x8860] =	vst v56  }
0x20e: {  	v58 =	vunpack.i.u.bf16.f32 v7;
	v7 =	vmul.f32 v59, v5;
	[tilespmem:s8+$0x8870] =	vst v3  }
0x20f: {  	v60 =	vunpack.i.l.bf16.f32 v11;
	v4 =	vmul.f32 v53, v5;
	[tilespmem:s8+$0xA000] =	vst v6  }
0x210: {  	v3 =	vunpack.i.u.bf16.f32 v50;
	v6 =	vmul.f32 v60, v5;
	[tilespmem:s8+$0xA020] =	vst v7  }
0x211: {  	v3 =	vmul.f32 v3, v5;
	[tilespmem:s8+$0x8850] =	vst v4  }
0x212: {  	v62 =	vunpack.i.l.bf16.f32 v13;
	v4 =	vmul.f32 v58, v5;
	[tilespmem:s8+$0xA040] =	vst v6  }
0x213: {  	v61 =	vunpack.i.u.bf16.f32 v11;
	v7 =	vmul.f32 v62, v5;
	[tilespmem:s8+$0xA030] =	vst v3  }
0x214: {  	v3 =	vunpack.i.u.bf16.f32 v13;
	[tilespmem:s8+$0xA010] =	vst v4;
	v4 =	vmul.f32 v61, v5  }
0x215: {  	[tilespmem:s8+$0xA060] =	vst v7;
	v3 =	vmul.f32 v3, v5  }
0x216: {  	[tilespmem:s8+$0xA050] =	vst v4  }
0x217: {  	[tilespmem:s8+$0xA070] =	vst v3  }
0x218: {  	v3 =	vld [tilespmem:$0x5400]  }
0x219: {  	v4 =	vld [tilespmem:$0x5500]  }
0x21a: {  	v63 =	vld [tilespmem:$0x5410]  }
0x21b: {  	v6 =	vld [tilespmem:$0x5510]  }
0x21c: {  	v7 =	vld [tilespmem:$0x5420]  }
0x21d: {  	[tilespmem:$0x5600] =	vst v3;
	v3 =	vld [tilespmem:$0x5520]  }
0x21e: {  	[tilespmem:$0x5680] =	vst v4  }
0x21f: {  	[tilespmem:$0x5610] =	vst v63  }
0x220: {  	s0 =	sadd.s32 $0x2, s0;
	[tilespmem:$0x5690] =	vst v6  }
0x221: {  	p2 =	sge.s32 s0, s26;
	[tilespmem:$0x5620] =	vst v7  }
0x222: {  	s0 =	smul.u32 @!p2 $0xC0, s0;
	[tilespmem:$0x56A0] =	vst v3  }
0x223: {  	[spmem:s1] =	stream.indirect.scatter.add.f32 [tilespmem:s2], [sflag:$0x5], $0x80, s17, s16, $0xb8;
	[tilespmem:$0x1F080] =	vst v63  }
0x224: {  	s0 =	sshra.s32 @!p2 s0, $0x2  }
0x225: {  	[spmem:s1] =	stream.indirect.scatter.add.f32 [tilespmem:s19], [sflag:$0x5], $0x80, s18, s16, $0xb8;
	[tilespmem:$0x1F080] =	vst v63  }
0x226: {  	v3 =	vld @!p2 [tilespmem:s0+$0x300];
	_ =	sdelay $0x4  }
0x227: {  	v4 =	vshrl.u32 @!p2 v3, $0xF  }
0x228: {  	v3 =	vand.u32 @!p2 $0xFFFF, v3;
	[tilespmem:$0x5400] =	vst @!p2 v4  }
0x229: {  	v4 =	vor.u32 @!p2 $0x1, v4;
	[tilespmem:$0x5700] =	vst @!p2 v3  }
0x22a: {  	[tilespmem:$0x5500] =	vst @!p2 v4  }
0x22b: {  	v3 =	vld @!p2 [tilespmem:s0+$0x310];
	_ =	sdelay $0x4  }
0x22c: {  	v4 =	vshrl.u32 @!p2 v3, $0xF  }
0x22d: {  	v3 =	vand.u32 @!p2 $0xFFFF, v3;
	[tilespmem:$0x5410] =	vst @!p2 v4  }
0x22e: {  	v4 =	vor.u32 @!p2 $0x1, v4;
	[tilespmem:$0x5710] =	vst @!p2 v3  }
0x22f: {  	[tilespmem:$0x5510] =	vst @!p2 v4  }
0x230: {  	v3 =	vld @!p2 [tilespmem:s0+$0x320];
	_ =	sdelay $0x4  }
.Ltmp10:
0x231: {  	v4 =	vshrl.u32 @!p2 v3, $0xF;
	(pc) =	sbr.rel @p1 .LBB2_13-.Ltmp10, $4  }
0x232: {  	v3 =	vand.u32 @!p2 $0xFFFF, v3;
	[tilespmem:$0x5420] =	vst @!p2 v4  }
0x233: {  	v4 =	vor.u32 @!p2 $0x1, v4;
	[tilespmem:$0x5720] =	vst @!p2 v3  }
0x234: {  	s3 =	simm.s32 @!p2 $0x5700;
	s8 =	simm.s32 @!p2 $0x5800;
	s0 =	simm.s32 @!p2 $0x30;
	[tilespmem:$0x5520] =	vst @!p2 v4  }
0x235: {  	[tilespmem:s8], [sflag:$0x1] =	stream.indirect.gather @!p2 [hbm4b:s4+s0], $0x80, s3, s0, $0xb8;
	[tilespmem:$0x1F080] =	vst v63  }
0x236: {  	_ =	swait.ge [sflag:s20], $0x1800  }
0x237: {  	[sflag:s20] =	ssyncset.done $0x0  }
0x238: {  	[sflag:s20] =	ssyncadd.s32 $0xFFFFE800  }
0x239: {  	_ =	swait.ge [sflag:s9], $0x1800  }
0x23a: {  	[sflag:s9] =	ssyncset.done $0x0  }
0x23b: {  	v3 =	vmov s28;
	[sflag:s9] =	ssyncadd.s32 $0xFFFFE800  }
0x23c: {  	_ =	swait.ge [sflag:s9], $0x1800  }
0x23d: {  	[sflag:s9] =	ssyncset.done $0x0  }
0x23e: {  	s0 =	simm.s32 $0x0;
	[sflag:s9] =	ssyncadd.s32 $0xFFFFE800  }
0x23f: {  	v4 =	vld [tilespmem:s0+$0x7000]  }
0x240: {  	v8 =	vld.idx.msk [tilespmem:v3+s15+$0x0], $0xffff  }
0x241: {  	v5 =	vld [tilespmem:s0+$0x7010];
	_ =	sdelay $0x1  }
0x242: {  	v3 =	vld [tilespmem:s0+$0x7020]  }
0x243: {  	v10 =	vunpack.i.l.bf16.f32 v4  }
0x244: {  	v6 =	vld [tilespmem:s0+$0x7030];
	v4 =	vunpack.i.u.bf16.f32 v4;
	v10 =	vmul.f32 v10, v8  }
0x245: {  	v12 =	vunpack.i.l.bf16.f32 v5;
	v4 =	vmul.f32 v4, v8  }
0x246: {  	v7 =	vld [tilespmem:s0+$0x7040];
	v5 =	vunpack.i.u.bf16.f32 v5;
	v12 =	vmul.f32 v12, v8;
	[tilespmem:s0+$0x8800] =	vst v10  }
0x247: {  	v5 =	vmul.f32 v5, v8;
	v10 =	vunpack.i.l.bf16.f32 v3;
	[tilespmem:s0+$0x8810] =	vst v4  }
0x248: {  	v9 =	vld [tilespmem:s0+$0x7050];
	v3 =	vunpack.i.u.bf16.f32 v3;
	[tilespmem:s0+$0x8820] =	vst v12;
	v4 =	vmul.f32 v10, v8  }
0x249: {  	v11 =	vld [tilespmem:s0+$0x7060];
	[tilespmem:s0+$0x8830] =	vst v5;
	v5 =	vunpack.i.u.bf16.f32 v6;
	v3 =	vmul.f32 v3, v8  }
0x24a: {  	v13 =	vld [tilespmem:s0+$0x7070];
	v10 =	vunpack.i.l.bf16.f32 v6;
	v5 =	vmul.f32 v5, v8;
	[tilespmem:s0+$0x8840] =	vst v4  }
0x24b: {  	v6 =	vmul.f32 v10, v8;
	v4 =	vunpack.i.l.bf16.f32 v7;
	[tilespmem:s0+$0x8850] =	vst v3  }
0x24c: {  	v3 =	vunpack.i.u.bf16.f32 v7;
	[tilespmem:s0+$0x8870] =	vst v5;
	v4 =	vmul.f32 v4, v8  }
0x24d: {  	[tilespmem:s0+$0x8860] =	vst v6;
	v6 =	vunpack.i.l.bf16.f32 v9;
	v3 =	vmul.f32 v3, v8  }
0x24e: {  	v7 =	vunpack.i.u.bf16.f32 v11;
	v5 =	vmul.f32 v6, v8;
	[tilespmem:s0+$0xA000] =	vst v4;
	v4 =	vunpack.i.u.bf16.f32 v9  }
0x24f: {  	[tilespmem:s0+$0xA010] =	vst v3;
	v3 =	vunpack.i.l.bf16.f32 v11;
	v9 =	vmul.f32 v4, v8;
	v4 =	vunpack.i.u.bf16.f32 v13  }
0x250: {  	s8 =	simm.s32 $0x80;
	s3 =	sadd.s32 $0x1, s28;
	[tilespmem:s0+$0xA020] =	vst v5;
	v6 =	vmul.f32 v3, v8;
	v3 =	vmul.f32 v7, v8;
	v7 =	vunpack.i.l.bf16.f32 v13  }
0x251: {  	s12 =	simm.s32 $0x400;
	v5 =	vld [tilespmem:s8+$0x7000];
	v7 =	vmul.f32 v7, v8;
	v4 =	vmul.f32 v4, v8;
	v8 =	vmov s3;
	[tilespmem:s0+$0xA030] =	vst v9  }
.LBB2_11:
0x252: {  	p1 =	sne.s32 s12, $0x5E00;
	v9 =	vld [tilespmem:s8+$0x7010];
	[tilespmem:s0+$0xA040] =	vst v6  }
0x253: {  	v6 =	vld [tilespmem:s8+$0x7020];
	[tilespmem:s0+$0xA050] =	vst v3  }
0x254: {  	v3 =	vld [tilespmem:s8+$0x7030];
	[tilespmem:s0+$0xA060] =	vst v7  }
0x255: {  	v7 =	vld [tilespmem:s8+$0x7040];
	[tilespmem:s0+$0xA070] =	vst v4;
	s0 =	smov.u32 s8  }
0x256: {  	v4 =	vld.idx.msk [tilespmem:v8+s15+$0x0], $0xffff;
	_ =	sdelay $0x1  }
0x257: {  	v8 =	vld [tilespmem:s0+$0x7050]  }
0x258: {  	v10 =	vunpack.i.u.bf16.f32 v5;
	v5 =	vunpack.i.l.bf16.f32 v5;
	v11 =	vunpack.i.u.bf16.f32 v9  }
0x259: {  	v9 =	vunpack.i.l.bf16.f32 v9;
	v12 =	vunpack.i.u.bf16.f32 v6;
	v6 =	vunpack.i.l.bf16.f32 v6;
	v13 =	vld [tilespmem:s0+$0x7060]  }
0x25a: {  	v14 =	vunpack.i.u.bf16.f32 v3;
	v3 =	vunpack.i.l.bf16.f32 v3;
	v15 =	vunpack.i.u.bf16.f32 v7  }
0x25b: {  	v7 =	vunpack.i.l.bf16.f32 v7;
	v5 =	vmul.f32 v5, v4;
	v10 =	vmul.f32 v10, v4;
	v16 =	vld [tilespmem:s0+$0x7070]  }
0x25c: {  	v9 =	vmul.f32 v9, v4;
	v11 =	vmul.f32 v11, v4;
	v17 =	vunpack.i.u.bf16.f32 v8  }
0x25d: {  	v12 =	vmul.f32 v12, v4;
	[tilespmem:s0+$0x8800] =	vst v5;
	v5 =	vmul.f32 v6, v4;
	v6 =	vunpack.i.l.bf16.f32 v8  }
0x25e: {  	v8 =	vmul.f32 v3, v4;
	[tilespmem:s0+$0x8810] =	vst v10;
	v10 =	vmul.f32 v14, v4;
	v3 =	vunpack.i.u.bf16.f32 v13  }
0x25f: {  	v14 =	vmul.f32 v15, v4;
	[tilespmem:s0+$0x8820] =	vst v9;
	v9 =	vmul.f32 v7, v4;
	v7 =	vunpack.i.l.bf16.f32 v13  }
0x260: {  	v13 =	vmul.f32 v17, v4;
	[tilespmem:s0+$0x8830] =	vst v11;
	v11 =	vmul.f32 v6, v4;
	v15 =	vunpack.i.u.bf16.f32 v16  }
0x261: {  	v3 =	vmul.f32 v3, v4;
	v6 =	vmul.f32 v7, v4;
	[tilespmem:s0+$0x8840] =	vst v5;
	v5 =	vunpack.i.l.bf16.f32 v16  }
0x262: {  	[tilespmem:s0+$0x8850] =	vst v12;
	v7 =	vmul.f32 v5, v4;
	v4 =	vmul.f32 v15, v4  }
0x263: {  	[tilespmem:s0+$0x8860] =	vst v8  }
.Ltmp11:
0x264: {  	[tilespmem:s0+$0x8870] =	vst v10;
	(pc) =	sbr.rel @p1 .LBB2_11-.Ltmp11, $4  }
0x265: {  	[tilespmem:s0+$0xA000] =	vst v9  }
0x266: {  	[tilespmem:s0+$0xA010] =	vst v14  }
0x267: {  	s3 =	sadd.s32 $0x1, s3;
	s8 =	sshra.s32 s12, $0x2;
	[tilespmem:s0+$0xA020] =	vst v11  }
0x268: {  	s12 =	sadd.s32 $0x200, s12;
	v8 =	vmov s3;
	v5 =	vld [tilespmem:s8+$0x7000];
	[tilespmem:s0+$0xA030] =	vst v13  }
.Ltmp12:
0x269: {  	_ = 	snop;
	(pc) =	sbr.rel .LBB2_12-.Ltmp12, $1  }
0x26a: {  	_ =	sdelay $0x3  }
.LBB2_17:
0x26b: {  	[tilespmem:s3+$0x2B80] =	vst v1;
	p1 =	slt.s32 s3, $0x1  }
.Ltmp13:
0x26c: {  	[tilespmem:s3+$0x300] =	vst v2;
	(pc) =	sbr.rel @p1 .LBB2_27-.Ltmp13, $4  }
0x26d: {  	[tilespmem:s3+$0x2B90] =	vst v1  }
0x26e: {  	[tilespmem:s3+$0x310] =	vst v2  }
0x26f: {  	[tilespmem:s3+$0x2BA0] =	vst v1  }
0x270: {  	[tilespmem:s3+$0x320] =	vst v2  }
0x271: {  	v3 =	vld [tilespmem:$0x300];
	_ =	sdelay $0x2  }
0x272: {  	v4 =	vld [tilespmem:$0x310];
	_ =	sdelay $0x1  }
0x273: {  	s0 =	sadd.s32 $0x2F, s3;
	v5 =	vshrl.u32 v3, $0xF  }
0x274: {  	v6 =	vld [tilespmem:$0x320];
	s3 =	smulhi.u32 $0x2AAAAAAB, s0;
	s0 =	sshra.s32 s0, $0x1F;
	v3 =	vand.u32 $0xFFFF, v3;
	[tilespmem:$0x5400] =	vst v5  }
0x275: {  	s0 =	smul.u32 $0x2AAAAAAB, s0;
	v5 =	vor.u32 $0x1, v5;
	[tilespmem:$0x5700] =	vst v3  }
0x276: {  	v3 =	vshrl.u32 v4, $0xF;
	[tilespmem:$0x5500] =	vst v5  }
0x277: {  	s0 =	sadd.s32 s0, s3;
	[tilespmem:$0x5410] =	vst v3;
	v3 =	vor.u32 $0x1, v3  }
0x278: {  	s3 =	sshrl.u32 s0, $0x1F;
	s0 =	sshra.s32 s0, $0x3;
	[tilespmem:$0x5510] =	vst v3;
	v3 =	vand.u32 $0xFFFF, v4  }
.Ltmp14:
0x279: {  	s25 =	sadd.s32 s3, s0;
	[tilespmem:$0x5710] =	vst v3;
	v3 =	vshrl.u32 v6, $0xF;
	(pc) =	sbr.rel .LBB2_19-.Ltmp14, $4  }
0x27a: {  	s31 =	sadd.s32 $0x1, s25;
	[tilespmem:$0x5420] =	vst v3;
	v3 =	vor.u32 $0x1, v3  }
0x27b: {  	s26 =	simm.s32 $0x30;
	s23 =	simm.s32 $0x5700;
	s0 =	sshrl.u32 s31, $0x1;
	[tilespmem:$0x5520] =	vst v3;
	v3 =	vand.u32 $0xFFFF, v6  }
0x27c: {  	s29 =	simm.s32 $0x0;
	s30 =	simm.s32 $0x0;
	s28 =	smax.u32 s0, $0x1;
	[tilespmem:$0x5720] =	vst v3  }
0x27d: {  	[tilespmem:s13], [sflag:$0x1] =	stream.indirect.gather [hbm4b:s4+s26], $0x80, s23, s26, $0xb8;
	[tilespmem:$0x1F080] =	vst v63  }
.LBB2_25:
0x27e: {  	s30 =	sadd.s32 $0x1, s30  }
0x27f: {  	p1 =	sne.s32 s30, s28  }
.Ltmp15:
0x280: {  	_ = 	snop;
	(pc) =	sbr.rel @!p1 .LBB2_26-.Ltmp15, $2  }
0x281: {  	_ =	sdelay $0x2  }
0x282: {  	s29 =	sadd.s32 $0x60, s29;
	s26 =	sadd.s32 $0x60, s26  }
.LBB2_19:
0x283: {  	s0 =	sshllo.u32 s30, $0x1  }
0x284: {  	p1 =	sge.s32 s0, s25  }
0x285: {  	s0 =	smul.u32 @!p1 $0xC0, s0;
	_ =	sdelay $0x1  }
0x286: {  	s0 =	sshra.s32 @!p1 s0, $0x2  }
0x287: {  	v3 =	vld @!p1 [tilespmem:s0+$0x300];
	_ =	sdelay $0x4  }
0x288: {  	v4 =	vshrl.u32 @!p1 v3, $0xF  }
0x289: {  	v3 =	vand.u32 @!p1 $0xFFFF, v3;
	[tilespmem:$0x5480] =	vst @!p1 v4  }
0x28a: {  	v4 =	vor.u32 @!p1 $0x1, v4;
	[tilespmem:$0x5780] =	vst @!p1 v3  }
0x28b: {  	[tilespmem:$0x5580] =	vst @!p1 v4  }
0x28c: {  	v3 =	vld @!p1 [tilespmem:s0+$0x310];
	_ =	sdelay $0x4  }
0x28d: {  	v4 =	vshrl.u32 @!p1 v3, $0xF  }
0x28e: {  	v3 =	vand.u32 @!p1 $0xFFFF, v3;
	[tilespmem:$0x5490] =	vst @!p1 v4  }
0x28f: {  	v4 =	vor.u32 @!p1 $0x1, v4;
	[tilespmem:$0x5790] =	vst @!p1 v3  }
0x290: {  	[tilespmem:$0x5590] =	vst @!p1 v4  }
0x291: {  	v3 =	vld @!p1 [tilespmem:s0+$0x320];
	_ =	sdelay $0x4  }
0x292: {  	v4 =	vshrl.u32 @!p1 v3, $0xF  }
0x293: {  	v3 =	vand.u32 @!p1 $0xFFFF, v3;
	[tilespmem:$0x54A0] =	vst @!p1 v4  }
0x294: {  	v4 =	vor.u32 @!p1 $0x1, v4;
	[tilespmem:$0x57A0] =	vst @!p1 v3  }
0x295: {  	s3 =	simm.s32 @!p1 $0x5780;
	s8 =	simm.s32 @!p1 $0x7000;
	s0 =	simm.s32 @!p1 $0x30;
	[tilespmem:$0x55A0] =	vst @!p1 v4  }
0x296: {  	[tilespmem:s8], [sflag:$0x2] =	stream.indirect.gather @!p1 [hbm4b:s4+s0], $0x80, s3, s0, $0xb8;
	[tilespmem:$0x1F080] =	vst v63  }
0x297: {  	_ =	swait.ge [sflag:s14], $0x1800  }
0x298: {  	p2 =	seq.s32 s30, $0x0;
	[sflag:s14] =	ssyncset.done $0x0  }
0x299: {  	s0 =	simm.s32 @!p2 $0x5;
	[sflag:s14] =	ssyncadd.s32 $0xFFFFE800  }
0x29a: {  	_ =	swait.ge @!p2 [sflag:s0], $0x1800  }
0x29b: {  	[sflag:s0] =	ssyncset.done @!p2 $0x0  }
0x29c: {  	v3 =	vmov s29;
	[sflag:s0] =	ssyncadd.s32 @!p2 $0xFFFFE800  }
0x29d: {  	_ =	swait.ge @!p2 [sflag:s0], $0x1800  }
0x29e: {  	[sflag:s0] =	ssyncset.done @!p2 $0x0  }
0x29f: {  	s23 =	simm.s32 $0x0;
	[sflag:s0] =	ssyncadd.s32 @!p2 $0xFFFFE800  }
0x2a0: {  	v4 =	vld [tilespmem:s23+$0x5800]  }
0x2a1: {  	v8 =	vld.idx.msk [tilespmem:v3+s15+$0x0], $0xffff  }
0x2a2: {  	v5 =	vld [tilespmem:s23+$0x5810];
	_ =	sdelay $0x1  }
0x2a3: {  	v3 =	vld [tilespmem:s23+$0x5820]  }
0x2a4: {  	v10 =	vunpack.i.l.bf16.f32 v4  }
0x2a5: {  	v6 =	vld [tilespmem:s23+$0x5830];
	v4 =	vunpack.i.u.bf16.f32 v4;
	v10 =	vmul.f32 v10, v8  }
0x2a6: {  	v12 =	vunpack.i.l.bf16.f32 v5;
	v4 =	vmul.f32 v4, v8  }
0x2a7: {  	v7 =	vld [tilespmem:s23+$0x5840];
	v5 =	vunpack.i.u.bf16.f32 v5;
	v12 =	vmul.f32 v12, v8;
	[tilespmem:s23+$0x8800] =	vst v10  }
0x2a8: {  	v5 =	vmul.f32 v5, v8;
	v10 =	vunpack.i.l.bf16.f32 v3;
	[tilespmem:s23+$0x8810] =	vst v4  }
0x2a9: {  	v9 =	vld [tilespmem:s23+$0x5850];
	v3 =	vunpack.i.u.bf16.f32 v3;
	[tilespmem:s23+$0x8820] =	vst v12;
	v4 =	vmul.f32 v10, v8  }
0x2aa: {  	v13 =	vld [tilespmem:s23+$0x5870];
	[tilespmem:s23+$0x8830] =	vst v5;
	v5 =	vunpack.i.u.bf16.f32 v6;
	v3 =	vmul.f32 v3, v8  }
0x2ab: {  	v11 =	vld [tilespmem:s23+$0x5860];
	v10 =	vunpack.i.l.bf16.f32 v6;
	v5 =	vmul.f32 v5, v8;
	[tilespmem:s23+$0x8840] =	vst v4  }
0x2ac: {  	v6 =	vmul.f32 v10, v8;
	v4 =	vunpack.i.l.bf16.f32 v7;
	[tilespmem:s23+$0x8850] =	vst v3  }
0x2ad: {  	v3 =	vunpack.i.u.bf16.f32 v7;
	[tilespmem:s23+$0x8870] =	vst v5;
	v4 =	vmul.f32 v4, v8  }
0x2ae: {  	[tilespmem:s23+$0x8860] =	vst v6;
	v6 =	vunpack.i.l.bf16.f32 v9;
	v3 =	vmul.f32 v3, v8  }
0x2af: {  	v10 =	vunpack.i.u.bf16.f32 v13;
	v5 =	vmul.f32 v6, v8;
	[tilespmem:s23+$0xA000] =	vst v4;
	v4 =	vunpack.i.u.bf16.f32 v9  }
0x2b0: {  	v7 =	vunpack.i.u.bf16.f32 v11;
	[tilespmem:s23+$0xA010] =	vst v3;
	v3 =	vunpack.i.l.bf16.f32 v11;
	v9 =	vmul.f32 v4, v8  }
0x2b1: {  	s8 =	simm.s32 $0x80;
	s3 =	sadd.s32 $0x1, s29;
	[tilespmem:s23+$0xA020] =	vst v5;
	v6 =	vmul.f32 v3, v8;
	v3 =	vmul.f32 v7, v8;
	v5 =	vunpack.i.l.bf16.f32 v13  }
0x2b2: {  	s12 =	simm.s32 $0x400;
	s0 =	sshll.u32 s30, $0x1;
	v4 =	vld [tilespmem:s8+$0x5800];
	v7 =	vmul.f32 v5, v8;
	v5 =	vmul.f32 v10, v8;
	v8 =	vmov s3;
	[tilespmem:s23+$0xA030] =	vst v9  }
.LBB2_20:
0x2b3: {  	p2 =	sne.s32 s12, $0x5E00;
	v9 =	vld [tilespmem:s8+$0x5810];
	[tilespmem:s23+$0xA040] =	vst v6  }
0x2b4: {  	v6 =	vld [tilespmem:s8+$0x5820];
	[tilespmem:s23+$0xA050] =	vst v3  }
0x2b5: {  	v3 =	vld [tilespmem:s8+$0x5830];
	[tilespmem:s23+$0xA060] =	vst v7  }
0x2b6: {  	v7 =	vld [tilespmem:s8+$0x5840];
	[tilespmem:s23+$0xA070] =	vst v5;
	s23 =	smov.u32 s8  }
0x2b7: {  	v5 =	vld.idx.msk [tilespmem:v8+s15+$0x0], $0xffff;
	_ =	sdelay $0x1  }
0x2b8: {  	v8 =	vld [tilespmem:s23+$0x5850]  }
0x2b9: {  	v10 =	vunpack.i.u.bf16.f32 v4;
	v4 =	vunpack.i.l.bf16.f32 v4;
	v11 =	vunpack.i.u.bf16.f32 v9  }
0x2ba: {  	v9 =	vunpack.i.l.bf16.f32 v9;
	v12 =	vunpack.i.u.bf16.f32 v6;
	v6 =	vunpack.i.l.bf16.f32 v6;
	v13 =	vld [tilespmem:s23+$0x5860]  }
0x2bb: {  	v14 =	vunpack.i.u.bf16.f32 v3;
	v3 =	vunpack.i.l.bf16.f32 v3;
	v15 =	vunpack.i.u.bf16.f32 v7  }
0x2bc: {  	v7 =	vunpack.i.l.bf16.f32 v7;
	v4 =	vmul.f32 v4, v5;
	v10 =	vmul.f32 v10, v5;
	v16 =	vld [tilespmem:s23+$0x5870]  }
0x2bd: {  	v9 =	vmul.f32 v9, v5;
	v11 =	vmul.f32 v11, v5;
	v17 =	vunpack.i.u.bf16.f32 v8  }
0x2be: {  	v12 =	vmul.f32 v12, v5;
	[tilespmem:s23+$0x8800] =	vst v4;
	v4 =	vmul.f32 v6, v5;
	v6 =	vunpack.i.l.bf16.f32 v8  }
0x2bf: {  	v8 =	vmul.f32 v3, v5;
	[tilespmem:s23+$0x8810] =	vst v10;
	v10 =	vmul.f32 v14, v5;
	v3 =	vunpack.i.u.bf16.f32 v13  }
0x2c0: {  	v14 =	vmul.f32 v15, v5;
	[tilespmem:s23+$0x8820] =	vst v9;
	v9 =	vmul.f32 v7, v5;
	v7 =	vunpack.i.l.bf16.f32 v13  }
0x2c1: {  	v13 =	vmul.f32 v17, v5;
	[tilespmem:s23+$0x8830] =	vst v11;
	v11 =	vmul.f32 v6, v5;
	v15 =	vunpack.i.u.bf16.f32 v16  }
0x2c2: {  	v3 =	vmul.f32 v3, v5;
	v6 =	vmul.f32 v7, v5;
	[tilespmem:s23+$0x8840] =	vst v4;
	v4 =	vunpack.i.l.bf16.f32 v16  }
0x2c3: {  	[tilespmem:s23+$0x8850] =	vst v12;
	v7 =	vmul.f32 v4, v5;
	v5 =	vmul.f32 v15, v5  }
0x2c4: {  	[tilespmem:s23+$0x8860] =	vst v8  }
.Ltmp16:
0x2c5: {  	[tilespmem:s23+$0x8870] =	vst v10;
	(pc) =	sbr.rel @p2 .LBB2_20-.Ltmp16, $4  }
0x2c6: {  	[tilespmem:s23+$0xA000] =	vst v9  }
0x2c7: {  	[tilespmem:s23+$0xA010] =	vst v14  }
0x2c8: {  	s3 =	sadd.s32 $0x1, s3;
	s8 =	sshra.s32 s12, $0x2;
	[tilespmem:s23+$0xA020] =	vst v11  }
0x2c9: {  	s12 =	sadd.s32 $0x200, s12;
	v8 =	vmov s3;
	v4 =	vld [tilespmem:s8+$0x5800];
	[tilespmem:s23+$0xA030] =	vst v13  }
0x2ca: {  	v9 =	vld [tilespmem:s8+$0x5810];
	[tilespmem:s23+$0xA040] =	vst v6  }
0x2cb: {  	v6 =	vld [tilespmem:s8+$0x5820];
	[tilespmem:s23+$0xA050] =	vst v3  }
0x2cc: {  	v3 =	vld [tilespmem:s8+$0x5830];
	[tilespmem:s23+$0xA060] =	vst v7  }
0x2cd: {  	v7 =	vld [tilespmem:s8+$0x5840];
	[tilespmem:s23+$0xA070] =	vst v5  }
0x2ce: {  	v5 =	vld.idx.msk [tilespmem:v8+s15+$0x0], $0xffff;
	_ =	sdelay $0x3  }
0x2cf: {  	v10 =	vunpack.i.l.bf16.f32 v4  }
0x2d0: {  	v51 =	vunpack.i.u.bf16.f32 v4;
	v10 =	vmul.f32 v10, v5  }
0x2d1: {  	v12 =	vunpack.i.l.bf16.f32 v9;
	v4 =	vmul.f32 v51, v5  }
0x2d2: {  	v50 =	vld [tilespmem:s8+$0x5850];
	v9 =	vunpack.i.u.bf16.f32 v9;
	v12 =	vmul.f32 v12, v5;
	[tilespmem:s8+$0x8800] =	vst v10  }
0x2d3: {  	v52 =	vunpack.i.l.bf16.f32 v6;
	v9 =	vmul.f32 v9, v5;
	[tilespmem:s8+$0x8810] =	vst v4  }
0x2d4: {  	v11 =	vld [tilespmem:s8+$0x5860];
	v55 =	vunpack.i.l.bf16.f32 v3;
	v54 =	vmul.f32 v52, v5;
	[tilespmem:s8+$0x8820] =	vst v12  }
0x2d5: {  	v3 =	vunpack.i.u.bf16.f32 v3;
	v56 =	vmul.f32 v55, v5;
	[tilespmem:s8+$0x8830] =	vst v9  }
0x2d6: {  	v57 =	vunpack.i.l.bf16.f32 v7;
	v3 =	vmul.f32 v3, v5;
	[tilespmem:s8+$0x8840] =	vst v54  }
0x2d7: {  	v13 =	vld [tilespmem:s8+$0x5870];
	v53 =	vunpack.i.u.bf16.f32 v6;
	v6 =	vmul.f32 v57, v5;
	v59 =	vunpack.i.l.bf16.f32 v50;
	[tilespmem:s8+$0x8860] =	vst v56  }
0x2d8: {  	v58 =	vunpack.i.u.bf16.f32 v7;
	v7 =	vmul.f32 v59, v5;
	[tilespmem:s8+$0x8870] =	vst v3  }
0x2d9: {  	v60 =	vunpack.i.l.bf16.f32 v11;
	v4 =	vmul.f32 v53, v5;
	[tilespmem:s8+$0xA000] =	vst v6  }
0x2da: {  	v3 =	vunpack.i.u.bf16.f32 v50;
	v6 =	vmul.f32 v60, v5;
	[tilespmem:s8+$0xA020] =	vst v7  }
0x2db: {  	v3 =	vmul.f32 v3, v5;
	[tilespmem:s8+$0x8850] =	vst v4  }
0x2dc: {  	v62 =	vunpack.i.l.bf16.f32 v13;
	v4 =	vmul.f32 v58, v5;
	[tilespmem:s8+$0xA040] =	vst v6  }
0x2dd: {  	v61 =	vunpack.i.u.bf16.f32 v11;
	v7 =	vmul.f32 v62, v5;
	[tilespmem:s8+$0xA030] =	vst v3  }
0x2de: {  	v3 =	vunpack.i.u.bf16.f32 v13;
	[tilespmem:s8+$0xA010] =	vst v4;
	v4 =	vmul.f32 v61, v5  }
0x2df: {  	[tilespmem:s8+$0xA060] =	vst v7;
	v3 =	vmul.f32 v3, v5  }
0x2e0: {  	[tilespmem:s8+$0xA050] =	vst v4  }
0x2e1: {  	[tilespmem:s8+$0xA070] =	vst v3  }
0x2e2: {  	v3 =	vld [tilespmem:$0x5400]  }
0x2e3: {  	v4 =	vld [tilespmem:$0x5500]  }
0x2e4: {  	v63 =	vld [tilespmem:$0x5410]  }
0x2e5: {  	v6 =	vld [tilespmem:$0x5510]  }
0x2e6: {  	v7 =	vld [tilespmem:$0x5420]  }
0x2e7: {  	[tilespmem:$0x5600] =	vst v3;
	v3 =	vld [tilespmem:$0x5520]  }
0x2e8: {  	[tilespmem:$0x5680] =	vst v4  }
0x2e9: {  	[tilespmem:$0x5610] =	vst v63  }
0x2ea: {  	s0 =	sadd.s32 $0x2, s0;
	[tilespmem:$0x5690] =	vst v6  }
0x2eb: {  	p2 =	sge.s32 s0, s25;
	[tilespmem:$0x5620] =	vst v7  }
0x2ec: {  	s0 =	smul.u32 @!p2 $0xC0, s0;
	[tilespmem:$0x56A0] =	vst v3  }
0x2ed: {  	[spmem:s1] =	stream.indirect.scatter.add.f32 [tilespmem:s2], [sflag:$0x5], $0x80, s17, s16, $0xb8;
	[tilespmem:$0x1F080] =	vst v63  }
0x2ee: {  	s0 =	sshra.s32 @!p2 s0, $0x2  }
0x2ef: {  	[spmem:s1] =	stream.indirect.scatter.add.f32 [tilespmem:s19], [sflag:$0x5], $0x80, s18, s16, $0xb8;
	[tilespmem:$0x1F080] =	vst v63  }
0x2f0: {  	v3 =	vld @!p2 [tilespmem:s0+$0x300];
	_ =	sdelay $0x4  }
0x2f1: {  	v4 =	vshrl.u32 @!p2 v3, $0xF  }
0x2f2: {  	v3 =	vand.u32 @!p2 $0xFFFF, v3;
	[tilespmem:$0x5400] =	vst @!p2 v4  }
0x2f3: {  	v4 =	vor.u32 @!p2 $0x1, v4;
	[tilespmem:$0x5700] =	vst @!p2 v3  }
0x2f4: {  	[tilespmem:$0x5500] =	vst @!p2 v4  }
0x2f5: {  	v3 =	vld @!p2 [tilespmem:s0+$0x310];
	_ =	sdelay $0x4  }
0x2f6: {  	v4 =	vshrl.u32 @!p2 v3, $0xF  }
0x2f7: {  	v3 =	vand.u32 @!p2 $0xFFFF, v3;
	[tilespmem:$0x5410] =	vst @!p2 v4  }
0x2f8: {  	v4 =	vor.u32 @!p2 $0x1, v4;
	[tilespmem:$0x5710] =	vst @!p2 v3  }
0x2f9: {  	[tilespmem:$0x5510] =	vst @!p2 v4  }
0x2fa: {  	v3 =	vld @!p2 [tilespmem:s0+$0x320];
	_ =	sdelay $0x4  }
.Ltmp17:
0x2fb: {  	v4 =	vshrl.u32 @!p2 v3, $0xF;
	(pc) =	sbr.rel @p1 .LBB2_25-.Ltmp17, $4  }
0x2fc: {  	v3 =	vand.u32 @!p2 $0xFFFF, v3;
	[tilespmem:$0x5420] =	vst @!p2 v4  }
0x2fd: {  	v4 =	vor.u32 @!p2 $0x1, v4;
	[tilespmem:$0x5720] =	vst @!p2 v3  }
0x2fe: {  	s3 =	simm.s32 @!p2 $0x5700;
	s8 =	simm.s32 @!p2 $0x5800;
	s0 =	simm.s32 @!p2 $0x30;
	[tilespmem:$0x5520] =	vst @!p2 v4  }
0x2ff: {  	[tilespmem:s8], [sflag:$0x1] =	stream.indirect.gather @!p2 [hbm4b:s4+s0], $0x80, s3, s0, $0xb8;
	[tilespmem:$0x1F080] =	vst v63  }
0x300: {  	_ =	swait.ge [sflag:s20], $0x1800  }
0x301: {  	[sflag:s20] =	ssyncset.done $0x0  }
0x302: {  	[sflag:s20] =	ssyncadd.s32 $0xFFFFE800  }
0x303: {  	_ =	swait.ge [sflag:s9], $0x1800  }
0x304: {  	[sflag:s9] =	ssyncset.done $0x0  }
0x305: {  	v3 =	vmov s26;
	[sflag:s9] =	ssyncadd.s32 $0xFFFFE800  }
0x306: {  	_ =	swait.ge [sflag:s9], $0x1800  }
0x307: {  	[sflag:s9] =	ssyncset.done $0x0  }
0x308: {  	s0 =	simm.s32 $0x0;
	[sflag:s9] =	ssyncadd.s32 $0xFFFFE800  }
0x309: {  	v4 =	vld [tilespmem:s0+$0x7000]  }
0x30a: {  	v8 =	vld.idx.msk [tilespmem:v3+s15+$0x0], $0xffff  }
0x30b: {  	v5 =	vld [tilespmem:s0+$0x7010];
	_ =	sdelay $0x1  }
0x30c: {  	v3 =	vld [tilespmem:s0+$0x7020]  }
0x30d: {  	v10 =	vunpack.i.l.bf16.f32 v4  }
0x30e: {  	v6 =	vld [tilespmem:s0+$0x7030];
	v4 =	vunpack.i.u.bf16.f32 v4;
	v10 =	vmul.f32 v10, v8  }
0x30f: {  	v12 =	vunpack.i.l.bf16.f32 v5;
	v4 =	vmul.f32 v4, v8  }
0x310: {  	v7 =	vld [tilespmem:s0+$0x7040];
	v5 =	vunpack.i.u.bf16.f32 v5;
	v12 =	vmul.f32 v12, v8;
	[tilespmem:s0+$0x8800] =	vst v10  }
0x311: {  	v5 =	vmul.f32 v5, v8;
	v10 =	vunpack.i.l.bf16.f32 v3;
	[tilespmem:s0+$0x8810] =	vst v4  }
0x312: {  	v9 =	vld [tilespmem:s0+$0x7050];
	v3 =	vunpack.i.u.bf16.f32 v3;
	[tilespmem:s0+$0x8820] =	vst v12;
	v4 =	vmul.f32 v10, v8  }
0x313: {  	v11 =	vld [tilespmem:s0+$0x7060];
	[tilespmem:s0+$0x8830] =	vst v5;
	v5 =	vunpack.i.u.bf16.f32 v6;
	v3 =	vmul.f32 v3, v8  }
0x314: {  	v13 =	vld [tilespmem:s0+$0x7070];
	v10 =	vunpack.i.l.bf16.f32 v6;
	v5 =	vmul.f32 v5, v8;
	[tilespmem:s0+$0x8840] =	vst v4  }
0x315: {  	v6 =	vmul.f32 v10, v8;
	v4 =	vunpack.i.l.bf16.f32 v7;
	[tilespmem:s0+$0x8850] =	vst v3  }
0x316: {  	v3 =	vunpack.i.u.bf16.f32 v7;
	[tilespmem:s0+$0x8870] =	vst v5;
	v4 =	vmul.f32 v4, v8  }
0x317: {  	[tilespmem:s0+$0x8860] =	vst v6;
	v6 =	vunpack.i.l.bf16.f32 v9;
	v3 =	vmul.f32 v3, v8  }
0x318: {  	v7 =	vunpack.i.u.bf16.f32 v11;
	v5 =	vmul.f32 v6, v8;
	[tilespmem:s0+$0xA000] =	vst v4;
	v4 =	vunpack.i.u.bf16.f32 v9  }
0x319: {  	[tilespmem:s0+$0xA010] =	vst v3;
	v3 =	vunpack.i.l.bf16.f32 v11;
	v9 =	vmul.f32 v4, v8;
	v4 =	vunpack.i.u.bf16.f32 v13  }
0x31a: {  	s8 =	simm.s32 $0x80;
	s3 =	sadd.s32 $0x1, s26;
	[tilespmem:s0+$0xA020] =	vst v5;
	v6 =	vmul.f32 v3, v8;
	v3 =	vmul.f32 v7, v8;
	v7 =	vunpack.i.l.bf16.f32 v13  }
0x31b: {  	s12 =	simm.s32 $0x400;
	v5 =	vld [tilespmem:s8+$0x7000];
	v7 =	vmul.f32 v7, v8;
	v4 =	vmul.f32 v4, v8;
	v8 =	vmov s3;
	[tilespmem:s0+$0xA030] =	vst v9  }
.LBB2_23:
0x31c: {  	p1 =	sne.s32 s12, $0x5E00;
	v9 =	vld [tilespmem:s8+$0x7010];
	[tilespmem:s0+$0xA040] =	vst v6  }
0x31d: {  	v6 =	vld [tilespmem:s8+$0x7020];
	[tilespmem:s0+$0xA050] =	vst v3  }
0x31e: {  	v3 =	vld [tilespmem:s8+$0x7030];
	[tilespmem:s0+$0xA060] =	vst v7  }
0x31f: {  	v7 =	vld [tilespmem:s8+$0x7040];
	[tilespmem:s0+$0xA070] =	vst v4;
	s0 =	smov.u32 s8  }
0x320: {  	v4 =	vld.idx.msk [tilespmem:v8+s15+$0x0], $0xffff;
	_ =	sdelay $0x1  }
0x321: {  	v8 =	vld [tilespmem:s0+$0x7050]  }
0x322: {  	v10 =	vunpack.i.u.bf16.f32 v5;
	v5 =	vunpack.i.l.bf16.f32 v5;
	v11 =	vunpack.i.u.bf16.f32 v9  }
0x323: {  	v9 =	vunpack.i.l.bf16.f32 v9;
	v12 =	vunpack.i.u.bf16.f32 v6;
	v6 =	vunpack.i.l.bf16.f32 v6;
	v13 =	vld [tilespmem:s0+$0x7060]  }
0x324: {  	v14 =	vunpack.i.u.bf16.f32 v3;
	v3 =	vunpack.i.l.bf16.f32 v3;
	v15 =	vunpack.i.u.bf16.f32 v7  }
0x325: {  	v7 =	vunpack.i.l.bf16.f32 v7;
	v5 =	vmul.f32 v5, v4;
	v10 =	vmul.f32 v10, v4;
	v16 =	vld [tilespmem:s0+$0x7070]  }
0x326: {  	v9 =	vmul.f32 v9, v4;
	v11 =	vmul.f32 v11, v4;
	v17 =	vunpack.i.u.bf16.f32 v8  }
0x327: {  	v12 =	vmul.f32 v12, v4;
	[tilespmem:s0+$0x8800] =	vst v5;
	v5 =	vmul.f32 v6, v4;
	v6 =	vunpack.i.l.bf16.f32 v8  }
0x328: {  	v8 =	vmul.f32 v3, v4;
	[tilespmem:s0+$0x8810] =	vst v10;
	v10 =	vmul.f32 v14, v4;
	v3 =	vunpack.i.u.bf16.f32 v13  }
0x329: {  	v14 =	vmul.f32 v15, v4;
	[tilespmem:s0+$0x8820] =	vst v9;
	v9 =	vmul.f32 v7, v4;
	v7 =	vunpack.i.l.bf16.f32 v13  }
0x32a: {  	v13 =	vmul.f32 v17, v4;
	[tilespmem:s0+$0x8830] =	vst v11;
	v11 =	vmul.f32 v6, v4;
	v15 =	vunpack.i.u.bf16.f32 v16  }
0x32b: {  	v3 =	vmul.f32 v3, v4;
	v6 =	vmul.f32 v7, v4;
	[tilespmem:s0+$0x8840] =	vst v5;
	v5 =	vunpack.i.l.bf16.f32 v16  }
0x32c: {  	[tilespmem:s0+$0x8850] =	vst v12;
	v7 =	vmul.f32 v5, v4;
	v4 =	vmul.f32 v15, v4  }
0x32d: {  	[tilespmem:s0+$0x8860] =	vst v8  }
.Ltmp18:
0x32e: {  	[tilespmem:s0+$0x8870] =	vst v10;
	(pc) =	sbr.rel @p1 .LBB2_23-.Ltmp18, $4  }
0x32f: {  	[tilespmem:s0+$0xA000] =	vst v9  }
0x330: {  	[tilespmem:s0+$0xA010] =	vst v14  }
0x331: {  	s3 =	sadd.s32 $0x1, s3;
	s8 =	sshra.s32 s12, $0x2;
	[tilespmem:s0+$0xA020] =	vst v11  }
0x332: {  	s12 =	sadd.s32 $0x200, s12;
	v8 =	vmov s3;
	v5 =	vld [tilespmem:s8+$0x7000];
	[tilespmem:s0+$0xA030] =	vst v13  }
0x333: {  	v9 =	vld [tilespmem:s8+$0x7010];
	[tilespmem:s0+$0xA040] =	vst v6  }
0x334: {  	v6 =	vld [tilespmem:s8+$0x7020];
	[tilespmem:s0+$0xA050] =	vst v3  }
0x335: {  	v3 =	vld [tilespmem:s8+$0x7030];
	[tilespmem:s0+$0xA060] =	vst v7  }
0x336: {  	v7 =	vld [tilespmem:s8+$0x7040];
	[tilespmem:s0+$0xA070] =	vst v4  }
0x337: {  	v4 =	vld.idx.msk [tilespmem:v8+s15+$0x0], $0xffff;
	_ =	sdelay $0x3  }
0x338: {  	v10 =	vunpack.i.l.bf16.f32 v5  }
0x339: {  	v51 =	vunpack.i.u.bf16.f32 v5;
	v10 =	vmul.f32 v10, v4  }
0x33a: {  	v12 =	vunpack.i.l.bf16.f32 v9;
	v5 =	vmul.f32 v51, v4  }
0x33b: {  	v50 =	vld [tilespmem:s8+$0x7050];
	v9 =	vunpack.i.u.bf16.f32 v9;
	v12 =	vmul.f32 v12, v4;
	[tilespmem:s8+$0x8800] =	vst v10  }
0x33c: {  	v52 =	vunpack.i.l.bf16.f32 v6;
	v9 =	vmul.f32 v9, v4;
	[tilespmem:s8+$0x8810] =	vst v5  }
0x33d: {  	v11 =	vld [tilespmem:s8+$0x7060];
	v55 =	vunpack.i.l.bf16.f32 v3;
	v54 =	vmul.f32 v52, v4;
	[tilespmem:s8+$0x8820] =	vst v12  }
0x33e: {  	v3 =	vunpack.i.u.bf16.f32 v3;
	v56 =	vmul.f32 v55, v4;
	[tilespmem:s8+$0x8830] =	vst v9  }
0x33f: {  	v57 =	vunpack.i.l.bf16.f32 v7;
	v3 =	vmul.f32 v3, v4;
	[tilespmem:s8+$0x8840] =	vst v54  }
0x340: {  	v13 =	vld [tilespmem:s8+$0x7070];
	v53 =	vunpack.i.u.bf16.f32 v6;
	v6 =	vmul.f32 v57, v4;
	v59 =	vunpack.i.l.bf16.f32 v50;
	[tilespmem:s8+$0x8860] =	vst v56  }
0x341: {  	v58 =	vunpack.i.u.bf16.f32 v7;
	v7 =	vmul.f32 v59, v4;
	[tilespmem:s8+$0x8870] =	vst v3  }
0x342: {  	v60 =	vunpack.i.l.bf16.f32 v11;
	v5 =	vmul.f32 v53, v4;
	[tilespmem:s8+$0xA000] =	vst v6  }
0x343: {  	v3 =	vunpack.i.u.bf16.f32 v50;
	v6 =	vmul.f32 v60, v4;
	[tilespmem:s8+$0xA020] =	vst v7  }
0x344: {  	v3 =	vmul.f32 v3, v4;
	[tilespmem:s8+$0x8850] =	vst v5  }
0x345: {  	v62 =	vunpack.i.l.bf16.f32 v13;
	v5 =	vmul.f32 v58, v4;
	[tilespmem:s8+$0xA040] =	vst v6  }
0x346: {  	v61 =	vunpack.i.u.bf16.f32 v11;
	v7 =	vmul.f32 v62, v4;
	[tilespmem:s8+$0xA030] =	vst v3  }
0x347: {  	v3 =	vunpack.i.u.bf16.f32 v13;
	[tilespmem:s8+$0xA010] =	vst v5;
	v5 =	vmul.f32 v61, v4  }
0x348: {  	[tilespmem:s8+$0xA060] =	vst v7;
	v3 =	vmul.f32 v3, v4  }
0x349: {  	[tilespmem:s8+$0xA050] =	vst v5  }
0x34a: {  	[tilespmem:s8+$0xA070] =	vst v3  }
0x34b: {  	v3 =	vld [tilespmem:$0x5480]  }
0x34c: {  	v63 =	vld [tilespmem:$0x5580]  }
0x34d: {  	v5 =	vld [tilespmem:$0x5490]  }
0x34e: {  	v6 =	vld [tilespmem:$0x5590]  }
0x34f: {  	v7 =	vld [tilespmem:$0x54A0]  }
0x350: {  	[tilespmem:$0x5600] =	vst v3;
	v3 =	vld [tilespmem:$0x55A0]  }
0x351: {  	[tilespmem:$0x5680] =	vst v63  }
0x352: {  	[tilespmem:$0x5610] =	vst v5  }
0x353: {  	[tilespmem:$0x5690] =	vst v6  }
.Ltmp19:
0x354: {  	[tilespmem:$0x5620] =	vst v7;
	(pc) =	sbr.rel .LBB2_25-.Ltmp19, $4  }
0x355: {  	[tilespmem:$0x56A0] =	vst v3  }
0x356: {  	[spmem:s1] =	stream.indirect.scatter.add.f32 [tilespmem:s2], [sflag:$0x5], $0x80, s17, s16, $0xb8;
	[tilespmem:$0x1F080] =	vst v63  }
0x357: {  	_ = 	snop  }
0x358: {  	[spmem:s1] =	stream.indirect.scatter.add.f32 [tilespmem:s19], [sflag:$0x5], $0x80, s18, s16, $0xb8;
	[tilespmem:$0x1F080] =	vst v63  }
.LBB2_28:
0x359: {  	_ =	sfence.sel $0x180000  }
0x35a: {  	[bflag:$0x0] =	sbarrier.arrive $0xFFFF  }
0x35b: {  	_ =	strace $0x90000047  }
0x35c: {  	s0 =	stileid.u32;
	[bflag:$0x2] =	sbarrier.arrive $0xFFFF  }
0x35d: {  	p0 =	sne.s32 s0, $0x0;
	s0 =	rddreg [dreg:$0x3]  }
0x35e: {  	s0 =	sadd.s32 @!p0 $0x100000, s0  }
0x35f: {  	[sflag:s0] =	ssyncadd.tile.s32 @!p0 $0x1;
	_ =	shalt  }
.Lfunc_end2:
_tile_overlayer_lowered:
.L_overlay_start_2:
0x360: {  	(tag) =	ssettag $0x2  }
0x361: {  	s0 =	rddreg [dreg:$0x0];
	s2 =	stileid.u32  }
0x362: {  	s1 =	rddreg [dreg:$0x1];
	p0 =	sne.s32 s2, $0x0  }
0x363: {  	s3 =	rddreg [dreg:$0x2];
	[bflag:$0x3] =	sbarrier.arrive $0xFFFF;
	s2 =	simm.s32 @!p0 $0x1C06  }
0x364: {  	[timem:s3], [sflag:s2] =	dma.local @!p0 [hbm:s0], s1  }
0x365: {  	s0 =	simm.s32 @!p0 $0x6  }
0x366: {  	_ =	swait.ge @!p0 [sflag:s0], s1  }
0x367: {  	s1 =	ssub.s32 @!p0 $0x0, s1;
	[sflag:s0] =	ssyncset.done @!p0 $0x0  }
0x368: {  	[sflag:s0] =	ssyncadd.s32 @!p0 s1  }
0x369: {  	[bflag:$0x3] =	sbarrier.arrive $0xFFFF  }
0x36a: {  	_ =	shalt  }

</sc_bundles>
